<compile_context>
chip_gen: v7x
topology: tpu7x:2x2x1
jax: 0.10.2.dev20260603
libtpu: 0.0.44.dev20260713+nightly
codegen_flags: <defaults>
</compile_context>

<pallas_src>
import functools

import jax
import jax.numpy as jnp
from jax import lax
from jax.experimental import pallas as pl
from jax.experimental.pallas import tpu as pltpu
from jax.experimental.pallas import tpu_sc as plsc

NC = 2
NS = 16
L = 16
NW = NC * NS

CHUNK = 80
SUPER = 5
NTRI = 3
NBUF = 3


def _sc_side_partials(n_nodes: int, n_edges: int, d: int):
    assert d % L == 0
    assert n_edges % (NW * CHUNK * SUPER) == 0
    e_per_w = n_edges // NW
    n_chunks = e_per_w // CHUNK
    n_super = n_chunks // SUPER
    assert n_chunks >= 4
    assert n_nodes % 16 == 0
    base_rows = (n_nodes // NS) // 16 * 16
    zrows = CHUNK
    n_zdma = base_rows // zrows
    rem = base_rows - n_zdma * zrows
    last_rem = n_nodes - (NS - 1) * base_rows - n_zdma * zrows
    assert base_rows % 8 == 0 and rem % 8 == 0 and last_rem % 8 == 0
    assert 0 < rem <= zrows and 0 < last_rem <= zrows

    mesh = plsc.VectorSubcoreMesh(
        core_axis_name="c", subcore_axis_name="s", num_cores=NC, num_subcores=NS
    )

    @functools.partial(
        pl.kernel,
        out_type=jax.ShapeDtypeStruct((NC, n_nodes, d), jnp.float32),
        mesh=mesh,
        scratch_types=[
            pltpu.VMEM((NTRI, SUPER, CHUNK), jnp.int32),
            pltpu.VMEM((NTRI, SUPER, CHUNK), jnp.int32),
            pltpu.VMEM((NTRI, SUPER, CHUNK), jnp.float32),
            pltpu.VMEM((NBUF, CHUNK, d), jnp.float32),
            pltpu.VMEM_SHARED((n_nodes, d), jnp.float32),
            pltpu.SemaphoreType.DMA((NTRI,)),
            pltpu.SemaphoreType.DMA((NBUF,)),
            pltpu.SemaphoreType.DMA((NBUF,)),
            pltpu.SemaphoreType.DMA,
        ],
    )
    def sc_kernel(src_hbm, dst_hbm, w_hbm, ego_hbm, out_hbm,
                  src_v, dst_v, w_v, rows_v, acc, isem, gsem, ssem, zsem):
        cid = lax.axis_index("c")
        sid = lax.axis_index("s")
        wid = sid * NC + cid
        row_start = sid * base_rows
        tail_off = row_start + n_zdma * zrows

        def start_super(t):
            slot = t % NTRI
            sem = isem.at[slot]
            pltpu.async_copy(src_hbm.at[wid, t], src_v.at[slot], sem)
            pltpu.async_copy(dst_hbm.at[wid, t], dst_v.at[slot], sem)
            pltpu.async_copy(w_hbm.at[wid, t], w_v.at[slot], sem)

        def wait_super(t):
            slot = t % NTRI
            sem = isem.at[slot]
            pltpu.make_async_copy(src_hbm.at[wid, t], src_v.at[slot], sem).wait()
            pltpu.make_async_copy(dst_hbm.at[wid, t], dst_v.at[slot], sem).wait()
            pltpu.make_async_copy(w_hbm.at[wid, t], w_v.at[slot], sem).wait()

        def start_gather(c, buf):
            pltpu.async_copy(
                ego_hbm.at[src_v.at[(c // SUPER) % NTRI, c % SUPER]],
                rows_v.at[buf], gsem.at[buf])

        def wait_gather(c, buf):
            pltpu.make_async_copy(
                ego_hbm.at[src_v.at[(c // SUPER) % NTRI, c % SUPER]],
                rows_v.at[buf], gsem.at[buf]).wait()

        start_super(0)
        start_super(1)

        def zero_row(i, _):
            for j in range(d // L):
                rows_v[NBUF - 1, i, pl.ds(j * L, L)] = jnp.zeros((L,), jnp.float32)
            return 0
        lax.fori_loop(0, zrows, zero_row, 0)
        zsrc = rows_v.at[NBUF - 1]
        for q in range(n_zdma):
            pltpu.async_copy(zsrc, acc.at[pl.ds(row_start + q * zrows, zrows)], zsem)

        @pl.when(sid == NS - 1)
        def _():
            pltpu.async_copy(zsrc.at[pl.ds(0, last_rem)],
                             acc.at[pl.ds(tail_off, last_rem)], zsem)

        @pl.when(sid != NS - 1)
        def _():
            pltpu.async_copy(zsrc.at[pl.ds(0, rem)],
                             acc.at[pl.ds(tail_off, rem)], zsem)

        wait_super(0)
        start_gather(0, 0)
        start_gather(1, 1)

        for q in range(n_zdma):
            pltpu.make_async_copy(
                zsrc, acc.at[pl.ds(row_start + q * zrows, zrows)], zsem).wait()

        @pl.when(sid == NS - 1)
        def _():
            pltpu.make_async_copy(zsrc.at[pl.ds(0, last_rem)],
                                  acc.at[pl.ds(tail_off, last_rem)], zsem).wait()

        @pl.when(sid != NS - 1)
        def _():
            pltpu.make_async_copy(zsrc.at[pl.ds(0, rem)],
                                  acc.at[pl.ds(tail_off, rem)], zsem).wait()
        plsc.subcore_barrier()

        def super_body(t, _):
            @pl.when(t + 2 < n_super)
            def _():
                start_super(t + 2)

            @pl.when(t + 1 < n_super)
            def _():
                wait_super(t + 1)

            for k in range(SUPER):
                c = t * SUPER + k
                b = c % NBUF
                tri = t % NTRI
                wait_gather(c, b)

                @pl.when(c + 2 < n_chunks)
                def _():
                    nb = (c + 2) % NBUF

                    @pl.when(c >= 1)
                    def _():
                        pltpu.make_async_copy(
                            rows_v.at[nb], acc.at[dst_v.at[tri, k]],
                            ssem.at[nb]).wait()
                    start_gather(c + 2, nb)

                @plsc.parallel_loop(0, CHUNK, step=1, unroll=8)
                def scale_row(r):
                    w16 = w_v[tri, k, pl.ds((r // L) * L, L)]
                    wsplat = w16.at[jnp.broadcast_to(r % L, (L,))].get(
                        mode="promise_in_bounds")
                    for j in range(d // L):
                        sl = pl.ds(j * L, L)
                        rows_v[b, r, sl] = rows_v[b, r, sl] * wsplat

                pltpu.async_copy(
                    rows_v.at[b], acc.at[dst_v.at[tri, k]], ssem.at[b], add=True)
            return 0
        lax.fori_loop(0, n_super, super_body, 0)
        for i in range(3):
            b = (n_chunks - 3 + i) % NBUF
            pltpu.make_async_copy(
                rows_v.at[b], acc.at[dst_v.at[0, 0]], ssem.at[b]).wait()
        plsc.subcore_barrier()

        for q in range(n_zdma):
            sl = pl.ds(row_start + q * zrows, zrows)
            pltpu.async_copy(acc.at[sl], out_hbm.at[cid, sl], zsem)

        @pl.when(sid == NS - 1)
        def _():
            sl = pl.ds(tail_off, last_rem)
            pltpu.async_copy(acc.at[sl], out_hbm.at[cid, sl], zsem)

        @pl.when(sid != NS - 1)
        def _():
            sl = pl.ds(tail_off, rem)
            pltpu.async_copy(acc.at[sl], out_hbm.at[cid, sl], zsem)
        for q in range(n_zdma):
            sl = pl.ds(row_start + q * zrows, zrows)
            pltpu.make_async_copy(acc.at[sl], out_hbm.at[cid, sl], zsem).wait()

        @pl.when(sid == NS - 1)
        def _():
            sl = pl.ds(tail_off, last_rem)
            pltpu.make_async_copy(acc.at[sl], out_hbm.at[cid, sl], zsem).wait()

        @pl.when(sid != NS - 1)
        def _():
            sl = pl.ds(tail_off, rem)
            pltpu.make_async_copy(acc.at[sl], out_hbm.at[cid, sl], zsem).wait()

    return sc_kernel


def _tc_combine(ego, p0, p1, W1, b1, W2, b2):
    n, d = ego.shape
    blk = 400
    assert n % blk == 0

    def body(ego_r, p0_r, p1_r, w1_r, b1_r, w2_r, b2_r, out_r):
        side = p0_r[...] + p1_r[...]
        e = ego_r[...]
        s = jnp.dot(e + side, w1_r[...], preferred_element_type=jnp.float32) + b1_r[...]
        t = jnp.dot(e * side, w2_r[...], preferred_element_type=jnp.float32) + b2_r[...]
        out_r[...] = jnp.where(s >= 0, s, 0.01 * s) + jnp.where(t >= 0, t, 0.01 * t)

    row_spec = pl.BlockSpec((blk, d), lambda i: (i, 0))
    full_spec = pl.BlockSpec((d, d), lambda i: (0, 0))
    vec_spec = pl.BlockSpec((1, d), lambda i: (0, 0))
    return pl.pallas_call(
        body,
        grid=(n // blk,),
        in_specs=[row_spec, row_spec, row_spec, full_spec, vec_spec, full_spec, vec_spec],
        out_specs=row_spec,
        out_shape=jax.ShapeDtypeStruct((n, d), jnp.float32),
    )(ego, p0, p1, W1, b1.reshape(1, d), W2, b2.reshape(1, d))


def kernel(ego_embeddings, edge_index, edge_weight, W1, b1, W2, b2):
    n, d = ego_embeddings.shape
    e = edge_index.shape[1]
    e_per_w = e // NW
    n_super = e_per_w // (CHUNK * SUPER)
    src = edge_index[0].reshape(NW, n_super, SUPER, CHUNK)
    dst = edge_index[1].reshape(NW, n_super, SUPER, CHUNK)
    w = edge_weight.reshape(NW, n_super, SUPER, CHUNK)
    partials = _sc_side_partials(n, e, d)(src, dst, w, ego_embeddings)
    return _tc_combine(ego_embeddings, partials[0], partials[1], W1, b1, W2, b2)

# --- scband reference (transcript-rebuilt; emitter-appended) ---
"""Pipeline reference for scband-kgat-75118978007548 (READ-ONLY COPY).

The authoritative reference and input builder live on the scoring server;
editing this copy changes nothing except your own understanding.
"""

import jax, jax.numpy as jnp
import numpy as np

N = 10000
E = 320000
D_IN = 128
D_OUT = 128


def _xavier_uniform(key, fan_in, fan_out):
    limit = np.sqrt(6.0 / (fan_in + fan_out))
    return jax.random.uniform(key, (fan_in, fan_out), minval=-limit, maxval=limit, dtype=jnp.float32)


def setup_inputs(seed: int = 0) -> dict:
    key = jax.random.key(seed)
    k1, k2, k3, k4, k5, k6, k7 = jax.random.split(key, 7)
    ego_embeddings = jax.random.normal(k1, (N, D_IN), dtype=jnp.float32)
    edge_index = jax.random.randint(k2, (2, E), 0, N, dtype=jnp.int32)
    edge_weight = jax.random.uniform(k3, (E,), dtype=jnp.float32)
    W1 = _xavier_uniform(k4, D_IN, D_OUT)
    b1 = jnp.zeros((D_OUT,), dtype=jnp.float32)
    W2 = _xavier_uniform(k5, D_IN, D_OUT)
    b2 = jnp.zeros((D_OUT,), dtype=jnp.float32)
    return {
        "ego_embeddings": ego_embeddings,
        "edge_index": edge_index,
        "edge_weight": edge_weight,
        "W1": W1,
        "b1": b1,
        "W2": W2,
        "b2": b2,
    }


def reference(ego_embeddings, edge_index, edge_weight, W1, b1, W2, b2):
    # side_embeddings = A_in @ ego_embeddings, with A_in given as sparse COO
    # (edge_index = [src; dst], edge_weight = nonzero values). Implemented as
    # gather (jnp.take) + scatter-add (segment_sum), which maps to SparseCore.
    src = edge_index[0]
    dst = edge_index[1]
    msgs = jnp.take(ego_embeddings, src, axis=0) * edge_weight[:, None]
    side_embeddings = jax.ops.segment_sum(msgs, dst, num_segments=N)
    # bi-interaction aggregator (LeakyReLU, negative_slope=0.01 as in torch default)
    sum_embeddings = jax.nn.leaky_relu((ego_embeddings + side_embeddings) @ W1 + b1)
    bi_embeddings = jax.nn.leaky_relu((ego_embeddings * side_embeddings) @ W2 + b2)
    embeddings = bi_embeddings + sum_embeddings
    # message_dropout is identity in eval / dropout=0.0
    return embeddings

if __name__ == "__main__":
    import jax
    _d = setup_inputs()
    print(jax.jit(kernel)(*tuple(_d.values())))

</pallas_src>

<mosaic_0001>
#map = affine_map<(d0, d1) -> (0, 0, 0, 0)>
#map1 = affine_map<(d0, d1) -> (0, 0)>
#map2 = affine_map<(d0, d1) -> (0, 0, 0)>
module attributes {stable_mosaic.version = 14 : i64} {
  func.func @sc_kernel(%arg0: i32, %arg1: i32, %arg2: memref<32x25x5x80xi32, #tpu.memory_space<hbm>>, %arg3: memref<32x25x5x80xi32, #tpu.memory_space<hbm>>, %arg4: memref<32x25x5x80xf32, #tpu.memory_space<hbm>>, %arg5: memref<10000x128xf32, #tpu.memory_space<hbm>>, %arg6: memref<2x10000x128xf32, #tpu.memory_space<hbm>>, %arg7: memref<3x5x80xi32, #tpu.memory_space<vmem>>, %arg8: memref<3x5x80xi32, #tpu.memory_space<vmem>>, %arg9: memref<3x5x80xf32, #tpu.memory_space<vmem>>, %arg10: memref<3x80x128xf32, #tpu.memory_space<vmem>>, %arg11: memref<10000x128xf32, #tpu.memory_space<vmem_shared>>, %arg12: memref<3x!tpu.dma_semaphore, #tpu.memory_space<semaphore_mem>>, %arg13: memref<3x!tpu.dma_semaphore, #tpu.memory_space<semaphore_mem>>, %arg14: memref<3x!tpu.dma_semaphore, #tpu.memory_space<semaphore_mem>>, %arg15: memref<!tpu.dma_semaphore, #tpu.memory_space<semaphore_mem>>) attributes {dimension_semantics = [#tpu.dimension_semantics<core_parallel>, #tpu.dimension_semantics<subcore_parallel>], iteration_bounds = array<i64: 2, 16>, scalar_prefetch = 0 : i64, scratch_operands = 9 : i64, tpu.core_type = #tpu.core_type<sc_vector_subcore>, window_params = [{transform_indices = #map}, {transform_indices = #map}, {transform_indices = #map}, {transform_indices = #map1}, {transform_indices = #map2}]} {
    %mul3A = arith.constant 2 : i32
    %mul3A_0 = arith.muli %arg1, %mul3A : i32
    %add3A = arith.addi %mul3A_0, %arg0 : i32
    %mul3A_1 = arith.constant 624 : i32
    %mul3A_2 = arith.muli %arg1, %mul3A_1 : i32
    %add3A_3 = arith.constant 560 : i32
    %add3A_4 = arith.addi %mul3A_2, %add3A_3 : i32
    %dma_start3A = arith.constant 0 : i32
    %dma_start3A_5 = arith.constant 0 : i32
    %dma_start3A_6 = arith.constant 0 : i32
    %dma_start3A_7 = arith.constant 0 : i32
    %dma_start3A_8 = arith.constant 0 : i32
    %dma_start3A_9 = tpu.memref_slice %arg7[%dma_start3A_5, %dma_start3A_7, %dma_start3A_8] : memref<3x5x80xi32, #tpu.memory_space<vmem>> -> memref<1x5x80xi32, #tpu.memory_space<vmem>>
    %dma_start3A_10 = tpu.memref_squeeze %dma_start3A_9 : memref<1x5x80xi32, #tpu.memory_space<vmem>> -> memref<5x80xi32, #tpu.memory_space<vmem>>
    %dma_start3A_11 = arith.constant 0 : i32
    %dma_start3A_12 = arith.constant 0 : i32
    %dma_start3A_13 = tpu.memref_slice %arg2[%add3A, %dma_start3A, %dma_start3A_11, %dma_start3A_12] : memref<32x25x5x80xi32, #tpu.memory_space<hbm>> -> memref<1x1x5x80xi32, #tpu.memory_space<hbm>>
    %dma_start3A_14 = tpu.memref_squeeze %dma_start3A_13 : memref<1x1x5x80xi32, #tpu.memory_space<hbm>> -> memref<5x80xi32, #tpu.memory_space<hbm>>
    %dma_start3A_15 = tpu.memref_slice %arg12[%dma_start3A_6] : memref<3x!tpu.dma_semaphore, #tpu.memory_space<semaphore_mem>> -> memref<1x!tpu.dma_semaphore, #tpu.memory_space<semaphore_mem>>
    %dma_start3A_16 = tpu.memref_squeeze %dma_start3A_15 : memref<1x!tpu.dma_semaphore, #tpu.memory_space<semaphore_mem>> -> memref<!tpu.dma_semaphore, #tpu.memory_space<semaphore_mem>>
    %dma_start3A_17 = arith.constant 0 : i32
    %dma_start3A_18 = arith.constant 0 : i32
    %dma_start3A_19 = tpu.memref_slice %arg7[%dma_start3A_5, %dma_start3A_17, %dma_start3A_18] : memref<3x5x80xi32, #tpu.memory_space<vmem>> -> memref<1x5x80xi32, #tpu.memory_space<vmem>>
    %dma_start3A_20 = tpu.memref_squeeze %dma_start3A_19 : memref<1x5x80xi32, #tpu.memory_space<vmem>> -> memref<5x80xi32, #tpu.memory_space<vmem>>
    %dma_start3A_21 = arith.constant 0 : i32
    %dma_start3A_22 = arith.constant 0 : i32
    %dma_start3A_23 = tpu.memref_slice %arg2[%add3A, %dma_start3A, %dma_start3A_21, %dma_start3A_22] : memref<32x25x5x80xi32, #tpu.memory_space<hbm>> -> memref<1x1x5x80xi32, #tpu.memory_space<hbm>>
    %dma_start3A_24 = tpu.memref_squeeze %dma_start3A_23 : memref<1x1x5x80xi32, #tpu.memory_space<hbm>> -> memref<5x80xi32, #tpu.memory_space<hbm>>
    tpu.enqueue_dma source(%dma_start3A_24 : memref<5x80xi32, #tpu.memory_space<hbm>>) target(%dma_start3A_20 : memref<5x80xi32, #tpu.memory_space<vmem>>) target_semaphore(%dma_start3A_16 : memref<!tpu.dma_semaphore, #tpu.memory_space<semaphore_mem>>)
    %dma_start3A_25 = arith.constant 0 : i32
    %dma_start3A_26 = arith.constant 0 : i32
    %dma_start3A_27 = arith.constant 0 : i32
    %dma_start3A_28 = arith.constant 0 : i32
    %dma_start3A_29 = arith.constant 0 : i32
    %dma_start3A_30 = tpu.memref_slice %arg8[%dma_start3A_26, %dma_start3A_28, %dma_start3A_29] : memref<3x5x80xi32, #tpu.memory_space<vmem>> -> memref<1x5x80xi32, #tpu.memory_space<vmem>>
    %dma_start3A_31 = tpu.memref_squeeze %dma_start3A_30 : memref<1x5x80xi32, #tpu.memory_space<vmem>> -> memref<5x80xi32, #tpu.memory_space<vmem>>
    %dma_start3A_32 = arith.constant 0 : i32
    %dma_start3A_33 = arith.constant 0 : i32
    %dma_start3A_34 = tpu.memref_slice %arg3[%add3A, %dma_start3A_25, %dma_start3A_32, %dma_start3A_33] : memref<32x25x5x80xi32, #tpu.memory_space<hbm>> -> memref<1x1x5x80xi32, #tpu.memory_space<hbm>>
    %dma_start3A_35 = tpu.memref_squeeze %dma_start3A_34 : memref<1x1x5x80xi32, #tpu.memory_space<hbm>> -> memref<5x80xi32, #tpu.memory_space<hbm>>
    %dma_start3A_36 = tpu.memref_slice %arg12[%dma_start3A_27] : memref<3x!tpu.dma_semaphore, #tpu.memory_space<semaphore_mem>> -> memref<1x!tpu.dma_semaphore, #tpu.memory_space<semaphore_mem>>
    %dma_start3A_37 = tpu.memref_squeeze %dma_start3A_36 : memref<1x!tpu.dma_semaphore, #tpu.memory_space<semaphore_mem>> -> memref<!tpu.dma_semaphore, #tpu.memory_space<semaphore_mem>>
    %dma_start3A_38 = arith.constant 0 : i32
    %dma_start3A_39 = arith.constant 0 : i32
    %dma_start3A_40 = tpu.memref_slice %arg8[%dma_start3A_26, %dma_start3A_38, %dma_start3A_39] : memref<3x5x80xi32, #tpu.memory_space<vmem>> -> memref<1x5x80xi32, #tpu.memory_space<vmem>>
    %dma_start3A_41 = tpu.memref_squeeze %dma_start3A_40 : memref<1x5x80xi32, #tpu.memory_space<vmem>> -> memref<5x80xi32, #tpu.memory_space<vmem>>
    %dma_start3A_42 = arith.constant 0 : i32
    %dma_start3A_43 = arith.constant 0 : i32
    %dma_start3A_44 = tpu.memref_slice %arg3[%add3A, %dma_start3A_25, %dma_start3A_42, %dma_start3A_43] : memref<32x25x5x80xi32, #tpu.memory_space<hbm>> -> memref<1x1x5x80xi32, #tpu.memory_space<hbm>>
    %dma_start3A_45 = tpu.memref_squeeze %dma_start3A_44 : memref<1x1x5x80xi32, #tpu.memory_space<hbm>> -> memref<5x80xi32, #tpu.memory_space<hbm>>
    tpu.enqueue_dma source(%dma_start3A_45 : memref<5x80xi32, #tpu.memory_space<hbm>>) target(%dma_start3A_41 : memref<5x80xi32, #tpu.memory_space<vmem>>) target_semaphore(%dma_start3A_37 : memref<!tpu.dma_semaphore, #tpu.memory_space<semaphore_mem>>)
    %dma_start3A_46 = arith.constant 0 : i32
    %dma_start3A_47 = arith.constant 0 : i32
    %dma_start3A_48 = arith.constant 0 : i32
    %dma_start3A_49 = arith.constant 0 : i32
    %dma_start3A_50 = arith.constant 0 : i32
    %dma_start3A_51 = tpu.memref_slice %arg9[%dma_start3A_47, %dma_start3A_49, %dma_start3A_50] : memref<3x5x80xf32, #tpu.memory_space<vmem>> -> memref<1x5x80xf32, #tpu.memory_space<vmem>>
    %dma_start3A_52 = tpu.memref_squeeze %dma_start3A_51 : memref<1x5x80xf32, #tpu.memory_space<vmem>> -> memref<5x80xf32, #tpu.memory_space<vmem>>
    %dma_start3A_53 = arith.constant 0 : i32
    %dma_start3A_54 = arith.constant 0 : i32
    %dma_start3A_55 = tpu.memref_slice %arg4[%add3A, %dma_start3A_46, %dma_start3A_53, %dma_start3A_54] : memref<32x25x5x80xf32, #tpu.memory_space<hbm>> -> memref<1x1x5x80xf32, #tpu.memory_space<hbm>>
    %dma_start3A_56 = tpu.memref_squeeze %dma_start3A_55 : memref<1x1x5x80xf32, #tpu.memory_space<hbm>> -> memref<5x80xf32, #tpu.memory_space<hbm>>
    %dma_start3A_57 = tpu.memref_slice %arg12[%dma_start3A_48] : memref<3x!tpu.dma_semaphore, #tpu.memory_space<semaphore_mem>> -> memref<1x!tpu.dma_semaphore, #tpu.memory_space<semaphore_mem>>
    %dma_start3A_58 = tpu.memref_squeeze %dma_start3A_57 : memref<1x!tpu.dma_semaphore, #tpu.memory_space<semaphore_mem>> -> memref<!tpu.dma_semaphore, #tpu.memory_space<semaphore_mem>>
    %dma_start3A_59 = arith.constant 0 : i32
    %dma_start3A_60 = arith.constant 0 : i32
    %dma_start3A_61 = tpu.memref_slice %arg9[%dma_start3A_47, %dma_start3A_59, %dma_start3A_60] : memref<3x5x80xf32, #tpu.memory_space<vmem>> -> memref<1x5x80xf32, #tpu.memory_space<vmem>>
    %dma_start3A_62 = tpu.memref_squeeze %dma_start3A_61 : memref<1x5x80xf32, #tpu.memory_space<vmem>> -> memref<5x80xf32, #tpu.memory_space<vmem>>
    %dma_start3A_63 = arith.constant 0 : i32
    %dma_start3A_64 = arith.constant 0 : i32
    %dma_start3A_65 = tpu.memref_slice %arg4[%add3A, %dma_start3A_46, %dma_start3A_63, %dma_start3A_64] : memref<32x25x5x80xf32, #tpu.memory_space<hbm>> -> memref<1x1x5x80xf32, #tpu.memory_space<hbm>>
    %dma_start3A_66 = tpu.memref_squeeze %dma_start3A_65 : memref<1x1x5x80xf32, #tpu.memory_space<hbm>> -> memref<5x80xf32, #tpu.memory_space<hbm>>
    tpu.enqueue_dma source(%dma_start3A_66 : memref<5x80xf32, #tpu.memory_space<hbm>>) target(%dma_start3A_62 : memref<5x80xf32, #tpu.memory_space<vmem>>) target_semaphore(%dma_start3A_58 : memref<!tpu.dma_semaphore, #tpu.memory_space<semaphore_mem>>)
    %dma_start3A_67 = arith.constant 1 : i32
    %dma_start3A_68 = arith.constant 1 : i32
    %dma_start3A_69 = arith.constant 1 : i32
    %dma_start3A_70 = arith.constant 0 : i32
    %dma_start3A_71 = arith.constant 0 : i32
    %dma_start3A_72 = tpu.memref_slice %arg7[%dma_start3A_68, %dma_start3A_70, %dma_start3A_71] : memref<3x5x80xi32, #tpu.memory_space<vmem>> -> memref<1x5x80xi32, #tpu.memory_space<vmem>>
    %dma_start3A_73 = tpu.memref_squeeze %dma_start3A_72 : memref<1x5x80xi32, #tpu.memory_space<vmem>> -> memref<5x80xi32, #tpu.memory_space<vmem>>
    %dma_start3A_74 = arith.constant 0 : i32
    %dma_start3A_75 = arith.constant 0 : i32
    %dma_start3A_76 = tpu.memref_slice %arg2[%add3A, %dma_start3A_67, %dma_start3A_74, %dma_start3A_75] : memref<32x25x5x80xi32, #tpu.memory_space<hbm>> -> memref<1x1x5x80xi32, #tpu.memory_space<hbm>>
    %dma_start3A_77 = tpu.memref_squeeze %dma_start3A_76 : memref<1x1x5x80xi32, #tpu.memory_space<hbm>> -> memref<5x80xi32, #tpu.memory_space<hbm>>
    %dma_start3A_78 = tpu.memref_slice %arg12[%dma_start3A_69] : memref<3x!tpu.dma_semaphore, #tpu.memory_space<semaphore_mem>> -> memref<1x!tpu.dma_semaphore, #tpu.memory_space<semaphore_mem>>
    %dma_start3A_79 = tpu.memref_squeeze %dma_start3A_78 : memref<1x!tpu.dma_semaphore, #tpu.memory_space<semaphore_mem>> -> memref<!tpu.dma_semaphore, #tpu.memory_space<semaphore_mem>>
    %dma_start3A_80 = arith.constant 0 : i32
    %dma_start3A_81 = arith.constant 0 : i32
    %dma_start3A_82 = tpu.memref_slice %arg7[%dma_start3A_68, %dma_start3A_80, %dma_start3A_81] : memref<3x5x80xi32, #tpu.memory_space<vmem>> -> memref<1x5x80xi32, #tpu.memory_space<vmem>>
    %dma_start3A_83 = tpu.memref_squeeze %dma_start3A_82 : memref<1x5x80xi32, #tpu.memory_space<vmem>> -> memref<5x80xi32, #tpu.memory_space<vmem>>
    %dma_start3A_84 = arith.constant 0 : i32
    %dma_start3A_85 = arith.constant 0 : i32
    %dma_start3A_86 = tpu.memref_slice %arg2[%add3A, %dma_start3A_67, %dma_start3A_84, %dma_start3A_85] : memref<32x25x5x80xi32, #tpu.memory_space<hbm>> -> memref<1x1x5x80xi32, #tpu.memory_space<hbm>>
    %dma_start3A_87 = tpu.memref_squeeze %dma_start3A_86 : memref<1x1x5x80xi32, #tpu.memory_space<hbm>> -> memref<5x80xi32, #tpu.memory_space<hbm>>
    tpu.enqueue_dma source(%dma_start3A_87 : memref<5x80xi32, #tpu.memory_space<hbm>>) target(%dma_start3A_83 : memref<5x80xi32, #tpu.memory_space<vmem>>) target_semaphore(%dma_start3A_79 : memref<!tpu.dma_semaphore, #tpu.memory_space<semaphore_mem>>)
    %dma_start3A_88 = arith.constant 1 : i32
    %dma_start3A_89 = arith.constant 1 : i32
    %dma_start3A_90 = arith.constant 1 : i32
    %dma_start3A_91 = arith.constant 0 : i32
    %dma_start3A_92 = arith.constant 0 : i32
    %dma_start3A_93 = tpu.memref_slice %arg8[%dma_start3A_89, %dma_start3A_91, %dma_start3A_92] : memref<3x5x80xi32, #tpu.memory_space<vmem>> -> memref<1x5x80xi32, #tpu.memory_space<vmem>>
    %dma_start3A_94 = tpu.memref_squeeze %dma_start3A_93 : memref<1x5x80xi32, #tpu.memory_space<vmem>> -> memref<5x80xi32, #tpu.memory_space<vmem>>
    %dma_start3A_95 = arith.constant 0 : i32
    %dma_start3A_96 = arith.constant 0 : i32
    %dma_start3A_97 = tpu.memref_slice %arg3[%add3A, %dma_start3A_88, %dma_start3A_95, %dma_start3A_96] : memref<32x25x5x80xi32, #tpu.memory_space<hbm>> -> memref<1x1x5x80xi32, #tpu.memory_space<hbm>>
    %dma_start3A_98 = tpu.memref_squeeze %dma_start3A_97 : memref<1x1x5x80xi32, #tpu.memory_space<hbm>> -> memref<5x80xi32, #tpu.memory_space<hbm>>
    %dma_start3A_99 = tpu.memref_slice %arg12[%dma_start3A_90] : memref<3x!tpu.dma_semaphore, #tpu.memory_space<semaphore_mem>> -> memref<1x!tpu.dma_semaphore, #tpu.memory_space<semaphore_mem>>
    %dma_start3A_100 = tpu.memref_squeeze %dma_start3A_99 : memref<1x!tpu.dma_semaphore, #tpu.memory_space<semaphore_mem>> -> memref<!tpu.dma_semaphore, #tpu.memory_space<semaphore_mem>>
    %dma_start3A_101 = arith.constant 0 : i32
    %dma_start3A_102 = arith.constant 0 : i32
    %dma_start3A_103 = tpu.memref_slice %arg8[%dma_start3A_89, %dma_start3A_101, %dma_start3A_102] : memref<3x5x80xi32, #tpu.memory_space<vmem>> -> memref<1x5x80xi32, #tpu.memory_space<vmem>>
    %dma_start3A_104 = tpu.memref_squeeze %dma_start3A_103 : memref<1x5x80xi32, #tpu.memory_space<vmem>> -> memref<5x80xi32, #tpu.memory_space<vmem>>
    %dma_start3A_105 = arith.constant 0 : i32
    %dma_start3A_106 = arith.constant 0 : i32
    %dma_start3A_107 = tpu.memref_slice %arg3[%add3A, %dma_start3A_88, %dma_start3A_105, %dma_start3A_106] : memref<32x25x5x80xi32, #tpu.memory_space<hbm>> -> memref<1x1x5x80xi32, #tpu.memory_space<hbm>>
    %dma_start3A_108 = tpu.memref_squeeze %dma_start3A_107 : memref<1x1x5x80xi32, #tpu.memory_space<hbm>> -> memref<5x80xi32, #tpu.memory_space<hbm>>
    tpu.enqueue_dma source(%dma_start3A_108 : memref<5x80xi32, #tpu.memory_space<hbm>>) target(%dma_start3A_104 : memref<5x80xi32, #tpu.memory_space<vmem>>) target_semaphore(%dma_start3A_100 : memref<!tpu.dma_semaphore, #tpu.memory_space<semaphore_mem>>)
    %dma_start3A_109 = arith.constant 1 : i32
    %dma_start3A_110 = arith.constant 1 : i32
    %dma_start3A_111 = arith.constant 1 : i32
    %dma_start3A_112 = arith.constant 0 : i32
    %dma_start3A_113 = arith.constant 0 : i32
    %dma_start3A_114 = tpu.memref_slice %arg9[%dma_start3A_110, %dma_start3A_112, %dma_start3A_113] : memref<3x5x80xf32, #tpu.memory_space<vmem>> -> memref<1x5x80xf32, #tpu.memory_space<vmem>>
    %dma_start3A_115 = tpu.memref_squeeze %dma_start3A_114 : memref<1x5x80xf32, #tpu.memory_space<vmem>> -> memref<5x80xf32, #tpu.memory_space<vmem>>
    %dma_start3A_116 = arith.constant 0 : i32
    %dma_start3A_117 = arith.constant 0 : i32
    %dma_start3A_118 = tpu.memref_slice %arg4[%add3A, %dma_start3A_109, %dma_start3A_116, %dma_start3A_117] : memref<32x25x5x80xf32, #tpu.memory_space<hbm>> -> memref<1x1x5x80xf32, #tpu.memory_space<hbm>>
    %dma_start3A_119 = tpu.memref_squeeze %dma_start3A_118 : memref<1x1x5x80xf32, #tpu.memory_space<hbm>> -> memref<5x80xf32, #tpu.memory_space<hbm>>
    %dma_start3A_120 = tpu.memref_slice %arg12[%dma_start3A_111] : memref<3x!tpu.dma_semaphore, #tpu.memory_space<semaphore_mem>> -> memref<1x!tpu.dma_semaphore, #tpu.memory_space<semaphore_mem>>
    %dma_start3A_121 = tpu.memref_squeeze %dma_start3A_120 : memref<1x!tpu.dma_semaphore, #tpu.memory_space<semaphore_mem>> -> memref<!tpu.dma_semaphore, #tpu.memory_space<semaphore_mem>>
    %dma_start3A_122 = arith.constant 0 : i32
    %dma_start3A_123 = arith.constant 0 : i32
    %dma_start3A_124 = tpu.memref_slice %arg9[%dma_start3A_110, %dma_start3A_122, %dma_start3A_123] : memref<3x5x80xf32, #tpu.memory_space<vmem>> -> memref<1x5x80xf32, #tpu.memory_space<vmem>>
    %dma_start3A_125 = tpu.memref_squeeze %dma_start3A_124 : memref<1x5x80xf32, #tpu.memory_space<vmem>> -> memref<5x80xf32, #tpu.memory_space<vmem>>
    %dma_start3A_126 = arith.constant 0 : i32
    %dma_start3A_127 = arith.constant 0 : i32
    %dma_start3A_128 = tpu.memref_slice %arg4[%add3A, %dma_start3A_109, %dma_start3A_126, %dma_start3A_127] : memref<32x25x5x80xf32, #tpu.memory_space<hbm>> -> memref<1x1x5x80xf32, #tpu.memory_space<hbm>>
    %dma_start3A_129 = tpu.memref_squeeze %dma_start3A_128 : memref<1x1x5x80xf32, #tpu.memory_space<hbm>> -> memref<5x80xf32, #tpu.memory_space<hbm>>
    tpu.enqueue_dma source(%dma_start3A_129 : memref<5x80xf32, #tpu.memory_space<hbm>>) target(%dma_start3A_125 : memref<5x80xf32, #tpu.memory_space<vmem>>) target_semaphore(%dma_start3A_121 : memref<!tpu.dma_semaphore, #tpu.memory_space<semaphore_mem>>)
    %scan3A = arith.constant 0 : i32
    %scan3A_130 = arith.constant 0 : i32
    %scan3A_131 = arith.constant 80 : i32
    %scan3A_132 = arith.addi %scan3A_130, %scan3A_131 : i32
    %scan3A_133 = arith.constant 1 : i32
    %scan3A_134 = scf.for %scan3A_634 = %scan3A_130 to %scan3A_132 step %scan3A_133 iter_args(%scan3A_635 = %scan3A) -> (i32)  : i32 {
      %broadcast_in_dim3A = arith.constant 0.000000e+00 : f32
      %broadcast_in_dim3A_636 = vector.broadcast %broadcast_in_dim3A : f32 to vector<16xf32>
      %swap3A = arith.constant 2 : i32
      %swap3A_637 = arith.index_cast %swap3A : i32 to index
      %swap3A_638 = arith.index_cast %scan3A_634 : i32 to index
      %swap3A_639 = arith.constant 0 : index
      %swap3A_640 = tpu.vector_load %arg10[%swap3A_637, %swap3A_638, %swap3A_639] {strides = array<i32>} : memref<3x80x128xf32, #tpu.memory_space<vmem>>, vector<1x1x16xf32>,
      %swap3A_641 = vector.shape_cast %swap3A_640 : vector<1x1x16xf32> to vector<16xf32>
      %swap3A_642 = vector.shape_cast %broadcast_in_dim3A_636 : vector<16xf32> to vector<1x1x16xf32>
      tpu.vector_store %arg10[%swap3A_637, %swap3A_638, %swap3A_639], %swap3A_642 {strides = array<i32>} : memref<3x80x128xf32, #tpu.memory_space<vmem>>, vector<1x1x16xf32>,
      %broadcast_in_dim3A_643 = arith.constant 0.000000e+00 : f32
      %broadcast_in_dim3A_644 = vector.broadcast %broadcast_in_dim3A_643 : f32 to vector<16xf32>
      %swap3A_645 = arith.constant 2 : i32
      %swap3A_646 = arith.index_cast %swap3A_645 : i32 to index
      %swap3A_647 = arith.index_cast %scan3A_634 : i32 to index
      %swap3A_648 = arith.constant 16 : index
      %swap3A_649 = tpu.vector_load %arg10[%swap3A_646, %swap3A_647, %swap3A_648] {strides = array<i32>} : memref<3x80x128xf32, #tpu.memory_space<vmem>>, vector<1x1x16xf32>,
      %swap3A_650 = vector.shape_cast %swap3A_649 : vector<1x1x16xf32> to vector<16xf32>
      %swap3A_651 = vector.shape_cast %broadcast_in_dim3A_644 : vector<16xf32> to vector<1x1x16xf32>
      tpu.vector_store %arg10[%swap3A_646, %swap3A_647, %swap3A_648], %swap3A_651 {strides = array<i32>} : memref<3x80x128xf32, #tpu.memory_space<vmem>>, vector<1x1x16xf32>,
      %broadcast_in_dim3A_652 = arith.constant 0.000000e+00 : f32
      %broadcast_in_dim3A_653 = vector.broadcast %broadcast_in_dim3A_652 : f32 to vector<16xf32>
      %swap3A_654 = arith.constant 2 : i32
      %swap3A_655 = arith.index_cast %swap3A_654 : i32 to index
      %swap3A_656 = arith.index_cast %scan3A_634 : i32 to index
      %swap3A_657 = arith.constant 32 : index
      %swap3A_658 = tpu.vector_load %arg10[%swap3A_655, %swap3A_656, %swap3A_657] {strides = array<i32>} : memref<3x80x128xf32, #tpu.memory_space<vmem>>, vector<1x1x16xf32>,
      %swap3A_659 = vector.shape_cast %swap3A_658 : vector<1x1x16xf32> to vector<16xf32>
      %swap3A_660 = vector.shape_cast %broadcast_in_dim3A_653 : vector<16xf32> to vector<1x1x16xf32>
      tpu.vector_store %arg10[%swap3A_655, %swap3A_656, %swap3A_657], %swap3A_660 {strides = array<i32>} : memref<3x80x128xf32, #tpu.memory_space<vmem>>, vector<1x1x16xf32>,
      %broadcast_in_dim3A_661 = arith.constant 0.000000e+00 : f32
      %broadcast_in_dim3A_662 = vector.broadcast %broadcast_in_dim3A_661 : f32 to vector<16xf32>
      %swap3A_663 = arith.constant 2 : i32
      %swap3A_664 = arith.index_cast %swap3A_663 : i32 to index
      %swap3A_665 = arith.index_cast %scan3A_634 : i32 to index
      %swap3A_666 = arith.constant 48 : index
      %swap3A_667 = tpu.vector_load %arg10[%swap3A_664, %swap3A_665, %swap3A_666] {strides = array<i32>} : memref<3x80x128xf32, #tpu.memory_space<vmem>>, vector<1x1x16xf32>,
      %swap3A_668 = vector.shape_cast %swap3A_667 : vector<1x1x16xf32> to vector<16xf32>
      %swap3A_669 = vector.shape_cast %broadcast_in_dim3A_662 : vector<16xf32> to vector<1x1x16xf32>
      tpu.vector_store %arg10[%swap3A_664, %swap3A_665, %swap3A_666], %swap3A_669 {strides = array<i32>} : memref<3x80x128xf32, #tpu.memory_space<vmem>>, vector<1x1x16xf32>,
      %broadcast_in_dim3A_670 = arith.constant 0.000000e+00 : f32
      %broadcast_in_dim3A_671 = vector.broadcast %broadcast_in_dim3A_670 : f32 to vector<16xf32>
      %swap3A_672 = arith.constant 2 : i32
      %swap3A_673 = arith.index_cast %swap3A_672 : i32 to index
      %swap3A_674 = arith.index_cast %scan3A_634 : i32 to index
      %swap3A_675 = arith.constant 64 : index
      %swap3A_676 = tpu.vector_load %arg10[%swap3A_673, %swap3A_674, %swap3A_675] {strides = array<i32>} : memref<3x80x128xf32, #tpu.memory_space<vmem>>, vector<1x1x16xf32>,
      %swap3A_677 = vector.shape_cast %swap3A_676 : vector<1x1x16xf32> to vector<16xf32>
      %swap3A_678 = vector.shape_cast %broadcast_in_dim3A_671 : vector<16xf32> to vector<1x1x16xf32>
      tpu.vector_store %arg10[%swap3A_673, %swap3A_674, %swap3A_675], %swap3A_678 {strides = array<i32>} : memref<3x80x128xf32, #tpu.memory_space<vmem>>, vector<1x1x16xf32>,
      %broadcast_in_dim3A_679 = arith.constant 0.000000e+00 : f32
      %broadcast_in_dim3A_680 = vector.broadcast %broadcast_in_dim3A_679 : f32 to vector<16xf32>
      %swap3A_681 = arith.constant 2 : i32
      %swap3A_682 = arith.index_cast %swap3A_681 : i32 to index
      %swap3A_683 = arith.index_cast %scan3A_634 : i32 to index
      %swap3A_684 = arith.constant 80 : index
      %swap3A_685 = tpu.vector_load %arg10[%swap3A_682, %swap3A_683, %swap3A_684] {strides = array<i32>} : memref<3x80x128xf32, #tpu.memory_space<vmem>>, vector<1x1x16xf32>,
      %swap3A_686 = vector.shape_cast %swap3A_685 : vector<1x1x16xf32> to vector<16xf32>
      %swap3A_687 = vector.shape_cast %broadcast_in_dim3A_680 : vector<16xf32> to vector<1x1x16xf32>
      tpu.vector_store %arg10[%swap3A_682, %swap3A_683, %swap3A_684], %swap3A_687 {strides = array<i32>} : memref<3x80x128xf32, #tpu.memory_space<vmem>>, vector<1x1x16xf32>,
      %broadcast_in_dim3A_688 = arith.constant 0.000000e+00 : f32
      %broadcast_in_dim3A_689 = vector.broadcast %broadcast_in_dim3A_688 : f32 to vector<16xf32>
      %swap3A_690 = arith.constant 2 : i32
      %swap3A_691 = arith.index_cast %swap3A_690 : i32 to index
      %swap3A_692 = arith.index_cast %scan3A_634 : i32 to index
      %swap3A_693 = arith.constant 96 : index
      %swap3A_694 = tpu.vector_load %arg10[%swap3A_691, %swap3A_692, %swap3A_693] {strides = array<i32>} : memref<3x80x128xf32, #tpu.memory_space<vmem>>, vector<1x1x16xf32>,
      %swap3A_695 = vector.shape_cast %swap3A_694 : vector<1x1x16xf32> to vector<16xf32>
      %swap3A_696 = vector.shape_cast %broadcast_in_dim3A_689 : vector<16xf32> to vector<1x1x16xf32>
      tpu.vector_store %arg10[%swap3A_691, %swap3A_692, %swap3A_693], %swap3A_696 {strides = array<i32>} : memref<3x80x128xf32, #tpu.memory_space<vmem>>, vector<1x1x16xf32>,
      %broadcast_in_dim3A_697 = arith.constant 0.000000e+00 : f32
      %broadcast_in_dim3A_698 = vector.broadcast %broadcast_in_dim3A_697 : f32 to vector<16xf32>
      %swap3A_699 = arith.constant 2 : i32
      %swap3A_700 = arith.index_cast %swap3A_699 : i32 to index
      %swap3A_701 = arith.index_cast %scan3A_634 : i32 to index
      %swap3A_702 = arith.constant 112 : index
      %swap3A_703 = tpu.vector_load %arg10[%swap3A_700, %swap3A_701, %swap3A_702] {strides = array<i32>} : memref<3x80x128xf32, #tpu.memory_space<vmem>>, vector<1x1x16xf32>,
      %swap3A_704 = vector.shape_cast %swap3A_703 : vector<1x1x16xf32> to vector<16xf32>
      %swap3A_705 = vector.shape_cast %broadcast_in_dim3A_698 : vector<16xf32> to vector<1x1x16xf32>
      tpu.vector_store %arg10[%swap3A_700, %swap3A_701, %swap3A_702], %swap3A_705 {strides = array<i32>} : memref<3x80x128xf32, #tpu.memory_space<vmem>>, vector<1x1x16xf32>,
      %scan3A_706 = arith.constant 0 : i32
      scf.yield %scan3A_706 : i32
    }
    %scan3A_135 = arith.constant 80 : i32
    %add3A_136 = arith.constant 0 : i32
    %add3A_137 = arith.addi %mul3A_2, %add3A_136 : i32
    %dma_start3A_138 = arith.constant 2 : i32
    %dma_start3A_139 = arith.constant 0 : i32
    %dma_start3A_140 = arith.constant 0 : i32
    %dma_start3A_141 = tpu.memref_slice %arg10[%dma_start3A_138, %dma_start3A_139, %dma_start3A_140] : memref<3x80x128xf32, #tpu.memory_space<vmem>> -> memref<1x80x128xf32, #tpu.memory_space<vmem>>
    %dma_start3A_142 = tpu.memref_squeeze %dma_start3A_141 : memref<1x80x128xf32, #tpu.memory_space<vmem>> -> memref<80x128xf32, #tpu.memory_space<vmem>>
    %dma_start3A_143 = arith.constant 0 : i32
    %dma_start3A_144 = tpu.memref_slice %arg11[%add3A_137, %dma_start3A_143] : memref<10000x128xf32, #tpu.memory_space<vmem_shared>> -> memref<80x128xf32, #tpu.memory_space<vmem_shared>>
    %dma_start3A_145 = arith.constant 0 : i32
    %dma_start3A_146 = tpu.memref_slice %arg11[%add3A_137, %dma_start3A_145] : memref<10000x128xf32, #tpu.memory_space<vmem_shared>> -> memref<80x128xf32, #tpu.memory_space<vmem_shared>>
    %dma_start3A_147 = arith.constant 0 : i32
    %dma_start3A_148 = arith.constant 0 : i32
    %dma_start3A_149 = tpu.memref_slice %arg10[%dma_start3A_138, %dma_start3A_147, %dma_start3A_148] : memref<3x80x128xf32, #tpu.memory_space<vmem>> -> memref<1x80x128xf32, #tpu.memory_space<vmem>>
    %dma_start3A_150 = tpu.memref_squeeze %dma_start3A_149 : memref<1x80x128xf32, #tpu.memory_space<vmem>> -> memref<80x128xf32, #tpu.memory_space<vmem>>
    tpu.enqueue_dma source(%dma_start3A_150 : memref<80x128xf32, #tpu.memory_space<vmem>>) target(%dma_start3A_146 : memref<80x128xf32, #tpu.memory_space<vmem_shared>>) target_semaphore(%arg15 : memref<!tpu.dma_semaphore, #tpu.memory_space<semaphore_mem>>)
    %add3A_151 = arith.constant 80 : i32
    %add3A_152 = arith.addi %mul3A_2, %add3A_151 : i32
    %dma_start3A_153 = arith.constant 2 : i32
    %dma_start3A_154 = arith.constant 0 : i32
    %dma_start3A_155 = arith.constant 0 : i32
    %dma_start3A_156 = tpu.memref_slice %arg10[%dma_start3A_153, %dma_start3A_154, %dma_start3A_155] : memref<3x80x128xf32, #tpu.memory_space<vmem>> -> memref<1x80x128xf32, #tpu.memory_space<vmem>>
    %dma_start3A_157 = tpu.memref_squeeze %dma_start3A_156 : memref<1x80x128xf32, #tpu.memory_space<vmem>> -> memref<80x128xf32, #tpu.memory_space<vmem>>
    %dma_start3A_158 = arith.constant 0 : i32
    %dma_start3A_159 = tpu.memref_slice %arg11[%add3A_152, %dma_start3A_158] : memref<10000x128xf32, #tpu.memory_space<vmem_shared>> -> memref<80x128xf32, #tpu.memory_space<vmem_shared>>
    %dma_start3A_160 = arith.constant 0 : i32
    %dma_start3A_161 = tpu.memref_slice %arg11[%add3A_152, %dma_start3A_160] : memref<10000x128xf32, #tpu.memory_space<vmem_shared>> -> memref<80x128xf32, #tpu.memory_space<vmem_shared>>
    %dma_start3A_162 = arith.constant 0 : i32
    %dma_start3A_163 = arith.constant 0 : i32
    %dma_start3A_164 = tpu.memref_slice %arg10[%dma_start3A_153, %dma_start3A_162, %dma_start3A_163] : memref<3x80x128xf32, #tpu.memory_space<vmem>> -> memref<1x80x128xf32, #tpu.memory_space<vmem>>
    %dma_start3A_165 = tpu.memref_squeeze %dma_start3A_164 : memref<1x80x128xf32, #tpu.memory_space<vmem>> -> memref<80x128xf32, #tpu.memory_space<vmem>>
    tpu.enqueue_dma source(%dma_start3A_165 : memref<80x128xf32, #tpu.memory_space<vmem>>) target(%dma_start3A_161 : memref<80x128xf32, #tpu.memory_space<vmem_shared>>) target_semaphore(%arg15 : memref<!tpu.dma_semaphore, #tpu.memory_space<semaphore_mem>>)
    %add3A_166 = arith.constant 160 : i32
    %add3A_167 = arith.addi %mul3A_2, %add3A_166 : i32
    %dma_start3A_168 = arith.constant 2 : i32
    %dma_start3A_169 = arith.constant 0 : i32
    %dma_start3A_170 = arith.constant 0 : i32
    %dma_start3A_171 = tpu.memref_slice %arg10[%dma_start3A_168, %dma_start3A_169, %dma_start3A_170] : memref<3x80x128xf32, #tpu.memory_space<vmem>> -> memref<1x80x128xf32, #tpu.memory_space<vmem>>
    %dma_start3A_172 = tpu.memref_squeeze %dma_start3A_171 : memref<1x80x128xf32, #tpu.memory_space<vmem>> -> memref<80x128xf32, #tpu.memory_space<vmem>>
    %dma_start3A_173 = arith.constant 0 : i32
    %dma_start3A_174 = tpu.memref_slice %arg11[%add3A_167, %dma_start3A_173] : memref<10000x128xf32, #tpu.memory_space<vmem_shared>> -> memref<80x128xf32, #tpu.memory_space<vmem_shared>>
    %dma_start3A_175 = arith.constant 0 : i32
    %dma_start3A_176 = tpu.memref_slice %arg11[%add3A_167, %dma_start3A_175] : memref<10000x128xf32, #tpu.memory_space<vmem_shared>> -> memref<80x128xf32, #tpu.memory_space<vmem_shared>>
    %dma_start3A_177 = arith.constant 0 : i32
    %dma_start3A_178 = arith.constant 0 : i32
    %dma_start3A_179 = tpu.memref_slice %arg10[%dma_start3A_168, %dma_start3A_177, %dma_start3A_178] : memref<3x80x128xf32, #tpu.memory_space<vmem>> -> memref<1x80x128xf32, #tpu.memory_space<vmem>>
    %dma_start3A_180 = tpu.memref_squeeze %dma_start3A_179 : memref<1x80x128xf32, #tpu.memory_space<vmem>> -> memref<80x128xf32, #tpu.memory_space<vmem>>
    tpu.enqueue_dma source(%dma_start3A_180 : memref<80x128xf32, #tpu.memory_space<vmem>>) target(%dma_start3A_176 : memref<80x128xf32, #tpu.memory_space<vmem_shared>>) target_semaphore(%arg15 : memref<!tpu.dma_semaphore, #tpu.memory_space<semaphore_mem>>)
    %add3A_181 = arith.constant 240 : i32
    %add3A_182 = arith.addi %mul3A_2, %add3A_181 : i32
    %dma_start3A_183 = arith.constant 2 : i32
    %dma_start3A_184 = arith.constant 0 : i32
    %dma_start3A_185 = arith.constant 0 : i32
    %dma_start3A_186 = tpu.memref_slice %arg10[%dma_start3A_183, %dma_start3A_184, %dma_start3A_185] : memref<3x80x128xf32, #tpu.memory_space<vmem>> -> memref<1x80x128xf32, #tpu.memory_space<vmem>>
    %dma_start3A_187 = tpu.memref_squeeze %dma_start3A_186 : memref<1x80x128xf32, #tpu.memory_space<vmem>> -> memref<80x128xf32, #tpu.memory_space<vmem>>
    %dma_start3A_188 = arith.constant 0 : i32
    %dma_start3A_189 = tpu.memref_slice %arg11[%add3A_182, %dma_start3A_188] : memref<10000x128xf32, #tpu.memory_space<vmem_shared>> -> memref<80x128xf32, #tpu.memory_space<vmem_shared>>
    %dma_start3A_190 = arith.constant 0 : i32
    %dma_start3A_191 = tpu.memref_slice %arg11[%add3A_182, %dma_start3A_190] : memref<10000x128xf32, #tpu.memory_space<vmem_shared>> -> memref<80x128xf32, #tpu.memory_space<vmem_shared>>
    %dma_start3A_192 = arith.constant 0 : i32
    %dma_start3A_193 = arith.constant 0 : i32
    %dma_start3A_194 = tpu.memref_slice %arg10[%dma_start3A_183, %dma_start3A_192, %dma_start3A_193] : memref<3x80x128xf32, #tpu.memory_space<vmem>> -> memref<1x80x128xf32, #tpu.memory_space<vmem>>
    %dma_start3A_195 = tpu.memref_squeeze %dma_start3A_194 : memref<1x80x128xf32, #tpu.memory_space<vmem>> -> memref<80x128xf32, #tpu.memory_space<vmem>>
    tpu.enqueue_dma source(%dma_start3A_195 : memref<80x128xf32, #tpu.memory_space<vmem>>) target(%dma_start3A_191 : memref<80x128xf32, #tpu.memory_space<vmem_shared>>) target_semaphore(%arg15 : memref<!tpu.dma_semaphore, #tpu.memory_space<semaphore_mem>>)
    %add3A_196 = arith.constant 320 : i32
    %add3A_197 = arith.addi %mul3A_2, %add3A_196 : i32
    %dma_start3A_198 = arith.constant 2 : i32
    %dma_start3A_199 = arith.constant 0 : i32
    %dma_start3A_200 = arith.constant 0 : i32
    %dma_start3A_201 = tpu.memref_slice %arg10[%dma_start3A_198, %dma_start3A_199, %dma_start3A_200] : memref<3x80x128xf32, #tpu.memory_space<vmem>> -> memref<1x80x128xf32, #tpu.memory_space<vmem>>
    %dma_start3A_202 = tpu.memref_squeeze %dma_start3A_201 : memref<1x80x128xf32, #tpu.memory_space<vmem>> -> memref<80x128xf32, #tpu.memory_space<vmem>>
    %dma_start3A_203 = arith.constant 0 : i32
    %dma_start3A_204 = tpu.memref_slice %arg11[%add3A_197, %dma_start3A_203] : memref<10000x128xf32, #tpu.memory_space<vmem_shared>> -> memref<80x128xf32, #tpu.memory_space<vmem_shared>>
    %dma_start3A_205 = arith.constant 0 : i32
    %dma_start3A_206 = tpu.memref_slice %arg11[%add3A_197, %dma_start3A_205] : memref<10000x128xf32, #tpu.memory_space<vmem_shared>> -> memref<80x128xf32, #tpu.memory_space<vmem_shared>>
    %dma_start3A_207 = arith.constant 0 : i32
    %dma_start3A_208 = arith.constant 0 : i32
    %dma_start3A_209 = tpu.memref_slice %arg10[%dma_start3A_198, %dma_start3A_207, %dma_start3A_208] : memref<3x80x128xf32, #tpu.memory_space<vmem>> -> memref<1x80x128xf32, #tpu.memory_space<vmem>>
    %dma_start3A_210 = tpu.memref_squeeze %dma_start3A_209 : memref<1x80x128xf32, #tpu.memory_space<vmem>> -> memref<80x128xf32, #tpu.memory_space<vmem>>
    tpu.enqueue_dma source(%dma_start3A_210 : memref<80x128xf32, #tpu.memory_space<vmem>>) target(%dma_start3A_206 : memref<80x128xf32, #tpu.memory_space<vmem_shared>>) target_semaphore(%arg15 : memref<!tpu.dma_semaphore, #tpu.memory_space<semaphore_mem>>)
    %add3A_211 = arith.constant 400 : i32
    %add3A_212 = arith.addi %mul3A_2, %add3A_211 : i32
    %dma_start3A_213 = arith.constant 2 : i32
    %dma_start3A_214 = arith.constant 0 : i32
    %dma_start3A_215 = arith.constant 0 : i32
    %dma_start3A_216 = tpu.memref_slice %arg10[%dma_start3A_213, %dma_start3A_214, %dma_start3A_215] : memref<3x80x128xf32, #tpu.memory_space<vmem>> -> memref<1x80x128xf32, #tpu.memory_space<vmem>>
    %dma_start3A_217 = tpu.memref_squeeze %dma_start3A_216 : memref<1x80x128xf32, #tpu.memory_space<vmem>> -> memref<80x128xf32, #tpu.memory_space<vmem>>
    %dma_start3A_218 = arith.constant 0 : i32
    %dma_start3A_219 = tpu.memref_slice %arg11[%add3A_212, %dma_start3A_218] : memref<10000x128xf32, #tpu.memory_space<vmem_shared>> -> memref<80x128xf32, #tpu.memory_space<vmem_shared>>
    %dma_start3A_220 = arith.constant 0 : i32
    %dma_start3A_221 = tpu.memref_slice %arg11[%add3A_212, %dma_start3A_220] : memref<10000x128xf32, #tpu.memory_space<vmem_shared>> -> memref<80x128xf32, #tpu.memory_space<vmem_shared>>
    %dma_start3A_222 = arith.constant 0 : i32
    %dma_start3A_223 = arith.constant 0 : i32
    %dma_start3A_224 = tpu.memref_slice %arg10[%dma_start3A_213, %dma_start3A_222, %dma_start3A_223] : memref<3x80x128xf32, #tpu.memory_space<vmem>> -> memref<1x80x128xf32, #tpu.memory_space<vmem>>
    %dma_start3A_225 = tpu.memref_squeeze %dma_start3A_224 : memref<1x80x128xf32, #tpu.memory_space<vmem>> -> memref<80x128xf32, #tpu.memory_space<vmem>>
    tpu.enqueue_dma source(%dma_start3A_225 : memref<80x128xf32, #tpu.memory_space<vmem>>) target(%dma_start3A_221 : memref<80x128xf32, #tpu.memory_space<vmem_shared>>) target_semaphore(%arg15 : memref<!tpu.dma_semaphore, #tpu.memory_space<semaphore_mem>>)
    %add3A_226 = arith.constant 480 : i32
    %add3A_227 = arith.addi %mul3A_2, %add3A_226 : i32
    %dma_start3A_228 = arith.constant 2 : i32
    %dma_start3A_229 = arith.constant 0 : i32
    %dma_start3A_230 = arith.constant 0 : i32
    %dma_start3A_231 = tpu.memref_slice %arg10[%dma_start3A_228, %dma_start3A_229, %dma_start3A_230] : memref<3x80x128xf32, #tpu.memory_space<vmem>> -> memref<1x80x128xf32, #tpu.memory_space<vmem>>
    %dma_start3A_232 = tpu.memref_squeeze %dma_start3A_231 : memref<1x80x128xf32, #tpu.memory_space<vmem>> -> memref<80x128xf32, #tpu.memory_space<vmem>>
    %dma_start3A_233 = arith.constant 0 : i32
    %dma_start3A_234 = tpu.memref_slice %arg11[%add3A_227, %dma_start3A_233] : memref<10000x128xf32, #tpu.memory_space<vmem_shared>> -> memref<80x128xf32, #tpu.memory_space<vmem_shared>>
    %dma_start3A_235 = arith.constant 0 : i32
    %dma_start3A_236 = tpu.memref_slice %arg11[%add3A_227, %dma_start3A_235] : memref<10000x128xf32, #tpu.memory_space<vmem_shared>> -> memref<80x128xf32, #tpu.memory_space<vmem_shared>>
    %dma_start3A_237 = arith.constant 0 : i32
    %dma_start3A_238 = arith.constant 0 : i32
    %dma_start3A_239 = tpu.memref_slice %arg10[%dma_start3A_228, %dma_start3A_237, %dma_start3A_238] : memref<3x80x128xf32, #tpu.memory_space<vmem>> -> memref<1x80x128xf32, #tpu.memory_space<vmem>>
    %dma_start3A_240 = tpu.memref_squeeze %dma_start3A_239 : memref<1x80x128xf32, #tpu.memory_space<vmem>> -> memref<80x128xf32, #tpu.memory_space<vmem>>
    tpu.enqueue_dma source(%dma_start3A_240 : memref<80x128xf32, #tpu.memory_space<vmem>>) target(%dma_start3A_236 : memref<80x128xf32, #tpu.memory_space<vmem_shared>>) target_semaphore(%arg15 : memref<!tpu.dma_semaphore, #tpu.memory_space<semaphore_mem>>)
    %eq3A = arith.constant 15 : i32
    %eq3A_241 = arith.cmpi eq, %arg1, %eq3A : i32
    %convert_element_type3A = arith.extui %eq3A_241 : i1 to i32
    %cond3A = arith.constant 2 : i32
    %cond3A_242 = arith.constant 0 : i32
    %cond3A_243 = arith.cmpi ne, %convert_element_type3A, %cond3A_242 : i32
    scf.if %cond3A_243 {
      %dma_start3A_634 = arith.constant 0 : i32
      %dma_start3A_635 = arith.constant 0 : i32
      %dma_start3A_636 = tpu.memref_slice %arg10[%cond3A, %dma_start3A_634, %dma_start3A_635] : memref<3x80x128xf32, #tpu.memory_space<vmem>> -> memref<1x80x128xf32, #tpu.memory_space<vmem>>
      %dma_start3A_637 = tpu.memref_squeeze %dma_start3A_636 : memref<1x80x128xf32, #tpu.memory_space<vmem>> -> memref<80x128xf32, #tpu.memory_space<vmem>>
      %dma_start3A_638 = arith.constant 0 : i32
      %dma_start3A_639 = arith.constant 0 : i32
      %dma_start3A_640 = tpu.memref_slice %dma_start3A_637[%dma_start3A_638, %dma_start3A_639] : memref<80x128xf32, #tpu.memory_space<vmem>> -> memref<80x128xf32, #tpu.memory_space<vmem>>
      %dma_start3A_641 = arith.constant 0 : i32
      %dma_start3A_642 = tpu.memref_slice %arg11[%add3A_4, %dma_start3A_641] : memref<10000x128xf32, #tpu.memory_space<vmem_shared>> -> memref<80x128xf32, #tpu.memory_space<vmem_shared>>
      %dma_start3A_643 = arith.constant 0 : i32
      %dma_start3A_644 = tpu.memref_slice %arg11[%add3A_4, %dma_start3A_643] : memref<10000x128xf32, #tpu.memory_space<vmem_shared>> -> memref<80x128xf32, #tpu.memory_space<vmem_shared>>
      %dma_start3A_645 = arith.constant 0 : i32
      %dma_start3A_646 = arith.constant 0 : i32
      %dma_start3A_647 = tpu.memref_slice %arg10[%cond3A, %dma_start3A_645, %dma_start3A_646] : memref<3x80x128xf32, #tpu.memory_space<vmem>> -> memref<1x80x128xf32, #tpu.memory_space<vmem>>
      %dma_start3A_648 = tpu.memref_squeeze %dma_start3A_647 : memref<1x80x128xf32, #tpu.memory_space<vmem>> -> memref<80x128xf32, #tpu.memory_space<vmem>>
      %dma_start3A_649 = arith.constant 0 : i32
      %dma_start3A_650 = arith.constant 0 : i32
      %dma_start3A_651 = tpu.memref_slice %dma_start3A_648[%dma_start3A_649, %dma_start3A_650] : memref<80x128xf32, #tpu.memory_space<vmem>> -> memref<80x128xf32, #tpu.memory_space<vmem>>
      tpu.enqueue_dma source(%dma_start3A_651 : memref<80x128xf32, #tpu.memory_space<vmem>>) target(%dma_start3A_644 : memref<80x128xf32, #tpu.memory_space<vmem_shared>>) target_semaphore(%arg15 : memref<!tpu.dma_semaphore, #tpu.memory_space<semaphore_mem>>)
    } else {
    }
    %ne3A = arith.constant 15 : i32
    %ne3A_244 = arith.cmpi ne, %arg1, %ne3A : i32
    %convert_element_type3A_245 = arith.extui %ne3A_244 : i1 to i32
    %cond3A_246 = arith.constant 2 : i32
    %cond3A_247 = arith.constant 0 : i32
    %cond3A_248 = arith.cmpi ne, %convert_element_type3A_245, %cond3A_247 : i32
    scf.if %cond3A_248 {
      %dma_start3A_634 = arith.constant 0 : i32
      %dma_start3A_635 = arith.constant 0 : i32
      %dma_start3A_636 = tpu.memref_slice %arg10[%cond3A_246, %dma_start3A_634, %dma_start3A_635] : memref<3x80x128xf32, #tpu.memory_space<vmem>> -> memref<1x80x128xf32, #tpu.memory_space<vmem>>
      %dma_start3A_637 = tpu.memref_squeeze %dma_start3A_636 : memref<1x80x128xf32, #tpu.memory_space<vmem>> -> memref<80x128xf32, #tpu.memory_space<vmem>>
      %dma_start3A_638 = arith.constant 0 : i32
      %dma_start3A_639 = arith.constant 0 : i32
      %dma_start3A_640 = tpu.memref_slice %dma_start3A_637[%dma_start3A_638, %dma_start3A_639] : memref<80x128xf32, #tpu.memory_space<vmem>> -> memref<64x128xf32, #tpu.memory_space<vmem>>
      %dma_start3A_641 = arith.constant 0 : i32
      %dma_start3A_642 = tpu.memref_slice %arg11[%add3A_4, %dma_start3A_641] : memref<10000x128xf32, #tpu.memory_space<vmem_shared>> -> memref<64x128xf32, #tpu.memory_space<vmem_shared>>
      %dma_start3A_643 = arith.constant 0 : i32
      %dma_start3A_644 = tpu.memref_slice %arg11[%add3A_4, %dma_start3A_643] : memref<10000x128xf32, #tpu.memory_space<vmem_shared>> -> memref<64x128xf32, #tpu.memory_space<vmem_shared>>
      %dma_start3A_645 = arith.constant 0 : i32
      %dma_start3A_646 = arith.constant 0 : i32
      %dma_start3A_647 = tpu.memref_slice %arg10[%cond3A_246, %dma_start3A_645, %dma_start3A_646] : memref<3x80x128xf32, #tpu.memory_space<vmem>> -> memref<1x80x128xf32, #tpu.memory_space<vmem>>
      %dma_start3A_648 = tpu.memref_squeeze %dma_start3A_647 : memref<1x80x128xf32, #tpu.memory_space<vmem>> -> memref<80x128xf32, #tpu.memory_space<vmem>>
      %dma_start3A_649 = arith.constant 0 : i32
      %dma_start3A_650 = arith.constant 0 : i32
      %dma_start3A_651 = tpu.memref_slice %dma_start3A_648[%dma_start3A_649, %dma_start3A_650] : memref<80x128xf32, #tpu.memory_space<vmem>> -> memref<64x128xf32, #tpu.memory_space<vmem>>
      tpu.enqueue_dma source(%dma_start3A_651 : memref<64x128xf32, #tpu.memory_space<vmem>>) target(%dma_start3A_644 : memref<64x128xf32, #tpu.memory_space<vmem_shared>>) target_semaphore(%arg15 : memref<!tpu.dma_semaphore, #tpu.memory_space<semaphore_mem>>)
    } else {
    }
    %dma_wait3A = arith.constant 0 : i32
    %dma_wait3A_249 = arith.constant 0 : i32
    %dma_wait3A_250 = arith.constant 0 : i32
    %dma_wait3A_251 = arith.constant 0 : i32
    %dma_wait3A_252 = arith.constant 0 : i32
    %dma_wait3A_253 = tpu.memref_slice %arg7[%dma_wait3A_249, %dma_wait3A_251, %dma_wait3A_252] : memref<3x5x80xi32, #tpu.memory_space<vmem>> -> memref<1x5x80xi32, #tpu.memory_space<vmem>>
    %dma_wait3A_254 = tpu.memref_squeeze %dma_wait3A_253 : memref<1x5x80xi32, #tpu.memory_space<vmem>> -> memref<5x80xi32, #tpu.memory_space<vmem>>
    %dma_wait3A_255 = arith.constant 0 : i32
    %dma_wait3A_256 = arith.constant 0 : i32
    %dma_wait3A_257 = tpu.memref_slice %arg2[%add3A, %dma_wait3A, %dma_wait3A_255, %dma_wait3A_256] : memref<32x25x5x80xi32, #tpu.memory_space<hbm>> -> memref<1x1x5x80xi32, #tpu.memory_space<hbm>>
    %dma_wait3A_258 = tpu.memref_squeeze %dma_wait3A_257 : memref<1x1x5x80xi32, #tpu.memory_space<hbm>> -> memref<5x80xi32, #tpu.memory_space<hbm>>
    %dma_wait3A_259 = tpu.memref_slice %arg12[%dma_wait3A_250] : memref<3x!tpu.dma_semaphore, #tpu.memory_space<semaphore_mem>> -> memref<1x!tpu.dma_semaphore, #tpu.memory_space<semaphore_mem>>
    %dma_wait3A_260 = tpu.memref_squeeze %dma_wait3A_259 : memref<1x!tpu.dma_semaphore, #tpu.memory_space<semaphore_mem>> -> memref<!tpu.dma_semaphore, #tpu.memory_space<semaphore_mem>>
    %dma_wait3A_261 = arith.constant 0 : i32
    %dma_wait3A_262 = arith.constant 0 : i32
    %dma_wait3A_263 = tpu.memref_slice %arg7[%dma_wait3A_249, %dma_wait3A_261, %dma_wait3A_262] : memref<3x5x80xi32, #tpu.memory_space<vmem>> -> memref<1x5x80xi32, #tpu.memory_space<vmem>>
    %dma_wait3A_264 = tpu.memref_squeeze %dma_wait3A_263 : memref<1x5x80xi32, #tpu.memory_space<vmem>> -> memref<5x80xi32, #tpu.memory_space<vmem>>
    %dma_wait3A_265 = arith.constant 0 : i32
    %dma_wait3A_266 = arith.constant 0 : i32
    %dma_wait3A_267 = tpu.memref_slice %arg2[%add3A, %dma_wait3A, %dma_wait3A_265, %dma_wait3A_266] : memref<32x25x5x80xi32, #tpu.memory_space<hbm>> -> memref<1x1x5x80xi32, #tpu.memory_space<hbm>>
    %dma_wait3A_268 = tpu.memref_squeeze %dma_wait3A_267 : memref<1x1x5x80xi32, #tpu.memory_space<hbm>> -> memref<5x80xi32, #tpu.memory_space<hbm>>
    tpu.wait_dma2 semaphore(%dma_wait3A_260 : memref<!tpu.dma_semaphore, #tpu.memory_space<semaphore_mem>>) src(%dma_wait3A_268 : memref<5x80xi32, #tpu.memory_space<hbm>>) dst(%dma_wait3A_264 : memref<5x80xi32, #tpu.memory_space<vmem>>)
    %dma_wait3A_269 = arith.constant 0 : i32
    %dma_wait3A_270 = arith.constant 0 : i32
    %dma_wait3A_271 = arith.constant 0 : i32
    %dma_wait3A_272 = arith.constant 0 : i32
    %dma_wait3A_273 = arith.constant 0 : i32
    %dma_wait3A_274 = tpu.memref_slice %arg8[%dma_wait3A_270, %dma_wait3A_272, %dma_wait3A_273] : memref<3x5x80xi32, #tpu.memory_space<vmem>> -> memref<1x5x80xi32, #tpu.memory_space<vmem>>
    %dma_wait3A_275 = tpu.memref_squeeze %dma_wait3A_274 : memref<1x5x80xi32, #tpu.memory_space<vmem>> -> memref<5x80xi32, #tpu.memory_space<vmem>>
    %dma_wait3A_276 = arith.constant 0 : i32
    %dma_wait3A_277 = arith.constant 0 : i32
    %dma_wait3A_278 = tpu.memref_slice %arg3[%add3A, %dma_wait3A_269, %dma_wait3A_276, %dma_wait3A_277] : memref<32x25x5x80xi32, #tpu.memory_space<hbm>> -> memref<1x1x5x80xi32, #tpu.memory_space<hbm>>
    %dma_wait3A_279 = tpu.memref_squeeze %dma_wait3A_278 : memref<1x1x5x80xi32, #tpu.memory_space<hbm>> -> memref<5x80xi32, #tpu.memory_space<hbm>>
    %dma_wait3A_280 = tpu.memref_slice %arg12[%dma_wait3A_271] : memref<3x!tpu.dma_semaphore, #tpu.memory_space<semaphore_mem>> -> memref<1x!tpu.dma_semaphore, #tpu.memory_space<semaphore_mem>>
    %dma_wait3A_281 = tpu.memref_squeeze %dma_wait3A_280 : memref<1x!tpu.dma_semaphore, #tpu.memory_space<semaphore_mem>> -> memref<!tpu.dma_semaphore, #tpu.memory_space<semaphore_mem>>
    %dma_wait3A_282 = arith.constant 0 : i32
    %dma_wait3A_283 = arith.constant 0 : i32
    %dma_wait3A_284 = tpu.memref_slice %arg8[%dma_wait3A_270, %dma_wait3A_282, %dma_wait3A_283] : memref<3x5x80xi32, #tpu.memory_space<vmem>> -> memref<1x5x80xi32, #tpu.memory_space<vmem>>
    %dma_wait3A_285 = tpu.memref_squeeze %dma_wait3A_284 : memref<1x5x80xi32, #tpu.memory_space<vmem>> -> memref<5x80xi32, #tpu.memory_space<vmem>>
    %dma_wait3A_286 = arith.constant 0 : i32
    %dma_wait3A_287 = arith.constant 0 : i32
    %dma_wait3A_288 = tpu.memref_slice %arg3[%add3A, %dma_wait3A_269, %dma_wait3A_286, %dma_wait3A_287] : memref<32x25x5x80xi32, #tpu.memory_space<hbm>> -> memref<1x1x5x80xi32, #tpu.memory_space<hbm>>
    %dma_wait3A_289 = tpu.memref_squeeze %dma_wait3A_288 : memref<1x1x5x80xi32, #tpu.memory_space<hbm>> -> memref<5x80xi32, #tpu.memory_space<hbm>>
    tpu.wait_dma2 semaphore(%dma_wait3A_281 : memref<!tpu.dma_semaphore, #tpu.memory_space<semaphore_mem>>) src(%dma_wait3A_289 : memref<5x80xi32, #tpu.memory_space<hbm>>) dst(%dma_wait3A_285 : memref<5x80xi32, #tpu.memory_space<vmem>>)
    %dma_wait3A_290 = arith.constant 0 : i32
    %dma_wait3A_291 = arith.constant 0 : i32
    %dma_wait3A_292 = arith.constant 0 : i32
    %dma_wait3A_293 = arith.constant 0 : i32
    %dma_wait3A_294 = arith.constant 0 : i32
    %dma_wait3A_295 = tpu.memref_slice %arg9[%dma_wait3A_291, %dma_wait3A_293, %dma_wait3A_294] : memref<3x5x80xf32, #tpu.memory_space<vmem>> -> memref<1x5x80xf32, #tpu.memory_space<vmem>>
    %dma_wait3A_296 = tpu.memref_squeeze %dma_wait3A_295 : memref<1x5x80xf32, #tpu.memory_space<vmem>> -> memref<5x80xf32, #tpu.memory_space<vmem>>
    %dma_wait3A_297 = arith.constant 0 : i32
    %dma_wait3A_298 = arith.constant 0 : i32
    %dma_wait3A_299 = tpu.memref_slice %arg4[%add3A, %dma_wait3A_290, %dma_wait3A_297, %dma_wait3A_298] : memref<32x25x5x80xf32, #tpu.memory_space<hbm>> -> memref<1x1x5x80xf32, #tpu.memory_space<hbm>>
    %dma_wait3A_300 = tpu.memref_squeeze %dma_wait3A_299 : memref<1x1x5x80xf32, #tpu.memory_space<hbm>> -> memref<5x80xf32, #tpu.memory_space<hbm>>
    %dma_wait3A_301 = tpu.memref_slice %arg12[%dma_wait3A_292] : memref<3x!tpu.dma_semaphore, #tpu.memory_space<semaphore_mem>> -> memref<1x!tpu.dma_semaphore, #tpu.memory_space<semaphore_mem>>
    %dma_wait3A_302 = tpu.memref_squeeze %dma_wait3A_301 : memref<1x!tpu.dma_semaphore, #tpu.memory_space<semaphore_mem>> -> memref<!tpu.dma_semaphore, #tpu.memory_space<semaphore_mem>>
    %dma_wait3A_303 = arith.constant 0 : i32
    %dma_wait3A_304 = arith.constant 0 : i32
    %dma_wait3A_305 = tpu.memref_slice %arg9[%dma_wait3A_291, %dma_wait3A_303, %dma_wait3A_304] : memref<3x5x80xf32, #tpu.memory_space<vmem>> -> memref<1x5x80xf32, #tpu.memory_space<vmem>>
    %dma_wait3A_306 = tpu.memref_squeeze %dma_wait3A_305 : memref<1x5x80xf32, #tpu.memory_space<vmem>> -> memref<5x80xf32, #tpu.memory_space<vmem>>
    %dma_wait3A_307 = arith.constant 0 : i32
    %dma_wait3A_308 = arith.constant 0 : i32
    %dma_wait3A_309 = tpu.memref_slice %arg4[%add3A, %dma_wait3A_290, %dma_wait3A_307, %dma_wait3A_308] : memref<32x25x5x80xf32, #tpu.memory_space<hbm>> -> memref<1x1x5x80xf32, #tpu.memory_space<hbm>>
    %dma_wait3A_310 = tpu.memref_squeeze %dma_wait3A_309 : memref<1x1x5x80xf32, #tpu.memory_space<hbm>> -> memref<5x80xf32, #tpu.memory_space<hbm>>
    tpu.wait_dma2 semaphore(%dma_wait3A_302 : memref<!tpu.dma_semaphore, #tpu.memory_space<semaphore_mem>>) src(%dma_wait3A_310 : memref<5x80xf32, #tpu.memory_space<hbm>>) dst(%dma_wait3A_306 : memref<5x80xf32, #tpu.memory_space<vmem>>)
    %dma_start3A_311 = arith.constant 0 : i32
    %dma_start3A_312 = arith.constant 0 : i32
    %dma_start3A_313 = arith.constant 0 : i32
    %dma_start3A_314 = arith.constant 0 : i32
    %dma_start3A_315 = arith.constant 0 : i32
    %dma_start3A_316 = arith.constant 0 : i32
    %dma_start3A_317 = tpu.memref_slice %arg10[%dma_start3A_313, %dma_start3A_315, %dma_start3A_316] : memref<3x80x128xf32, #tpu.memory_space<vmem>> -> memref<1x80x128xf32, #tpu.memory_space<vmem>>
    %dma_start3A_318 = tpu.memref_squeeze %dma_start3A_317 : memref<1x80x128xf32, #tpu.memory_space<vmem>> -> memref<80x128xf32, #tpu.memory_space<vmem>>
    %dma_start3A_319 = arith.constant 0 : i32
    %dma_start3A_320 = tpu.memref_slice %arg7[%dma_start3A_311, %dma_start3A_312, %dma_start3A_319] : memref<3x5x80xi32, #tpu.memory_space<vmem>> -> memref<1x1x80xi32, #tpu.memory_space<vmem>>
    %dma_start3A_321 = tpu.memref_squeeze %dma_start3A_320 : memref<1x1x80xi32, #tpu.memory_space<vmem>> -> memref<80xi32, #tpu.memory_space<vmem>>
    %dma_start3A_322 = arith.constant 0 : i32
    %dma_start3A_323 = arith.constant 0 : i32
    %dma_start3A_324 = tpu.memref_slice %arg5[%dma_start3A_322, %dma_start3A_323] : memref<10000x128xf32, #tpu.memory_space<hbm>> -> memref<10000x128xf32, #tpu.memory_space<hbm>>
    %dma_start3A_325 = tpu.memref_slice %arg13[%dma_start3A_314] : memref<3x!tpu.dma_semaphore, #tpu.memory_space<semaphore_mem>> -> memref<1x!tpu.dma_semaphore, #tpu.memory_space<semaphore_mem>>
    %dma_start3A_326 = tpu.memref_squeeze %dma_start3A_325 : memref<1x!tpu.dma_semaphore, #tpu.memory_space<semaphore_mem>> -> memref<!tpu.dma_semaphore, #tpu.memory_space<semaphore_mem>>
    tpu.enqueue_indirect_dma source(%dma_start3A_324 : memref<10000x128xf32, #tpu.memory_space<hbm>>) target(%dma_start3A_318 : memref<80x128xf32, #tpu.memory_space<vmem>>) offsets(%dma_start3A_321 : memref<80xi32, #tpu.memory_space<vmem>>) semaphore(%dma_start3A_326 : memref<!tpu.dma_semaphore, #tpu.memory_space<semaphore_mem>>)
    %dma_start3A_327 = arith.constant 0 : i32
    %dma_start3A_328 = arith.constant 1 : i32
    %dma_start3A_329 = arith.constant 1 : i32
    %dma_start3A_330 = arith.constant 1 : i32
    %dma_start3A_331 = arith.constant 0 : i32
    %dma_start3A_332 = arith.constant 0 : i32
    %dma_start3A_333 = tpu.memref_slice %arg10[%dma_start3A_329, %dma_start3A_331, %dma_start3A_332] : memref<3x80x128xf32, #tpu.memory_space<vmem>> -> memref<1x80x128xf32, #tpu.memory_space<vmem>>
    %dma_start3A_334 = tpu.memref_squeeze %dma_start3A_333 : memref<1x80x128xf32, #tpu.memory_space<vmem>> -> memref<80x128xf32, #tpu.memory_space<vmem>>
    %dma_start3A_335 = arith.constant 0 : i32
    %dma_start3A_336 = tpu.memref_slice %arg7[%dma_start3A_327, %dma_start3A_328, %dma_start3A_335] : memref<3x5x80xi32, #tpu.memory_space<vmem>> -> memref<1x1x80xi32, #tpu.memory_space<vmem>>
    %dma_start3A_337 = tpu.memref_squeeze %dma_start3A_336 : memref<1x1x80xi32, #tpu.memory_space<vmem>> -> memref<80xi32, #tpu.memory_space<vmem>>
    %dma_start3A_338 = arith.constant 0 : i32
    %dma_start3A_339 = arith.constant 0 : i32
    %dma_start3A_340 = tpu.memref_slice %arg5[%dma_start3A_338, %dma_start3A_339] : memref<10000x128xf32, #tpu.memory_space<hbm>> -> memref<10000x128xf32, #tpu.memory_space<hbm>>
    %dma_start3A_341 = tpu.memref_slice %arg13[%dma_start3A_330] : memref<3x!tpu.dma_semaphore, #tpu.memory_space<semaphore_mem>> -> memref<1x!tpu.dma_semaphore, #tpu.memory_space<semaphore_mem>>
    %dma_start3A_342 = tpu.memref_squeeze %dma_start3A_341 : memref<1x!tpu.dma_semaphore, #tpu.memory_space<semaphore_mem>> -> memref<!tpu.dma_semaphore, #tpu.memory_space<semaphore_mem>>
    tpu.enqueue_indirect_dma source(%dma_start3A_340 : memref<10000x128xf32, #tpu.memory_space<hbm>>) target(%dma_start3A_334 : memref<80x128xf32, #tpu.memory_space<vmem>>) offsets(%dma_start3A_337 : memref<80xi32, #tpu.memory_space<vmem>>) semaphore(%dma_start3A_342 : memref<!tpu.dma_semaphore, #tpu.memory_space<semaphore_mem>>)
    %add3A_343 = arith.constant 0 : i32
    %add3A_344 = arith.addi %mul3A_2, %add3A_343 : i32
    %dma_wait3A_345 = arith.constant 2 : i32
    %dma_wait3A_346 = arith.constant 0 : i32
    %dma_wait3A_347 = arith.constant 0 : i32
    %dma_wait3A_348 = tpu.memref_slice %arg10[%dma_wait3A_345, %dma_wait3A_346, %dma_wait3A_347] : memref<3x80x128xf32, #tpu.memory_space<vmem>> -> memref<1x80x128xf32, #tpu.memory_space<vmem>>
    %dma_wait3A_349 = tpu.memref_squeeze %dma_wait3A_348 : memref<1x80x128xf32, #tpu.memory_space<vmem>> -> memref<80x128xf32, #tpu.memory_space<vmem>>
    %dma_wait3A_350 = arith.constant 0 : i32
    %dma_wait3A_351 = tpu.memref_slice %arg11[%add3A_344, %dma_wait3A_350] : memref<10000x128xf32, #tpu.memory_space<vmem_shared>> -> memref<80x128xf32, #tpu.memory_space<vmem_shared>>
    %dma_wait3A_352 = arith.constant 0 : i32
    %dma_wait3A_353 = tpu.memref_slice %arg11[%add3A_344, %dma_wait3A_352] : memref<10000x128xf32, #tpu.memory_space<vmem_shared>> -> memref<80x128xf32, #tpu.memory_space<vmem_shared>>
    %dma_wait3A_354 = arith.constant 0 : i32
    %dma_wait3A_355 = arith.constant 0 : i32
    %dma_wait3A_356 = tpu.memref_slice %arg10[%dma_wait3A_345, %dma_wait3A_354, %dma_wait3A_355] : memref<3x80x128xf32, #tpu.memory_space<vmem>> -> memref<1x80x128xf32, #tpu.memory_space<vmem>>
    %dma_wait3A_357 = tpu.memref_squeeze %dma_wait3A_356 : memref<1x80x128xf32, #tpu.memory_space<vmem>> -> memref<80x128xf32, #tpu.memory_space<vmem>>
    tpu.wait_dma2 semaphore(%arg15 : memref<!tpu.dma_semaphore, #tpu.memory_space<semaphore_mem>>) src(%dma_wait3A_357 : memref<80x128xf32, #tpu.memory_space<vmem>>) dst(%dma_wait3A_353 : memref<80x128xf32, #tpu.memory_space<vmem_shared>>)
    %add3A_358 = arith.constant 80 : i32
    %add3A_359 = arith.addi %mul3A_2, %add3A_358 : i32
    %dma_wait3A_360 = arith.constant 2 : i32
    %dma_wait3A_361 = arith.constant 0 : i32
    %dma_wait3A_362 = arith.constant 0 : i32
    %dma_wait3A_363 = tpu.memref_slice %arg10[%dma_wait3A_360, %dma_wait3A_361, %dma_wait3A_362] : memref<3x80x128xf32, #tpu.memory_space<vmem>> -> memref<1x80x128xf32, #tpu.memory_space<vmem>>
    %dma_wait3A_364 = tpu.memref_squeeze %dma_wait3A_363 : memref<1x80x128xf32, #tpu.memory_space<vmem>> -> memref<80x128xf32, #tpu.memory_space<vmem>>
    %dma_wait3A_365 = arith.constant 0 : i32
    %dma_wait3A_366 = tpu.memref_slice %arg11[%add3A_359, %dma_wait3A_365] : memref<10000x128xf32, #tpu.memory_space<vmem_shared>> -> memref<80x128xf32, #tpu.memory_space<vmem_shared>>
    %dma_wait3A_367 = arith.constant 0 : i32
    %dma_wait3A_368 = tpu.memref_slice %arg11[%add3A_359, %dma_wait3A_367] : memref<10000x128xf32, #tpu.memory_space<vmem_shared>> -> memref<80x128xf32, #tpu.memory_space<vmem_shared>>
    %dma_wait3A_369 = arith.constant 0 : i32
    %dma_wait3A_370 = arith.constant 0 : i32
    %dma_wait3A_371 = tpu.memref_slice %arg10[%dma_wait3A_360, %dma_wait3A_369, %dma_wait3A_370] : memref<3x80x128xf32, #tpu.memory_space<vmem>> -> memref<1x80x128xf32, #tpu.memory_space<vmem>>
    %dma_wait3A_372 = tpu.memref_squeeze %dma_wait3A_371 : memref<1x80x128xf32, #tpu.memory_space<vmem>> -> memref<80x128xf32, #tpu.memory_space<vmem>>
    tpu.wait_dma2 semaphore(%arg15 : memref<!tpu.dma_semaphore, #tpu.memory_space<semaphore_mem>>) src(%dma_wait3A_372 : memref<80x128xf32, #tpu.memory_space<vmem>>) dst(%dma_wait3A_368 : memref<80x128xf32, #tpu.memory_space<vmem_shared>>)
    %add3A_373 = arith.constant 160 : i32
    %add3A_374 = arith.addi %mul3A_2, %add3A_373 : i32
    %dma_wait3A_375 = arith.constant 2 : i32
    %dma_wait3A_376 = arith.constant 0 : i32
    %dma_wait3A_377 = arith.constant 0 : i32
    %dma_wait3A_378 = tpu.memref_slice %arg10[%dma_wait3A_375, %dma_wait3A_376, %dma_wait3A_377] : memref<3x80x128xf32, #tpu.memory_space<vmem>> -> memref<1x80x128xf32, #tpu.memory_space<vmem>>
    %dma_wait3A_379 = tpu.memref_squeeze %dma_wait3A_378 : memref<1x80x128xf32, #tpu.memory_space<vmem>> -> memref<80x128xf32, #tpu.memory_space<vmem>>
    %dma_wait3A_380 = arith.constant 0 : i32
    %dma_wait3A_381 = tpu.memref_slice %arg11[%add3A_374, %dma_wait3A_380] : memref<10000x128xf32, #tpu.memory_space<vmem_shared>> -> memref<80x128xf32, #tpu.memory_space<vmem_shared>>
    %dma_wait3A_382 = arith.constant 0 : i32
    %dma_wait3A_383 = tpu.memref_slice %arg11[%add3A_374, %dma_wait3A_382] : memref<10000x128xf32, #tpu.memory_space<vmem_shared>> -> memref<80x128xf32, #tpu.memory_space<vmem_shared>>
    %dma_wait3A_384 = arith.constant 0 : i32
    %dma_wait3A_385 = arith.constant 0 : i32
    %dma_wait3A_386 = tpu.memref_slice %arg10[%dma_wait3A_375, %dma_wait3A_384, %dma_wait3A_385] : memref<3x80x128xf32, #tpu.memory_space<vmem>> -> memref<1x80x128xf32, #tpu.memory_space<vmem>>
    %dma_wait3A_387 = tpu.memref_squeeze %dma_wait3A_386 : memref<1x80x128xf32, #tpu.memory_space<vmem>> -> memref<80x128xf32, #tpu.memory_space<vmem>>
    tpu.wait_dma2 semaphore(%arg15 : memref<!tpu.dma_semaphore, #tpu.memory_space<semaphore_mem>>) src(%dma_wait3A_387 : memref<80x128xf32, #tpu.memory_space<vmem>>) dst(%dma_wait3A_383 : memref<80x128xf32, #tpu.memory_space<vmem_shared>>)
    %add3A_388 = arith.constant 240 : i32
    %add3A_389 = arith.addi %mul3A_2, %add3A_388 : i32
    %dma_wait3A_390 = arith.constant 2 : i32
    %dma_wait3A_391 = arith.constant 0 : i32
    %dma_wait3A_392 = arith.constant 0 : i32
    %dma_wait3A_393 = tpu.memref_slice %arg10[%dma_wait3A_390, %dma_wait3A_391, %dma_wait3A_392] : memref<3x80x128xf32, #tpu.memory_space<vmem>> -> memref<1x80x128xf32, #tpu.memory_space<vmem>>
    %dma_wait3A_394 = tpu.memref_squeeze %dma_wait3A_393 : memref<1x80x128xf32, #tpu.memory_space<vmem>> -> memref<80x128xf32, #tpu.memory_space<vmem>>
    %dma_wait3A_395 = arith.constant 0 : i32
    %dma_wait3A_396 = tpu.memref_slice %arg11[%add3A_389, %dma_wait3A_395] : memref<10000x128xf32, #tpu.memory_space<vmem_shared>> -> memref<80x128xf32, #tpu.memory_space<vmem_shared>>
    %dma_wait3A_397 = arith.constant 0 : i32
    %dma_wait3A_398 = tpu.memref_slice %arg11[%add3A_389, %dma_wait3A_397] : memref<10000x128xf32, #tpu.memory_space<vmem_shared>> -> memref<80x128xf32, #tpu.memory_space<vmem_shared>>
    %dma_wait3A_399 = arith.constant 0 : i32
    %dma_wait3A_400 = arith.constant 0 : i32
    %dma_wait3A_401 = tpu.memref_slice %arg10[%dma_wait3A_390, %dma_wait3A_399, %dma_wait3A_400] : memref<3x80x128xf32, #tpu.memory_space<vmem>> -> memref<1x80x128xf32, #tpu.memory_space<vmem>>
    %dma_wait3A_402 = tpu.memref_squeeze %dma_wait3A_401 : memref<1x80x128xf32, #tpu.memory_space<vmem>> -> memref<80x128xf32, #tpu.memory_space<vmem>>
    tpu.wait_dma2 semaphore(%arg15 : memref<!tpu.dma_semaphore, #tpu.memory_space<semaphore_mem>>) src(%dma_wait3A_402 : memref<80x128xf32, #tpu.memory_space<vmem>>) dst(%dma_wait3A_398 : memref<80x128xf32, #tpu.memory_space<vmem_shared>>)
    %add3A_403 = arith.constant 320 : i32
    %add3A_404 = arith.addi %mul3A_2, %add3A_403 : i32
    %dma_wait3A_405 = arith.constant 2 : i32
    %dma_wait3A_406 = arith.constant 0 : i32
    %dma_wait3A_407 = arith.constant 0 : i32
    %dma_wait3A_408 = tpu.memref_slice %arg10[%dma_wait3A_405, %dma_wait3A_406, %dma_wait3A_407] : memref<3x80x128xf32, #tpu.memory_space<vmem>> -> memref<1x80x128xf32, #tpu.memory_space<vmem>>
    %dma_wait3A_409 = tpu.memref_squeeze %dma_wait3A_408 : memref<1x80x128xf32, #tpu.memory_space<vmem>> -> memref<80x128xf32, #tpu.memory_space<vmem>>
    %dma_wait3A_410 = arith.constant 0 : i32
    %dma_wait3A_411 = tpu.memref_slice %arg11[%add3A_404, %dma_wait3A_410] : memref<10000x128xf32, #tpu.memory_space<vmem_shared>> -> memref<80x128xf32, #tpu.memory_space<vmem_shared>>
    %dma_wait3A_412 = arith.constant 0 : i32
    %dma_wait3A_413 = tpu.memref_slice %arg11[%add3A_404, %dma_wait3A_412] : memref<10000x128xf32, #tpu.memory_space<vmem_shared>> -> memref<80x128xf32, #tpu.memory_space<vmem_shared>>
    %dma_wait3A_414 = arith.constant 0 : i32
    %dma_wait3A_415 = arith.constant 0 : i32
    %dma_wait3A_416 = tpu.memref_slice %arg10[%dma_wait3A_405, %dma_wait3A_414, %dma_wait3A_415] : memref<3x80x128xf32, #tpu.memory_space<vmem>> -> memref<1x80x128xf32, #tpu.memory_space<vmem>>
    %dma_wait3A_417 = tpu.memref_squeeze %dma_wait3A_416 : memref<1x80x128xf32, #tpu.memory_space<vmem>> -> memref<80x128xf32, #tpu.memory_space<vmem>>
    tpu.wait_dma2 semaphore(%arg15 : memref<!tpu.dma_semaphore, #tpu.memory_space<semaphore_mem>>) src(%dma_wait3A_417 : memref<80x128xf32, #tpu.memory_space<vmem>>) dst(%dma_wait3A_413 : memref<80x128xf32, #tpu.memory_space<vmem_shared>>)
    %add3A_418 = arith.constant 400 : i32
    %add3A_419 = arith.addi %mul3A_2, %add3A_418 : i32
    %dma_wait3A_420 = arith.constant 2 : i32
    %dma_wait3A_421 = arith.constant 0 : i32
    %dma_wait3A_422 = arith.constant 0 : i32
    %dma_wait3A_423 = tpu.memref_slice %arg10[%dma_wait3A_420, %dma_wait3A_421, %dma_wait3A_422] : memref<3x80x128xf32, #tpu.memory_space<vmem>> -> memref<1x80x128xf32, #tpu.memory_space<vmem>>
    %dma_wait3A_424 = tpu.memref_squeeze %dma_wait3A_423 : memref<1x80x128xf32, #tpu.memory_space<vmem>> -> memref<80x128xf32, #tpu.memory_space<vmem>>
    %dma_wait3A_425 = arith.constant 0 : i32
    %dma_wait3A_426 = tpu.memref_slice %arg11[%add3A_419, %dma_wait3A_425] : memref<10000x128xf32, #tpu.memory_space<vmem_shared>> -> memref<80x128xf32, #tpu.memory_space<vmem_shared>>
    %dma_wait3A_427 = arith.constant 0 : i32
    %dma_wait3A_428 = tpu.memref_slice %arg11[%add3A_419, %dma_wait3A_427] : memref<10000x128xf32, #tpu.memory_space<vmem_shared>> -> memref<80x128xf32, #tpu.memory_space<vmem_shared>>
    %dma_wait3A_429 = arith.constant 0 : i32
    %dma_wait3A_430 = arith.constant 0 : i32
    %dma_wait3A_431 = tpu.memref_slice %arg10[%dma_wait3A_420, %dma_wait3A_429, %dma_wait3A_430] : memref<3x80x128xf32, #tpu.memory_space<vmem>> -> memref<1x80x128xf32, #tpu.memory_space<vmem>>
    %dma_wait3A_432 = tpu.memref_squeeze %dma_wait3A_431 : memref<1x80x128xf32, #tpu.memory_space<vmem>> -> memref<80x128xf32, #tpu.memory_space<vmem>>
    tpu.wait_dma2 semaphore(%arg15 : memref<!tpu.dma_semaphore, #tpu.memory_space<semaphore_mem>>) src(%dma_wait3A_432 : memref<80x128xf32, #tpu.memory_space<vmem>>) dst(%dma_wait3A_428 : memref<80x128xf32, #tpu.memory_space<vmem_shared>>)
    %add3A_433 = arith.constant 480 : i32
    %add3A_434 = arith.addi %mul3A_2, %add3A_433 : i32
    %dma_wait3A_435 = arith.constant 2 : i32
    %dma_wait3A_436 = arith.constant 0 : i32
    %dma_wait3A_437 = arith.constant 0 : i32
    %dma_wait3A_438 = tpu.memref_slice %arg10[%dma_wait3A_435, %dma_wait3A_436, %dma_wait3A_437] : memref<3x80x128xf32, #tpu.memory_space<vmem>> -> memref<1x80x128xf32, #tpu.memory_space<vmem>>
    %dma_wait3A_439 = tpu.memref_squeeze %dma_wait3A_438 : memref<1x80x128xf32, #tpu.memory_space<vmem>> -> memref<80x128xf32, #tpu.memory_space<vmem>>
    %dma_wait3A_440 = arith.constant 0 : i32
    %dma_wait3A_441 = tpu.memref_slice %arg11[%add3A_434, %dma_wait3A_440] : memref<10000x128xf32, #tpu.memory_space<vmem_shared>> -> memref<80x128xf32, #tpu.memory_space<vmem_shared>>
    %dma_wait3A_442 = arith.constant 0 : i32
    %dma_wait3A_443 = tpu.memref_slice %arg11[%add3A_434, %dma_wait3A_442] : memref<10000x128xf32, #tpu.memory_space<vmem_shared>> -> memref<80x128xf32, #tpu.memory_space<vmem_shared>>
    %dma_wait3A_444 = arith.constant 0 : i32
    %dma_wait3A_445 = arith.constant 0 : i32
    %dma_wait3A_446 = tpu.memref_slice %arg10[%dma_wait3A_435, %dma_wait3A_444, %dma_wait3A_445] : memref<3x80x128xf32, #tpu.memory_space<vmem>> -> memref<1x80x128xf32, #tpu.memory_space<vmem>>
    %dma_wait3A_447 = tpu.memref_squeeze %dma_wait3A_446 : memref<1x80x128xf32, #tpu.memory_space<vmem>> -> memref<80x128xf32, #tpu.memory_space<vmem>>
    tpu.wait_dma2 semaphore(%arg15 : memref<!tpu.dma_semaphore, #tpu.memory_space<semaphore_mem>>) src(%dma_wait3A_447 : memref<80x128xf32, #tpu.memory_space<vmem>>) dst(%dma_wait3A_443 : memref<80x128xf32, #tpu.memory_space<vmem_shared>>)
    %eq3A_448 = arith.constant 15 : i32
    %eq3A_449 = arith.cmpi eq, %arg1, %eq3A_448 : i32
    %convert_element_type3A_450 = arith.extui %eq3A_449 : i1 to i32
    %cond3A_451 = arith.constant 2 : i32
    %cond3A_452 = arith.constant 0 : i32
    %cond3A_453 = arith.cmpi ne, %convert_element_type3A_450, %cond3A_452 : i32
    scf.if %cond3A_453 {
      %dma_wait3A_634 = arith.constant 0 : i32
      %dma_wait3A_635 = arith.constant 0 : i32
      %dma_wait3A_636 = tpu.memref_slice %arg10[%cond3A_451, %dma_wait3A_634, %dma_wait3A_635] : memref<3x80x128xf32, #tpu.memory_space<vmem>> -> memref<1x80x128xf32, #tpu.memory_space<vmem>>
      %dma_wait3A_637 = tpu.memref_squeeze %dma_wait3A_636 : memref<1x80x128xf32, #tpu.memory_space<vmem>> -> memref<80x128xf32, #tpu.memory_space<vmem>>
      %dma_wait3A_638 = arith.constant 0 : i32
      %dma_wait3A_639 = arith.constant 0 : i32
      %dma_wait3A_640 = tpu.memref_slice %dma_wait3A_637[%dma_wait3A_638, %dma_wait3A_639] : memref<80x128xf32, #tpu.memory_space<vmem>> -> memref<80x128xf32, #tpu.memory_space<vmem>>
      %dma_wait3A_641 = arith.constant 0 : i32
      %dma_wait3A_642 = tpu.memref_slice %arg11[%add3A_4, %dma_wait3A_641] : memref<10000x128xf32, #tpu.memory_space<vmem_shared>> -> memref<80x128xf32, #tpu.memory_space<vmem_shared>>
      %dma_wait3A_643 = arith.constant 0 : i32
      %dma_wait3A_644 = tpu.memref_slice %arg11[%add3A_4, %dma_wait3A_643] : memref<10000x128xf32, #tpu.memory_space<vmem_shared>> -> memref<80x128xf32, #tpu.memory_space<vmem_shared>>
      %dma_wait3A_645 = arith.constant 0 : i32
      %dma_wait3A_646 = arith.constant 0 : i32
      %dma_wait3A_647 = tpu.memref_slice %arg10[%cond3A_451, %dma_wait3A_645, %dma_wait3A_646] : memref<3x80x128xf32, #tpu.memory_space<vmem>> -> memref<1x80x128xf32, #tpu.memory_space<vmem>>
      %dma_wait3A_648 = tpu.memref_squeeze %dma_wait3A_647 : memref<1x80x128xf32, #tpu.memory_space<vmem>> -> memref<80x128xf32, #tpu.memory_space<vmem>>
      %dma_wait3A_649 = arith.constant 0 : i32
      %dma_wait3A_650 = arith.constant 0 : i32
      %dma_wait3A_651 = tpu.memref_slice %dma_wait3A_648[%dma_wait3A_649, %dma_wait3A_650] : memref<80x128xf32, #tpu.memory_space<vmem>> -> memref<80x128xf32, #tpu.memory_space<vmem>>
      tpu.wait_dma2 semaphore(%arg15 : memref<!tpu.dma_semaphore, #tpu.memory_space<semaphore_mem>>) src(%dma_wait3A_651 : memref<80x128xf32, #tpu.memory_space<vmem>>) dst(%dma_wait3A_644 : memref<80x128xf32, #tpu.memory_space<vmem_shared>>)
    } else {
    }
    %ne3A_454 = arith.constant 15 : i32
    %ne3A_455 = arith.cmpi ne, %arg1, %ne3A_454 : i32
    %convert_element_type3A_456 = arith.extui %ne3A_455 : i1 to i32
    %cond3A_457 = arith.constant 2 : i32
    %cond3A_458 = arith.constant 0 : i32
    %cond3A_459 = arith.cmpi ne, %convert_element_type3A_456, %cond3A_458 : i32
    scf.if %cond3A_459 {
      %dma_wait3A_634 = arith.constant 0 : i32
      %dma_wait3A_635 = arith.constant 0 : i32
      %dma_wait3A_636 = tpu.memref_slice %arg10[%cond3A_457, %dma_wait3A_634, %dma_wait3A_635] : memref<3x80x128xf32, #tpu.memory_space<vmem>> -> memref<1x80x128xf32, #tpu.memory_space<vmem>>
      %dma_wait3A_637 = tpu.memref_squeeze %dma_wait3A_636 : memref<1x80x128xf32, #tpu.memory_space<vmem>> -> memref<80x128xf32, #tpu.memory_space<vmem>>
      %dma_wait3A_638 = arith.constant 0 : i32
      %dma_wait3A_639 = arith.constant 0 : i32
      %dma_wait3A_640 = tpu.memref_slice %dma_wait3A_637[%dma_wait3A_638, %dma_wait3A_639] : memref<80x128xf32, #tpu.memory_space<vmem>> -> memref<64x128xf32, #tpu.memory_space<vmem>>
      %dma_wait3A_641 = arith.constant 0 : i32
      %dma_wait3A_642 = tpu.memref_slice %arg11[%add3A_4, %dma_wait3A_641] : memref<10000x128xf32, #tpu.memory_space<vmem_shared>> -> memref<64x128xf32, #tpu.memory_space<vmem_shared>>
      %dma_wait3A_643 = arith.constant 0 : i32
      %dma_wait3A_644 = tpu.memref_slice %arg11[%add3A_4, %dma_wait3A_643] : memref<10000x128xf32, #tpu.memory_space<vmem_shared>> -> memref<64x128xf32, #tpu.memory_space<vmem_shared>>
      %dma_wait3A_645 = arith.constant 0 : i32
      %dma_wait3A_646 = arith.constant 0 : i32
      %dma_wait3A_647 = tpu.memref_slice %arg10[%cond3A_457, %dma_wait3A_645, %dma_wait3A_646] : memref<3x80x128xf32, #tpu.memory_space<vmem>> -> memref<1x80x128xf32, #tpu.memory_space<vmem>>
      %dma_wait3A_648 = tpu.memref_squeeze %dma_wait3A_647 : memref<1x80x128xf32, #tpu.memory_space<vmem>> -> memref<80x128xf32, #tpu.memory_space<vmem>>
      %dma_wait3A_649 = arith.constant 0 : i32
      %dma_wait3A_650 = arith.constant 0 : i32
      %dma_wait3A_651 = tpu.memref_slice %dma_wait3A_648[%dma_wait3A_649, %dma_wait3A_650] : memref<80x128xf32, #tpu.memory_space<vmem>> -> memref<64x128xf32, #tpu.memory_space<vmem>>
      tpu.wait_dma2 semaphore(%arg15 : memref<!tpu.dma_semaphore, #tpu.memory_space<semaphore_mem>>) src(%dma_wait3A_651 : memref<64x128xf32, #tpu.memory_space<vmem>>) dst(%dma_wait3A_644 : memref<64x128xf32, #tpu.memory_space<vmem_shared>>)
    } else {
    }
    %barrier3A = arith.constant 0 : index
    tpu.barrier barrier_id(%barrier3A)
    %scan3A_460 = arith.constant 0 : i32
    %scan3A_461 = arith.constant 0 : i32
    %scan3A_462 = arith.constant 25 : i32
    %scan3A_463 = arith.addi %scan3A_461, %scan3A_462 : i32
    %scan3A_464 = arith.constant 1 : i32
    %scan3A_465 = scf.for %scan3A_634 = %scan3A_461 to %scan3A_463 step %scan3A_464 iter_args(%scan3A_635 = %scan3A_460) -> (i32)  : i32 {
      %add3A_636 = arith.constant 2 : i32
      %add3A_637 = arith.addi %scan3A_634, %add3A_636 : i32
      %lt3A = arith.constant 25 : i32
      %lt3A_638 = arith.cmpi slt, %add3A_637, %lt3A : i32
      %convert_element_type3A_639 = arith.extui %lt3A_638 : i1 to i32
      %cond3A_640 = arith.constant 0 : i32
      %cond3A_641 = arith.cmpi ne, %convert_element_type3A_639, %cond3A_640 : i32
      scf.if %cond3A_641 {
        %add3A_1277 = arith.constant 2 : i32
        %add3A_1278 = arith.addi %scan3A_634, %add3A_1277 : i32
        %jit3A_1279 = arith.constant 3 : i32
        %eq3A_1280 = arith.constant 0 : i32
        %eq3A_1281 = arith.cmpi eq, %jit3A_1279, %eq3A_1280 : i32
        %jit3A_1282 = arith.constant 1 : i32
        %select_n3A_1283 = arith.select %eq3A_1281, %jit3A_1282, %jit3A_1279 : i32
        %rem3A_1284 = arith.remsi %add3A_1278, %select_n3A_1283 : i32
        %ne3A_1285 = arith.constant 0 : i32
        %ne3A_1286 = arith.cmpi ne, %rem3A_1284, %ne3A_1285 : i32
        %lt3A_1287 = arith.constant 0 : i32
        %lt3A_1288 = arith.cmpi slt, %rem3A_1284, %lt3A_1287 : i32
        %lt3A_1289 = arith.constant 0 : i32
        %lt3A_1290 = arith.cmpi slt, %select_n3A_1283, %lt3A_1289 : i32
        %ne3A_1291 = arith.xori %lt3A_1288, %lt3A_1290 : i1
        %and3A_1292 = arith.andi %ne3A_1291, %ne3A_1286 : i1
        %add3A_1293 = arith.addi %rem3A_1284, %select_n3A_1283 : i32
        %select_n3A_1294 = arith.select %and3A_1292, %add3A_1293, %rem3A_1284 : i32
        %dma_start3A_1295 = arith.constant 0 : i32
        %dma_start3A_1296 = arith.constant 0 : i32
        %dma_start3A_1297 = tpu.memref_slice %arg7[%select_n3A_1294, %dma_start3A_1295, %dma_start3A_1296] : memref<3x5x80xi32, #tpu.memory_space<vmem>> -> memref<1x5x80xi32, #tpu.memory_space<vmem>>
        %dma_start3A_1298 = tpu.memref_squeeze %dma_start3A_1297 : memref<1x5x80xi32, #tpu.memory_space<vmem>> -> memref<5x80xi32, #tpu.memory_space<vmem>>
        %dma_start3A_1299 = arith.constant 0 : i32
        %dma_start3A_1300 = arith.constant 0 : i32
        %dma_start3A_1301 = tpu.memref_slice %arg2[%add3A, %add3A_1278, %dma_start3A_1299, %dma_start3A_1300] : memref<32x25x5x80xi32, #tpu.memory_space<hbm>> -> memref<1x1x5x80xi32, #tpu.memory_space<hbm>>
        %dma_start3A_1302 = tpu.memref_squeeze %dma_start3A_1301 : memref<1x1x5x80xi32, #tpu.memory_space<hbm>> -> memref<5x80xi32, #tpu.memory_space<hbm>>
        %dma_start3A_1303 = tpu.memref_slice %arg12[%select_n3A_1294] : memref<3x!tpu.dma_semaphore, #tpu.memory_space<semaphore_mem>> -> memref<1x!tpu.dma_semaphore, #tpu.memory_space<semaphore_mem>>
        %dma_start3A_1304 = tpu.memref_squeeze %dma_start3A_1303 : memref<1x!tpu.dma_semaphore, #tpu.memory_space<semaphore_mem>> -> memref<!tpu.dma_semaphore, #tpu.memory_space<semaphore_mem>>
        %dma_start3A_1305 = arith.constant 0 : i32
        %dma_start3A_1306 = arith.constant 0 : i32
        %dma_start3A_1307 = tpu.memref_slice %arg7[%select_n3A_1294, %dma_start3A_1305, %dma_start3A_1306] : memref<3x5x80xi32, #tpu.memory_space<vmem>> -> memref<1x5x80xi32, #tpu.memory_space<vmem>>
        %dma_start3A_1308 = tpu.memref_squeeze %dma_start3A_1307 : memref<1x5x80xi32, #tpu.memory_space<vmem>> -> memref<5x80xi32, #tpu.memory_space<vmem>>
        %dma_start3A_1309 = arith.constant 0 : i32
        %dma_start3A_1310 = arith.constant 0 : i32
        %dma_start3A_1311 = tpu.memref_slice %arg2[%add3A, %add3A_1278, %dma_start3A_1309, %dma_start3A_1310] : memref<32x25x5x80xi32, #tpu.memory_space<hbm>> -> memref<1x1x5x80xi32, #tpu.memory_space<hbm>>
        %dma_start3A_1312 = tpu.memref_squeeze %dma_start3A_1311 : memref<1x1x5x80xi32, #tpu.memory_space<hbm>> -> memref<5x80xi32, #tpu.memory_space<hbm>>
        tpu.enqueue_dma source(%dma_start3A_1312 : memref<5x80xi32, #tpu.memory_space<hbm>>) target(%dma_start3A_1308 : memref<5x80xi32, #tpu.memory_space<vmem>>) target_semaphore(%dma_start3A_1304 : memref<!tpu.dma_semaphore, #tpu.memory_space<semaphore_mem>>)
        %dma_start3A_1313 = arith.constant 0 : i32
        %dma_start3A_1314 = arith.constant 0 : i32
        %dma_start3A_1315 = tpu.memref_slice %arg8[%select_n3A_1294, %dma_start3A_1313, %dma_start3A_1314] : memref<3x5x80xi32, #tpu.memory_space<vmem>> -> memref<1x5x80xi32, #tpu.memory_space<vmem>>
        %dma_start3A_1316 = tpu.memref_squeeze %dma_start3A_1315 : memref<1x5x80xi32, #tpu.memory_space<vmem>> -> memref<5x80xi32, #tpu.memory_space<vmem>>
        %dma_start3A_1317 = arith.constant 0 : i32
        %dma_start3A_1318 = arith.constant 0 : i32
        %dma_start3A_1319 = tpu.memref_slice %arg3[%add3A, %add3A_1278, %dma_start3A_1317, %dma_start3A_1318] : memref<32x25x5x80xi32, #tpu.memory_space<hbm>> -> memref<1x1x5x80xi32, #tpu.memory_space<hbm>>
        %dma_start3A_1320 = tpu.memref_squeeze %dma_start3A_1319 : memref<1x1x5x80xi32, #tpu.memory_space<hbm>> -> memref<5x80xi32, #tpu.memory_space<hbm>>
        %dma_start3A_1321 = tpu.memref_slice %arg12[%select_n3A_1294] : memref<3x!tpu.dma_semaphore, #tpu.memory_space<semaphore_mem>> -> memref<1x!tpu.dma_semaphore, #tpu.memory_space<semaphore_mem>>
        %dma_start3A_1322 = tpu.memref_squeeze %dma_start3A_1321 : memref<1x!tpu.dma_semaphore, #tpu.memory_space<semaphore_mem>> -> memref<!tpu.dma_semaphore, #tpu.memory_space<semaphore_mem>>
        %dma_start3A_1323 = arith.constant 0 : i32
        %dma_start3A_1324 = arith.constant 0 : i32
        %dma_start3A_1325 = tpu.memref_slice %arg8[%select_n3A_1294, %dma_start3A_1323, %dma_start3A_1324] : memref<3x5x80xi32, #tpu.memory_space<vmem>> -> memref<1x5x80xi32, #tpu.memory_space<vmem>>
        %dma_start3A_1326 = tpu.memref_squeeze %dma_start3A_1325 : memref<1x5x80xi32, #tpu.memory_space<vmem>> -> memref<5x80xi32, #tpu.memory_space<vmem>>
        %dma_start3A_1327 = arith.constant 0 : i32
        %dma_start3A_1328 = arith.constant 0 : i32
        %dma_start3A_1329 = tpu.memref_slice %arg3[%add3A, %add3A_1278, %dma_start3A_1327, %dma_start3A_1328] : memref<32x25x5x80xi32, #tpu.memory_space<hbm>> -> memref<1x1x5x80xi32, #tpu.memory_space<hbm>>
        %dma_start3A_1330 = tpu.memref_squeeze %dma_start3A_1329 : memref<1x1x5x80xi32, #tpu.memory_space<hbm>> -> memref<5x80xi32, #tpu.memory_space<hbm>>
        tpu.enqueue_dma source(%dma_start3A_1330 : memref<5x80xi32, #tpu.memory_space<hbm>>) target(%dma_start3A_1326 : memref<5x80xi32, #tpu.memory_space<vmem>>) target_semaphore(%dma_start3A_1322 : memref<!tpu.dma_semaphore, #tpu.memory_space<semaphore_mem>>)
        %dma_start3A_1331 = arith.constant 0 : i32
        %dma_start3A_1332 = arith.constant 0 : i32
        %dma_start3A_1333 = tpu.memref_slice %arg9[%select_n3A_1294, %dma_start3A_1331, %dma_start3A_1332] : memref<3x5x80xf32, #tpu.memory_space<vmem>> -> memref<1x5x80xf32, #tpu.memory_space<vmem>>
        %dma_start3A_1334 = tpu.memref_squeeze %dma_start3A_1333 : memref<1x5x80xf32, #tpu.memory_space<vmem>> -> memref<5x80xf32, #tpu.memory_space<vmem>>
        %dma_start3A_1335 = arith.constant 0 : i32
        %dma_start3A_1336 = arith.constant 0 : i32
        %dma_start3A_1337 = tpu.memref_slice %arg4[%add3A, %add3A_1278, %dma_start3A_1335, %dma_start3A_1336] : memref<32x25x5x80xf32, #tpu.memory_space<hbm>> -> memref<1x1x5x80xf32, #tpu.memory_space<hbm>>
        %dma_start3A_1338 = tpu.memref_squeeze %dma_start3A_1337 : memref<1x1x5x80xf32, #tpu.memory_space<hbm>> -> memref<5x80xf32, #tpu.memory_space<hbm>>
        %dma_start3A_1339 = tpu.memref_slice %arg12[%select_n3A_1294] : memref<3x!tpu.dma_semaphore, #tpu.memory_space<semaphore_mem>> -> memref<1x!tpu.dma_semaphore, #tpu.memory_space<semaphore_mem>>
        %dma_start3A_1340 = tpu.memref_squeeze %dma_start3A_1339 : memref<1x!tpu.dma_semaphore, #tpu.memory_space<semaphore_mem>> -> memref<!tpu.dma_semaphore, #tpu.memory_space<semaphore_mem>>
        %dma_start3A_1341 = arith.constant 0 : i32
        %dma_start3A_1342 = arith.constant 0 : i32
        %dma_start3A_1343 = tpu.memref_slice %arg9[%select_n3A_1294, %dma_start3A_1341, %dma_start3A_1342] : memref<3x5x80xf32, #tpu.memory_space<vmem>> -> memref<1x5x80xf32, #tpu.memory_space<vmem>>
        %dma_start3A_1344 = tpu.memref_squeeze %dma_start3A_1343 : memref<1x5x80xf32, #tpu.memory_space<vmem>> -> memref<5x80xf32, #tpu.memory_space<vmem>>
        %dma_start3A_1345 = arith.constant 0 : i32
        %dma_start3A_1346 = arith.constant 0 : i32
        %dma_start3A_1347 = tpu.memref_slice %arg4[%add3A, %add3A_1278, %dma_start3A_1345, %dma_start3A_1346] : memref<32x25x5x80xf32, #tpu.memory_space<hbm>> -> memref<1x1x5x80xf32, #tpu.memory_space<hbm>>
        %dma_start3A_1348 = tpu.memref_squeeze %dma_start3A_1347 : memref<1x1x5x80xf32, #tpu.memory_space<hbm>> -> memref<5x80xf32, #tpu.memory_space<hbm>>
        tpu.enqueue_dma source(%dma_start3A_1348 : memref<5x80xf32, #tpu.memory_space<hbm>>) target(%dma_start3A_1344 : memref<5x80xf32, #tpu.memory_space<vmem>>) target_semaphore(%dma_start3A_1340 : memref<!tpu.dma_semaphore, #tpu.memory_space<semaphore_mem>>)
      } else {
      }
      %add3A_642 = arith.constant 1 : i32
      %add3A_643 = arith.addi %scan3A_634, %add3A_642 : i32
      %lt3A_644 = arith.constant 25 : i32
      %lt3A_645 = arith.cmpi slt, %add3A_643, %lt3A_644 : i32
      %convert_element_type3A_646 = arith.extui %lt3A_645 : i1 to i32
      %cond3A_647 = arith.constant 0 : i32
      %cond3A_648 = arith.cmpi ne, %convert_element_type3A_646, %cond3A_647 : i32
      scf.if %cond3A_648 {
        %add3A_1277 = arith.constant 1 : i32
        %add3A_1278 = arith.addi %scan3A_634, %add3A_1277 : i32
        %jit3A_1279 = arith.constant 3 : i32
        %eq3A_1280 = arith.constant 0 : i32
        %eq3A_1281 = arith.cmpi eq, %jit3A_1279, %eq3A_1280 : i32
        %jit3A_1282 = arith.constant 1 : i32
        %select_n3A_1283 = arith.select %eq3A_1281, %jit3A_1282, %jit3A_1279 : i32
        %rem3A_1284 = arith.remsi %add3A_1278, %select_n3A_1283 : i32
        %ne3A_1285 = arith.constant 0 : i32
        %ne3A_1286 = arith.cmpi ne, %rem3A_1284, %ne3A_1285 : i32
        %lt3A_1287 = arith.constant 0 : i32
        %lt3A_1288 = arith.cmpi slt, %rem3A_1284, %lt3A_1287 : i32
        %lt3A_1289 = arith.constant 0 : i32
        %lt3A_1290 = arith.cmpi slt, %select_n3A_1283, %lt3A_1289 : i32
        %ne3A_1291 = arith.xori %lt3A_1288, %lt3A_1290 : i1
        %and3A_1292 = arith.andi %ne3A_1291, %ne3A_1286 : i1
        %add3A_1293 = arith.addi %rem3A_1284, %select_n3A_1283 : i32
        %select_n3A_1294 = arith.select %and3A_1292, %add3A_1293, %rem3A_1284 : i32
        %dma_wait3A_1295 = arith.constant 0 : i32
        %dma_wait3A_1296 = arith.constant 0 : i32
        %dma_wait3A_1297 = tpu.memref_slice %arg7[%select_n3A_1294, %dma_wait3A_1295, %dma_wait3A_1296] : memref<3x5x80xi32, #tpu.memory_space<vmem>> -> memref<1x5x80xi32, #tpu.memory_space<vmem>>
        %dma_wait3A_1298 = tpu.memref_squeeze %dma_wait3A_1297 : memref<1x5x80xi32, #tpu.memory_space<vmem>> -> memref<5x80xi32, #tpu.memory_space<vmem>>
        %dma_wait3A_1299 = arith.constant 0 : i32
        %dma_wait3A_1300 = arith.constant 0 : i32
        %dma_wait3A_1301 = tpu.memref_slice %arg2[%add3A, %add3A_1278, %dma_wait3A_1299, %dma_wait3A_1300] : memref<32x25x5x80xi32, #tpu.memory_space<hbm>> -> memref<1x1x5x80xi32, #tpu.memory_space<hbm>>
        %dma_wait3A_1302 = tpu.memref_squeeze %dma_wait3A_1301 : memref<1x1x5x80xi32, #tpu.memory_space<hbm>> -> memref<5x80xi32, #tpu.memory_space<hbm>>
        %dma_wait3A_1303 = tpu.memref_slice %arg12[%select_n3A_1294] : memref<3x!tpu.dma_semaphore, #tpu.memory_space<semaphore_mem>> -> memref<1x!tpu.dma_semaphore, #tpu.memory_space<semaphore_mem>>
        %dma_wait3A_1304 = tpu.memref_squeeze %dma_wait3A_1303 : memref<1x!tpu.dma_semaphore, #tpu.memory_space<semaphore_mem>> -> memref<!tpu.dma_semaphore, #tpu.memory_space<semaphore_mem>>
        %dma_wait3A_1305 = arith.constant 0 : i32
        %dma_wait3A_1306 = arith.constant 0 : i32
        %dma_wait3A_1307 = tpu.memref_slice %arg7[%select_n3A_1294, %dma_wait3A_1305, %dma_wait3A_1306] : memref<3x5x80xi32, #tpu.memory_space<vmem>> -> memref<1x5x80xi32, #tpu.memory_space<vmem>>
        %dma_wait3A_1308 = tpu.memref_squeeze %dma_wait3A_1307 : memref<1x5x80xi32, #tpu.memory_space<vmem>> -> memref<5x80xi32, #tpu.memory_space<vmem>>
        %dma_wait3A_1309 = arith.constant 0 : i32
        %dma_wait3A_1310 = arith.constant 0 : i32
        %dma_wait3A_1311 = tpu.memref_slice %arg2[%add3A, %add3A_1278, %dma_wait3A_1309, %dma_wait3A_1310] : memref<32x25x5x80xi32, #tpu.memory_space<hbm>> -> memref<1x1x5x80xi32, #tpu.memory_space<hbm>>
        %dma_wait3A_1312 = tpu.memref_squeeze %dma_wait3A_1311 : memref<1x1x5x80xi32, #tpu.memory_space<hbm>> -> memref<5x80xi32, #tpu.memory_space<hbm>>
        tpu.wait_dma2 semaphore(%dma_wait3A_1304 : memref<!tpu.dma_semaphore, #tpu.memory_space<semaphore_mem>>) src(%dma_wait3A_1312 : memref<5x80xi32, #tpu.memory_space<hbm>>) dst(%dma_wait3A_1308 : memref<5x80xi32, #tpu.memory_space<vmem>>)
        %dma_wait3A_1313 = arith.constant 0 : i32
        %dma_wait3A_1314 = arith.constant 0 : i32
        %dma_wait3A_1315 = tpu.memref_slice %arg8[%select_n3A_1294, %dma_wait3A_1313, %dma_wait3A_1314] : memref<3x5x80xi32, #tpu.memory_space<vmem>> -> memref<1x5x80xi32, #tpu.memory_space<vmem>>
        %dma_wait3A_1316 = tpu.memref_squeeze %dma_wait3A_1315 : memref<1x5x80xi32, #tpu.memory_space<vmem>> -> memref<5x80xi32, #tpu.memory_space<vmem>>
        %dma_wait3A_1317 = arith.constant 0 : i32
        %dma_wait3A_1318 = arith.constant 0 : i32
        %dma_wait3A_1319 = tpu.memref_slice %arg3[%add3A, %add3A_1278, %dma_wait3A_1317, %dma_wait3A_1318] : memref<32x25x5x80xi32, #tpu.memory_space<hbm>> -> memref<1x1x5x80xi32, #tpu.memory_space<hbm>>
        %dma_wait3A_1320 = tpu.memref_squeeze %dma_wait3A_1319 : memref<1x1x5x80xi32, #tpu.memory_space<hbm>> -> memref<5x80xi32, #tpu.memory_space<hbm>>
        %dma_wait3A_1321 = tpu.memref_slice %arg12[%select_n3A_1294] : memref<3x!tpu.dma_semaphore, #tpu.memory_space<semaphore_mem>> -> memref<1x!tpu.dma_semaphore, #tpu.memory_space<semaphore_mem>>
        %dma_wait3A_1322 = tpu.memref_squeeze %dma_wait3A_1321 : memref<1x!tpu.dma_semaphore, #tpu.memory_space<semaphore_mem>> -> memref<!tpu.dma_semaphore, #tpu.memory_space<semaphore_mem>>
        %dma_wait3A_1323 = arith.constant 0 : i32
        %dma_wait3A_1324 = arith.constant 0 : i32
        %dma_wait3A_1325 = tpu.memref_slice %arg8[%select_n3A_1294, %dma_wait3A_1323, %dma_wait3A_1324] : memref<3x5x80xi32, #tpu.memory_space<vmem>> -> memref<1x5x80xi32, #tpu.memory_space<vmem>>
        %dma_wait3A_1326 = tpu.memref_squeeze %dma_wait3A_1325 : memref<1x5x80xi32, #tpu.memory_space<vmem>> -> memref<5x80xi32, #tpu.memory_space<vmem>>
        %dma_wait3A_1327 = arith.constant 0 : i32
        %dma_wait3A_1328 = arith.constant 0 : i32
        %dma_wait3A_1329 = tpu.memref_slice %arg3[%add3A, %add3A_1278, %dma_wait3A_1327, %dma_wait3A_1328] : memref<32x25x5x80xi32, #tpu.memory_space<hbm>> -> memref<1x1x5x80xi32, #tpu.memory_space<hbm>>
        %dma_wait3A_1330 = tpu.memref_squeeze %dma_wait3A_1329 : memref<1x1x5x80xi32, #tpu.memory_space<hbm>> -> memref<5x80xi32, #tpu.memory_space<hbm>>
        tpu.wait_dma2 semaphore(%dma_wait3A_1322 : memref<!tpu.dma_semaphore, #tpu.memory_space<semaphore_mem>>) src(%dma_wait3A_1330 : memref<5x80xi32, #tpu.memory_space<hbm>>) dst(%dma_wait3A_1326 : memref<5x80xi32, #tpu.memory_space<vmem>>)
        %dma_wait3A_1331 = arith.constant 0 : i32
        %dma_wait3A_1332 = arith.constant 0 : i32
        %dma_wait3A_1333 = tpu.memref_slice %arg9[%select_n3A_1294, %dma_wait3A_1331, %dma_wait3A_1332] : memref<3x5x80xf32, #tpu.memory_space<vmem>> -> memref<1x5x80xf32, #tpu.memory_space<vmem>>
        %dma_wait3A_1334 = tpu.memref_squeeze %dma_wait3A_1333 : memref<1x5x80xf32, #tpu.memory_space<vmem>> -> memref<5x80xf32, #tpu.memory_space<vmem>>
        %dma_wait3A_1335 = arith.constant 0 : i32
        %dma_wait3A_1336 = arith.constant 0 : i32
        %dma_wait3A_1337 = tpu.memref_slice %arg4[%add3A, %add3A_1278, %dma_wait3A_1335, %dma_wait3A_1336] : memref<32x25x5x80xf32, #tpu.memory_space<hbm>> -> memref<1x1x5x80xf32, #tpu.memory_space<hbm>>
        %dma_wait3A_1338 = tpu.memref_squeeze %dma_wait3A_1337 : memref<1x1x5x80xf32, #tpu.memory_space<hbm>> -> memref<5x80xf32, #tpu.memory_space<hbm>>
        %dma_wait3A_1339 = tpu.memref_slice %arg12[%select_n3A_1294] : memref<3x!tpu.dma_semaphore, #tpu.memory_space<semaphore_mem>> -> memref<1x!tpu.dma_semaphore, #tpu.memory_space<semaphore_mem>>
        %dma_wait3A_1340 = tpu.memref_squeeze %dma_wait3A_1339 : memref<1x!tpu.dma_semaphore, #tpu.memory_space<semaphore_mem>> -> memref<!tpu.dma_semaphore, #tpu.memory_space<semaphore_mem>>
        %dma_wait3A_1341 = arith.constant 0 : i32
        %dma_wait3A_1342 = arith.constant 0 : i32
        %dma_wait3A_1343 = tpu.memref_slice %arg9[%select_n3A_1294, %dma_wait3A_1341, %dma_wait3A_1342] : memref<3x5x80xf32, #tpu.memory_space<vmem>> -> memref<1x5x80xf32, #tpu.memory_space<vmem>>
        %dma_wait3A_1344 = tpu.memref_squeeze %dma_wait3A_1343 : memref<1x5x80xf32, #tpu.memory_space<vmem>> -> memref<5x80xf32, #tpu.memory_space<vmem>>
        %dma_wait3A_1345 = arith.constant 0 : i32
        %dma_wait3A_1346 = arith.constant 0 : i32
        %dma_wait3A_1347 = tpu.memref_slice %arg4[%add3A, %add3A_1278, %dma_wait3A_1345, %dma_wait3A_1346] : memref<32x25x5x80xf32, #tpu.memory_space<hbm>> -> memref<1x1x5x80xf32, #tpu.memory_space<hbm>>
        %dma_wait3A_1348 = tpu.memref_squeeze %dma_wait3A_1347 : memref<1x1x5x80xf32, #tpu.memory_space<hbm>> -> memref<5x80xf32, #tpu.memory_space<hbm>>
        tpu.wait_dma2 semaphore(%dma_wait3A_1340 : memref<!tpu.dma_semaphore, #tpu.memory_space<semaphore_mem>>) src(%dma_wait3A_1348 : memref<5x80xf32, #tpu.memory_space<hbm>>) dst(%dma_wait3A_1344 : memref<5x80xf32, #tpu.memory_space<vmem>>)
      } else {
      }
      %mul3A_649 = arith.constant 5 : i32
      %mul3A_650 = arith.muli %scan3A_634, %mul3A_649 : i32
      %add3A_651 = arith.constant 0 : i32
      %add3A_652 = arith.addi %mul3A_650, %add3A_651 : i32
      %jit3A = arith.constant 3 : i32
      %eq3A_653 = arith.constant 0 : i32
      %eq3A_654 = arith.cmpi eq, %jit3A, %eq3A_653 : i32
      %jit3A_655 = arith.constant 1 : i32
      %select_n3A = arith.select %eq3A_654, %jit3A_655, %jit3A : i32
      %rem3A = arith.remsi %add3A_652, %select_n3A : i32
      %ne3A_656 = arith.constant 0 : i32
      %ne3A_657 = arith.cmpi ne, %rem3A, %ne3A_656 : i32
      %lt3A_658 = arith.constant 0 : i32
      %lt3A_659 = arith.cmpi slt, %rem3A, %lt3A_658 : i32
      %lt3A_660 = arith.constant 0 : i32
      %lt3A_661 = arith.cmpi slt, %select_n3A, %lt3A_660 : i32
      %ne3A_662 = arith.xori %lt3A_659, %lt3A_661 : i1
      %and3A = arith.andi %ne3A_662, %ne3A_657 : i1
      %add3A_663 = arith.addi %rem3A, %select_n3A : i32
      %select_n3A_664 = arith.select %and3A, %add3A_663, %rem3A : i32
      %jit3A_665 = arith.constant 3 : i32
      %eq3A_666 = arith.constant 0 : i32
      %eq3A_667 = arith.cmpi eq, %jit3A_665, %eq3A_666 : i32
      %jit3A_668 = arith.constant 1 : i32
      %select_n3A_669 = arith.select %eq3A_667, %jit3A_668, %jit3A_665 : i32
      %rem3A_670 = arith.remsi %scan3A_634, %select_n3A_669 : i32
      %ne3A_671 = arith.constant 0 : i32
      %ne3A_672 = arith.cmpi ne, %rem3A_670, %ne3A_671 : i32
      %lt3A_673 = arith.constant 0 : i32
      %lt3A_674 = arith.cmpi slt, %rem3A_670, %lt3A_673 : i32
      %lt3A_675 = arith.constant 0 : i32
      %lt3A_676 = arith.cmpi slt, %select_n3A_669, %lt3A_675 : i32
      %ne3A_677 = arith.xori %lt3A_674, %lt3A_676 : i1
      %and3A_678 = arith.andi %ne3A_677, %ne3A_672 : i1
      %add3A_679 = arith.addi %rem3A_670, %select_n3A_669 : i32
      %select_n3A_680 = arith.select %and3A_678, %add3A_679, %rem3A_670 : i32
      %jit3A_681 = arith.constant 5 : i32
      %div3A = arith.divsi %add3A_652, %jit3A_681 : i32
      %sign3A = arith.constant 0 : i32
      %sign3A_682 = arith.cmpi sgt, %add3A_652, %sign3A : i32
      %sign3A_683 = arith.extui %sign3A_682 : i1 to i32
      %sign3A_684 = arith.constant 0 : i32
      %sign3A_685 = arith.cmpi slt, %add3A_652, %sign3A_684 : i32
      %sign3A_686 = arith.extui %sign3A_685 : i1 to i32
      %sign3A_687 = arith.subi %sign3A_683, %sign3A_686 : i32
      %sign3A_688 = arith.constant 0 : i32
      %sign3A_689 = arith.cmpi sgt, %jit3A_681, %sign3A_688 : i32
      %sign3A_690 = arith.extui %sign3A_689 : i1 to i32
      %sign3A_691 = arith.constant 0 : i32
      %sign3A_692 = arith.cmpi slt, %jit3A_681, %sign3A_691 : i32
      %sign3A_693 = arith.extui %sign3A_692 : i1 to i32
      %sign3A_694 = arith.subi %sign3A_690, %sign3A_693 : i32
      %ne3A_695 = arith.cmpi ne, %sign3A_687, %sign3A_694 : i32
      %rem3A_696 = arith.remsi %add3A_652, %jit3A_681 : i32
      %ne3A_697 = arith.constant 0 : i32
      %ne3A_698 = arith.cmpi ne, %rem3A_696, %ne3A_697 : i32
      %and3A_699 = arith.andi %ne3A_695, %ne3A_698 : i1
      %sub3A = arith.constant 1 : i32
      %sub3A_700 = arith.subi %div3A, %sub3A : i32
      %select_n3A_701 = arith.select %and3A_699, %sub3A_700, %div3A : i32
      %jit3A_702 = arith.constant 3 : i32
      %eq3A_703 = arith.constant 0 : i32
      %eq3A_704 = arith.cmpi eq, %jit3A_702, %eq3A_703 : i32
      %jit3A_705 = arith.constant 1 : i32
      %select_n3A_706 = arith.select %eq3A_704, %jit3A_705, %jit3A_702 : i32
      %rem3A_707 = arith.remsi %select_n3A_701, %select_n3A_706 : i32
      %ne3A_708 = arith.constant 0 : i32
      %ne3A_709 = arith.cmpi ne, %rem3A_707, %ne3A_708 : i32
      %lt3A_710 = arith.constant 0 : i32
      %lt3A_711 = arith.cmpi slt, %rem3A_707, %lt3A_710 : i32
      %lt3A_712 = arith.constant 0 : i32
      %lt3A_713 = arith.cmpi slt, %select_n3A_706, %lt3A_712 : i32
      %ne3A_714 = arith.xori %lt3A_711, %lt3A_713 : i1
      %and3A_715 = arith.andi %ne3A_714, %ne3A_709 : i1
      %add3A_716 = arith.addi %rem3A_707, %select_n3A_706 : i32
      %select_n3A_717 = arith.select %and3A_715, %add3A_716, %rem3A_707 : i32
      %jit3A_718 = arith.constant 5 : i32
      %eq3A_719 = arith.constant 0 : i32
      %eq3A_720 = arith.cmpi eq, %jit3A_718, %eq3A_719 : i32
      %jit3A_721 = arith.constant 1 : i32
      %select_n3A_722 = arith.select %eq3A_720, %jit3A_721, %jit3A_718 : i32
      %rem3A_723 = arith.remsi %add3A_652, %select_n3A_722 : i32
      %ne3A_724 = arith.constant 0 : i32
      %ne3A_725 = arith.cmpi ne, %rem3A_723, %ne3A_724 : i32
      %lt3A_726 = arith.constant 0 : i32
      %lt3A_727 = arith.cmpi slt, %rem3A_723, %lt3A_726 : i32
      %lt3A_728 = arith.constant 0 : i32
      %lt3A_729 = arith.cmpi slt, %select_n3A_722, %lt3A_728 : i32
      %ne3A_730 = arith.xori %lt3A_727, %lt3A_729 : i1
      %and3A_731 = arith.andi %ne3A_730, %ne3A_725 : i1
      %add3A_732 = arith.addi %rem3A_723, %select_n3A_722 : i32
      %select_n3A_733 = arith.select %and3A_731, %add3A_732, %rem3A_723 : i32
      %dma_wait3A_734 = arith.constant 0 : i32
      %dma_wait3A_735 = arith.constant 0 : i32
      %dma_wait3A_736 = tpu.memref_slice %arg10[%select_n3A_664, %dma_wait3A_734, %dma_wait3A_735] : memref<3x80x128xf32, #tpu.memory_space<vmem>> -> memref<1x80x128xf32, #tpu.memory_space<vmem>>
      %dma_wait3A_737 = tpu.memref_squeeze %dma_wait3A_736 : memref<1x80x128xf32, #tpu.memory_space<vmem>> -> memref<80x128xf32, #tpu.memory_space<vmem>>
      %dma_wait3A_738 = arith.constant 0 : i32
      %dma_wait3A_739 = tpu.memref_slice %arg7[%select_n3A_717, %select_n3A_733, %dma_wait3A_738] : memref<3x5x80xi32, #tpu.memory_space<vmem>> -> memref<1x1x80xi32, #tpu.memory_space<vmem>>
      %dma_wait3A_740 = tpu.memref_squeeze %dma_wait3A_739 : memref<1x1x80xi32, #tpu.memory_space<vmem>> -> memref<80xi32, #tpu.memory_space<vmem>>
      %dma_wait3A_741 = arith.constant 0 : i32
      %dma_wait3A_742 = arith.constant 0 : i32
      %dma_wait3A_743 = tpu.memref_slice %arg5[%dma_wait3A_741, %dma_wait3A_742] : memref<10000x128xf32, #tpu.memory_space<hbm>> -> memref<10000x128xf32, #tpu.memory_space<hbm>>
      %dma_wait3A_744 = tpu.memref_slice %arg13[%select_n3A_664] : memref<3x!tpu.dma_semaphore, #tpu.memory_space<semaphore_mem>> -> memref<1x!tpu.dma_semaphore, #tpu.memory_space<semaphore_mem>>
      %dma_wait3A_745 = tpu.memref_squeeze %dma_wait3A_744 : memref<1x!tpu.dma_semaphore, #tpu.memory_space<semaphore_mem>> -> memref<!tpu.dma_semaphore, #tpu.memory_space<semaphore_mem>>
      tpu.wait_indirect_dma semaphore(%dma_wait3A_745 : memref<!tpu.dma_semaphore, #tpu.memory_space<semaphore_mem>>) src(%dma_wait3A_743 : memref<10000x128xf32, #tpu.memory_space<hbm>>) dst(%dma_wait3A_737 : memref<80x128xf32, #tpu.memory_space<vmem>>)
      %add3A_746 = arith.constant 2 : i32
      %add3A_747 = arith.addi %add3A_652, %add3A_746 : i32
      %lt3A_748 = arith.constant 125 : i32
      %lt3A_749 = arith.cmpi slt, %add3A_747, %lt3A_748 : i32
      %convert_element_type3A_750 = arith.extui %lt3A_749 : i1 to i32
      %cond3A_751 = arith.constant 0 : i32
      %cond3A_752 = arith.cmpi ne, %convert_element_type3A_750, %cond3A_751 : i32
      scf.if %cond3A_752 {
        %add3A_1277 = arith.constant 2 : i32
        %add3A_1278 = arith.addi %add3A_652, %add3A_1277 : i32
        %jit3A_1279 = arith.constant 3 : i32
        %eq3A_1280 = arith.constant 0 : i32
        %eq3A_1281 = arith.cmpi eq, %jit3A_1279, %eq3A_1280 : i32
        %jit3A_1282 = arith.constant 1 : i32
        %select_n3A_1283 = arith.select %eq3A_1281, %jit3A_1282, %jit3A_1279 : i32
        %rem3A_1284 = arith.remsi %add3A_1278, %select_n3A_1283 : i32
        %ne3A_1285 = arith.constant 0 : i32
        %ne3A_1286 = arith.cmpi ne, %rem3A_1284, %ne3A_1285 : i32
        %lt3A_1287 = arith.constant 0 : i32
        %lt3A_1288 = arith.cmpi slt, %rem3A_1284, %lt3A_1287 : i32
        %lt3A_1289 = arith.constant 0 : i32
        %lt3A_1290 = arith.cmpi slt, %select_n3A_1283, %lt3A_1289 : i32
        %ne3A_1291 = arith.xori %lt3A_1288, %lt3A_1290 : i1
        %and3A_1292 = arith.andi %ne3A_1291, %ne3A_1286 : i1
        %add3A_1293 = arith.addi %rem3A_1284, %select_n3A_1283 : i32
        %select_n3A_1294 = arith.select %and3A_1292, %add3A_1293, %rem3A_1284 : i32
        %ge3A = arith.constant 1 : i32
        %ge3A_1295 = arith.cmpi sge, %add3A_652, %ge3A : i32
        %convert_element_type3A_1296 = arith.extui %ge3A_1295 : i1 to i32
        %cond3A_1297 = arith.constant 0 : i32
        %cond3A_1298 = arith.cmpi ne, %convert_element_type3A_1296, %cond3A_1297 : i32
        scf.if %cond3A_1298 {
          %dma_wait3A_1369 = arith.constant 0 : i32
          %dma_wait3A_1370 = arith.constant 0 : i32
          %dma_wait3A_1371 = arith.constant 0 : i32
          %dma_wait3A_1372 = tpu.memref_slice %arg10[%select_n3A_1294, %dma_wait3A_1370, %dma_wait3A_1371] : memref<3x80x128xf32, #tpu.memory_space<vmem>> -> memref<1x80x128xf32, #tpu.memory_space<vmem>>
          %dma_wait3A_1373 = tpu.memref_squeeze %dma_wait3A_1372 : memref<1x80x128xf32, #tpu.memory_space<vmem>> -> memref<80x128xf32, #tpu.memory_space<vmem>>
          %dma_wait3A_1374 = arith.constant 0 : i32
          %dma_wait3A_1375 = tpu.memref_slice %arg8[%select_n3A_680, %dma_wait3A_1369, %dma_wait3A_1374] : memref<3x5x80xi32, #tpu.memory_space<vmem>> -> memref<1x1x80xi32, #tpu.memory_space<vmem>>
          %dma_wait3A_1376 = tpu.memref_squeeze %dma_wait3A_1375 : memref<1x1x80xi32, #tpu.memory_space<vmem>> -> memref<80xi32, #tpu.memory_space<vmem>>
          %dma_wait3A_1377 = arith.constant 0 : i32
          %dma_wait3A_1378 = arith.constant 0 : i32
          %dma_wait3A_1379 = tpu.memref_slice %arg11[%dma_wait3A_1377, %dma_wait3A_1378] : memref<10000x128xf32, #tpu.memory_space<vmem_shared>> -> memref<10000x128xf32, #tpu.memory_space<vmem_shared>>
          %dma_wait3A_1380 = tpu.memref_slice %arg14[%select_n3A_1294] : memref<3x!tpu.dma_semaphore, #tpu.memory_space<semaphore_mem>> -> memref<1x!tpu.dma_semaphore, #tpu.memory_space<semaphore_mem>>
          %dma_wait3A_1381 = tpu.memref_squeeze %dma_wait3A_1380 : memref<1x!tpu.dma_semaphore, #tpu.memory_space<semaphore_mem>> -> memref<!tpu.dma_semaphore, #tpu.memory_space<semaphore_mem>>
          tpu.wait_indirect_dma semaphore(%dma_wait3A_1381 : memref<!tpu.dma_semaphore, #tpu.memory_space<semaphore_mem>>) src(%dma_wait3A_1373 : memref<80x128xf32, #tpu.memory_space<vmem>>) dst(%dma_wait3A_1379 : memref<10000x128xf32, #tpu.memory_space<vmem_shared>>)
        } else {
        }
        %add3A_1299 = arith.constant 2 : i32
        %add3A_1300 = arith.addi %add3A_652, %add3A_1299 : i32
        %jit3A_1301 = arith.constant 5 : i32
        %div3A_1302 = arith.divsi %add3A_1300, %jit3A_1301 : i32
        %sign3A_1303 = arith.constant 0 : i32
        %sign3A_1304 = arith.cmpi sgt, %add3A_1300, %sign3A_1303 : i32
        %sign3A_1305 = arith.extui %sign3A_1304 : i1 to i32
        %sign3A_1306 = arith.constant 0 : i32
        %sign3A_1307 = arith.cmpi slt, %add3A_1300, %sign3A_1306 : i32
        %sign3A_1308 = arith.extui %sign3A_1307 : i1 to i32
        %sign3A_1309 = arith.subi %sign3A_1305, %sign3A_1308 : i32
        %sign3A_1310 = arith.constant 0 : i32
        %sign3A_1311 = arith.cmpi sgt, %jit3A_1301, %sign3A_1310 : i32
        %sign3A_1312 = arith.extui %sign3A_1311 : i1 to i32
        %sign3A_1313 = arith.constant 0 : i32
        %sign3A_1314 = arith.cmpi slt, %jit3A_1301, %sign3A_1313 : i32
        %sign3A_1315 = arith.extui %sign3A_1314 : i1 to i32
        %sign3A_1316 = arith.subi %sign3A_1312, %sign3A_1315 : i32
        %ne3A_1317 = arith.cmpi ne, %sign3A_1309, %sign3A_1316 : i32
        %rem3A_1318 = arith.remsi %add3A_1300, %jit3A_1301 : i32
        %ne3A_1319 = arith.constant 0 : i32
        %ne3A_1320 = arith.cmpi ne, %rem3A_1318, %ne3A_1319 : i32
        %and3A_1321 = arith.andi %ne3A_1317, %ne3A_1320 : i1
        %sub3A_1322 = arith.constant 1 : i32
        %sub3A_1323 = arith.subi %div3A_1302, %sub3A_1322 : i32
        %select_n3A_1324 = arith.select %and3A_1321, %sub3A_1323, %div3A_1302 : i32
        %jit3A_1325 = arith.constant 3 : i32
        %eq3A_1326 = arith.constant 0 : i32
        %eq3A_1327 = arith.cmpi eq, %jit3A_1325, %eq3A_1326 : i32
        %jit3A_1328 = arith.constant 1 : i32
        %select_n3A_1329 = arith.select %eq3A_1327, %jit3A_1328, %jit3A_1325 : i32
        %rem3A_1330 = arith.remsi %select_n3A_1324, %select_n3A_1329 : i32
        %ne3A_1331 = arith.constant 0 : i32
        %ne3A_1332 = arith.cmpi ne, %rem3A_1330, %ne3A_1331 : i32
        %lt3A_1333 = arith.constant 0 : i32
        %lt3A_1334 = arith.cmpi slt, %rem3A_1330, %lt3A_1333 : i32
        %lt3A_1335 = arith.constant 0 : i32
        %lt3A_1336 = arith.cmpi slt, %select_n3A_1329, %lt3A_1335 : i32
        %ne3A_1337 = arith.xori %lt3A_1334, %lt3A_1336 : i1
        %and3A_1338 = arith.andi %ne3A_1337, %ne3A_1332 : i1
        %add3A_1339 = arith.addi %rem3A_1330, %select_n3A_1329 : i32
        %select_n3A_1340 = arith.select %and3A_1338, %add3A_1339, %rem3A_1330 : i32
        %jit3A_1341 = arith.constant 5 : i32
        %eq3A_1342 = arith.constant 0 : i32
        %eq3A_1343 = arith.cmpi eq, %jit3A_1341, %eq3A_1342 : i32
        %jit3A_1344 = arith.constant 1 : i32
        %select_n3A_1345 = arith.select %eq3A_1343, %jit3A_1344, %jit3A_1341 : i32
        %rem3A_1346 = arith.remsi %add3A_1300, %select_n3A_1345 : i32
        %ne3A_1347 = arith.constant 0 : i32
        %ne3A_1348 = arith.cmpi ne, %rem3A_1346, %ne3A_1347 : i32
        %lt3A_1349 = arith.constant 0 : i32
        %lt3A_1350 = arith.cmpi slt, %rem3A_1346, %lt3A_1349 : i32
        %lt3A_1351 = arith.constant 0 : i32
        %lt3A_1352 = arith.cmpi slt, %select_n3A_1345, %lt3A_1351 : i32
        %ne3A_1353 = arith.xori %lt3A_1350, %lt3A_1352 : i1
        %and3A_1354 = arith.andi %ne3A_1353, %ne3A_1348 : i1
        %add3A_1355 = arith.addi %rem3A_1346, %select_n3A_1345 : i32
        %select_n3A_1356 = arith.select %and3A_1354, %add3A_1355, %rem3A_1346 : i32
        %dma_start3A_1357 = arith.constant 0 : i32
        %dma_start3A_1358 = arith.constant 0 : i32
        %dma_start3A_1359 = tpu.memref_slice %arg10[%select_n3A_1294, %dma_start3A_1357, %dma_start3A_1358] : memref<3x80x128xf32, #tpu.memory_space<vmem>> -> memref<1x80x128xf32, #tpu.memory_space<vmem>>
        %dma_start3A_1360 = tpu.memref_squeeze %dma_start3A_1359 : memref<1x80x128xf32, #tpu.memory_space<vmem>> -> memref<80x128xf32, #tpu.memory_space<vmem>>
        %dma_start3A_1361 = arith.constant 0 : i32
        %dma_start3A_1362 = tpu.memref_slice %arg7[%select_n3A_1340, %select_n3A_1356, %dma_start3A_1361] : memref<3x5x80xi32, #tpu.memory_space<vmem>> -> memref<1x1x80xi32, #tpu.memory_space<vmem>>
        %dma_start3A_1363 = tpu.memref_squeeze %dma_start3A_1362 : memref<1x1x80xi32, #tpu.memory_space<vmem>> -> memref<80xi32, #tpu.memory_space<vmem>>
        %dma_start3A_1364 = arith.constant 0 : i32
        %dma_start3A_1365 = arith.constant 0 : i32
        %dma_start3A_1366 = tpu.memref_slice %arg5[%dma_start3A_1364, %dma_start3A_1365] : memref<10000x128xf32, #tpu.memory_space<hbm>> -> memref<10000x128xf32, #tpu.memory_space<hbm>>
        %dma_start3A_1367 = tpu.memref_slice %arg13[%select_n3A_1294] : memref<3x!tpu.dma_semaphore, #tpu.memory_space<semaphore_mem>> -> memref<1x!tpu.dma_semaphore, #tpu.memory_space<semaphore_mem>>
        %dma_start3A_1368 = tpu.memref_squeeze %dma_start3A_1367 : memref<1x!tpu.dma_semaphore, #tpu.memory_space<semaphore_mem>> -> memref<!tpu.dma_semaphore, #tpu.memory_space<semaphore_mem>>
        tpu.enqueue_indirect_dma source(%dma_start3A_1366 : memref<10000x128xf32, #tpu.memory_space<hbm>>) target(%dma_start3A_1360 : memref<80x128xf32, #tpu.memory_space<vmem>>) offsets(%dma_start3A_1363 : memref<80xi32, #tpu.memory_space<vmem>>) semaphore(%dma_start3A_1368 : memref<!tpu.dma_semaphore, #tpu.memory_space<semaphore_mem>>)
      } else {
      }
      %parallel_loop3A = arith.constant 0 : i32
      %parallel_loop3A_753 = arith.constant 80 : i32
      %parallel_loop3A_754 = arith.constant 1 : i32
      scf.for %parallel_loop3A_1277 = %parallel_loop3A to %parallel_loop3A_753 step %parallel_loop3A_754  : i32 {
        %parallel_loop3A_1278 = arith.constant 16 : i32
        %parallel_loop3A_1279 = arith.divsi %parallel_loop3A_1277, %parallel_loop3A_1278 : i32
        %parallel_loop3A_1280 = arith.constant 0 : i32
        %parallel_loop3A_1281 = arith.cmpi sgt, %parallel_loop3A_1277, %parallel_loop3A_1280 : i32
        %parallel_loop3A_1282 = arith.extui %parallel_loop3A_1281 : i1 to i32
        %parallel_loop3A_1283 = arith.constant 0 : i32
        %parallel_loop3A_1284 = arith.cmpi slt, %parallel_loop3A_1277, %parallel_loop3A_1283 : i32
        %parallel_loop3A_1285 = arith.extui %parallel_loop3A_1284 : i1 to i32
        %parallel_loop3A_1286 = arith.subi %parallel_loop3A_1282, %parallel_loop3A_1285 : i32
        %parallel_loop3A_1287 = arith.constant 0 : i32
        %parallel_loop3A_1288 = arith.cmpi sgt, %parallel_loop3A_1278, %parallel_loop3A_1287 : i32
        %parallel_loop3A_1289 = arith.extui %parallel_loop3A_1288 : i1 to i32
        %parallel_loop3A_1290 = arith.constant 0 : i32
        %parallel_loop3A_1291 = arith.cmpi slt, %parallel_loop3A_1278, %parallel_loop3A_1290 : i32
        %parallel_loop3A_1292 = arith.extui %parallel_loop3A_1291 : i1 to i32
        %parallel_loop3A_1293 = arith.subi %parallel_loop3A_1289, %parallel_loop3A_1292 : i32
        %parallel_loop3A_1294 = arith.cmpi ne, %parallel_loop3A_1286, %parallel_loop3A_1293 : i32
        %parallel_loop3A_1295 = arith.remsi %parallel_loop3A_1277, %parallel_loop3A_1278 : i32
        %parallel_loop3A_1296 = arith.constant 0 : i32
        %parallel_loop3A_1297 = arith.cmpi ne, %parallel_loop3A_1295, %parallel_loop3A_1296 : i32
        %parallel_loop3A_1298 = arith.andi %parallel_loop3A_1294, %parallel_loop3A_1297 : i1
        %parallel_loop3A_1299 = arith.constant 1 : i32
        %parallel_loop3A_1300 = arith.subi %parallel_loop3A_1279, %parallel_loop3A_1299 : i32
        %parallel_loop3A_1301 = arith.select %parallel_loop3A_1298, %parallel_loop3A_1300, %parallel_loop3A_1279 : i32
        %parallel_loop3A_1302 = arith.constant 16 : i32
        %parallel_loop3A_1303 = arith.muli %parallel_loop3A_1301, %parallel_loop3A_1302 : i32
        %parallel_loop3A_1304 = arith.constant 0 : i32
        %parallel_loop3A_1305 = arith.index_cast %select_n3A_680 : i32 to index
        %parallel_loop3A_1306 = arith.index_cast %parallel_loop3A_1304 : i32 to index
        %parallel_loop3A_1307 = arith.index_cast %parallel_loop3A_1303 : i32 to index
        %parallel_loop3A_1308 = tpu.vector_load %arg9[%parallel_loop3A_1305, %parallel_loop3A_1306, %parallel_loop3A_1307] {strides = array<i32>} : memref<3x5x80xf32, #tpu.memory_space<vmem>>, vector<1x1x16xf32>,
        %parallel_loop3A_1309 = vector.shape_cast %parallel_loop3A_1308 : vector<1x1x16xf32> to vector<16xf32>
        %parallel_loop3A_1310 = arith.constant 16 : i32
        %parallel_loop3A_1311 = arith.constant 0 : i32
        %parallel_loop3A_1312 = arith.cmpi eq, %parallel_loop3A_1310, %parallel_loop3A_1311 : i32
        %parallel_loop3A_1313 = arith.constant 1 : i32
        %parallel_loop3A_1314 = arith.select %parallel_loop3A_1312, %parallel_loop3A_1313, %parallel_loop3A_1310 : i32
        %parallel_loop3A_1315 = arith.remsi %parallel_loop3A_1277, %parallel_loop3A_1314 : i32
        %parallel_loop3A_1316 = arith.constant 0 : i32
        %parallel_loop3A_1317 = arith.cmpi ne, %parallel_loop3A_1315, %parallel_loop3A_1316 : i32
        %parallel_loop3A_1318 = arith.constant 0 : i32
        %parallel_loop3A_1319 = arith.cmpi slt, %parallel_loop3A_1315, %parallel_loop3A_1318 : i32
        %parallel_loop3A_1320 = arith.constant 0 : i32
        %parallel_loop3A_1321 = arith.cmpi slt, %parallel_loop3A_1314, %parallel_loop3A_1320 : i32
        %parallel_loop3A_1322 = arith.xori %parallel_loop3A_1319, %parallel_loop3A_1321 : i1
        %parallel_loop3A_1323 = arith.andi %parallel_loop3A_1322, %parallel_loop3A_1317 : i1
        %parallel_loop3A_1324 = arith.addi %parallel_loop3A_1315, %parallel_loop3A_1314 : i32
        %parallel_loop3A_1325 = arith.select %parallel_loop3A_1323, %parallel_loop3A_1324, %parallel_loop3A_1315 : i32
        %parallel_loop3A_1326 = vector.broadcast %parallel_loop3A_1325 : i32 to vector<16xi32>
        %parallel_loop3A_1327 = arith.constant 0 : i32
        %parallel_loop3A_1328 = vector.broadcast %parallel_loop3A_1327 : i32 to vector<16xi32>
        %parallel_loop3A_1329 = arith.cmpi slt, %parallel_loop3A_1326, %parallel_loop3A_1328 : vector<16xi32>
        %parallel_loop3A_1330 = arith.constant 16 : i32
        %parallel_loop3A_1331 = vector.broadcast %parallel_loop3A_1330 : i32 to vector<16xi32>
        %parallel_loop3A_1332 = arith.addi %parallel_loop3A_1326, %parallel_loop3A_1331 : vector<16xi32>
        %parallel_loop3A_1333 = arith.select %parallel_loop3A_1329, %parallel_loop3A_1332, %parallel_loop3A_1326 : vector<16xi1>, vector<16xi32>
        %parallel_loop3A_1334 = vector.shape_cast %parallel_loop3A_1333 : vector<16xi32> to vector<16x1xi32>
        %parallel_loop3A_1335 = vector.shape_cast %parallel_loop3A_1334 : vector<16x1xi32> to vector<16xi32>
        %parallel_loop3A_1336 = tpu.dynamic_gather %parallel_loop3A_1309[%parallel_loop3A_1335] in [0] : vector<16xf32>, vector<16xi32> -> vector<16xf32>
        %parallel_loop3A_1337 = arith.index_cast %select_n3A_664 : i32 to index
        %parallel_loop3A_1338 = arith.index_cast %parallel_loop3A_1277 : i32 to index
        %parallel_loop3A_1339 = arith.constant 0 : index
        %parallel_loop3A_1340 = tpu.vector_load %arg10[%parallel_loop3A_1337, %parallel_loop3A_1338, %parallel_loop3A_1339] {strides = array<i32>} : memref<3x80x128xf32, #tpu.memory_space<vmem>>, vector<1x1x16xf32>,
        %parallel_loop3A_1341 = vector.shape_cast %parallel_loop3A_1340 : vector<1x1x16xf32> to vector<16xf32>
        %parallel_loop3A_1342 = arith.mulf %parallel_loop3A_1341, %parallel_loop3A_1336 : vector<16xf32>
        %parallel_loop3A_1343 = arith.index_cast %select_n3A_664 : i32 to index
        %parallel_loop3A_1344 = arith.index_cast %parallel_loop3A_1277 : i32 to index
        %parallel_loop3A_1345 = arith.constant 0 : index
        %parallel_loop3A_1346 = tpu.vector_load %arg10[%parallel_loop3A_1343, %parallel_loop3A_1344, %parallel_loop3A_1345] {strides = array<i32>} : memref<3x80x128xf32, #tpu.memory_space<vmem>>, vector<1x1x16xf32>,
        %parallel_loop3A_1347 = vector.shape_cast %parallel_loop3A_1346 : vector<1x1x16xf32> to vector<16xf32>
        %parallel_loop3A_1348 = vector.shape_cast %parallel_loop3A_1342 : vector<16xf32> to vector<1x1x16xf32>
        tpu.vector_store %arg10[%parallel_loop3A_1343, %parallel_loop3A_1344, %parallel_loop3A_1345], %parallel_loop3A_1348 {strides = array<i32>} : memref<3x80x128xf32, #tpu.memory_space<vmem>>, vector<1x1x16xf32>,
        %parallel_loop3A_1349 = arith.index_cast %select_n3A_664 : i32 to index
        %parallel_loop3A_1350 = arith.index_cast %parallel_loop3A_1277 : i32 to index
        %parallel_loop3A_1351 = arith.constant 16 : index
        %parallel_loop3A_1352 = tpu.vector_load %arg10[%parallel_loop3A_1349, %parallel_loop3A_1350, %parallel_loop3A_1351] {strides = array<i32>} : memref<3x80x128xf32, #tpu.memory_space<vmem>>, vector<1x1x16xf32>,
        %parallel_loop3A_1353 = vector.shape_cast %parallel_loop3A_1352 : vector<1x1x16xf32> to vector<16xf32>
        %parallel_loop3A_1354 = arith.mulf %parallel_loop3A_1353, %parallel_loop3A_1336 : vector<16xf32>
        %parallel_loop3A_1355 = arith.index_cast %select_n3A_664 : i32 to index
        %parallel_loop3A_1356 = arith.index_cast %parallel_loop3A_1277 : i32 to index
        %parallel_loop3A_1357 = arith.constant 16 : index
        %parallel_loop3A_1358 = tpu.vector_load %arg10[%parallel_loop3A_1355, %parallel_loop3A_1356, %parallel_loop3A_1357] {strides = array<i32>} : memref<3x80x128xf32, #tpu.memory_space<vmem>>, vector<1x1x16xf32>,
        %parallel_loop3A_1359 = vector.shape_cast %parallel_loop3A_1358 : vector<1x1x16xf32> to vector<16xf32>
        %parallel_loop3A_1360 = vector.shape_cast %parallel_loop3A_1354 : vector<16xf32> to vector<1x1x16xf32>
        tpu.vector_store %arg10[%parallel_loop3A_1355, %parallel_loop3A_1356, %parallel_loop3A_1357], %parallel_loop3A_1360 {strides = array<i32>} : memref<3x80x128xf32, #tpu.memory_space<vmem>>, vector<1x1x16xf32>,
        %parallel_loop3A_1361 = arith.index_cast %select_n3A_664 : i32 to index
        %parallel_loop3A_1362 = arith.index_cast %parallel_loop3A_1277 : i32 to index
        %parallel_loop3A_1363 = arith.constant 32 : index
        %parallel_loop3A_1364 = tpu.vector_load %arg10[%parallel_loop3A_1361, %parallel_loop3A_1362, %parallel_loop3A_1363] {strides = array<i32>} : memref<3x80x128xf32, #tpu.memory_space<vmem>>, vector<1x1x16xf32>,
        %parallel_loop3A_1365 = vector.shape_cast %parallel_loop3A_1364 : vector<1x1x16xf32> to vector<16xf32>
        %parallel_loop3A_1366 = arith.mulf %parallel_loop3A_1365, %parallel_loop3A_1336 : vector<16xf32>
        %parallel_loop3A_1367 = arith.index_cast %select_n3A_664 : i32 to index
        %parallel_loop3A_1368 = arith.index_cast %parallel_loop3A_1277 : i32 to index
        %parallel_loop3A_1369 = arith.constant 32 : index
        %parallel_loop3A_1370 = tpu.vector_load %arg10[%parallel_loop3A_1367, %parallel_loop3A_1368, %parallel_loop3A_1369] {strides = array<i32>} : memref<3x80x128xf32, #tpu.memory_space<vmem>>, vector<1x1x16xf32>,
        %parallel_loop3A_1371 = vector.shape_cast %parallel_loop3A_1370 : vector<1x1x16xf32> to vector<16xf32>
        %parallel_loop3A_1372 = vector.shape_cast %parallel_loop3A_1366 : vector<16xf32> to vector<1x1x16xf32>
        tpu.vector_store %arg10[%parallel_loop3A_1367, %parallel_loop3A_1368, %parallel_loop3A_1369], %parallel_loop3A_1372 {strides = array<i32>} : memref<3x80x128xf32, #tpu.memory_space<vmem>>, vector<1x1x16xf32>,
        %parallel_loop3A_1373 = arith.index_cast %select_n3A_664 : i32 to index
        %parallel_loop3A_1374 = arith.index_cast %parallel_loop3A_1277 : i32 to index
        %parallel_loop3A_1375 = arith.constant 48 : index
        %parallel_loop3A_1376 = tpu.vector_load %arg10[%parallel_loop3A_1373, %parallel_loop3A_1374, %parallel_loop3A_1375] {strides = array<i32>} : memref<3x80x128xf32, #tpu.memory_space<vmem>>, vector<1x1x16xf32>,
        %parallel_loop3A_1377 = vector.shape_cast %parallel_loop3A_1376 : vector<1x1x16xf32> to vector<16xf32>
        %parallel_loop3A_1378 = arith.mulf %parallel_loop3A_1377, %parallel_loop3A_1336 : vector<16xf32>
        %parallel_loop3A_1379 = arith.index_cast %select_n3A_664 : i32 to index
        %parallel_loop3A_1380 = arith.index_cast %parallel_loop3A_1277 : i32 to index
        %parallel_loop3A_1381 = arith.constant 48 : index
        %parallel_loop3A_1382 = tpu.vector_load %arg10[%parallel_loop3A_1379, %parallel_loop3A_1380, %parallel_loop3A_1381] {strides = array<i32>} : memref<3x80x128xf32, #tpu.memory_space<vmem>>, vector<1x1x16xf32>,
        %parallel_loop3A_1383 = vector.shape_cast %parallel_loop3A_1382 : vector<1x1x16xf32> to vector<16xf32>
        %parallel_loop3A_1384 = vector.shape_cast %parallel_loop3A_1378 : vector<16xf32> to vector<1x1x16xf32>
        tpu.vector_store %arg10[%parallel_loop3A_1379, %parallel_loop3A_1380, %parallel_loop3A_1381], %parallel_loop3A_1384 {strides = array<i32>} : memref<3x80x128xf32, #tpu.memory_space<vmem>>, vector<1x1x16xf32>,
        %parallel_loop3A_1385 = arith.index_cast %select_n3A_664 : i32 to index
        %parallel_loop3A_1386 = arith.index_cast %parallel_loop3A_1277 : i32 to index
        %parallel_loop3A_1387 = arith.constant 64 : index
        %parallel_loop3A_1388 = tpu.vector_load %arg10[%parallel_loop3A_1385, %parallel_loop3A_1386, %parallel_loop3A_1387] {strides = array<i32>} : memref<3x80x128xf32, #tpu.memory_space<vmem>>, vector<1x1x16xf32>,
        %parallel_loop3A_1389 = vector.shape_cast %parallel_loop3A_1388 : vector<1x1x16xf32> to vector<16xf32>
        %parallel_loop3A_1390 = arith.mulf %parallel_loop3A_1389, %parallel_loop3A_1336 : vector<16xf32>
        %parallel_loop3A_1391 = arith.index_cast %select_n3A_664 : i32 to index
        %parallel_loop3A_1392 = arith.index_cast %parallel_loop3A_1277 : i32 to index
        %parallel_loop3A_1393 = arith.constant 64 : index
        %parallel_loop3A_1394 = tpu.vector_load %arg10[%parallel_loop3A_1391, %parallel_loop3A_1392, %parallel_loop3A_1393] {strides = array<i32>} : memref<3x80x128xf32, #tpu.memory_space<vmem>>, vector<1x1x16xf32>,
        %parallel_loop3A_1395 = vector.shape_cast %parallel_loop3A_1394 : vector<1x1x16xf32> to vector<16xf32>
        %parallel_loop3A_1396 = vector.shape_cast %parallel_loop3A_1390 : vector<16xf32> to vector<1x1x16xf32>
        tpu.vector_store %arg10[%parallel_loop3A_1391, %parallel_loop3A_1392, %parallel_loop3A_1393], %parallel_loop3A_1396 {strides = array<i32>} : memref<3x80x128xf32, #tpu.memory_space<vmem>>, vector<1x1x16xf32>,
        %parallel_loop3A_1397 = arith.index_cast %select_n3A_664 : i32 to index
        %parallel_loop3A_1398 = arith.index_cast %parallel_loop3A_1277 : i32 to index
        %parallel_loop3A_1399 = arith.constant 80 : index
        %parallel_loop3A_1400 = tpu.vector_load %arg10[%parallel_loop3A_1397, %parallel_loop3A_1398, %parallel_loop3A_1399] {strides = array<i32>} : memref<3x80x128xf32, #tpu.memory_space<vmem>>, vector<1x1x16xf32>,
        %parallel_loop3A_1401 = vector.shape_cast %parallel_loop3A_1400 : vector<1x1x16xf32> to vector<16xf32>
        %parallel_loop3A_1402 = arith.mulf %parallel_loop3A_1401, %parallel_loop3A_1336 : vector<16xf32>
        %parallel_loop3A_1403 = arith.index_cast %select_n3A_664 : i32 to index
        %parallel_loop3A_1404 = arith.index_cast %parallel_loop3A_1277 : i32 to index
        %parallel_loop3A_1405 = arith.constant 80 : index
        %parallel_loop3A_1406 = tpu.vector_load %arg10[%parallel_loop3A_1403, %parallel_loop3A_1404, %parallel_loop3A_1405] {strides = array<i32>} : memref<3x80x128xf32, #tpu.memory_space<vmem>>, vector<1x1x16xf32>,
        %parallel_loop3A_1407 = vector.shape_cast %parallel_loop3A_1406 : vector<1x1x16xf32> to vector<16xf32>
        %parallel_loop3A_1408 = vector.shape_cast %parallel_loop3A_1402 : vector<16xf32> to vector<1x1x16xf32>
        tpu.vector_store %arg10[%parallel_loop3A_1403, %parallel_loop3A_1404, %parallel_loop3A_1405], %parallel_loop3A_1408 {strides = array<i32>} : memref<3x80x128xf32, #tpu.memory_space<vmem>>, vector<1x1x16xf32>,
        %parallel_loop3A_1409 = arith.index_cast %select_n3A_664 : i32 to index
        %parallel_loop3A_1410 = arith.index_cast %parallel_loop3A_1277 : i32 to index
        %parallel_loop3A_1411 = arith.constant 96 : index
        %parallel_loop3A_1412 = tpu.vector_load %arg10[%parallel_loop3A_1409, %parallel_loop3A_1410, %parallel_loop3A_1411] {strides = array<i32>} : memref<3x80x128xf32, #tpu.memory_space<vmem>>, vector<1x1x16xf32>,
        %parallel_loop3A_1413 = vector.shape_cast %parallel_loop3A_1412 : vector<1x1x16xf32> to vector<16xf32>
        %parallel_loop3A_1414 = arith.mulf %parallel_loop3A_1413, %parallel_loop3A_1336 : vector<16xf32>
        %parallel_loop3A_1415 = arith.index_cast %select_n3A_664 : i32 to index
        %parallel_loop3A_1416 = arith.index_cast %parallel_loop3A_1277 : i32 to index
        %parallel_loop3A_1417 = arith.constant 96 : index
        %parallel_loop3A_1418 = tpu.vector_load %arg10[%parallel_loop3A_1415, %parallel_loop3A_1416, %parallel_loop3A_1417] {strides = array<i32>} : memref<3x80x128xf32, #tpu.memory_space<vmem>>, vector<1x1x16xf32>,
        %parallel_loop3A_1419 = vector.shape_cast %parallel_loop3A_1418 : vector<1x1x16xf32> to vector<16xf32>
        %parallel_loop3A_1420 = vector.shape_cast %parallel_loop3A_1414 : vector<16xf32> to vector<1x1x16xf32>
        tpu.vector_store %arg10[%parallel_loop3A_1415, %parallel_loop3A_1416, %parallel_loop3A_1417], %parallel_loop3A_1420 {strides = array<i32>} : memref<3x80x128xf32, #tpu.memory_space<vmem>>, vector<1x1x16xf32>,
        %parallel_loop3A_1421 = arith.index_cast %select_n3A_664 : i32 to index
        %parallel_loop3A_1422 = arith.index_cast %parallel_loop3A_1277 : i32 to index
        %parallel_loop3A_1423 = arith.constant 112 : index
        %parallel_loop3A_1424 = tpu.vector_load %arg10[%parallel_loop3A_1421, %parallel_loop3A_1422, %parallel_loop3A_1423] {strides = array<i32>} : memref<3x80x128xf32, #tpu.memory_space<vmem>>, vector<1x1x16xf32>,
        %parallel_loop3A_1425 = vector.shape_cast %parallel_loop3A_1424 : vector<1x1x16xf32> to vector<16xf32>
        %parallel_loop3A_1426 = arith.mulf %parallel_loop3A_1425, %parallel_loop3A_1336 : vector<16xf32>
        %parallel_loop3A_1427 = arith.index_cast %select_n3A_664 : i32 to index
        %parallel_loop3A_1428 = arith.index_cast %parallel_loop3A_1277 : i32 to index
        %parallel_loop3A_1429 = arith.constant 112 : index
        %parallel_loop3A_1430 = tpu.vector_load %arg10[%parallel_loop3A_1427, %parallel_loop3A_1428, %parallel_loop3A_1429] {strides = array<i32>} : memref<3x80x128xf32, #tpu.memory_space<vmem>>, vector<1x1x16xf32>,
        %parallel_loop3A_1431 = vector.shape_cast %parallel_loop3A_1430 : vector<1x1x16xf32> to vector<16xf32>
        %parallel_loop3A_1432 = vector.shape_cast %parallel_loop3A_1426 : vector<16xf32> to vector<1x1x16xf32>
        tpu.vector_store %arg10[%parallel_loop3A_1427, %parallel_loop3A_1428, %parallel_loop3A_1429], %parallel_loop3A_1432 {strides = array<i32>} : memref<3x80x128xf32, #tpu.memory_space<vmem>>, vector<1x1x16xf32>,
      } {sc.loop_unroll_factor = 8 : i64, sc.parallel_access}
      %dma_start3A_755 = arith.constant 0 : i32
      %dma_start3A_756 = arith.constant 0 : i32
      %dma_start3A_757 = arith.constant 0 : i32
      %dma_start3A_758 = tpu.memref_slice %arg10[%select_n3A_664, %dma_start3A_756, %dma_start3A_757] : memref<3x80x128xf32, #tpu.memory_space<vmem>> -> memref<1x80x128xf32, #tpu.memory_space<vmem>>
      %dma_start3A_759 = tpu.memref_squeeze %dma_start3A_758 : memref<1x80x128xf32, #tpu.memory_space<vmem>> -> memref<80x128xf32, #tpu.memory_space<vmem>>
      %dma_start3A_760 = arith.constant 0 : i32
      %dma_start3A_761 = tpu.memref_slice %arg8[%select_n3A_680, %dma_start3A_755, %dma_start3A_760] : memref<3x5x80xi32, #tpu.memory_space<vmem>> -> memref<1x1x80xi32, #tpu.memory_space<vmem>>
      %dma_start3A_762 = tpu.memref_squeeze %dma_start3A_761 : memref<1x1x80xi32, #tpu.memory_space<vmem>> -> memref<80xi32, #tpu.memory_space<vmem>>
      %dma_start3A_763 = arith.constant 0 : i32
      %dma_start3A_764 = arith.constant 0 : i32
      %dma_start3A_765 = tpu.memref_slice %arg11[%dma_start3A_763, %dma_start3A_764] : memref<10000x128xf32, #tpu.memory_space<vmem_shared>> -> memref<10000x128xf32, #tpu.memory_space<vmem_shared>>
      %dma_start3A_766 = tpu.memref_slice %arg14[%select_n3A_664] : memref<3x!tpu.dma_semaphore, #tpu.memory_space<semaphore_mem>> -> memref<1x!tpu.dma_semaphore, #tpu.memory_space<semaphore_mem>>
      %dma_start3A_767 = tpu.memref_squeeze %dma_start3A_766 : memref<1x!tpu.dma_semaphore, #tpu.memory_space<semaphore_mem>> -> memref<!tpu.dma_semaphore, #tpu.memory_space<semaphore_mem>>
      tpu.enqueue_indirect_dma source(%dma_start3A_759 : memref<80x128xf32, #tpu.memory_space<vmem>>) target(%dma_start3A_765 : memref<10000x128xf32, #tpu.memory_space<vmem_shared>>) offsets(%dma_start3A_762 : memref<80xi32, #tpu.memory_space<vmem>>) semaphore(%dma_start3A_767 : memref<!tpu.dma_semaphore, #tpu.memory_space<semaphore_mem>>) {add = true}
      %mul3A_768 = arith.constant 5 : i32
      %mul3A_769 = arith.muli %scan3A_634, %mul3A_768 : i32
      %add3A_770 = arith.constant 1 : i32
      %add3A_771 = arith.addi %mul3A_769, %add3A_770 : i32
      %jit3A_772 = arith.constant 3 : i32
      %eq3A_773 = arith.constant 0 : i32
      %eq3A_774 = arith.cmpi eq, %jit3A_772, %eq3A_773 : i32
      %jit3A_775 = arith.constant 1 : i32
      %select_n3A_776 = arith.select %eq3A_774, %jit3A_775, %jit3A_772 : i32
      %rem3A_777 = arith.remsi %add3A_771, %select_n3A_776 : i32
      %ne3A_778 = arith.constant 0 : i32
      %ne3A_779 = arith.cmpi ne, %rem3A_777, %ne3A_778 : i32
      %lt3A_780 = arith.constant 0 : i32
      %lt3A_781 = arith.cmpi slt, %rem3A_777, %lt3A_780 : i32
      %lt3A_782 = arith.constant 0 : i32
      %lt3A_783 = arith.cmpi slt, %select_n3A_776, %lt3A_782 : i32
      %ne3A_784 = arith.xori %lt3A_781, %lt3A_783 : i1
      %and3A_785 = arith.andi %ne3A_784, %ne3A_779 : i1
      %add3A_786 = arith.addi %rem3A_777, %select_n3A_776 : i32
      %select_n3A_787 = arith.select %and3A_785, %add3A_786, %rem3A_777 : i32
      %jit3A_788 = arith.constant 3 : i32
      %eq3A_789 = arith.constant 0 : i32
      %eq3A_790 = arith.cmpi eq, %jit3A_788, %eq3A_789 : i32
      %jit3A_791 = arith.constant 1 : i32
      %select_n3A_792 = arith.select %eq3A_790, %jit3A_791, %jit3A_788 : i32
      %rem3A_793 = arith.remsi %scan3A_634, %select_n3A_792 : i32
      %ne3A_794 = arith.constant 0 : i32
      %ne3A_795 = arith.cmpi ne, %rem3A_793, %ne3A_794 : i32
      %lt3A_796 = arith.constant 0 : i32
      %lt3A_797 = arith.cmpi slt, %rem3A_793, %lt3A_796 : i32
      %lt3A_798 = arith.constant 0 : i32
      %lt3A_799 = arith.cmpi slt, %select_n3A_792, %lt3A_798 : i32
      %ne3A_800 = arith.xori %lt3A_797, %lt3A_799 : i1
      %and3A_801 = arith.andi %ne3A_800, %ne3A_795 : i1
      %add3A_802 = arith.addi %rem3A_793, %select_n3A_792 : i32
      %select_n3A_803 = arith.select %and3A_801, %add3A_802, %rem3A_793 : i32
      %jit3A_804 = arith.constant 5 : i32
      %div3A_805 = arith.divsi %add3A_771, %jit3A_804 : i32
      %sign3A_806 = arith.constant 0 : i32
      %sign3A_807 = arith.cmpi sgt, %add3A_771, %sign3A_806 : i32
      %sign3A_808 = arith.extui %sign3A_807 : i1 to i32
      %sign3A_809 = arith.constant 0 : i32
      %sign3A_810 = arith.cmpi slt, %add3A_771, %sign3A_809 : i32
      %sign3A_811 = arith.extui %sign3A_810 : i1 to i32
      %sign3A_812 = arith.subi %sign3A_808, %sign3A_811 : i32
      %sign3A_813 = arith.constant 0 : i32
      %sign3A_814 = arith.cmpi sgt, %jit3A_804, %sign3A_813 : i32
      %sign3A_815 = arith.extui %sign3A_814 : i1 to i32
      %sign3A_816 = arith.constant 0 : i32
      %sign3A_817 = arith.cmpi slt, %jit3A_804, %sign3A_816 : i32
      %sign3A_818 = arith.extui %sign3A_817 : i1 to i32
      %sign3A_819 = arith.subi %sign3A_815, %sign3A_818 : i32
      %ne3A_820 = arith.cmpi ne, %sign3A_812, %sign3A_819 : i32
      %rem3A_821 = arith.remsi %add3A_771, %jit3A_804 : i32
      %ne3A_822 = arith.constant 0 : i32
      %ne3A_823 = arith.cmpi ne, %rem3A_821, %ne3A_822 : i32
      %and3A_824 = arith.andi %ne3A_820, %ne3A_823 : i1
      %sub3A_825 = arith.constant 1 : i32
      %sub3A_826 = arith.subi %div3A_805, %sub3A_825 : i32
      %select_n3A_827 = arith.select %and3A_824, %sub3A_826, %div3A_805 : i32
      %jit3A_828 = arith.constant 3 : i32
      %eq3A_829 = arith.constant 0 : i32
      %eq3A_830 = arith.cmpi eq, %jit3A_828, %eq3A_829 : i32
      %jit3A_831 = arith.constant 1 : i32
      %select_n3A_832 = arith.select %eq3A_830, %jit3A_831, %jit3A_828 : i32
      %rem3A_833 = arith.remsi %select_n3A_827, %select_n3A_832 : i32
      %ne3A_834 = arith.constant 0 : i32
      %ne3A_835 = arith.cmpi ne, %rem3A_833, %ne3A_834 : i32
      %lt3A_836 = arith.constant 0 : i32
      %lt3A_837 = arith.cmpi slt, %rem3A_833, %lt3A_836 : i32
      %lt3A_838 = arith.constant 0 : i32
      %lt3A_839 = arith.cmpi slt, %select_n3A_832, %lt3A_838 : i32
      %ne3A_840 = arith.xori %lt3A_837, %lt3A_839 : i1
      %and3A_841 = arith.andi %ne3A_840, %ne3A_835 : i1
      %add3A_842 = arith.addi %rem3A_833, %select_n3A_832 : i32
      %select_n3A_843 = arith.select %and3A_841, %add3A_842, %rem3A_833 : i32
      %jit3A_844 = arith.constant 5 : i32
      %eq3A_845 = arith.constant 0 : i32
      %eq3A_846 = arith.cmpi eq, %jit3A_844, %eq3A_845 : i32
      %jit3A_847 = arith.constant 1 : i32
      %select_n3A_848 = arith.select %eq3A_846, %jit3A_847, %jit3A_844 : i32
      %rem3A_849 = arith.remsi %add3A_771, %select_n3A_848 : i32
      %ne3A_850 = arith.constant 0 : i32
      %ne3A_851 = arith.cmpi ne, %rem3A_849, %ne3A_850 : i32
      %lt3A_852 = arith.constant 0 : i32
      %lt3A_853 = arith.cmpi slt, %rem3A_849, %lt3A_852 : i32
      %lt3A_854 = arith.constant 0 : i32
      %lt3A_855 = arith.cmpi slt, %select_n3A_848, %lt3A_854 : i32
      %ne3A_856 = arith.xori %lt3A_853, %lt3A_855 : i1
      %and3A_857 = arith.andi %ne3A_856, %ne3A_851 : i1
      %add3A_858 = arith.addi %rem3A_849, %select_n3A_848 : i32
      %select_n3A_859 = arith.select %and3A_857, %add3A_858, %rem3A_849 : i32
      %dma_wait3A_860 = arith.constant 0 : i32
      %dma_wait3A_861 = arith.constant 0 : i32
      %dma_wait3A_862 = tpu.memref_slice %arg10[%select_n3A_787, %dma_wait3A_860, %dma_wait3A_861] : memref<3x80x128xf32, #tpu.memory_space<vmem>> -> memref<1x80x128xf32, #tpu.memory_space<vmem>>
      %dma_wait3A_863 = tpu.memref_squeeze %dma_wait3A_862 : memref<1x80x128xf32, #tpu.memory_space<vmem>> -> memref<80x128xf32, #tpu.memory_space<vmem>>
      %dma_wait3A_864 = arith.constant 0 : i32
      %dma_wait3A_865 = tpu.memref_slice %arg7[%select_n3A_843, %select_n3A_859, %dma_wait3A_864] : memref<3x5x80xi32, #tpu.memory_space<vmem>> -> memref<1x1x80xi32, #tpu.memory_space<vmem>>
      %dma_wait3A_866 = tpu.memref_squeeze %dma_wait3A_865 : memref<1x1x80xi32, #tpu.memory_space<vmem>> -> memref<80xi32, #tpu.memory_space<vmem>>
      %dma_wait3A_867 = arith.constant 0 : i32
      %dma_wait3A_868 = arith.constant 0 : i32
      %dma_wait3A_869 = tpu.memref_slice %arg5[%dma_wait3A_867, %dma_wait3A_868] : memref<10000x128xf32, #tpu.memory_space<hbm>> -> memref<10000x128xf32, #tpu.memory_space<hbm>>
      %dma_wait3A_870 = tpu.memref_slice %arg13[%select_n3A_787] : memref<3x!tpu.dma_semaphore, #tpu.memory_space<semaphore_mem>> -> memref<1x!tpu.dma_semaphore, #tpu.memory_space<semaphore_mem>>
      %dma_wait3A_871 = tpu.memref_squeeze %dma_wait3A_870 : memref<1x!tpu.dma_semaphore, #tpu.memory_space<semaphore_mem>> -> memref<!tpu.dma_semaphore, #tpu.memory_space<semaphore_mem>>
      tpu.wait_indirect_dma semaphore(%dma_wait3A_871 : memref<!tpu.dma_semaphore, #tpu.memory_space<semaphore_mem>>) src(%dma_wait3A_869 : memref<10000x128xf32, #tpu.memory_space<hbm>>) dst(%dma_wait3A_863 : memref<80x128xf32, #tpu.memory_space<vmem>>)
      %add3A_872 = arith.constant 2 : i32
      %add3A_873 = arith.addi %add3A_771, %add3A_872 : i32
      %lt3A_874 = arith.constant 125 : i32
      %lt3A_875 = arith.cmpi slt, %add3A_873, %lt3A_874 : i32
      %convert_element_type3A_876 = arith.extui %lt3A_875 : i1 to i32
      %cond3A_877 = arith.constant 0 : i32
      %cond3A_878 = arith.cmpi ne, %convert_element_type3A_876, %cond3A_877 : i32
      scf.if %cond3A_878 {
        %add3A_1277 = arith.constant 2 : i32
        %add3A_1278 = arith.addi %add3A_771, %add3A_1277 : i32
        %jit3A_1279 = arith.constant 3 : i32
        %eq3A_1280 = arith.constant 0 : i32
        %eq3A_1281 = arith.cmpi eq, %jit3A_1279, %eq3A_1280 : i32
        %jit3A_1282 = arith.constant 1 : i32
        %select_n3A_1283 = arith.select %eq3A_1281, %jit3A_1282, %jit3A_1279 : i32
        %rem3A_1284 = arith.remsi %add3A_1278, %select_n3A_1283 : i32
        %ne3A_1285 = arith.constant 0 : i32
        %ne3A_1286 = arith.cmpi ne, %rem3A_1284, %ne3A_1285 : i32
        %lt3A_1287 = arith.constant 0 : i32
        %lt3A_1288 = arith.cmpi slt, %rem3A_1284, %lt3A_1287 : i32
        %lt3A_1289 = arith.constant 0 : i32
        %lt3A_1290 = arith.cmpi slt, %select_n3A_1283, %lt3A_1289 : i32
        %ne3A_1291 = arith.xori %lt3A_1288, %lt3A_1290 : i1
        %and3A_1292 = arith.andi %ne3A_1291, %ne3A_1286 : i1
        %add3A_1293 = arith.addi %rem3A_1284, %select_n3A_1283 : i32
        %select_n3A_1294 = arith.select %and3A_1292, %add3A_1293, %rem3A_1284 : i32
        %ge3A = arith.constant 1 : i32
        %ge3A_1295 = arith.cmpi sge, %add3A_771, %ge3A : i32
        %convert_element_type3A_1296 = arith.extui %ge3A_1295 : i1 to i32
        %cond3A_1297 = arith.constant 0 : i32
        %cond3A_1298 = arith.cmpi ne, %convert_element_type3A_1296, %cond3A_1297 : i32
        scf.if %cond3A_1298 {
          %dma_wait3A_1369 = arith.constant 1 : i32
          %dma_wait3A_1370 = arith.constant 0 : i32
          %dma_wait3A_1371 = arith.constant 0 : i32
          %dma_wait3A_1372 = tpu.memref_slice %arg10[%select_n3A_1294, %dma_wait3A_1370, %dma_wait3A_1371] : memref<3x80x128xf32, #tpu.memory_space<vmem>> -> memref<1x80x128xf32, #tpu.memory_space<vmem>>
          %dma_wait3A_1373 = tpu.memref_squeeze %dma_wait3A_1372 : memref<1x80x128xf32, #tpu.memory_space<vmem>> -> memref<80x128xf32, #tpu.memory_space<vmem>>
          %dma_wait3A_1374 = arith.constant 0 : i32
          %dma_wait3A_1375 = tpu.memref_slice %arg8[%select_n3A_803, %dma_wait3A_1369, %dma_wait3A_1374] : memref<3x5x80xi32, #tpu.memory_space<vmem>> -> memref<1x1x80xi32, #tpu.memory_space<vmem>>
          %dma_wait3A_1376 = tpu.memref_squeeze %dma_wait3A_1375 : memref<1x1x80xi32, #tpu.memory_space<vmem>> -> memref<80xi32, #tpu.memory_space<vmem>>
          %dma_wait3A_1377 = arith.constant 0 : i32
          %dma_wait3A_1378 = arith.constant 0 : i32
          %dma_wait3A_1379 = tpu.memref_slice %arg11[%dma_wait3A_1377, %dma_wait3A_1378] : memref<10000x128xf32, #tpu.memory_space<vmem_shared>> -> memref<10000x128xf32, #tpu.memory_space<vmem_shared>>
          %dma_wait3A_1380 = tpu.memref_slice %arg14[%select_n3A_1294] : memref<3x!tpu.dma_semaphore, #tpu.memory_space<semaphore_mem>> -> memref<1x!tpu.dma_semaphore, #tpu.memory_space<semaphore_mem>>
          %dma_wait3A_1381 = tpu.memref_squeeze %dma_wait3A_1380 : memref<1x!tpu.dma_semaphore, #tpu.memory_space<semaphore_mem>> -> memref<!tpu.dma_semaphore, #tpu.memory_space<semaphore_mem>>
          tpu.wait_indirect_dma semaphore(%dma_wait3A_1381 : memref<!tpu.dma_semaphore, #tpu.memory_space<semaphore_mem>>) src(%dma_wait3A_1373 : memref<80x128xf32, #tpu.memory_space<vmem>>) dst(%dma_wait3A_1379 : memref<10000x128xf32, #tpu.memory_space<vmem_shared>>)
        } else {
        }
        %add3A_1299 = arith.constant 2 : i32
        %add3A_1300 = arith.addi %add3A_771, %add3A_1299 : i32
        %jit3A_1301 = arith.constant 5 : i32
        %div3A_1302 = arith.divsi %add3A_1300, %jit3A_1301 : i32
        %sign3A_1303 = arith.constant 0 : i32
        %sign3A_1304 = arith.cmpi sgt, %add3A_1300, %sign3A_1303 : i32
        %sign3A_1305 = arith.extui %sign3A_1304 : i1 to i32
        %sign3A_1306 = arith.constant 0 : i32
        %sign3A_1307 = arith.cmpi slt, %add3A_1300, %sign3A_1306 : i32
        %sign3A_1308 = arith.extui %sign3A_1307 : i1 to i32
        %sign3A_1309 = arith.subi %sign3A_1305, %sign3A_1308 : i32
        %sign3A_1310 = arith.constant 0 : i32
        %sign3A_1311 = arith.cmpi sgt, %jit3A_1301, %sign3A_1310 : i32
        %sign3A_1312 = arith.extui %sign3A_1311 : i1 to i32
        %sign3A_1313 = arith.constant 0 : i32
        %sign3A_1314 = arith.cmpi slt, %jit3A_1301, %sign3A_1313 : i32
        %sign3A_1315 = arith.extui %sign3A_1314 : i1 to i32
        %sign3A_1316 = arith.subi %sign3A_1312, %sign3A_1315 : i32
        %ne3A_1317 = arith.cmpi ne, %sign3A_1309, %sign3A_1316 : i32
        %rem3A_1318 = arith.remsi %add3A_1300, %jit3A_1301 : i32
        %ne3A_1319 = arith.constant 0 : i32
        %ne3A_1320 = arith.cmpi ne, %rem3A_1318, %ne3A_1319 : i32
        %and3A_1321 = arith.andi %ne3A_1317, %ne3A_1320 : i1
        %sub3A_1322 = arith.constant 1 : i32
        %sub3A_1323 = arith.subi %div3A_1302, %sub3A_1322 : i32
        %select_n3A_1324 = arith.select %and3A_1321, %sub3A_1323, %div3A_1302 : i32
        %jit3A_1325 = arith.constant 3 : i32
        %eq3A_1326 = arith.constant 0 : i32
        %eq3A_1327 = arith.cmpi eq, %jit3A_1325, %eq3A_1326 : i32
        %jit3A_1328 = arith.constant 1 : i32
        %select_n3A_1329 = arith.select %eq3A_1327, %jit3A_1328, %jit3A_1325 : i32
        %rem3A_1330 = arith.remsi %select_n3A_1324, %select_n3A_1329 : i32
        %ne3A_1331 = arith.constant 0 : i32
        %ne3A_1332 = arith.cmpi ne, %rem3A_1330, %ne3A_1331 : i32
        %lt3A_1333 = arith.constant 0 : i32
        %lt3A_1334 = arith.cmpi slt, %rem3A_1330, %lt3A_1333 : i32
        %lt3A_1335 = arith.constant 0 : i32
        %lt3A_1336 = arith.cmpi slt, %select_n3A_1329, %lt3A_1335 : i32
        %ne3A_1337 = arith.xori %lt3A_1334, %lt3A_1336 : i1
        %and3A_1338 = arith.andi %ne3A_1337, %ne3A_1332 : i1
        %add3A_1339 = arith.addi %rem3A_1330, %select_n3A_1329 : i32
        %select_n3A_1340 = arith.select %and3A_1338, %add3A_1339, %rem3A_1330 : i32
        %jit3A_1341 = arith.constant 5 : i32
        %eq3A_1342 = arith.constant 0 : i32
        %eq3A_1343 = arith.cmpi eq, %jit3A_1341, %eq3A_1342 : i32
        %jit3A_1344 = arith.constant 1 : i32
        %select_n3A_1345 = arith.select %eq3A_1343, %jit3A_1344, %jit3A_1341 : i32
        %rem3A_1346 = arith.remsi %add3A_1300, %select_n3A_1345 : i32
        %ne3A_1347 = arith.constant 0 : i32
        %ne3A_1348 = arith.cmpi ne, %rem3A_1346, %ne3A_1347 : i32
        %lt3A_1349 = arith.constant 0 : i32
        %lt3A_1350 = arith.cmpi slt, %rem3A_1346, %lt3A_1349 : i32
        %lt3A_1351 = arith.constant 0 : i32
        %lt3A_1352 = arith.cmpi slt, %select_n3A_1345, %lt3A_1351 : i32
        %ne3A_1353 = arith.xori %lt3A_1350, %lt3A_1352 : i1
        %and3A_1354 = arith.andi %ne3A_1353, %ne3A_1348 : i1
        %add3A_1355 = arith.addi %rem3A_1346, %select_n3A_1345 : i32
        %select_n3A_1356 = arith.select %and3A_1354, %add3A_1355, %rem3A_1346 : i32
        %dma_start3A_1357 = arith.constant 0 : i32
        %dma_start3A_1358 = arith.constant 0 : i32
        %dma_start3A_1359 = tpu.memref_slice %arg10[%select_n3A_1294, %dma_start3A_1357, %dma_start3A_1358] : memref<3x80x128xf32, #tpu.memory_space<vmem>> -> memref<1x80x128xf32, #tpu.memory_space<vmem>>
        %dma_start3A_1360 = tpu.memref_squeeze %dma_start3A_1359 : memref<1x80x128xf32, #tpu.memory_space<vmem>> -> memref<80x128xf32, #tpu.memory_space<vmem>>
        %dma_start3A_1361 = arith.constant 0 : i32
        %dma_start3A_1362 = tpu.memref_slice %arg7[%select_n3A_1340, %select_n3A_1356, %dma_start3A_1361] : memref<3x5x80xi32, #tpu.memory_space<vmem>> -> memref<1x1x80xi32, #tpu.memory_space<vmem>>
        %dma_start3A_1363 = tpu.memref_squeeze %dma_start3A_1362 : memref<1x1x80xi32, #tpu.memory_space<vmem>> -> memref<80xi32, #tpu.memory_space<vmem>>
        %dma_start3A_1364 = arith.constant 0 : i32
        %dma_start3A_1365 = arith.constant 0 : i32
        %dma_start3A_1366 = tpu.memref_slice %arg5[%dma_start3A_1364, %dma_start3A_1365] : memref<10000x128xf32, #tpu.memory_space<hbm>> -> memref<10000x128xf32, #tpu.memory_space<hbm>>
        %dma_start3A_1367 = tpu.memref_slice %arg13[%select_n3A_1294] : memref<3x!tpu.dma_semaphore, #tpu.memory_space<semaphore_mem>> -> memref<1x!tpu.dma_semaphore, #tpu.memory_space<semaphore_mem>>
        %dma_start3A_1368 = tpu.memref_squeeze %dma_start3A_1367 : memref<1x!tpu.dma_semaphore, #tpu.memory_space<semaphore_mem>> -> memref<!tpu.dma_semaphore, #tpu.memory_space<semaphore_mem>>
        tpu.enqueue_indirect_dma source(%dma_start3A_1366 : memref<10000x128xf32, #tpu.memory_space<hbm>>) target(%dma_start3A_1360 : memref<80x128xf32, #tpu.memory_space<vmem>>) offsets(%dma_start3A_1363 : memref<80xi32, #tpu.memory_space<vmem>>) semaphore(%dma_start3A_1368 : memref<!tpu.dma_semaphore, #tpu.memory_space<semaphore_mem>>)
      } else {
      }
      %parallel_loop3A_879 = arith.constant 0 : i32
      %parallel_loop3A_880 = arith.constant 80 : i32
      %parallel_loop3A_881 = arith.constant 1 : i32
      scf.for %parallel_loop3A_1277 = %parallel_loop3A_879 to %parallel_loop3A_880 step %parallel_loop3A_881  : i32 {
        %parallel_loop3A_1278 = arith.constant 16 : i32
        %parallel_loop3A_1279 = arith.divsi %parallel_loop3A_1277, %parallel_loop3A_1278 : i32
        %parallel_loop3A_1280 = arith.constant 0 : i32
        %parallel_loop3A_1281 = arith.cmpi sgt, %parallel_loop3A_1277, %parallel_loop3A_1280 : i32
        %parallel_loop3A_1282 = arith.extui %parallel_loop3A_1281 : i1 to i32
        %parallel_loop3A_1283 = arith.constant 0 : i32
        %parallel_loop3A_1284 = arith.cmpi slt, %parallel_loop3A_1277, %parallel_loop3A_1283 : i32
        %parallel_loop3A_1285 = arith.extui %parallel_loop3A_1284 : i1 to i32
        %parallel_loop3A_1286 = arith.subi %parallel_loop3A_1282, %parallel_loop3A_1285 : i32
        %parallel_loop3A_1287 = arith.constant 0 : i32
        %parallel_loop3A_1288 = arith.cmpi sgt, %parallel_loop3A_1278, %parallel_loop3A_1287 : i32
        %parallel_loop3A_1289 = arith.extui %parallel_loop3A_1288 : i1 to i32
        %parallel_loop3A_1290 = arith.constant 0 : i32
        %parallel_loop3A_1291 = arith.cmpi slt, %parallel_loop3A_1278, %parallel_loop3A_1290 : i32
        %parallel_loop3A_1292 = arith.extui %parallel_loop3A_1291 : i1 to i32
        %parallel_loop3A_1293 = arith.subi %parallel_loop3A_1289, %parallel_loop3A_1292 : i32
        %parallel_loop3A_1294 = arith.cmpi ne, %parallel_loop3A_1286, %parallel_loop3A_1293 : i32
        %parallel_loop3A_1295 = arith.remsi %parallel_loop3A_1277, %parallel_loop3A_1278 : i32
        %parallel_loop3A_1296 = arith.constant 0 : i32
        %parallel_loop3A_1297 = arith.cmpi ne, %parallel_loop3A_1295, %parallel_loop3A_1296 : i32
        %parallel_loop3A_1298 = arith.andi %parallel_loop3A_1294, %parallel_loop3A_1297 : i1
        %parallel_loop3A_1299 = arith.constant 1 : i32
        %parallel_loop3A_1300 = arith.subi %parallel_loop3A_1279, %parallel_loop3A_1299 : i32
        %parallel_loop3A_1301 = arith.select %parallel_loop3A_1298, %parallel_loop3A_1300, %parallel_loop3A_1279 : i32
        %parallel_loop3A_1302 = arith.constant 16 : i32
        %parallel_loop3A_1303 = arith.muli %parallel_loop3A_1301, %parallel_loop3A_1302 : i32
        %parallel_loop3A_1304 = arith.constant 1 : i32
        %parallel_loop3A_1305 = arith.index_cast %select_n3A_803 : i32 to index
        %parallel_loop3A_1306 = arith.index_cast %parallel_loop3A_1304 : i32 to index
        %parallel_loop3A_1307 = arith.index_cast %parallel_loop3A_1303 : i32 to index
        %parallel_loop3A_1308 = tpu.vector_load %arg9[%parallel_loop3A_1305, %parallel_loop3A_1306, %parallel_loop3A_1307] {strides = array<i32>} : memref<3x5x80xf32, #tpu.memory_space<vmem>>, vector<1x1x16xf32>,
        %parallel_loop3A_1309 = vector.shape_cast %parallel_loop3A_1308 : vector<1x1x16xf32> to vector<16xf32>
        %parallel_loop3A_1310 = arith.constant 16 : i32
        %parallel_loop3A_1311 = arith.constant 0 : i32
        %parallel_loop3A_1312 = arith.cmpi eq, %parallel_loop3A_1310, %parallel_loop3A_1311 : i32
        %parallel_loop3A_1313 = arith.constant 1 : i32
        %parallel_loop3A_1314 = arith.select %parallel_loop3A_1312, %parallel_loop3A_1313, %parallel_loop3A_1310 : i32
        %parallel_loop3A_1315 = arith.remsi %parallel_loop3A_1277, %parallel_loop3A_1314 : i32
        %parallel_loop3A_1316 = arith.constant 0 : i32
        %parallel_loop3A_1317 = arith.cmpi ne, %parallel_loop3A_1315, %parallel_loop3A_1316 : i32
        %parallel_loop3A_1318 = arith.constant 0 : i32
        %parallel_loop3A_1319 = arith.cmpi slt, %parallel_loop3A_1315, %parallel_loop3A_1318 : i32
        %parallel_loop3A_1320 = arith.constant 0 : i32
        %parallel_loop3A_1321 = arith.cmpi slt, %parallel_loop3A_1314, %parallel_loop3A_1320 : i32
        %parallel_loop3A_1322 = arith.xori %parallel_loop3A_1319, %parallel_loop3A_1321 : i1
        %parallel_loop3A_1323 = arith.andi %parallel_loop3A_1322, %parallel_loop3A_1317 : i1
        %parallel_loop3A_1324 = arith.addi %parallel_loop3A_1315, %parallel_loop3A_1314 : i32
        %parallel_loop3A_1325 = arith.select %parallel_loop3A_1323, %parallel_loop3A_1324, %parallel_loop3A_1315 : i32
        %parallel_loop3A_1326 = vector.broadcast %parallel_loop3A_1325 : i32 to vector<16xi32>
        %parallel_loop3A_1327 = arith.constant 0 : i32
        %parallel_loop3A_1328 = vector.broadcast %parallel_loop3A_1327 : i32 to vector<16xi32>
        %parallel_loop3A_1329 = arith.cmpi slt, %parallel_loop3A_1326, %parallel_loop3A_1328 : vector<16xi32>
        %parallel_loop3A_1330 = arith.constant 16 : i32
        %parallel_loop3A_1331 = vector.broadcast %parallel_loop3A_1330 : i32 to vector<16xi32>
        %parallel_loop3A_1332 = arith.addi %parallel_loop3A_1326, %parallel_loop3A_1331 : vector<16xi32>
        %parallel_loop3A_1333 = arith.select %parallel_loop3A_1329, %parallel_loop3A_1332, %parallel_loop3A_1326 : vector<16xi1>, vector<16xi32>
        %parallel_loop3A_1334 = vector.shape_cast %parallel_loop3A_1333 : vector<16xi32> to vector<16x1xi32>
        %parallel_loop3A_1335 = vector.shape_cast %parallel_loop3A_1334 : vector<16x1xi32> to vector<16xi32>
        %parallel_loop3A_1336 = tpu.dynamic_gather %parallel_loop3A_1309[%parallel_loop3A_1335] in [0] : vector<16xf32>, vector<16xi32> -> vector<16xf32>
        %parallel_loop3A_1337 = arith.index_cast %select_n3A_787 : i32 to index
        %parallel_loop3A_1338 = arith.index_cast %parallel_loop3A_1277 : i32 to index
        %parallel_loop3A_1339 = arith.constant 0 : index
        %parallel_loop3A_1340 = tpu.vector_load %arg10[%parallel_loop3A_1337, %parallel_loop3A_1338, %parallel_loop3A_1339] {strides = array<i32>} : memref<3x80x128xf32, #tpu.memory_space<vmem>>, vector<1x1x16xf32>,
        %parallel_loop3A_1341 = vector.shape_cast %parallel_loop3A_1340 : vector<1x1x16xf32> to vector<16xf32>
        %parallel_loop3A_1342 = arith.mulf %parallel_loop3A_1341, %parallel_loop3A_1336 : vector<16xf32>
        %parallel_loop3A_1343 = arith.index_cast %select_n3A_787 : i32 to index
        %parallel_loop3A_1344 = arith.index_cast %parallel_loop3A_1277 : i32 to index
        %parallel_loop3A_1345 = arith.constant 0 : index
        %parallel_loop3A_1346 = tpu.vector_load %arg10[%parallel_loop3A_1343, %parallel_loop3A_1344, %parallel_loop3A_1345] {strides = array<i32>} : memref<3x80x128xf32, #tpu.memory_space<vmem>>, vector<1x1x16xf32>,
        %parallel_loop3A_1347 = vector.shape_cast %parallel_loop3A_1346 : vector<1x1x16xf32> to vector<16xf32>
        %parallel_loop3A_1348 = vector.shape_cast %parallel_loop3A_1342 : vector<16xf32> to vector<1x1x16xf32>
        tpu.vector_store %arg10[%parallel_loop3A_1343, %parallel_loop3A_1344, %parallel_loop3A_1345], %parallel_loop3A_1348 {strides = array<i32>} : memref<3x80x128xf32, #tpu.memory_space<vmem>>, vector<1x1x16xf32>,
        %parallel_loop3A_1349 = arith.index_cast %select_n3A_787 : i32 to index
        %parallel_loop3A_1350 = arith.index_cast %parallel_loop3A_1277 : i32 to index
        %parallel_loop3A_1351 = arith.constant 16 : index
        %parallel_loop3A_1352 = tpu.vector_load %arg10[%parallel_loop3A_1349, %parallel_loop3A_1350, %parallel_loop3A_1351] {strides = array<i32>} : memref<3x80x128xf32, #tpu.memory_space<vmem>>, vector<1x1x16xf32>,
        %parallel_loop3A_1353 = vector.shape_cast %parallel_loop3A_1352 : vector<1x1x16xf32> to vector<16xf32>
        %parallel_loop3A_1354 = arith.mulf %parallel_loop3A_1353, %parallel_loop3A_1336 : vector<16xf32>
        %parallel_loop3A_1355 = arith.index_cast %select_n3A_787 : i32 to index
        %parallel_loop3A_1356 = arith.index_cast %parallel_loop3A_1277 : i32 to index
        %parallel_loop3A_1357 = arith.constant 16 : index
        %parallel_loop3A_1358 = tpu.vector_load %arg10[%parallel_loop3A_1355, %parallel_loop3A_1356, %parallel_loop3A_1357] {strides = array<i32>} : memref<3x80x128xf32, #tpu.memory_space<vmem>>, vector<1x1x16xf32>,
        %parallel_loop3A_1359 = vector.shape_cast %parallel_loop3A_1358 : vector<1x1x16xf32> to vector<16xf32>
        %parallel_loop3A_1360 = vector.shape_cast %parallel_loop3A_1354 : vector<16xf32> to vector<1x1x16xf32>
        tpu.vector_store %arg10[%parallel_loop3A_1355, %parallel_loop3A_1356, %parallel_loop3A_1357], %parallel_loop3A_1360 {strides = array<i32>} : memref<3x80x128xf32, #tpu.memory_space<vmem>>, vector<1x1x16xf32>,
        %parallel_loop3A_1361 = arith.index_cast %select_n3A_787 : i32 to index
        %parallel_loop3A_1362 = arith.index_cast %parallel_loop3A_1277 : i32 to index
        %parallel_loop3A_1363 = arith.constant 32 : index
        %parallel_loop3A_1364 = tpu.vector_load %arg10[%parallel_loop3A_1361, %parallel_loop3A_1362, %parallel_loop3A_1363] {strides = array<i32>} : memref<3x80x128xf32, #tpu.memory_space<vmem>>, vector<1x1x16xf32>,
        %parallel_loop3A_1365 = vector.shape_cast %parallel_loop3A_1364 : vector<1x1x16xf32> to vector<16xf32>
        %parallel_loop3A_1366 = arith.mulf %parallel_loop3A_1365, %parallel_loop3A_1336 : vector<16xf32>
        %parallel_loop3A_1367 = arith.index_cast %select_n3A_787 : i32 to index
        %parallel_loop3A_1368 = arith.index_cast %parallel_loop3A_1277 : i32 to index
        %parallel_loop3A_1369 = arith.constant 32 : index
        %parallel_loop3A_1370 = tpu.vector_load %arg10[%parallel_loop3A_1367, %parallel_loop3A_1368, %parallel_loop3A_1369] {strides = array<i32>} : memref<3x80x128xf32, #tpu.memory_space<vmem>>, vector<1x1x16xf32>,
        %parallel_loop3A_1371 = vector.shape_cast %parallel_loop3A_1370 : vector<1x1x16xf32> to vector<16xf32>
        %parallel_loop3A_1372 = vector.shape_cast %parallel_loop3A_1366 : vector<16xf32> to vector<1x1x16xf32>
        tpu.vector_store %arg10[%parallel_loop3A_1367, %parallel_loop3A_1368, %parallel_loop3A_1369], %parallel_loop3A_1372 {strides = array<i32>} : memref<3x80x128xf32, #tpu.memory_space<vmem>>, vector<1x1x16xf32>,
        %parallel_loop3A_1373 = arith.index_cast %select_n3A_787 : i32 to index
        %parallel_loop3A_1374 = arith.index_cast %parallel_loop3A_1277 : i32 to index
        %parallel_loop3A_1375 = arith.constant 48 : index
        %parallel_loop3A_1376 = tpu.vector_load %arg10[%parallel_loop3A_1373, %parallel_loop3A_1374, %parallel_loop3A_1375] {strides = array<i32>} : memref<3x80x128xf32, #tpu.memory_space<vmem>>, vector<1x1x16xf32>,
        %parallel_loop3A_1377 = vector.shape_cast %parallel_loop3A_1376 : vector<1x1x16xf32> to vector<16xf32>
        %parallel_loop3A_1378 = arith.mulf %parallel_loop3A_1377, %parallel_loop3A_1336 : vector<16xf32>
        %parallel_loop3A_1379 = arith.index_cast %select_n3A_787 : i32 to index
        %parallel_loop3A_1380 = arith.index_cast %parallel_loop3A_1277 : i32 to index
        %parallel_loop3A_1381 = arith.constant 48 : index
        %parallel_loop3A_1382 = tpu.vector_load %arg10[%parallel_loop3A_1379, %parallel_loop3A_1380, %parallel_loop3A_1381] {strides = array<i32>} : memref<3x80x128xf32, #tpu.memory_space<vmem>>, vector<1x1x16xf32>,
        %parallel_loop3A_1383 = vector.shape_cast %parallel_loop3A_1382 : vector<1x1x16xf32> to vector<16xf32>
        %parallel_loop3A_1384 = vector.shape_cast %parallel_loop3A_1378 : vector<16xf32> to vector<1x1x16xf32>
        tpu.vector_store %arg10[%parallel_loop3A_1379, %parallel_loop3A_1380, %parallel_loop3A_1381], %parallel_loop3A_1384 {strides = array<i32>} : memref<3x80x128xf32, #tpu.memory_space<vmem>>, vector<1x1x16xf32>,
        %parallel_loop3A_1385 = arith.index_cast %select_n3A_787 : i32 to index
        %parallel_loop3A_1386 = arith.index_cast %parallel_loop3A_1277 : i32 to index
        %parallel_loop3A_1387 = arith.constant 64 : index
        %parallel_loop3A_1388 = tpu.vector_load %arg10[%parallel_loop3A_1385, %parallel_loop3A_1386, %parallel_loop3A_1387] {strides = array<i32>} : memref<3x80x128xf32, #tpu.memory_space<vmem>>, vector<1x1x16xf32>,
        %parallel_loop3A_1389 = vector.shape_cast %parallel_loop3A_1388 : vector<1x1x16xf32> to vector<16xf32>
        %parallel_loop3A_1390 = arith.mulf %parallel_loop3A_1389, %parallel_loop3A_1336 : vector<16xf32>
        %parallel_loop3A_1391 = arith.index_cast %select_n3A_787 : i32 to index
        %parallel_loop3A_1392 = arith.index_cast %parallel_loop3A_1277 : i32 to index
        %parallel_loop3A_1393 = arith.constant 64 : index
        %parallel_loop3A_1394 = tpu.vector_load %arg10[%parallel_loop3A_1391, %parallel_loop3A_1392, %parallel_loop3A_1393] {strides = array<i32>} : memref<3x80x128xf32, #tpu.memory_space<vmem>>, vector<1x1x16xf32>,
        %parallel_loop3A_1395 = vector.shape_cast %parallel_loop3A_1394 : vector<1x1x16xf32> to vector<16xf32>
        %parallel_loop3A_1396 = vector.shape_cast %parallel_loop3A_1390 : vector<16xf32> to vector<1x1x16xf32>
        tpu.vector_store %arg10[%parallel_loop3A_1391, %parallel_loop3A_1392, %parallel_loop3A_1393], %parallel_loop3A_1396 {strides = array<i32>} : memref<3x80x128xf32, #tpu.memory_space<vmem>>, vector<1x1x16xf32>,
        %parallel_loop3A_1397 = arith.index_cast %select_n3A_787 : i32 to index
        %parallel_loop3A_1398 = arith.index_cast %parallel_loop3A_1277 : i32 to index
        %parallel_loop3A_1399 = arith.constant 80 : index
        %parallel_loop3A_1400 = tpu.vector_load %arg10[%parallel_loop3A_1397, %parallel_loop3A_1398, %parallel_loop3A_1399] {strides = array<i32>} : memref<3x80x128xf32, #tpu.memory_space<vmem>>, vector<1x1x16xf32>,
        %parallel_loop3A_1401 = vector.shape_cast %parallel_loop3A_1400 : vector<1x1x16xf32> to vector<16xf32>
        %parallel_loop3A_1402 = arith.mulf %parallel_loop3A_1401, %parallel_loop3A_1336 : vector<16xf32>
        %parallel_loop3A_1403 = arith.index_cast %select_n3A_787 : i32 to index
        %parallel_loop3A_1404 = arith.index_cast %parallel_loop3A_1277 : i32 to index
        %parallel_loop3A_1405 = arith.constant 80 : index
        %parallel_loop3A_1406 = tpu.vector_load %arg10[%parallel_loop3A_1403, %parallel_loop3A_1404, %parallel_loop3A_1405] {strides = array<i32>} : memref<3x80x128xf32, #tpu.memory_space<vmem>>, vector<1x1x16xf32>,
        %parallel_loop3A_1407 = vector.shape_cast %parallel_loop3A_1406 : vector<1x1x16xf32> to vector<16xf32>
        %parallel_loop3A_1408 = vector.shape_cast %parallel_loop3A_1402 : vector<16xf32> to vector<1x1x16xf32>
        tpu.vector_store %arg10[%parallel_loop3A_1403, %parallel_loop3A_1404, %parallel_loop3A_1405], %parallel_loop3A_1408 {strides = array<i32>} : memref<3x80x128xf32, #tpu.memory_space<vmem>>, vector<1x1x16xf32>,
        %parallel_loop3A_1409 = arith.index_cast %select_n3A_787 : i32 to index
        %parallel_loop3A_1410 = arith.index_cast %parallel_loop3A_1277 : i32 to index
        %parallel_loop3A_1411 = arith.constant 96 : index
        %parallel_loop3A_1412 = tpu.vector_load %arg10[%parallel_loop3A_1409, %parallel_loop3A_1410, %parallel_loop3A_1411] {strides = array<i32>} : memref<3x80x128xf32, #tpu.memory_space<vmem>>, vector<1x1x16xf32>,
        %parallel_loop3A_1413 = vector.shape_cast %parallel_loop3A_1412 : vector<1x1x16xf32> to vector<16xf32>
        %parallel_loop3A_1414 = arith.mulf %parallel_loop3A_1413, %parallel_loop3A_1336 : vector<16xf32>
        %parallel_loop3A_1415 = arith.index_cast %select_n3A_787 : i32 to index
        %parallel_loop3A_1416 = arith.index_cast %parallel_loop3A_1277 : i32 to index
        %parallel_loop3A_1417 = arith.constant 96 : index
        %parallel_loop3A_1418 = tpu.vector_load %arg10[%parallel_loop3A_1415, %parallel_loop3A_1416, %parallel_loop3A_1417] {strides = array<i32>} : memref<3x80x128xf32, #tpu.memory_space<vmem>>, vector<1x1x16xf32>,
        %parallel_loop3A_1419 = vector.shape_cast %parallel_loop3A_1418 : vector<1x1x16xf32> to vector<16xf32>
        %parallel_loop3A_1420 = vector.shape_cast %parallel_loop3A_1414 : vector<16xf32> to vector<1x1x16xf32>
        tpu.vector_store %arg10[%parallel_loop3A_1415, %parallel_loop3A_1416, %parallel_loop3A_1417], %parallel_loop3A_1420 {strides = array<i32>} : memref<3x80x128xf32, #tpu.memory_space<vmem>>, vector<1x1x16xf32>,
        %parallel_loop3A_1421 = arith.index_cast %select_n3A_787 : i32 to index
        %parallel_loop3A_1422 = arith.index_cast %parallel_loop3A_1277 : i32 to index
        %parallel_loop3A_1423 = arith.constant 112 : index
        %parallel_loop3A_1424 = tpu.vector_load %arg10[%parallel_loop3A_1421, %parallel_loop3A_1422, %parallel_loop3A_1423] {strides = array<i32>} : memref<3x80x128xf32, #tpu.memory_space<vmem>>, vector<1x1x16xf32>,
        %parallel_loop3A_1425 = vector.shape_cast %parallel_loop3A_1424 : vector<1x1x16xf32> to vector<16xf32>
        %parallel_loop3A_1426 = arith.mulf %parallel_loop3A_1425, %parallel_loop3A_1336 : vector<16xf32>
        %parallel_loop3A_1427 = arith.index_cast %select_n3A_787 : i32 to index
        %parallel_loop3A_1428 = arith.index_cast %parallel_loop3A_1277 : i32 to index
        %parallel_loop3A_1429 = arith.constant 112 : index
        %parallel_loop3A_1430 = tpu.vector_load %arg10[%parallel_loop3A_1427, %parallel_loop3A_1428, %parallel_loop3A_1429] {strides = array<i32>} : memref<3x80x128xf32, #tpu.memory_space<vmem>>, vector<1x1x16xf32>,
        %parallel_loop3A_1431 = vector.shape_cast %parallel_loop3A_1430 : vector<1x1x16xf32> to vector<16xf32>
        %parallel_loop3A_1432 = vector.shape_cast %parallel_loop3A_1426 : vector<16xf32> to vector<1x1x16xf32>
        tpu.vector_store %arg10[%parallel_loop3A_1427, %parallel_loop3A_1428, %parallel_loop3A_1429], %parallel_loop3A_1432 {strides = array<i32>} : memref<3x80x128xf32, #tpu.memory_space<vmem>>, vector<1x1x16xf32>,
      } {sc.loop_unroll_factor = 8 : i64, sc.parallel_access}
      %dma_start3A_882 = arith.constant 1 : i32
      %dma_start3A_883 = arith.constant 0 : i32
      %dma_start3A_884 = arith.constant 0 : i32
      %dma_start3A_885 = tpu.memref_slice %arg10[%select_n3A_787, %dma_start3A_883, %dma_start3A_884] : memref<3x80x128xf32, #tpu.memory_space<vmem>> -> memref<1x80x128xf32, #tpu.memory_space<vmem>>
      %dma_start3A_886 = tpu.memref_squeeze %dma_start3A_885 : memref<1x80x128xf32, #tpu.memory_space<vmem>> -> memref<80x128xf32, #tpu.memory_space<vmem>>
      %dma_start3A_887 = arith.constant 0 : i32
      %dma_start3A_888 = tpu.memref_slice %arg8[%select_n3A_803, %dma_start3A_882, %dma_start3A_887] : memref<3x5x80xi32, #tpu.memory_space<vmem>> -> memref<1x1x80xi32, #tpu.memory_space<vmem>>
      %dma_start3A_889 = tpu.memref_squeeze %dma_start3A_888 : memref<1x1x80xi32, #tpu.memory_space<vmem>> -> memref<80xi32, #tpu.memory_space<vmem>>
      %dma_start3A_890 = arith.constant 0 : i32
      %dma_start3A_891 = arith.constant 0 : i32
      %dma_start3A_892 = tpu.memref_slice %arg11[%dma_start3A_890, %dma_start3A_891] : memref<10000x128xf32, #tpu.memory_space<vmem_shared>> -> memref<10000x128xf32, #tpu.memory_space<vmem_shared>>
      %dma_start3A_893 = tpu.memref_slice %arg14[%select_n3A_787] : memref<3x!tpu.dma_semaphore, #tpu.memory_space<semaphore_mem>> -> memref<1x!tpu.dma_semaphore, #tpu.memory_space<semaphore_mem>>
      %dma_start3A_894 = tpu.memref_squeeze %dma_start3A_893 : memref<1x!tpu.dma_semaphore, #tpu.memory_space<semaphore_mem>> -> memref<!tpu.dma_semaphore, #tpu.memory_space<semaphore_mem>>
      tpu.enqueue_indirect_dma source(%dma_start3A_886 : memref<80x128xf32, #tpu.memory_space<vmem>>) target(%dma_start3A_892 : memref<10000x128xf32, #tpu.memory_space<vmem_shared>>) offsets(%dma_start3A_889 : memref<80xi32, #tpu.memory_space<vmem>>) semaphore(%dma_start3A_894 : memref<!tpu.dma_semaphore, #tpu.memory_space<semaphore_mem>>) {add = true}
      %mul3A_895 = arith.constant 5 : i32
      %mul3A_896 = arith.muli %scan3A_634, %mul3A_895 : i32
      %add3A_897 = arith.constant 2 : i32
      %add3A_898 = arith.addi %mul3A_896, %add3A_897 : i32
      %jit3A_899 = arith.constant 3 : i32
      %eq3A_900 = arith.constant 0 : i32
      %eq3A_901 = arith.cmpi eq, %jit3A_899, %eq3A_900 : i32
      %jit3A_902 = arith.constant 1 : i32
      %select_n3A_903 = arith.select %eq3A_901, %jit3A_902, %jit3A_899 : i32
      %rem3A_904 = arith.remsi %add3A_898, %select_n3A_903 : i32
      %ne3A_905 = arith.constant 0 : i32
      %ne3A_906 = arith.cmpi ne, %rem3A_904, %ne3A_905 : i32
      %lt3A_907 = arith.constant 0 : i32
      %lt3A_908 = arith.cmpi slt, %rem3A_904, %lt3A_907 : i32
      %lt3A_909 = arith.constant 0 : i32
      %lt3A_910 = arith.cmpi slt, %select_n3A_903, %lt3A_909 : i32
      %ne3A_911 = arith.xori %lt3A_908, %lt3A_910 : i1
      %and3A_912 = arith.andi %ne3A_911, %ne3A_906 : i1
      %add3A_913 = arith.addi %rem3A_904, %select_n3A_903 : i32
      %select_n3A_914 = arith.select %and3A_912, %add3A_913, %rem3A_904 : i32
      %jit3A_915 = arith.constant 3 : i32
      %eq3A_916 = arith.constant 0 : i32
      %eq3A_917 = arith.cmpi eq, %jit3A_915, %eq3A_916 : i32
      %jit3A_918 = arith.constant 1 : i32
      %select_n3A_919 = arith.select %eq3A_917, %jit3A_918, %jit3A_915 : i32
      %rem3A_920 = arith.remsi %scan3A_634, %select_n3A_919 : i32
      %ne3A_921 = arith.constant 0 : i32
      %ne3A_922 = arith.cmpi ne, %rem3A_920, %ne3A_921 : i32
      %lt3A_923 = arith.constant 0 : i32
      %lt3A_924 = arith.cmpi slt, %rem3A_920, %lt3A_923 : i32
      %lt3A_925 = arith.constant 0 : i32
      %lt3A_926 = arith.cmpi slt, %select_n3A_919, %lt3A_925 : i32
      %ne3A_927 = arith.xori %lt3A_924, %lt3A_926 : i1
      %and3A_928 = arith.andi %ne3A_927, %ne3A_922 : i1
      %add3A_929 = arith.addi %rem3A_920, %select_n3A_919 : i32
      %select_n3A_930 = arith.select %and3A_928, %add3A_929, %rem3A_920 : i32
      %jit3A_931 = arith.constant 5 : i32
      %div3A_932 = arith.divsi %add3A_898, %jit3A_931 : i32
      %sign3A_933 = arith.constant 0 : i32
      %sign3A_934 = arith.cmpi sgt, %add3A_898, %sign3A_933 : i32
      %sign3A_935 = arith.extui %sign3A_934 : i1 to i32
      %sign3A_936 = arith.constant 0 : i32
      %sign3A_937 = arith.cmpi slt, %add3A_898, %sign3A_936 : i32
      %sign3A_938 = arith.extui %sign3A_937 : i1 to i32
      %sign3A_939 = arith.subi %sign3A_935, %sign3A_938 : i32
      %sign3A_940 = arith.constant 0 : i32
      %sign3A_941 = arith.cmpi sgt, %jit3A_931, %sign3A_940 : i32
      %sign3A_942 = arith.extui %sign3A_941 : i1 to i32
      %sign3A_943 = arith.constant 0 : i32
      %sign3A_944 = arith.cmpi slt, %jit3A_931, %sign3A_943 : i32
      %sign3A_945 = arith.extui %sign3A_944 : i1 to i32
      %sign3A_946 = arith.subi %sign3A_942, %sign3A_945 : i32
      %ne3A_947 = arith.cmpi ne, %sign3A_939, %sign3A_946 : i32
      %rem3A_948 = arith.remsi %add3A_898, %jit3A_931 : i32
      %ne3A_949 = arith.constant 0 : i32
      %ne3A_950 = arith.cmpi ne, %rem3A_948, %ne3A_949 : i32
      %and3A_951 = arith.andi %ne3A_947, %ne3A_950 : i1
      %sub3A_952 = arith.constant 1 : i32
      %sub3A_953 = arith.subi %div3A_932, %sub3A_952 : i32
      %select_n3A_954 = arith.select %and3A_951, %sub3A_953, %div3A_932 : i32
      %jit3A_955 = arith.constant 3 : i32
      %eq3A_956 = arith.constant 0 : i32
      %eq3A_957 = arith.cmpi eq, %jit3A_955, %eq3A_956 : i32
      %jit3A_958 = arith.constant 1 : i32
      %select_n3A_959 = arith.select %eq3A_957, %jit3A_958, %jit3A_955 : i32
      %rem3A_960 = arith.remsi %select_n3A_954, %select_n3A_959 : i32
      %ne3A_961 = arith.constant 0 : i32
      %ne3A_962 = arith.cmpi ne, %rem3A_960, %ne3A_961 : i32
      %lt3A_963 = arith.constant 0 : i32
      %lt3A_964 = arith.cmpi slt, %rem3A_960, %lt3A_963 : i32
      %lt3A_965 = arith.constant 0 : i32
      %lt3A_966 = arith.cmpi slt, %select_n3A_959, %lt3A_965 : i32
      %ne3A_967 = arith.xori %lt3A_964, %lt3A_966 : i1
      %and3A_968 = arith.andi %ne3A_967, %ne3A_962 : i1
      %add3A_969 = arith.addi %rem3A_960, %select_n3A_959 : i32
      %select_n3A_970 = arith.select %and3A_968, %add3A_969, %rem3A_960 : i32
      %jit3A_971 = arith.constant 5 : i32
      %eq3A_972 = arith.constant 0 : i32
      %eq3A_973 = arith.cmpi eq, %jit3A_971, %eq3A_972 : i32
      %jit3A_974 = arith.constant 1 : i32
      %select_n3A_975 = arith.select %eq3A_973, %jit3A_974, %jit3A_971 : i32
      %rem3A_976 = arith.remsi %add3A_898, %select_n3A_975 : i32
      %ne3A_977 = arith.constant 0 : i32
      %ne3A_978 = arith.cmpi ne, %rem3A_976, %ne3A_977 : i32
      %lt3A_979 = arith.constant 0 : i32
      %lt3A_980 = arith.cmpi slt, %rem3A_976, %lt3A_979 : i32
      %lt3A_981 = arith.constant 0 : i32
      %lt3A_982 = arith.cmpi slt, %select_n3A_975, %lt3A_981 : i32
      %ne3A_983 = arith.xori %lt3A_980, %lt3A_982 : i1
      %and3A_984 = arith.andi %ne3A_983, %ne3A_978 : i1
      %add3A_985 = arith.addi %rem3A_976, %select_n3A_975 : i32
      %select_n3A_986 = arith.select %and3A_984, %add3A_985, %rem3A_976 : i32
      %dma_wait3A_987 = arith.constant 0 : i32
      %dma_wait3A_988 = arith.constant 0 : i32
      %dma_wait3A_989 = tpu.memref_slice %arg10[%select_n3A_914, %dma_wait3A_987, %dma_wait3A_988] : memref<3x80x128xf32, #tpu.memory_space<vmem>> -> memref<1x80x128xf32, #tpu.memory_space<vmem>>
      %dma_wait3A_990 = tpu.memref_squeeze %dma_wait3A_989 : memref<1x80x128xf32, #tpu.memory_space<vmem>> -> memref<80x128xf32, #tpu.memory_space<vmem>>
      %dma_wait3A_991 = arith.constant 0 : i32
      %dma_wait3A_992 = tpu.memref_slice %arg7[%select_n3A_970, %select_n3A_986, %dma_wait3A_991] : memref<3x5x80xi32, #tpu.memory_space<vmem>> -> memref<1x1x80xi32, #tpu.memory_space<vmem>>
      %dma_wait3A_993 = tpu.memref_squeeze %dma_wait3A_992 : memref<1x1x80xi32, #tpu.memory_space<vmem>> -> memref<80xi32, #tpu.memory_space<vmem>>
      %dma_wait3A_994 = arith.constant 0 : i32
      %dma_wait3A_995 = arith.constant 0 : i32
      %dma_wait3A_996 = tpu.memref_slice %arg5[%dma_wait3A_994, %dma_wait3A_995] : memref<10000x128xf32, #tpu.memory_space<hbm>> -> memref<10000x128xf32, #tpu.memory_space<hbm>>
      %dma_wait3A_997 = tpu.memref_slice %arg13[%select_n3A_914] : memref<3x!tpu.dma_semaphore, #tpu.memory_space<semaphore_mem>> -> memref<1x!tpu.dma_semaphore, #tpu.memory_space<semaphore_mem>>
      %dma_wait3A_998 = tpu.memref_squeeze %dma_wait3A_997 : memref<1x!tpu.dma_semaphore, #tpu.memory_space<semaphore_mem>> -> memref<!tpu.dma_semaphore, #tpu.memory_space<semaphore_mem>>
      tpu.wait_indirect_dma semaphore(%dma_wait3A_998 : memref<!tpu.dma_semaphore, #tpu.memory_space<semaphore_mem>>) src(%dma_wait3A_996 : memref<10000x128xf32, #tpu.memory_space<hbm>>) dst(%dma_wait3A_990 : memref<80x128xf32, #tpu.memory_space<vmem>>)
      %add3A_999 = arith.constant 2 : i32
      %add3A_1000 = arith.addi %add3A_898, %add3A_999 : i32
      %lt3A_1001 = arith.constant 125 : i32
      %lt3A_1002 = arith.cmpi slt, %add3A_1000, %lt3A_1001 : i32
      %convert_element_type3A_1003 = arith.extui %lt3A_1002 : i1 to i32
      %cond3A_1004 = arith.constant 0 : i32
      %cond3A_1005 = arith.cmpi ne, %convert_element_type3A_1003, %cond3A_1004 : i32
      scf.if %cond3A_1005 {
        %add3A_1277 = arith.constant 2 : i32
        %add3A_1278 = arith.addi %add3A_898, %add3A_1277 : i32
        %jit3A_1279 = arith.constant 3 : i32
        %eq3A_1280 = arith.constant 0 : i32
        %eq3A_1281 = arith.cmpi eq, %jit3A_1279, %eq3A_1280 : i32
        %jit3A_1282 = arith.constant 1 : i32
        %select_n3A_1283 = arith.select %eq3A_1281, %jit3A_1282, %jit3A_1279 : i32
        %rem3A_1284 = arith.remsi %add3A_1278, %select_n3A_1283 : i32
        %ne3A_1285 = arith.constant 0 : i32
        %ne3A_1286 = arith.cmpi ne, %rem3A_1284, %ne3A_1285 : i32
        %lt3A_1287 = arith.constant 0 : i32
        %lt3A_1288 = arith.cmpi slt, %rem3A_1284, %lt3A_1287 : i32
        %lt3A_1289 = arith.constant 0 : i32
        %lt3A_1290 = arith.cmpi slt, %select_n3A_1283, %lt3A_1289 : i32
        %ne3A_1291 = arith.xori %lt3A_1288, %lt3A_1290 : i1
        %and3A_1292 = arith.andi %ne3A_1291, %ne3A_1286 : i1
        %add3A_1293 = arith.addi %rem3A_1284, %select_n3A_1283 : i32
        %select_n3A_1294 = arith.select %and3A_1292, %add3A_1293, %rem3A_1284 : i32
        %ge3A = arith.constant 1 : i32
        %ge3A_1295 = arith.cmpi sge, %add3A_898, %ge3A : i32
        %convert_element_type3A_1296 = arith.extui %ge3A_1295 : i1 to i32
        %cond3A_1297 = arith.constant 0 : i32
        %cond3A_1298 = arith.cmpi ne, %convert_element_type3A_1296, %cond3A_1297 : i32
        scf.if %cond3A_1298 {
          %dma_wait3A_1369 = arith.constant 2 : i32
          %dma_wait3A_1370 = arith.constant 0 : i32
          %dma_wait3A_1371 = arith.constant 0 : i32
          %dma_wait3A_1372 = tpu.memref_slice %arg10[%select_n3A_1294, %dma_wait3A_1370, %dma_wait3A_1371] : memref<3x80x128xf32, #tpu.memory_space<vmem>> -> memref<1x80x128xf32, #tpu.memory_space<vmem>>
          %dma_wait3A_1373 = tpu.memref_squeeze %dma_wait3A_1372 : memref<1x80x128xf32, #tpu.memory_space<vmem>> -> memref<80x128xf32, #tpu.memory_space<vmem>>
          %dma_wait3A_1374 = arith.constant 0 : i32
          %dma_wait3A_1375 = tpu.memref_slice %arg8[%select_n3A_930, %dma_wait3A_1369, %dma_wait3A_1374] : memref<3x5x80xi32, #tpu.memory_space<vmem>> -> memref<1x1x80xi32, #tpu.memory_space<vmem>>
          %dma_wait3A_1376 = tpu.memref_squeeze %dma_wait3A_1375 : memref<1x1x80xi32, #tpu.memory_space<vmem>> -> memref<80xi32, #tpu.memory_space<vmem>>
          %dma_wait3A_1377 = arith.constant 0 : i32
          %dma_wait3A_1378 = arith.constant 0 : i32
          %dma_wait3A_1379 = tpu.memref_slice %arg11[%dma_wait3A_1377, %dma_wait3A_1378] : memref<10000x128xf32, #tpu.memory_space<vmem_shared>> -> memref<10000x128xf32, #tpu.memory_space<vmem_shared>>
          %dma_wait3A_1380 = tpu.memref_slice %arg14[%select_n3A_1294] : memref<3x!tpu.dma_semaphore, #tpu.memory_space<semaphore_mem>> -> memref<1x!tpu.dma_semaphore, #tpu.memory_space<semaphore_mem>>
          %dma_wait3A_1381 = tpu.memref_squeeze %dma_wait3A_1380 : memref<1x!tpu.dma_semaphore, #tpu.memory_space<semaphore_mem>> -> memref<!tpu.dma_semaphore, #tpu.memory_space<semaphore_mem>>
          tpu.wait_indirect_dma semaphore(%dma_wait3A_1381 : memref<!tpu.dma_semaphore, #tpu.memory_space<semaphore_mem>>) src(%dma_wait3A_1373 : memref<80x128xf32, #tpu.memory_space<vmem>>) dst(%dma_wait3A_1379 : memref<10000x128xf32, #tpu.memory_space<vmem_shared>>)
        } else {
        }
        %add3A_1299 = arith.constant 2 : i32
        %add3A_1300 = arith.addi %add3A_898, %add3A_1299 : i32
        %jit3A_1301 = arith.constant 5 : i32
        %div3A_1302 = arith.divsi %add3A_1300, %jit3A_1301 : i32
        %sign3A_1303 = arith.constant 0 : i32
        %sign3A_1304 = arith.cmpi sgt, %add3A_1300, %sign3A_1303 : i32
        %sign3A_1305 = arith.extui %sign3A_1304 : i1 to i32
        %sign3A_1306 = arith.constant 0 : i32
        %sign3A_1307 = arith.cmpi slt, %add3A_1300, %sign3A_1306 : i32
        %sign3A_1308 = arith.extui %sign3A_1307 : i1 to i32
        %sign3A_1309 = arith.subi %sign3A_1305, %sign3A_1308 : i32
        %sign3A_1310 = arith.constant 0 : i32
        %sign3A_1311 = arith.cmpi sgt, %jit3A_1301, %sign3A_1310 : i32
        %sign3A_1312 = arith.extui %sign3A_1311 : i1 to i32
        %sign3A_1313 = arith.constant 0 : i32
        %sign3A_1314 = arith.cmpi slt, %jit3A_1301, %sign3A_1313 : i32
        %sign3A_1315 = arith.extui %sign3A_1314 : i1 to i32
        %sign3A_1316 = arith.subi %sign3A_1312, %sign3A_1315 : i32
        %ne3A_1317 = arith.cmpi ne, %sign3A_1309, %sign3A_1316 : i32
        %rem3A_1318 = arith.remsi %add3A_1300, %jit3A_1301 : i32
        %ne3A_1319 = arith.constant 0 : i32
        %ne3A_1320 = arith.cmpi ne, %rem3A_1318, %ne3A_1319 : i32
        %and3A_1321 = arith.andi %ne3A_1317, %ne3A_1320 : i1
        %sub3A_1322 = arith.constant 1 : i32
        %sub3A_1323 = arith.subi %div3A_1302, %sub3A_1322 : i32
        %select_n3A_1324 = arith.select %and3A_1321, %sub3A_1323, %div3A_1302 : i32
        %jit3A_1325 = arith.constant 3 : i32
        %eq3A_1326 = arith.constant 0 : i32
        %eq3A_1327 = arith.cmpi eq, %jit3A_1325, %eq3A_1326 : i32
        %jit3A_1328 = arith.constant 1 : i32
        %select_n3A_1329 = arith.select %eq3A_1327, %jit3A_1328, %jit3A_1325 : i32
        %rem3A_1330 = arith.remsi %select_n3A_1324, %select_n3A_1329 : i32
        %ne3A_1331 = arith.constant 0 : i32
        %ne3A_1332 = arith.cmpi ne, %rem3A_1330, %ne3A_1331 : i32
        %lt3A_1333 = arith.constant 0 : i32
        %lt3A_1334 = arith.cmpi slt, %rem3A_1330, %lt3A_1333 : i32
        %lt3A_1335 = arith.constant 0 : i32
        %lt3A_1336 = arith.cmpi slt, %select_n3A_1329, %lt3A_1335 : i32
        %ne3A_1337 = arith.xori %lt3A_1334, %lt3A_1336 : i1
        %and3A_1338 = arith.andi %ne3A_1337, %ne3A_1332 : i1
        %add3A_1339 = arith.addi %rem3A_1330, %select_n3A_1329 : i32
        %select_n3A_1340 = arith.select %and3A_1338, %add3A_1339, %rem3A_1330 : i32
        %jit3A_1341 = arith.constant 5 : i32
        %eq3A_1342 = arith.constant 0 : i32
        %eq3A_1343 = arith.cmpi eq, %jit3A_1341, %eq3A_1342 : i32
        %jit3A_1344 = arith.constant 1 : i32
        %select_n3A_1345 = arith.select %eq3A_1343, %jit3A_1344, %jit3A_1341 : i32
        %rem3A_1346 = arith.remsi %add3A_1300, %select_n3A_1345 : i32
        %ne3A_1347 = arith.constant 0 : i32
        %ne3A_1348 = arith.cmpi ne, %rem3A_1346, %ne3A_1347 : i32
        %lt3A_1349 = arith.constant 0 : i32
        %lt3A_1350 = arith.cmpi slt, %rem3A_1346, %lt3A_1349 : i32
        %lt3A_1351 = arith.constant 0 : i32
        %lt3A_1352 = arith.cmpi slt, %select_n3A_1345, %lt3A_1351 : i32
        %ne3A_1353 = arith.xori %lt3A_1350, %lt3A_1352 : i1
        %and3A_1354 = arith.andi %ne3A_1353, %ne3A_1348 : i1
        %add3A_1355 = arith.addi %rem3A_1346, %select_n3A_1345 : i32
        %select_n3A_1356 = arith.select %and3A_1354, %add3A_1355, %rem3A_1346 : i32
        %dma_start3A_1357 = arith.constant 0 : i32
        %dma_start3A_1358 = arith.constant 0 : i32
        %dma_start3A_1359 = tpu.memref_slice %arg10[%select_n3A_1294, %dma_start3A_1357, %dma_start3A_1358] : memref<3x80x128xf32, #tpu.memory_space<vmem>> -> memref<1x80x128xf32, #tpu.memory_space<vmem>>
        %dma_start3A_1360 = tpu.memref_squeeze %dma_start3A_1359 : memref<1x80x128xf32, #tpu.memory_space<vmem>> -> memref<80x128xf32, #tpu.memory_space<vmem>>
        %dma_start3A_1361 = arith.constant 0 : i32
        %dma_start3A_1362 = tpu.memref_slice %arg7[%select_n3A_1340, %select_n3A_1356, %dma_start3A_1361] : memref<3x5x80xi32, #tpu.memory_space<vmem>> -> memref<1x1x80xi32, #tpu.memory_space<vmem>>
        %dma_start3A_1363 = tpu.memref_squeeze %dma_start3A_1362 : memref<1x1x80xi32, #tpu.memory_space<vmem>> -> memref<80xi32, #tpu.memory_space<vmem>>
        %dma_start3A_1364 = arith.constant 0 : i32
        %dma_start3A_1365 = arith.constant 0 : i32
        %dma_start3A_1366 = tpu.memref_slice %arg5[%dma_start3A_1364, %dma_start3A_1365] : memref<10000x128xf32, #tpu.memory_space<hbm>> -> memref<10000x128xf32, #tpu.memory_space<hbm>>
        %dma_start3A_1367 = tpu.memref_slice %arg13[%select_n3A_1294] : memref<3x!tpu.dma_semaphore, #tpu.memory_space<semaphore_mem>> -> memref<1x!tpu.dma_semaphore, #tpu.memory_space<semaphore_mem>>
        %dma_start3A_1368 = tpu.memref_squeeze %dma_start3A_1367 : memref<1x!tpu.dma_semaphore, #tpu.memory_space<semaphore_mem>> -> memref<!tpu.dma_semaphore, #tpu.memory_space<semaphore_mem>>
        tpu.enqueue_indirect_dma source(%dma_start3A_1366 : memref<10000x128xf32, #tpu.memory_space<hbm>>) target(%dma_start3A_1360 : memref<80x128xf32, #tpu.memory_space<vmem>>) offsets(%dma_start3A_1363 : memref<80xi32, #tpu.memory_space<vmem>>) semaphore(%dma_start3A_1368 : memref<!tpu.dma_semaphore, #tpu.memory_space<semaphore_mem>>)
      } else {
      }
      %parallel_loop3A_1006 = arith.constant 0 : i32
      %parallel_loop3A_1007 = arith.constant 80 : i32
      %parallel_loop3A_1008 = arith.constant 1 : i32
      scf.for %parallel_loop3A_1277 = %parallel_loop3A_1006 to %parallel_loop3A_1007 step %parallel_loop3A_1008  : i32 {
        %parallel_loop3A_1278 = arith.constant 16 : i32
        %parallel_loop3A_1279 = arith.divsi %parallel_loop3A_1277, %parallel_loop3A_1278 : i32
        %parallel_loop3A_1280 = arith.constant 0 : i32
        %parallel_loop3A_1281 = arith.cmpi sgt, %parallel_loop3A_1277, %parallel_loop3A_1280 : i32
        %parallel_loop3A_1282 = arith.extui %parallel_loop3A_1281 : i1 to i32
        %parallel_loop3A_1283 = arith.constant 0 : i32
        %parallel_loop3A_1284 = arith.cmpi slt, %parallel_loop3A_1277, %parallel_loop3A_1283 : i32
        %parallel_loop3A_1285 = arith.extui %parallel_loop3A_1284 : i1 to i32
        %parallel_loop3A_1286 = arith.subi %parallel_loop3A_1282, %parallel_loop3A_1285 : i32
        %parallel_loop3A_1287 = arith.constant 0 : i32
        %parallel_loop3A_1288 = arith.cmpi sgt, %parallel_loop3A_1278, %parallel_loop3A_1287 : i32
        %parallel_loop3A_1289 = arith.extui %parallel_loop3A_1288 : i1 to i32
        %parallel_loop3A_1290 = arith.constant 0 : i32
        %parallel_loop3A_1291 = arith.cmpi slt, %parallel_loop3A_1278, %parallel_loop3A_1290 : i32
        %parallel_loop3A_1292 = arith.extui %parallel_loop3A_1291 : i1 to i32
        %parallel_loop3A_1293 = arith.subi %parallel_loop3A_1289, %parallel_loop3A_1292 : i32
        %parallel_loop3A_1294 = arith.cmpi ne, %parallel_loop3A_1286, %parallel_loop3A_1293 : i32
        %parallel_loop3A_1295 = arith.remsi %parallel_loop3A_1277, %parallel_loop3A_1278 : i32
        %parallel_loop3A_1296 = arith.constant 0 : i32
        %parallel_loop3A_1297 = arith.cmpi ne, %parallel_loop3A_1295, %parallel_loop3A_1296 : i32
        %parallel_loop3A_1298 = arith.andi %parallel_loop3A_1294, %parallel_loop3A_1297 : i1
        %parallel_loop3A_1299 = arith.constant 1 : i32
        %parallel_loop3A_1300 = arith.subi %parallel_loop3A_1279, %parallel_loop3A_1299 : i32
        %parallel_loop3A_1301 = arith.select %parallel_loop3A_1298, %parallel_loop3A_1300, %parallel_loop3A_1279 : i32
        %parallel_loop3A_1302 = arith.constant 16 : i32
        %parallel_loop3A_1303 = arith.muli %parallel_loop3A_1301, %parallel_loop3A_1302 : i32
        %parallel_loop3A_1304 = arith.constant 2 : i32
        %parallel_loop3A_1305 = arith.index_cast %select_n3A_930 : i32 to index
        %parallel_loop3A_1306 = arith.index_cast %parallel_loop3A_1304 : i32 to index
        %parallel_loop3A_1307 = arith.index_cast %parallel_loop3A_1303 : i32 to index
        %parallel_loop3A_1308 = tpu.vector_load %arg9[%parallel_loop3A_1305, %parallel_loop3A_1306, %parallel_loop3A_1307] {strides = array<i32>} : memref<3x5x80xf32, #tpu.memory_space<vmem>>, vector<1x1x16xf32>,
        %parallel_loop3A_1309 = vector.shape_cast %parallel_loop3A_1308 : vector<1x1x16xf32> to vector<16xf32>
        %parallel_loop3A_1310 = arith.constant 16 : i32
        %parallel_loop3A_1311 = arith.constant 0 : i32
        %parallel_loop3A_1312 = arith.cmpi eq, %parallel_loop3A_1310, %parallel_loop3A_1311 : i32
        %parallel_loop3A_1313 = arith.constant 1 : i32
        %parallel_loop3A_1314 = arith.select %parallel_loop3A_1312, %parallel_loop3A_1313, %parallel_loop3A_1310 : i32
        %parallel_loop3A_1315 = arith.remsi %parallel_loop3A_1277, %parallel_loop3A_1314 : i32
        %parallel_loop3A_1316 = arith.constant 0 : i32
        %parallel_loop3A_1317 = arith.cmpi ne, %parallel_loop3A_1315, %parallel_loop3A_1316 : i32
        %parallel_loop3A_1318 = arith.constant 0 : i32
        %parallel_loop3A_1319 = arith.cmpi slt, %parallel_loop3A_1315, %parallel_loop3A_1318 : i32
        %parallel_loop3A_1320 = arith.constant 0 : i32
        %parallel_loop3A_1321 = arith.cmpi slt, %parallel_loop3A_1314, %parallel_loop3A_1320 : i32
        %parallel_loop3A_1322 = arith.xori %parallel_loop3A_1319, %parallel_loop3A_1321 : i1
        %parallel_loop3A_1323 = arith.andi %parallel_loop3A_1322, %parallel_loop3A_1317 : i1
        %parallel_loop3A_1324 = arith.addi %parallel_loop3A_1315, %parallel_loop3A_1314 : i32
        %parallel_loop3A_1325 = arith.select %parallel_loop3A_1323, %parallel_loop3A_1324, %parallel_loop3A_1315 : i32
        %parallel_loop3A_1326 = vector.broadcast %parallel_loop3A_1325 : i32 to vector<16xi32>
        %parallel_loop3A_1327 = arith.constant 0 : i32
        %parallel_loop3A_1328 = vector.broadcast %parallel_loop3A_1327 : i32 to vector<16xi32>
        %parallel_loop3A_1329 = arith.cmpi slt, %parallel_loop3A_1326, %parallel_loop3A_1328 : vector<16xi32>
        %parallel_loop3A_1330 = arith.constant 16 : i32
        %parallel_loop3A_1331 = vector.broadcast %parallel_loop3A_1330 : i32 to vector<16xi32>
        %parallel_loop3A_1332 = arith.addi %parallel_loop3A_1326, %parallel_loop3A_1331 : vector<16xi32>
        %parallel_loop3A_1333 = arith.select %parallel_loop3A_1329, %parallel_loop3A_1332, %parallel_loop3A_1326 : vector<16xi1>, vector<16xi32>
        %parallel_loop3A_1334 = vector.shape_cast %parallel_loop3A_1333 : vector<16xi32> to vector<16x1xi32>
        %parallel_loop3A_1335 = vector.shape_cast %parallel_loop3A_1334 : vector<16x1xi32> to vector<16xi32>
        %parallel_loop3A_1336 = tpu.dynamic_gather %parallel_loop3A_1309[%parallel_loop3A_1335] in [0] : vector<16xf32>, vector<16xi32> -> vector<16xf32>
        %parallel_loop3A_1337 = arith.index_cast %select_n3A_914 : i32 to index
        %parallel_loop3A_1338 = arith.index_cast %parallel_loop3A_1277 : i32 to index
        %parallel_loop3A_1339 = arith.constant 0 : index
        %parallel_loop3A_1340 = tpu.vector_load %arg10[%parallel_loop3A_1337, %parallel_loop3A_1338, %parallel_loop3A_1339] {strides = array<i32>} : memref<3x80x128xf32, #tpu.memory_space<vmem>>, vector<1x1x16xf32>,
        %parallel_loop3A_1341 = vector.shape_cast %parallel_loop3A_1340 : vector<1x1x16xf32> to vector<16xf32>
        %parallel_loop3A_1342 = arith.mulf %parallel_loop3A_1341, %parallel_loop3A_1336 : vector<16xf32>
        %parallel_loop3A_1343 = arith.index_cast %select_n3A_914 : i32 to index
        %parallel_loop3A_1344 = arith.index_cast %parallel_loop3A_1277 : i32 to index
        %parallel_loop3A_1345 = arith.constant 0 : index
        %parallel_loop3A_1346 = tpu.vector_load %arg10[%parallel_loop3A_1343, %parallel_loop3A_1344, %parallel_loop3A_1345] {strides = array<i32>} : memref<3x80x128xf32, #tpu.memory_space<vmem>>, vector<1x1x16xf32>,
        %parallel_loop3A_1347 = vector.shape_cast %parallel_loop3A_1346 : vector<1x1x16xf32> to vector<16xf32>
        %parallel_loop3A_1348 = vector.shape_cast %parallel_loop3A_1342 : vector<16xf32> to vector<1x1x16xf32>
        tpu.vector_store %arg10[%parallel_loop3A_1343, %parallel_loop3A_1344, %parallel_loop3A_1345], %parallel_loop3A_1348 {strides = array<i32>} : memref<3x80x128xf32, #tpu.memory_space<vmem>>, vector<1x1x16xf32>,
        %parallel_loop3A_1349 = arith.index_cast %select_n3A_914 : i32 to index
        %parallel_loop3A_1350 = arith.index_cast %parallel_loop3A_1277 : i32 to index
        %parallel_loop3A_1351 = arith.constant 16 : index
        %parallel_loop3A_1352 = tpu.vector_load %arg10[%parallel_loop3A_1349, %parallel_loop3A_1350, %parallel_loop3A_1351] {strides = array<i32>} : memref<3x80x128xf32, #tpu.memory_space<vmem>>, vector<1x1x16xf32>,
        %parallel_loop3A_1353 = vector.shape_cast %parallel_loop3A_1352 : vector<1x1x16xf32> to vector<16xf32>
        %parallel_loop3A_1354 = arith.mulf %parallel_loop3A_1353, %parallel_loop3A_1336 : vector<16xf32>
        %parallel_loop3A_1355 = arith.index_cast %select_n3A_914 : i32 to index
        %parallel_loop3A_1356 = arith.index_cast %parallel_loop3A_1277 : i32 to index
        %parallel_loop3A_1357 = arith.constant 16 : index
        %parallel_loop3A_1358 = tpu.vector_load %arg10[%parallel_loop3A_1355, %parallel_loop3A_1356, %parallel_loop3A_1357] {strides = array<i32>} : memref<3x80x128xf32, #tpu.memory_space<vmem>>, vector<1x1x16xf32>,
        %parallel_loop3A_1359 = vector.shape_cast %parallel_loop3A_1358 : vector<1x1x16xf32> to vector<16xf32>
        %parallel_loop3A_1360 = vector.shape_cast %parallel_loop3A_1354 : vector<16xf32> to vector<1x1x16xf32>
        tpu.vector_store %arg10[%parallel_loop3A_1355, %parallel_loop3A_1356, %parallel_loop3A_1357], %parallel_loop3A_1360 {strides = array<i32>} : memref<3x80x128xf32, #tpu.memory_space<vmem>>, vector<1x1x16xf32>,
        %parallel_loop3A_1361 = arith.index_cast %select_n3A_914 : i32 to index
        %parallel_loop3A_1362 = arith.index_cast %parallel_loop3A_1277 : i32 to index
        %parallel_loop3A_1363 = arith.constant 32 : index
        %parallel_loop3A_1364 = tpu.vector_load %arg10[%parallel_loop3A_1361, %parallel_loop3A_1362, %parallel_loop3A_1363] {strides = array<i32>} : memref<3x80x128xf32, #tpu.memory_space<vmem>>, vector<1x1x16xf32>,
        %parallel_loop3A_1365 = vector.shape_cast %parallel_loop3A_1364 : vector<1x1x16xf32> to vector<16xf32>
        %parallel_loop3A_1366 = arith.mulf %parallel_loop3A_1365, %parallel_loop3A_1336 : vector<16xf32>
        %parallel_loop3A_1367 = arith.index_cast %select_n3A_914 : i32 to index
        %parallel_loop3A_1368 = arith.index_cast %parallel_loop3A_1277 : i32 to index
        %parallel_loop3A_1369 = arith.constant 32 : index
        %parallel_loop3A_1370 = tpu.vector_load %arg10[%parallel_loop3A_1367, %parallel_loop3A_1368, %parallel_loop3A_1369] {strides = array<i32>} : memref<3x80x128xf32, #tpu.memory_space<vmem>>, vector<1x1x16xf32>,
        %parallel_loop3A_1371 = vector.shape_cast %parallel_loop3A_1370 : vector<1x1x16xf32> to vector<16xf32>
        %parallel_loop3A_1372 = vector.shape_cast %parallel_loop3A_1366 : vector<16xf32> to vector<1x1x16xf32>
        tpu.vector_store %arg10[%parallel_loop3A_1367, %parallel_loop3A_1368, %parallel_loop3A_1369], %parallel_loop3A_1372 {strides = array<i32>} : memref<3x80x128xf32, #tpu.memory_space<vmem>>, vector<1x1x16xf32>,
        %parallel_loop3A_1373 = arith.index_cast %select_n3A_914 : i32 to index
        %parallel_loop3A_1374 = arith.index_cast %parallel_loop3A_1277 : i32 to index
        %parallel_loop3A_1375 = arith.constant 48 : index
        %parallel_loop3A_1376 = tpu.vector_load %arg10[%parallel_loop3A_1373, %parallel_loop3A_1374, %parallel_loop3A_1375] {strides = array<i32>} : memref<3x80x128xf32, #tpu.memory_space<vmem>>, vector<1x1x16xf32>,
        %parallel_loop3A_1377 = vector.shape_cast %parallel_loop3A_1376 : vector<1x1x16xf32> to vector<16xf32>
        %parallel_loop3A_1378 = arith.mulf %parallel_loop3A_1377, %parallel_loop3A_1336 : vector<16xf32>
        %parallel_loop3A_1379 = arith.index_cast %select_n3A_914 : i32 to index
        %parallel_loop3A_1380 = arith.index_cast %parallel_loop3A_1277 : i32 to index
        %parallel_loop3A_1381 = arith.constant 48 : index
        %parallel_loop3A_1382 = tpu.vector_load %arg10[%parallel_loop3A_1379, %parallel_loop3A_1380, %parallel_loop3A_1381] {strides = array<i32>} : memref<3x80x128xf32, #tpu.memory_space<vmem>>, vector<1x1x16xf32>,
        %parallel_loop3A_1383 = vector.shape_cast %parallel_loop3A_1382 : vector<1x1x16xf32> to vector<16xf32>
        %parallel_loop3A_1384 = vector.shape_cast %parallel_loop3A_1378 : vector<16xf32> to vector<1x1x16xf32>
        tpu.vector_store %arg10[%parallel_loop3A_1379, %parallel_loop3A_1380, %parallel_loop3A_1381], %parallel_loop3A_1384 {strides = array<i32>} : memref<3x80x128xf32, #tpu.memory_space<vmem>>, vector<1x1x16xf32>,
        %parallel_loop3A_1385 = arith.index_cast %select_n3A_914 : i32 to index
        %parallel_loop3A_1386 = arith.index_cast %parallel_loop3A_1277 : i32 to index
        %parallel_loop3A_1387 = arith.constant 64 : index
        %parallel_loop3A_1388 = tpu.vector_load %arg10[%parallel_loop3A_1385, %parallel_loop3A_1386, %parallel_loop3A_1387] {strides = array<i32>} : memref<3x80x128xf32, #tpu.memory_space<vmem>>, vector<1x1x16xf32>,
        %parallel_loop3A_1389 = vector.shape_cast %parallel_loop3A_1388 : vector<1x1x16xf32> to vector<16xf32>
        %parallel_loop3A_1390 = arith.mulf %parallel_loop3A_1389, %parallel_loop3A_1336 : vector<16xf32>
        %parallel_loop3A_1391 = arith.index_cast %select_n3A_914 : i32 to index
        %parallel_loop3A_1392 = arith.index_cast %parallel_loop3A_1277 : i32 to index
        %parallel_loop3A_1393 = arith.constant 64 : index
        %parallel_loop3A_1394 = tpu.vector_load %arg10[%parallel_loop3A_1391, %parallel_loop3A_1392, %parallel_loop3A_1393] {strides = array<i32>} : memref<3x80x128xf32, #tpu.memory_space<vmem>>, vector<1x1x16xf32>,
        %parallel_loop3A_1395 = vector.shape_cast %parallel_loop3A_1394 : vector<1x1x16xf32> to vector<16xf32>
        %parallel_loop3A_1396 = vector.shape_cast %parallel_loop3A_1390 : vector<16xf32> to vector<1x1x16xf32>
        tpu.vector_store %arg10[%parallel_loop3A_1391, %parallel_loop3A_1392, %parallel_loop3A_1393], %parallel_loop3A_1396 {strides = array<i32>} : memref<3x80x128xf32, #tpu.memory_space<vmem>>, vector<1x1x16xf32>,
        %parallel_loop3A_1397 = arith.index_cast %select_n3A_914 : i32 to index
        %parallel_loop3A_1398 = arith.index_cast %parallel_loop3A_1277 : i32 to index
        %parallel_loop3A_1399 = arith.constant 80 : index
        %parallel_loop3A_1400 = tpu.vector_load %arg10[%parallel_loop3A_1397, %parallel_loop3A_1398, %parallel_loop3A_1399] {strides = array<i32>} : memref<3x80x128xf32, #tpu.memory_space<vmem>>, vector<1x1x16xf32>,
        %parallel_loop3A_1401 = vector.shape_cast %parallel_loop3A_1400 : vector<1x1x16xf32> to vector<16xf32>
        %parallel_loop3A_1402 = arith.mulf %parallel_loop3A_1401, %parallel_loop3A_1336 : vector<16xf32>
        %parallel_loop3A_1403 = arith.index_cast %select_n3A_914 : i32 to index
        %parallel_loop3A_1404 = arith.index_cast %parallel_loop3A_1277 : i32 to index
        %parallel_loop3A_1405 = arith.constant 80 : index
        %parallel_loop3A_1406 = tpu.vector_load %arg10[%parallel_loop3A_1403, %parallel_loop3A_1404, %parallel_loop3A_1405] {strides = array<i32>} : memref<3x80x128xf32, #tpu.memory_space<vmem>>, vector<1x1x16xf32>,
        %parallel_loop3A_1407 = vector.shape_cast %parallel_loop3A_1406 : vector<1x1x16xf32> to vector<16xf32>
        %parallel_loop3A_1408 = vector.shape_cast %parallel_loop3A_1402 : vector<16xf32> to vector<1x1x16xf32>
        tpu.vector_store %arg10[%parallel_loop3A_1403, %parallel_loop3A_1404, %parallel_loop3A_1405], %parallel_loop3A_1408 {strides = array<i32>} : memref<3x80x128xf32, #tpu.memory_space<vmem>>, vector<1x1x16xf32>,
        %parallel_loop3A_1409 = arith.index_cast %select_n3A_914 : i32 to index
        %parallel_loop3A_1410 = arith.index_cast %parallel_loop3A_1277 : i32 to index
        %parallel_loop3A_1411 = arith.constant 96 : index
        %parallel_loop3A_1412 = tpu.vector_load %arg10[%parallel_loop3A_1409, %parallel_loop3A_1410, %parallel_loop3A_1411] {strides = array<i32>} : memref<3x80x128xf32, #tpu.memory_space<vmem>>, vector<1x1x16xf32>,
        %parallel_loop3A_1413 = vector.shape_cast %parallel_loop3A_1412 : vector<1x1x16xf32> to vector<16xf32>
        %parallel_loop3A_1414 = arith.mulf %parallel_loop3A_1413, %parallel_loop3A_1336 : vector<16xf32>
        %parallel_loop3A_1415 = arith.index_cast %select_n3A_914 : i32 to index
        %parallel_loop3A_1416 = arith.index_cast %parallel_loop3A_1277 : i32 to index
        %parallel_loop3A_1417 = arith.constant 96 : index
        %parallel_loop3A_1418 = tpu.vector_load %arg10[%parallel_loop3A_1415, %parallel_loop3A_1416, %parallel_loop3A_1417] {strides = array<i32>} : memref<3x80x128xf32, #tpu.memory_space<vmem>>, vector<1x1x16xf32>,
        %parallel_loop3A_1419 = vector.shape_cast %parallel_loop3A_1418 : vector<1x1x16xf32> to vector<16xf32>
        %parallel_loop3A_1420 = vector.shape_cast %parallel_loop3A_1414 : vector<16xf32> to vector<1x1x16xf32>
        tpu.vector_store %arg10[%parallel_loop3A_1415, %parallel_loop3A_1416, %parallel_loop3A_1417], %parallel_loop3A_1420 {strides = array<i32>} : memref<3x80x128xf32, #tpu.memory_space<vmem>>, vector<1x1x16xf32>,
        %parallel_loop3A_1421 = arith.index_cast %select_n3A_914 : i32 to index
        %parallel_loop3A_1422 = arith.index_cast %parallel_loop3A_1277 : i32 to index
        %parallel_loop3A_1423 = arith.constant 112 : index
        %parallel_loop3A_1424 = tpu.vector_load %arg10[%parallel_loop3A_1421, %parallel_loop3A_1422, %parallel_loop3A_1423] {strides = array<i32>} : memref<3x80x128xf32, #tpu.memory_space<vmem>>, vector<1x1x16xf32>,
        %parallel_loop3A_1425 = vector.shape_cast %parallel_loop3A_1424 : vector<1x1x16xf32> to vector<16xf32>
        %parallel_loop3A_1426 = arith.mulf %parallel_loop3A_1425, %parallel_loop3A_1336 : vector<16xf32>
        %parallel_loop3A_1427 = arith.index_cast %select_n3A_914 : i32 to index
        %parallel_loop3A_1428 = arith.index_cast %parallel_loop3A_1277 : i32 to index
        %parallel_loop3A_1429 = arith.constant 112 : index
        %parallel_loop3A_1430 = tpu.vector_load %arg10[%parallel_loop3A_1427, %parallel_loop3A_1428, %parallel_loop3A_1429] {strides = array<i32>} : memref<3x80x128xf32, #tpu.memory_space<vmem>>, vector<1x1x16xf32>,
        %parallel_loop3A_1431 = vector.shape_cast %parallel_loop3A_1430 : vector<1x1x16xf32> to vector<16xf32>
        %parallel_loop3A_1432 = vector.shape_cast %parallel_loop3A_1426 : vector<16xf32> to vector<1x1x16xf32>
        tpu.vector_store %arg10[%parallel_loop3A_1427, %parallel_loop3A_1428, %parallel_loop3A_1429], %parallel_loop3A_1432 {strides = array<i32>} : memref<3x80x128xf32, #tpu.memory_space<vmem>>, vector<1x1x16xf32>,
      } {sc.loop_unroll_factor = 8 : i64, sc.parallel_access}
      %dma_start3A_1009 = arith.constant 2 : i32
      %dma_start3A_1010 = arith.constant 0 : i32
      %dma_start3A_1011 = arith.constant 0 : i32
      %dma_start3A_1012 = tpu.memref_slice %arg10[%select_n3A_914, %dma_start3A_1010, %dma_start3A_1011] : memref<3x80x128xf32, #tpu.memory_space<vmem>> -> memref<1x80x128xf32, #tpu.memory_space<vmem>>
      %dma_start3A_1013 = tpu.memref_squeeze %dma_start3A_1012 : memref<1x80x128xf32, #tpu.memory_space<vmem>> -> memref<80x128xf32, #tpu.memory_space<vmem>>
      %dma_start3A_1014 = arith.constant 0 : i32
      %dma_start3A_1015 = tpu.memref_slice %arg8[%select_n3A_930, %dma_start3A_1009, %dma_start3A_1014] : memref<3x5x80xi32, #tpu.memory_space<vmem>> -> memref<1x1x80xi32, #tpu.memory_space<vmem>>
      %dma_start3A_1016 = tpu.memref_squeeze %dma_start3A_1015 : memref<1x1x80xi32, #tpu.memory_space<vmem>> -> memref<80xi32, #tpu.memory_space<vmem>>
      %dma_start3A_1017 = arith.constant 0 : i32
      %dma_start3A_1018 = arith.constant 0 : i32
      %dma_start3A_1019 = tpu.memref_slice %arg11[%dma_start3A_1017, %dma_start3A_1018] : memref<10000x128xf32, #tpu.memory_space<vmem_shared>> -> memref<10000x128xf32, #tpu.memory_space<vmem_shared>>
      %dma_start3A_1020 = tpu.memref_slice %arg14[%select_n3A_914] : memref<3x!tpu.dma_semaphore, #tpu.memory_space<semaphore_mem>> -> memref<1x!tpu.dma_semaphore, #tpu.memory_space<semaphore_mem>>
      %dma_start3A_1021 = tpu.memref_squeeze %dma_start3A_1020 : memref<1x!tpu.dma_semaphore, #tpu.memory_space<semaphore_mem>> -> memref<!tpu.dma_semaphore, #tpu.memory_space<semaphore_mem>>
      tpu.enqueue_indirect_dma source(%dma_start3A_1013 : memref<80x128xf32, #tpu.memory_space<vmem>>) target(%dma_start3A_1019 : memref<10000x128xf32, #tpu.memory_space<vmem_shared>>) offsets(%dma_start3A_1016 : memref<80xi32, #tpu.memory_space<vmem>>) semaphore(%dma_start3A_1021 : memref<!tpu.dma_semaphore, #tpu.memory_space<semaphore_mem>>) {add = true}
      %mul3A_1022 = arith.constant 5 : i32
      %mul3A_1023 = arith.muli %scan3A_634, %mul3A_1022 : i32
      %add3A_1024 = arith.constant 3 : i32
      %add3A_1025 = arith.addi %mul3A_1023, %add3A_1024 : i32
      %jit3A_1026 = arith.constant 3 : i32
      %eq3A_1027 = arith.constant 0 : i32
      %eq3A_1028 = arith.cmpi eq, %jit3A_1026, %eq3A_1027 : i32
      %jit3A_1029 = arith.constant 1 : i32
      %select_n3A_1030 = arith.select %eq3A_1028, %jit3A_1029, %jit3A_1026 : i32
      %rem3A_1031 = arith.remsi %add3A_1025, %select_n3A_1030 : i32
      %ne3A_1032 = arith.constant 0 : i32
      %ne3A_1033 = arith.cmpi ne, %rem3A_1031, %ne3A_1032 : i32
      %lt3A_1034 = arith.constant 0 : i32
      %lt3A_1035 = arith.cmpi slt, %rem3A_1031, %lt3A_1034 : i32
      %lt3A_1036 = arith.constant 0 : i32
      %lt3A_1037 = arith.cmpi slt, %select_n3A_1030, %lt3A_1036 : i32
      %ne3A_1038 = arith.xori %lt3A_1035, %lt3A_1037 : i1
      %and3A_1039 = arith.andi %ne3A_1038, %ne3A_1033 : i1
      %add3A_1040 = arith.addi %rem3A_1031, %select_n3A_1030 : i32
      %select_n3A_1041 = arith.select %and3A_1039, %add3A_1040, %rem3A_1031 : i32
      %jit3A_1042 = arith.constant 3 : i32
      %eq3A_1043 = arith.constant 0 : i32
      %eq3A_1044 = arith.cmpi eq, %jit3A_1042, %eq3A_1043 : i32
      %jit3A_1045 = arith.constant 1 : i32
      %select_n3A_1046 = arith.select %eq3A_1044, %jit3A_1045, %jit3A_1042 : i32
      %rem3A_1047 = arith.remsi %scan3A_634, %select_n3A_1046 : i32
      %ne3A_1048 = arith.constant 0 : i32
      %ne3A_1049 = arith.cmpi ne, %rem3A_1047, %ne3A_1048 : i32
      %lt3A_1050 = arith.constant 0 : i32
      %lt3A_1051 = arith.cmpi slt, %rem3A_1047, %lt3A_1050 : i32
      %lt3A_1052 = arith.constant 0 : i32
      %lt3A_1053 = arith.cmpi slt, %select_n3A_1046, %lt3A_1052 : i32
      %ne3A_1054 = arith.xori %lt3A_1051, %lt3A_1053 : i1
      %and3A_1055 = arith.andi %ne3A_1054, %ne3A_1049 : i1
      %add3A_1056 = arith.addi %rem3A_1047, %select_n3A_1046 : i32
      %select_n3A_1057 = arith.select %and3A_1055, %add3A_1056, %rem3A_1047 : i32
      %jit3A_1058 = arith.constant 5 : i32
      %div3A_1059 = arith.divsi %add3A_1025, %jit3A_1058 : i32
      %sign3A_1060 = arith.constant 0 : i32
      %sign3A_1061 = arith.cmpi sgt, %add3A_1025, %sign3A_1060 : i32
      %sign3A_1062 = arith.extui %sign3A_1061 : i1 to i32
      %sign3A_1063 = arith.constant 0 : i32
      %sign3A_1064 = arith.cmpi slt, %add3A_1025, %sign3A_1063 : i32
      %sign3A_1065 = arith.extui %sign3A_1064 : i1 to i32
      %sign3A_1066 = arith.subi %sign3A_1062, %sign3A_1065 : i32
      %sign3A_1067 = arith.constant 0 : i32
      %sign3A_1068 = arith.cmpi sgt, %jit3A_1058, %sign3A_1067 : i32
      %sign3A_1069 = arith.extui %sign3A_1068 : i1 to i32
      %sign3A_1070 = arith.constant 0 : i32
      %sign3A_1071 = arith.cmpi slt, %jit3A_1058, %sign3A_1070 : i32
      %sign3A_1072 = arith.extui %sign3A_1071 : i1 to i32
      %sign3A_1073 = arith.subi %sign3A_1069, %sign3A_1072 : i32
      %ne3A_1074 = arith.cmpi ne, %sign3A_1066, %sign3A_1073 : i32
      %rem3A_1075 = arith.remsi %add3A_1025, %jit3A_1058 : i32
      %ne3A_1076 = arith.constant 0 : i32
      %ne3A_1077 = arith.cmpi ne, %rem3A_1075, %ne3A_1076 : i32
      %and3A_1078 = arith.andi %ne3A_1074, %ne3A_1077 : i1
      %sub3A_1079 = arith.constant 1 : i32
      %sub3A_1080 = arith.subi %div3A_1059, %sub3A_1079 : i32
      %select_n3A_1081 = arith.select %and3A_1078, %sub3A_1080, %div3A_1059 : i32
      %jit3A_1082 = arith.constant 3 : i32
      %eq3A_1083 = arith.constant 0 : i32
      %eq3A_1084 = arith.cmpi eq, %jit3A_1082, %eq3A_1083 : i32
      %jit3A_1085 = arith.constant 1 : i32
      %select_n3A_1086 = arith.select %eq3A_1084, %jit3A_1085, %jit3A_1082 : i32
      %rem3A_1087 = arith.remsi %select_n3A_1081, %select_n3A_1086 : i32
      %ne3A_1088 = arith.constant 0 : i32
      %ne3A_1089 = arith.cmpi ne, %rem3A_1087, %ne3A_1088 : i32
      %lt3A_1090 = arith.constant 0 : i32
      %lt3A_1091 = arith.cmpi slt, %rem3A_1087, %lt3A_1090 : i32
      %lt3A_1092 = arith.constant 0 : i32
      %lt3A_1093 = arith.cmpi slt, %select_n3A_1086, %lt3A_1092 : i32
      %ne3A_1094 = arith.xori %lt3A_1091, %lt3A_1093 : i1
      %and3A_1095 = arith.andi %ne3A_1094, %ne3A_1089 : i1
      %add3A_1096 = arith.addi %rem3A_1087, %select_n3A_1086 : i32
      %select_n3A_1097 = arith.select %and3A_1095, %add3A_1096, %rem3A_1087 : i32
      %jit3A_1098 = arith.constant 5 : i32
      %eq3A_1099 = arith.constant 0 : i32
      %eq3A_1100 = arith.cmpi eq, %jit3A_1098, %eq3A_1099 : i32
      %jit3A_1101 = arith.constant 1 : i32
      %select_n3A_1102 = arith.select %eq3A_1100, %jit3A_1101, %jit3A_1098 : i32
      %rem3A_1103 = arith.remsi %add3A_1025, %select_n3A_1102 : i32
      %ne3A_1104 = arith.constant 0 : i32
      %ne3A_1105 = arith.cmpi ne, %rem3A_1103, %ne3A_1104 : i32
      %lt3A_1106 = arith.constant 0 : i32
      %lt3A_1107 = arith.cmpi slt, %rem3A_1103, %lt3A_1106 : i32
      %lt3A_1108 = arith.constant 0 : i32
      %lt3A_1109 = arith.cmpi slt, %select_n3A_1102, %lt3A_1108 : i32
      %ne3A_1110 = arith.xori %lt3A_1107, %lt3A_1109 : i1
      %and3A_1111 = arith.andi %ne3A_1110, %ne3A_1105 : i1
      %add3A_1112 = arith.addi %rem3A_1103, %select_n3A_1102 : i32
      %select_n3A_1113 = arith.select %and3A_1111, %add3A_1112, %rem3A_1103 : i32
      %dma_wait3A_1114 = arith.constant 0 : i32
      %dma_wait3A_1115 = arith.constant 0 : i32
      %dma_wait3A_1116 = tpu.memref_slice %arg10[%select_n3A_1041, %dma_wait3A_1114, %dma_wait3A_1115] : memref<3x80x128xf32, #tpu.memory_space<vmem>> -> memref<1x80x128xf32, #tpu.memory_space<vmem>>
      %dma_wait3A_1117 = tpu.memref_squeeze %dma_wait3A_1116 : memref<1x80x128xf32, #tpu.memory_space<vmem>> -> memref<80x128xf32, #tpu.memory_space<vmem>>
      %dma_wait3A_1118 = arith.constant 0 : i32
      %dma_wait3A_1119 = tpu.memref_slice %arg7[%select_n3A_1097, %select_n3A_1113, %dma_wait3A_1118] : memref<3x5x80xi32, #tpu.memory_space<vmem>> -> memref<1x1x80xi32, #tpu.memory_space<vmem>>
      %dma_wait3A_1120 = tpu.memref_squeeze %dma_wait3A_1119 : memref<1x1x80xi32, #tpu.memory_space<vmem>> -> memref<80xi32, #tpu.memory_space<vmem>>
      %dma_wait3A_1121 = arith.constant 0 : i32
      %dma_wait3A_1122 = arith.constant 0 : i32
      %dma_wait3A_1123 = tpu.memref_slice %arg5[%dma_wait3A_1121, %dma_wait3A_1122] : memref<10000x128xf32, #tpu.memory_space<hbm>> -> memref<10000x128xf32, #tpu.memory_space<hbm>>
      %dma_wait3A_1124 = tpu.memref_slice %arg13[%select_n3A_1041] : memref<3x!tpu.dma_semaphore, #tpu.memory_space<semaphore_mem>> -> memref<1x!tpu.dma_semaphore, #tpu.memory_space<semaphore_mem>>
      %dma_wait3A_1125 = tpu.memref_squeeze %dma_wait3A_1124 : memref<1x!tpu.dma_semaphore, #tpu.memory_space<semaphore_mem>> -> memref<!tpu.dma_semaphore, #tpu.memory_space<semaphore_mem>>
      tpu.wait_indirect_dma semaphore(%dma_wait3A_1125 : memref<!tpu.dma_semaphore, #tpu.memory_space<semaphore_mem>>) src(%dma_wait3A_1123 : memref<10000x128xf32, #tpu.memory_space<hbm>>) dst(%dma_wait3A_1117 : memref<80x128xf32, #tpu.memory_space<vmem>>)
      %add3A_1126 = arith.constant 2 : i32
      %add3A_1127 = arith.addi %add3A_1025, %add3A_1126 : i32
      %lt3A_1128 = arith.constant 125 : i32
      %lt3A_1129 = arith.cmpi slt, %add3A_1127, %lt3A_1128 : i32
      %convert_element_type3A_1130 = arith.extui %lt3A_1129 : i1 to i32
      %cond3A_1131 = arith.constant 0 : i32
      %cond3A_1132 = arith.cmpi ne, %convert_element_type3A_1130, %cond3A_1131 : i32
      scf.if %cond3A_1132 {
        %add3A_1277 = arith.constant 2 : i32
        %add3A_1278 = arith.addi %add3A_1025, %add3A_1277 : i32
        %jit3A_1279 = arith.constant 3 : i32
        %eq3A_1280 = arith.constant 0 : i32
        %eq3A_1281 = arith.cmpi eq, %jit3A_1279, %eq3A_1280 : i32
        %jit3A_1282 = arith.constant 1 : i32
        %select_n3A_1283 = arith.select %eq3A_1281, %jit3A_1282, %jit3A_1279 : i32
        %rem3A_1284 = arith.remsi %add3A_1278, %select_n3A_1283 : i32
        %ne3A_1285 = arith.constant 0 : i32
        %ne3A_1286 = arith.cmpi ne, %rem3A_1284, %ne3A_1285 : i32
        %lt3A_1287 = arith.constant 0 : i32
        %lt3A_1288 = arith.cmpi slt, %rem3A_1284, %lt3A_1287 : i32
        %lt3A_1289 = arith.constant 0 : i32
        %lt3A_1290 = arith.cmpi slt, %select_n3A_1283, %lt3A_1289 : i32
        %ne3A_1291 = arith.xori %lt3A_1288, %lt3A_1290 : i1
        %and3A_1292 = arith.andi %ne3A_1291, %ne3A_1286 : i1
        %add3A_1293 = arith.addi %rem3A_1284, %select_n3A_1283 : i32
        %select_n3A_1294 = arith.select %and3A_1292, %add3A_1293, %rem3A_1284 : i32
        %ge3A = arith.constant 1 : i32
        %ge3A_1295 = arith.cmpi sge, %add3A_1025, %ge3A : i32
        %convert_element_type3A_1296 = arith.extui %ge3A_1295 : i1 to i32
        %cond3A_1297 = arith.constant 0 : i32
        %cond3A_1298 = arith.cmpi ne, %convert_element_type3A_1296, %cond3A_1297 : i32
        scf.if %cond3A_1298 {
          %dma_wait3A_1369 = arith.constant 3 : i32
          %dma_wait3A_1370 = arith.constant 0 : i32
          %dma_wait3A_1371 = arith.constant 0 : i32
          %dma_wait3A_1372 = tpu.memref_slice %arg10[%select_n3A_1294, %dma_wait3A_1370, %dma_wait3A_1371] : memref<3x80x128xf32, #tpu.memory_space<vmem>> -> memref<1x80x128xf32, #tpu.memory_space<vmem>>
          %dma_wait3A_1373 = tpu.memref_squeeze %dma_wait3A_1372 : memref<1x80x128xf32, #tpu.memory_space<vmem>> -> memref<80x128xf32, #tpu.memory_space<vmem>>
          %dma_wait3A_1374 = arith.constant 0 : i32
          %dma_wait3A_1375 = tpu.memref_slice %arg8[%select_n3A_1057, %dma_wait3A_1369, %dma_wait3A_1374] : memref<3x5x80xi32, #tpu.memory_space<vmem>> -> memref<1x1x80xi32, #tpu.memory_space<vmem>>
          %dma_wait3A_1376 = tpu.memref_squeeze %dma_wait3A_1375 : memref<1x1x80xi32, #tpu.memory_space<vmem>> -> memref<80xi32, #tpu.memory_space<vmem>>
          %dma_wait3A_1377 = arith.constant 0 : i32
          %dma_wait3A_1378 = arith.constant 0 : i32
          %dma_wait3A_1379 = tpu.memref_slice %arg11[%dma_wait3A_1377, %dma_wait3A_1378] : memref<10000x128xf32, #tpu.memory_space<vmem_shared>> -> memref<10000x128xf32, #tpu.memory_space<vmem_shared>>
          %dma_wait3A_1380 = tpu.memref_slice %arg14[%select_n3A_1294] : memref<3x!tpu.dma_semaphore, #tpu.memory_space<semaphore_mem>> -> memref<1x!tpu.dma_semaphore, #tpu.memory_space<semaphore_mem>>
          %dma_wait3A_1381 = tpu.memref_squeeze %dma_wait3A_1380 : memref<1x!tpu.dma_semaphore, #tpu.memory_space<semaphore_mem>> -> memref<!tpu.dma_semaphore, #tpu.memory_space<semaphore_mem>>
          tpu.wait_indirect_dma semaphore(%dma_wait3A_1381 : memref<!tpu.dma_semaphore, #tpu.memory_space<semaphore_mem>>) src(%dma_wait3A_1373 : memref<80x128xf32, #tpu.memory_space<vmem>>) dst(%dma_wait3A_1379 : memref<10000x128xf32, #tpu.memory_space<vmem_shared>>)
        } else {
        }
        %add3A_1299 = arith.constant 2 : i32
        %add3A_1300 = arith.addi %add3A_1025, %add3A_1299 : i32
        %jit3A_1301 = arith.constant 5 : i32
        %div3A_1302 = arith.divsi %add3A_1300, %jit3A_1301 : i32
        %sign3A_1303 = arith.constant 0 : i32
        %sign3A_1304 = arith.cmpi sgt, %add3A_1300, %sign3A_1303 : i32
        %sign3A_1305 = arith.extui %sign3A_1304 : i1 to i32
        %sign3A_1306 = arith.constant 0 : i32
        %sign3A_1307 = arith.cmpi slt, %add3A_1300, %sign3A_1306 : i32
        %sign3A_1308 = arith.extui %sign3A_1307 : i1 to i32
        %sign3A_1309 = arith.subi %sign3A_1305, %sign3A_1308 : i32
        %sign3A_1310 = arith.constant 0 : i32
        %sign3A_1311 = arith.cmpi sgt, %jit3A_1301, %sign3A_1310 : i32
        %sign3A_1312 = arith.extui %sign3A_1311 : i1 to i32
        %sign3A_1313 = arith.constant 0 : i32
        %sign3A_1314 = arith.cmpi slt, %jit3A_1301, %sign3A_1313 : i32
        %sign3A_1315 = arith.extui %sign3A_1314 : i1 to i32
        %sign3A_1316 = arith.subi %sign3A_1312, %sign3A_1315 : i32
        %ne3A_1317 = arith.cmpi ne, %sign3A_1309, %sign3A_1316 : i32
        %rem3A_1318 = arith.remsi %add3A_1300, %jit3A_1301 : i32
        %ne3A_1319 = arith.constant 0 : i32
        %ne3A_1320 = arith.cmpi ne, %rem3A_1318, %ne3A_1319 : i32
        %and3A_1321 = arith.andi %ne3A_1317, %ne3A_1320 : i1
        %sub3A_1322 = arith.constant 1 : i32
        %sub3A_1323 = arith.subi %div3A_1302, %sub3A_1322 : i32
        %select_n3A_1324 = arith.select %and3A_1321, %sub3A_1323, %div3A_1302 : i32
        %jit3A_1325 = arith.constant 3 : i32
        %eq3A_1326 = arith.constant 0 : i32
        %eq3A_1327 = arith.cmpi eq, %jit3A_1325, %eq3A_1326 : i32
        %jit3A_1328 = arith.constant 1 : i32
        %select_n3A_1329 = arith.select %eq3A_1327, %jit3A_1328, %jit3A_1325 : i32
        %rem3A_1330 = arith.remsi %select_n3A_1324, %select_n3A_1329 : i32
        %ne3A_1331 = arith.constant 0 : i32
        %ne3A_1332 = arith.cmpi ne, %rem3A_1330, %ne3A_1331 : i32
        %lt3A_1333 = arith.constant 0 : i32
        %lt3A_1334 = arith.cmpi slt, %rem3A_1330, %lt3A_1333 : i32
        %lt3A_1335 = arith.constant 0 : i32
        %lt3A_1336 = arith.cmpi slt, %select_n3A_1329, %lt3A_1335 : i32
        %ne3A_1337 = arith.xori %lt3A_1334, %lt3A_1336 : i1
        %and3A_1338 = arith.andi %ne3A_1337, %ne3A_1332 : i1
        %add3A_1339 = arith.addi %rem3A_1330, %select_n3A_1329 : i32
        %select_n3A_1340 = arith.select %and3A_1338, %add3A_1339, %rem3A_1330 : i32
        %jit3A_1341 = arith.constant 5 : i32
        %eq3A_1342 = arith.constant 0 : i32
        %eq3A_1343 = arith.cmpi eq, %jit3A_1341, %eq3A_1342 : i32
        %jit3A_1344 = arith.constant 1 : i32
        %select_n3A_1345 = arith.select %eq3A_1343, %jit3A_1344, %jit3A_1341 : i32
        %rem3A_1346 = arith.remsi %add3A_1300, %select_n3A_1345 : i32
        %ne3A_1347 = arith.constant 0 : i32
        %ne3A_1348 = arith.cmpi ne, %rem3A_1346, %ne3A_1347 : i32
        %lt3A_1349 = arith.constant 0 : i32
        %lt3A_1350 = arith.cmpi slt, %rem3A_1346, %lt3A_1349 : i32
        %lt3A_1351 = arith.constant 0 : i32
        %lt3A_1352 = arith.cmpi slt, %select_n3A_1345, %lt3A_1351 : i32
        %ne3A_1353 = arith.xori %lt3A_1350, %lt3A_1352 : i1
        %and3A_1354 = arith.andi %ne3A_1353, %ne3A_1348 : i1
        %add3A_1355 = arith.addi %rem3A_1346, %select_n3A_1345 : i32
        %select_n3A_1356 = arith.select %and3A_1354, %add3A_1355, %rem3A_1346 : i32
        %dma_start3A_1357 = arith.constant 0 : i32
        %dma_start3A_1358 = arith.constant 0 : i32
        %dma_start3A_1359 = tpu.memref_slice %arg10[%select_n3A_1294, %dma_start3A_1357, %dma_start3A_1358] : memref<3x80x128xf32, #tpu.memory_space<vmem>> -> memref<1x80x128xf32, #tpu.memory_space<vmem>>
        %dma_start3A_1360 = tpu.memref_squeeze %dma_start3A_1359 : memref<1x80x128xf32, #tpu.memory_space<vmem>> -> memref<80x128xf32, #tpu.memory_space<vmem>>
        %dma_start3A_1361 = arith.constant 0 : i32
        %dma_start3A_1362 = tpu.memref_slice %arg7[%select_n3A_1340, %select_n3A_1356, %dma_start3A_1361] : memref<3x5x80xi32, #tpu.memory_space<vmem>> -> memref<1x1x80xi32, #tpu.memory_space<vmem>>
        %dma_start3A_1363 = tpu.memref_squeeze %dma_start3A_1362 : memref<1x1x80xi32, #tpu.memory_space<vmem>> -> memref<80xi32, #tpu.memory_space<vmem>>
        %dma_start3A_1364 = arith.constant 0 : i32
        %dma_start3A_1365 = arith.constant 0 : i32
        %dma_start3A_1366 = tpu.memref_slice %arg5[%dma_start3A_1364, %dma_start3A_1365] : memref<10000x128xf32, #tpu.memory_space<hbm>> -> memref<10000x128xf32, #tpu.memory_space<hbm>>
        %dma_start3A_1367 = tpu.memref_slice %arg13[%select_n3A_1294] : memref<3x!tpu.dma_semaphore, #tpu.memory_space<semaphore_mem>> -> memref<1x!tpu.dma_semaphore, #tpu.memory_space<semaphore_mem>>
        %dma_start3A_1368 = tpu.memref_squeeze %dma_start3A_1367 : memref<1x!tpu.dma_semaphore, #tpu.memory_space<semaphore_mem>> -> memref<!tpu.dma_semaphore, #tpu.memory_space<semaphore_mem>>
        tpu.enqueue_indirect_dma source(%dma_start3A_1366 : memref<10000x128xf32, #tpu.memory_space<hbm>>) target(%dma_start3A_1360 : memref<80x128xf32, #tpu.memory_space<vmem>>) offsets(%dma_start3A_1363 : memref<80xi32, #tpu.memory_space<vmem>>) semaphore(%dma_start3A_1368 : memref<!tpu.dma_semaphore, #tpu.memory_space<semaphore_mem>>)
      } else {
      }
      %parallel_loop3A_1133 = arith.constant 0 : i32
      %parallel_loop3A_1134 = arith.constant 80 : i32
      %parallel_loop3A_1135 = arith.constant 1 : i32
      scf.for %parallel_loop3A_1277 = %parallel_loop3A_1133 to %parallel_loop3A_1134 step %parallel_loop3A_1135  : i32 {
        %parallel_loop3A_1278 = arith.constant 16 : i32
        %parallel_loop3A_1279 = arith.divsi %parallel_loop3A_1277, %parallel_loop3A_1278 : i32
        %parallel_loop3A_1280 = arith.constant 0 : i32
        %parallel_loop3A_1281 = arith.cmpi sgt, %parallel_loop3A_1277, %parallel_loop3A_1280 : i32
        %parallel_loop3A_1282 = arith.extui %parallel_loop3A_1281 : i1 to i32
        %parallel_loop3A_1283 = arith.constant 0 : i32
        %parallel_loop3A_1284 = arith.cmpi slt, %parallel_loop3A_1277, %parallel_loop3A_1283 : i32
        %parallel_loop3A_1285 = arith.extui %parallel_loop3A_1284 : i1 to i32
        %parallel_loop3A_1286 = arith.subi %parallel_loop3A_1282, %parallel_loop3A_1285 : i32
        %parallel_loop3A_1287 = arith.constant 0 : i32
        %parallel_loop3A_1288 = arith.cmpi sgt, %parallel_loop3A_1278, %parallel_loop3A_1287 : i32
        %parallel_loop3A_1289 = arith.extui %parallel_loop3A_1288 : i1 to i32
        %parallel_loop3A_1290 = arith.constant 0 : i32
        %parallel_loop3A_1291 = arith.cmpi slt, %parallel_loop3A_1278, %parallel_loop3A_1290 : i32
        %parallel_loop3A_1292 = arith.extui %parallel_loop3A_1291 : i1 to i32
        %parallel_loop3A_1293 = arith.subi %parallel_loop3A_1289, %parallel_loop3A_1292 : i32
        %parallel_loop3A_1294 = arith.cmpi ne, %parallel_loop3A_1286, %parallel_loop3A_1293 : i32
        %parallel_loop3A_1295 = arith.remsi %parallel_loop3A_1277, %parallel_loop3A_1278 : i32
        %parallel_loop3A_1296 = arith.constant 0 : i32
        %parallel_loop3A_1297 = arith.cmpi ne, %parallel_loop3A_1295, %parallel_loop3A_1296 : i32
        %parallel_loop3A_1298 = arith.andi %parallel_loop3A_1294, %parallel_loop3A_1297 : i1
        %parallel_loop3A_1299 = arith.constant 1 : i32
        %parallel_loop3A_1300 = arith.subi %parallel_loop3A_1279, %parallel_loop3A_1299 : i32
        %parallel_loop3A_1301 = arith.select %parallel_loop3A_1298, %parallel_loop3A_1300, %parallel_loop3A_1279 : i32
        %parallel_loop3A_1302 = arith.constant 16 : i32
        %parallel_loop3A_1303 = arith.muli %parallel_loop3A_1301, %parallel_loop3A_1302 : i32
        %parallel_loop3A_1304 = arith.constant 3 : i32
        %parallel_loop3A_1305 = arith.index_cast %select_n3A_1057 : i32 to index
        %parallel_loop3A_1306 = arith.index_cast %parallel_loop3A_1304 : i32 to index
        %parallel_loop3A_1307 = arith.index_cast %parallel_loop3A_1303 : i32 to index
        %parallel_loop3A_1308 = tpu.vector_load %arg9[%parallel_loop3A_1305, %parallel_loop3A_1306, %parallel_loop3A_1307] {strides = array<i32>} : memref<3x5x80xf32, #tpu.memory_space<vmem>>, vector<1x1x16xf32>,
        %parallel_loop3A_1309 = vector.shape_cast %parallel_loop3A_1308 : vector<1x1x16xf32> to vector<16xf32>
        %parallel_loop3A_1310 = arith.constant 16 : i32
        %parallel_loop3A_1311 = arith.constant 0 : i32
        %parallel_loop3A_1312 = arith.cmpi eq, %parallel_loop3A_1310, %parallel_loop3A_1311 : i32
        %parallel_loop3A_1313 = arith.constant 1 : i32
        %parallel_loop3A_1314 = arith.select %parallel_loop3A_1312, %parallel_loop3A_1313, %parallel_loop3A_1310 : i32
        %parallel_loop3A_1315 = arith.remsi %parallel_loop3A_1277, %parallel_loop3A_1314 : i32
        %parallel_loop3A_1316 = arith.constant 0 : i32
        %parallel_loop3A_1317 = arith.cmpi ne, %parallel_loop3A_1315, %parallel_loop3A_1316 : i32
        %parallel_loop3A_1318 = arith.constant 0 : i32
        %parallel_loop3A_1319 = arith.cmpi slt, %parallel_loop3A_1315, %parallel_loop3A_1318 : i32
        %parallel_loop3A_1320 = arith.constant 0 : i32
        %parallel_loop3A_1321 = arith.cmpi slt, %parallel_loop3A_1314, %parallel_loop3A_1320 : i32
        %parallel_loop3A_1322 = arith.xori %parallel_loop3A_1319, %parallel_loop3A_1321 : i1
        %parallel_loop3A_1323 = arith.andi %parallel_loop3A_1322, %parallel_loop3A_1317 : i1
        %parallel_loop3A_1324 = arith.addi %parallel_loop3A_1315, %parallel_loop3A_1314 : i32
        %parallel_loop3A_1325 = arith.select %parallel_loop3A_1323, %parallel_loop3A_1324, %parallel_loop3A_1315 : i32
        %parallel_loop3A_1326 = vector.broadcast %parallel_loop3A_1325 : i32 to vector<16xi32>
        %parallel_loop3A_1327 = arith.constant 0 : i32
        %parallel_loop3A_1328 = vector.broadcast %parallel_loop3A_1327 : i32 to vector<16xi32>
        %parallel_loop3A_1329 = arith.cmpi slt, %parallel_loop3A_1326, %parallel_loop3A_1328 : vector<16xi32>
        %parallel_loop3A_1330 = arith.constant 16 : i32
        %parallel_loop3A_1331 = vector.broadcast %parallel_loop3A_1330 : i32 to vector<16xi32>
        %parallel_loop3A_1332 = arith.addi %parallel_loop3A_1326, %parallel_loop3A_1331 : vector<16xi32>
        %parallel_loop3A_1333 = arith.select %parallel_loop3A_1329, %parallel_loop3A_1332, %parallel_loop3A_1326 : vector<16xi1>, vector<16xi32>
        %parallel_loop3A_1334 = vector.shape_cast %parallel_loop3A_1333 : vector<16xi32> to vector<16x1xi32>
        %parallel_loop3A_1335 = vector.shape_cast %parallel_loop3A_1334 : vector<16x1xi32> to vector<16xi32>
        %parallel_loop3A_1336 = tpu.dynamic_gather %parallel_loop3A_1309[%parallel_loop3A_1335] in [0] : vector<16xf32>, vector<16xi32> -> vector<16xf32>
        %parallel_loop3A_1337 = arith.index_cast %select_n3A_1041 : i32 to index
        %parallel_loop3A_1338 = arith.index_cast %parallel_loop3A_1277 : i32 to index
        %parallel_loop3A_1339 = arith.constant 0 : index
        %parallel_loop3A_1340 = tpu.vector_load %arg10[%parallel_loop3A_1337, %parallel_loop3A_1338, %parallel_loop3A_1339] {strides = array<i32>} : memref<3x80x128xf32, #tpu.memory_space<vmem>>, vector<1x1x16xf32>,
        %parallel_loop3A_1341 = vector.shape_cast %parallel_loop3A_1340 : vector<1x1x16xf32> to vector<16xf32>
        %parallel_loop3A_1342 = arith.mulf %parallel_loop3A_1341, %parallel_loop3A_1336 : vector<16xf32>
        %parallel_loop3A_1343 = arith.index_cast %select_n3A_1041 : i32 to index
        %parallel_loop3A_1344 = arith.index_cast %parallel_loop3A_1277 : i32 to index
        %parallel_loop3A_1345 = arith.constant 0 : index
        %parallel_loop3A_1346 = tpu.vector_load %arg10[%parallel_loop3A_1343, %parallel_loop3A_1344, %parallel_loop3A_1345] {strides = array<i32>} : memref<3x80x128xf32, #tpu.memory_space<vmem>>, vector<1x1x16xf32>,
        %parallel_loop3A_1347 = vector.shape_cast %parallel_loop3A_1346 : vector<1x1x16xf32> to vector<16xf32>
        %parallel_loop3A_1348 = vector.shape_cast %parallel_loop3A_1342 : vector<16xf32> to vector<1x1x16xf32>
        tpu.vector_store %arg10[%parallel_loop3A_1343, %parallel_loop3A_1344, %parallel_loop3A_1345], %parallel_loop3A_1348 {strides = array<i32>} : memref<3x80x128xf32, #tpu.memory_space<vmem>>, vector<1x1x16xf32>,
        %parallel_loop3A_1349 = arith.index_cast %select_n3A_1041 : i32 to index
        %parallel_loop3A_1350 = arith.index_cast %parallel_loop3A_1277 : i32 to index
        %parallel_loop3A_1351 = arith.constant 16 : index
        %parallel_loop3A_1352 = tpu.vector_load %arg10[%parallel_loop3A_1349, %parallel_loop3A_1350, %parallel_loop3A_1351] {strides = array<i32>} : memref<3x80x128xf32, #tpu.memory_space<vmem>>, vector<1x1x16xf32>,
        %parallel_loop3A_1353 = vector.shape_cast %parallel_loop3A_1352 : vector<1x1x16xf32> to vector<16xf32>
        %parallel_loop3A_1354 = arith.mulf %parallel_loop3A_1353, %parallel_loop3A_1336 : vector<16xf32>
        %parallel_loop3A_1355 = arith.index_cast %select_n3A_1041 : i32 to index
        %parallel_loop3A_1356 = arith.index_cast %parallel_loop3A_1277 : i32 to index
        %parallel_loop3A_1357 = arith.constant 16 : index
        %parallel_loop3A_1358 = tpu.vector_load %arg10[%parallel_loop3A_1355, %parallel_loop3A_1356, %parallel_loop3A_1357] {strides = array<i32>} : memref<3x80x128xf32, #tpu.memory_space<vmem>>, vector<1x1x16xf32>,
        %parallel_loop3A_1359 = vector.shape_cast %parallel_loop3A_1358 : vector<1x1x16xf32> to vector<16xf32>
        %parallel_loop3A_1360 = vector.shape_cast %parallel_loop3A_1354 : vector<16xf32> to vector<1x1x16xf32>
        tpu.vector_store %arg10[%parallel_loop3A_1355, %parallel_loop3A_1356, %parallel_loop3A_1357], %parallel_loop3A_1360 {strides = array<i32>} : memref<3x80x128xf32, #tpu.memory_space<vmem>>, vector<1x1x16xf32>,
        %parallel_loop3A_1361 = arith.index_cast %select_n3A_1041 : i32 to index
        %parallel_loop3A_1362 = arith.index_cast %parallel_loop3A_1277 : i32 to index
        %parallel_loop3A_1363 = arith.constant 32 : index
        %parallel_loop3A_1364 = tpu.vector_load %arg10[%parallel_loop3A_1361, %parallel_loop3A_1362, %parallel_loop3A_1363] {strides = array<i32>} : memref<3x80x128xf32, #tpu.memory_space<vmem>>, vector<1x1x16xf32>,
        %parallel_loop3A_1365 = vector.shape_cast %parallel_loop3A_1364 : vector<1x1x16xf32> to vector<16xf32>
        %parallel_loop3A_1366 = arith.mulf %parallel_loop3A_1365, %parallel_loop3A_1336 : vector<16xf32>
        %parallel_loop3A_1367 = arith.index_cast %select_n3A_1041 : i32 to index
        %parallel_loop3A_1368 = arith.index_cast %parallel_loop3A_1277 : i32 to index
        %parallel_loop3A_1369 = arith.constant 32 : index
        %parallel_loop3A_1370 = tpu.vector_load %arg10[%parallel_loop3A_1367, %parallel_loop3A_1368, %parallel_loop3A_1369] {strides = array<i32>} : memref<3x80x128xf32, #tpu.memory_space<vmem>>, vector<1x1x16xf32>,
        %parallel_loop3A_1371 = vector.shape_cast %parallel_loop3A_1370 : vector<1x1x16xf32> to vector<16xf32>
        %parallel_loop3A_1372 = vector.shape_cast %parallel_loop3A_1366 : vector<16xf32> to vector<1x1x16xf32>
        tpu.vector_store %arg10[%parallel_loop3A_1367, %parallel_loop3A_1368, %parallel_loop3A_1369], %parallel_loop3A_1372 {strides = array<i32>} : memref<3x80x128xf32, #tpu.memory_space<vmem>>, vector<1x1x16xf32>,
        %parallel_loop3A_1373 = arith.index_cast %select_n3A_1041 : i32 to index
        %parallel_loop3A_1374 = arith.index_cast %parallel_loop3A_1277 : i32 to index
        %parallel_loop3A_1375 = arith.constant 48 : index
        %parallel_loop3A_1376 = tpu.vector_load %arg10[%parallel_loop3A_1373, %parallel_loop3A_1374, %parallel_loop3A_1375] {strides = array<i32>} : memref<3x80x128xf32, #tpu.memory_space<vmem>>, vector<1x1x16xf32>,
        %parallel_loop3A_1377 = vector.shape_cast %parallel_loop3A_1376 : vector<1x1x16xf32> to vector<16xf32>
        %parallel_loop3A_1378 = arith.mulf %parallel_loop3A_1377, %parallel_loop3A_1336 : vector<16xf32>
        %parallel_loop3A_1379 = arith.index_cast %select_n3A_1041 : i32 to index
        %parallel_loop3A_1380 = arith.index_cast %parallel_loop3A_1277 : i32 to index
        %parallel_loop3A_1381 = arith.constant 48 : index
        %parallel_loop3A_1382 = tpu.vector_load %arg10[%parallel_loop3A_1379, %parallel_loop3A_1380, %parallel_loop3A_1381] {strides = array<i32>} : memref<3x80x128xf32, #tpu.memory_space<vmem>>, vector<1x1x16xf32>,
        %parallel_loop3A_1383 = vector.shape_cast %parallel_loop3A_1382 : vector<1x1x16xf32> to vector<16xf32>
        %parallel_loop3A_1384 = vector.shape_cast %parallel_loop3A_1378 : vector<16xf32> to vector<1x1x16xf32>
        tpu.vector_store %arg10[%parallel_loop3A_1379, %parallel_loop3A_1380, %parallel_loop3A_1381], %parallel_loop3A_1384 {strides = array<i32>} : memref<3x80x128xf32, #tpu.memory_space<vmem>>, vector<1x1x16xf32>,
        %parallel_loop3A_1385 = arith.index_cast %select_n3A_1041 : i32 to index
        %parallel_loop3A_1386 = arith.index_cast %parallel_loop3A_1277 : i32 to index
        %parallel_loop3A_1387 = arith.constant 64 : index
        %parallel_loop3A_1388 = tpu.vector_load %arg10[%parallel_loop3A_1385, %parallel_loop3A_1386, %parallel_loop3A_1387] {strides = array<i32>} : memref<3x80x128xf32, #tpu.memory_space<vmem>>, vector<1x1x16xf32>,
        %parallel_loop3A_1389 = vector.shape_cast %parallel_loop3A_1388 : vector<1x1x16xf32> to vector<16xf32>
        %parallel_loop3A_1390 = arith.mulf %parallel_loop3A_1389, %parallel_loop3A_1336 : vector<16xf32>
        %parallel_loop3A_1391 = arith.index_cast %select_n3A_1041 : i32 to index
        %parallel_loop3A_1392 = arith.index_cast %parallel_loop3A_1277 : i32 to index
        %parallel_loop3A_1393 = arith.constant 64 : index
        %parallel_loop3A_1394 = tpu.vector_load %arg10[%parallel_loop3A_1391, %parallel_loop3A_1392, %parallel_loop3A_1393] {strides = array<i32>} : memref<3x80x128xf32, #tpu.memory_space<vmem>>, vector<1x1x16xf32>,
        %parallel_loop3A_1395 = vector.shape_cast %parallel_loop3A_1394 : vector<1x1x16xf32> to vector<16xf32>
        %parallel_loop3A_1396 = vector.shape_cast %parallel_loop3A_1390 : vector<16xf32> to vector<1x1x16xf32>
        tpu.vector_store %arg10[%parallel_loop3A_1391, %parallel_loop3A_1392, %parallel_loop3A_1393], %parallel_loop3A_1396 {strides = array<i32>} : memref<3x80x128xf32, #tpu.memory_space<vmem>>, vector<1x1x16xf32>,
        %parallel_loop3A_1397 = arith.index_cast %select_n3A_1041 : i32 to index
        %parallel_loop3A_1398 = arith.index_cast %parallel_loop3A_1277 : i32 to index
        %parallel_loop3A_1399 = arith.constant 80 : index
        %parallel_loop3A_1400 = tpu.vector_load %arg10[%parallel_loop3A_1397, %parallel_loop3A_1398, %parallel_loop3A_1399] {strides = array<i32>} : memref<3x80x128xf32, #tpu.memory_space<vmem>>, vector<1x1x16xf32>,
        %parallel_loop3A_1401 = vector.shape_cast %parallel_loop3A_1400 : vector<1x1x16xf32> to vector<16xf32>
        %parallel_loop3A_1402 = arith.mulf %parallel_loop3A_1401, %parallel_loop3A_1336 : vector<16xf32>
        %parallel_loop3A_1403 = arith.index_cast %select_n3A_1041 : i32 to index
        %parallel_loop3A_1404 = arith.index_cast %parallel_loop3A_1277 : i32 to index
        %parallel_loop3A_1405 = arith.constant 80 : index
        %parallel_loop3A_1406 = tpu.vector_load %arg10[%parallel_loop3A_1403, %parallel_loop3A_1404, %parallel_loop3A_1405] {strides = array<i32>} : memref<3x80x128xf32, #tpu.memory_space<vmem>>, vector<1x1x16xf32>,
        %parallel_loop3A_1407 = vector.shape_cast %parallel_loop3A_1406 : vector<1x1x16xf32> to vector<16xf32>
        %parallel_loop3A_1408 = vector.shape_cast %parallel_loop3A_1402 : vector<16xf32> to vector<1x1x16xf32>
        tpu.vector_store %arg10[%parallel_loop3A_1403, %parallel_loop3A_1404, %parallel_loop3A_1405], %parallel_loop3A_1408 {strides = array<i32>} : memref<3x80x128xf32, #tpu.memory_space<vmem>>, vector<1x1x16xf32>,
        %parallel_loop3A_1409 = arith.index_cast %select_n3A_1041 : i32 to index
        %parallel_loop3A_1410 = arith.index_cast %parallel_loop3A_1277 : i32 to index
        %parallel_loop3A_1411 = arith.constant 96 : index
        %parallel_loop3A_1412 = tpu.vector_load %arg10[%parallel_loop3A_1409, %parallel_loop3A_1410, %parallel_loop3A_1411] {strides = array<i32>} : memref<3x80x128xf32, #tpu.memory_space<vmem>>, vector<1x1x16xf32>,
        %parallel_loop3A_1413 = vector.shape_cast %parallel_loop3A_1412 : vector<1x1x16xf32> to vector<16xf32>
        %parallel_loop3A_1414 = arith.mulf %parallel_loop3A_1413, %parallel_loop3A_1336 : vector<16xf32>
        %parallel_loop3A_1415 = arith.index_cast %select_n3A_1041 : i32 to index
        %parallel_loop3A_1416 = arith.index_cast %parallel_loop3A_1277 : i32 to index
        %parallel_loop3A_1417 = arith.constant 96 : index
        %parallel_loop3A_1418 = tpu.vector_load %arg10[%parallel_loop3A_1415, %parallel_loop3A_1416, %parallel_loop3A_1417] {strides = array<i32>} : memref<3x80x128xf32, #tpu.memory_space<vmem>>, vector<1x1x16xf32>,
        %parallel_loop3A_1419 = vector.shape_cast %parallel_loop3A_1418 : vector<1x1x16xf32> to vector<16xf32>
        %parallel_loop3A_1420 = vector.shape_cast %parallel_loop3A_1414 : vector<16xf32> to vector<1x1x16xf32>
        tpu.vector_store %arg10[%parallel_loop3A_1415, %parallel_loop3A_1416, %parallel_loop3A_1417], %parallel_loop3A_1420 {strides = array<i32>} : memref<3x80x128xf32, #tpu.memory_space<vmem>>, vector<1x1x16xf32>,
        %parallel_loop3A_1421 = arith.index_cast %select_n3A_1041 : i32 to index
        %parallel_loop3A_1422 = arith.index_cast %parallel_loop3A_1277 : i32 to index
        %parallel_loop3A_1423 = arith.constant 112 : index
        %parallel_loop3A_1424 = tpu.vector_load %arg10[%parallel_loop3A_1421, %parallel_loop3A_1422, %parallel_loop3A_1423] {strides = array<i32>} : memref<3x80x128xf32, #tpu.memory_space<vmem>>, vector<1x1x16xf32>,
        %parallel_loop3A_1425 = vector.shape_cast %parallel_loop3A_1424 : vector<1x1x16xf32> to vector<16xf32>
        %parallel_loop3A_1426 = arith.mulf %parallel_loop3A_1425, %parallel_loop3A_1336 : vector<16xf32>
        %parallel_loop3A_1427 = arith.index_cast %select_n3A_1041 : i32 to index
        %parallel_loop3A_1428 = arith.index_cast %parallel_loop3A_1277 : i32 to index
        %parallel_loop3A_1429 = arith.constant 112 : index
        %parallel_loop3A_1430 = tpu.vector_load %arg10[%parallel_loop3A_1427, %parallel_loop3A_1428, %parallel_loop3A_1429] {strides = array<i32>} : memref<3x80x128xf32, #tpu.memory_space<vmem>>, vector<1x1x16xf32>,
        %parallel_loop3A_1431 = vector.shape_cast %parallel_loop3A_1430 : vector<1x1x16xf32> to vector<16xf32>
        %parallel_loop3A_1432 = vector.shape_cast %parallel_loop3A_1426 : vector<16xf32> to vector<1x1x16xf32>
        tpu.vector_store %arg10[%parallel_loop3A_1427, %parallel_loop3A_1428, %parallel_loop3A_1429], %parallel_loop3A_1432 {strides = array<i32>} : memref<3x80x128xf32, #tpu.memory_space<vmem>>, vector<1x1x16xf32>,
      } {sc.loop_unroll_factor = 8 : i64, sc.parallel_access}
      %dma_start3A_1136 = arith.constant 3 : i32
      %dma_start3A_1137 = arith.constant 0 : i32
      %dma_start3A_1138 = arith.constant 0 : i32
      %dma_start3A_1139 = tpu.memref_slice %arg10[%select_n3A_1041, %dma_start3A_1137, %dma_start3A_1138] : memref<3x80x128xf32, #tpu.memory_space<vmem>> -> memref<1x80x128xf32, #tpu.memory_space<vmem>>
      %dma_start3A_1140 = tpu.memref_squeeze %dma_start3A_1139 : memref<1x80x128xf32, #tpu.memory_space<vmem>> -> memref<80x128xf32, #tpu.memory_space<vmem>>
      %dma_start3A_1141 = arith.constant 0 : i32
      %dma_start3A_1142 = tpu.memref_slice %arg8[%select_n3A_1057, %dma_start3A_1136, %dma_start3A_1141] : memref<3x5x80xi32, #tpu.memory_space<vmem>> -> memref<1x1x80xi32, #tpu.memory_space<vmem>>
      %dma_start3A_1143 = tpu.memref_squeeze %dma_start3A_1142 : memref<1x1x80xi32, #tpu.memory_space<vmem>> -> memref<80xi32, #tpu.memory_space<vmem>>
      %dma_start3A_1144 = arith.constant 0 : i32
      %dma_start3A_1145 = arith.constant 0 : i32
      %dma_start3A_1146 = tpu.memref_slice %arg11[%dma_start3A_1144, %dma_start3A_1145] : memref<10000x128xf32, #tpu.memory_space<vmem_shared>> -> memref<10000x128xf32, #tpu.memory_space<vmem_shared>>
      %dma_start3A_1147 = tpu.memref_slice %arg14[%select_n3A_1041] : memref<3x!tpu.dma_semaphore, #tpu.memory_space<semaphore_mem>> -> memref<1x!tpu.dma_semaphore, #tpu.memory_space<semaphore_mem>>
      %dma_start3A_1148 = tpu.memref_squeeze %dma_start3A_1147 : memref<1x!tpu.dma_semaphore, #tpu.memory_space<semaphore_mem>> -> memref<!tpu.dma_semaphore, #tpu.memory_space<semaphore_mem>>
      tpu.enqueue_indirect_dma source(%dma_start3A_1140 : memref<80x128xf32, #tpu.memory_space<vmem>>) target(%dma_start3A_1146 : memref<10000x128xf32, #tpu.memory_space<vmem_shared>>) offsets(%dma_start3A_1143 : memref<80xi32, #tpu.memory_space<vmem>>) semaphore(%dma_start3A_1148 : memref<!tpu.dma_semaphore, #tpu.memory_space<semaphore_mem>>) {add = true}
      %mul3A_1149 = arith.constant 5 : i32
      %mul3A_1150 = arith.muli %scan3A_634, %mul3A_1149 : i32
      %add3A_1151 = arith.constant 4 : i32
      %add3A_1152 = arith.addi %mul3A_1150, %add3A_1151 : i32
      %jit3A_1153 = arith.constant 3 : i32
      %eq3A_1154 = arith.constant 0 : i32
      %eq3A_1155 = arith.cmpi eq, %jit3A_1153, %eq3A_1154 : i32
      %jit3A_1156 = arith.constant 1 : i32
      %select_n3A_1157 = arith.select %eq3A_1155, %jit3A_1156, %jit3A_1153 : i32
      %rem3A_1158 = arith.remsi %add3A_1152, %select_n3A_1157 : i32
      %ne3A_1159 = arith.constant 0 : i32
      %ne3A_1160 = arith.cmpi ne, %rem3A_1158, %ne3A_1159 : i32
      %lt3A_1161 = arith.constant 0 : i32
      %lt3A_1162 = arith.cmpi slt, %rem3A_1158, %lt3A_1161 : i32
      %lt3A_1163 = arith.constant 0 : i32
      %lt3A_1164 = arith.cmpi slt, %select_n3A_1157, %lt3A_1163 : i32
      %ne3A_1165 = arith.xori %lt3A_1162, %lt3A_1164 : i1
      %and3A_1166 = arith.andi %ne3A_1165, %ne3A_1160 : i1
      %add3A_1167 = arith.addi %rem3A_1158, %select_n3A_1157 : i32
      %select_n3A_1168 = arith.select %and3A_1166, %add3A_1167, %rem3A_1158 : i32
      %jit3A_1169 = arith.constant 3 : i32
      %eq3A_1170 = arith.constant 0 : i32
      %eq3A_1171 = arith.cmpi eq, %jit3A_1169, %eq3A_1170 : i32
      %jit3A_1172 = arith.constant 1 : i32
      %select_n3A_1173 = arith.select %eq3A_1171, %jit3A_1172, %jit3A_1169 : i32
      %rem3A_1174 = arith.remsi %scan3A_634, %select_n3A_1173 : i32
      %ne3A_1175 = arith.constant 0 : i32
      %ne3A_1176 = arith.cmpi ne, %rem3A_1174, %ne3A_1175 : i32
      %lt3A_1177 = arith.constant 0 : i32
      %lt3A_1178 = arith.cmpi slt, %rem3A_1174, %lt3A_1177 : i32
      %lt3A_1179 = arith.constant 0 : i32
      %lt3A_1180 = arith.cmpi slt, %select_n3A_1173, %lt3A_1179 : i32
      %ne3A_1181 = arith.xori %lt3A_1178, %lt3A_1180 : i1
      %and3A_1182 = arith.andi %ne3A_1181, %ne3A_1176 : i1
      %add3A_1183 = arith.addi %rem3A_1174, %select_n3A_1173 : i32
      %select_n3A_1184 = arith.select %and3A_1182, %add3A_1183, %rem3A_1174 : i32
      %jit3A_1185 = arith.constant 5 : i32
      %div3A_1186 = arith.divsi %add3A_1152, %jit3A_1185 : i32
      %sign3A_1187 = arith.constant 0 : i32
      %sign3A_1188 = arith.cmpi sgt, %add3A_1152, %sign3A_1187 : i32
      %sign3A_1189 = arith.extui %sign3A_1188 : i1 to i32
      %sign3A_1190 = arith.constant 0 : i32
      %sign3A_1191 = arith.cmpi slt, %add3A_1152, %sign3A_1190 : i32
      %sign3A_1192 = arith.extui %sign3A_1191 : i1 to i32
      %sign3A_1193 = arith.subi %sign3A_1189, %sign3A_1192 : i32
      %sign3A_1194 = arith.constant 0 : i32
      %sign3A_1195 = arith.cmpi sgt, %jit3A_1185, %sign3A_1194 : i32
      %sign3A_1196 = arith.extui %sign3A_1195 : i1 to i32
      %sign3A_1197 = arith.constant 0 : i32
      %sign3A_1198 = arith.cmpi slt, %jit3A_1185, %sign3A_1197 : i32
      %sign3A_1199 = arith.extui %sign3A_1198 : i1 to i32
      %sign3A_1200 = arith.subi %sign3A_1196, %sign3A_1199 : i32
      %ne3A_1201 = arith.cmpi ne, %sign3A_1193, %sign3A_1200 : i32
      %rem3A_1202 = arith.remsi %add3A_1152, %jit3A_1185 : i32
      %ne3A_1203 = arith.constant 0 : i32
      %ne3A_1204 = arith.cmpi ne, %rem3A_1202, %ne3A_1203 : i32
      %and3A_1205 = arith.andi %ne3A_1201, %ne3A_1204 : i1
      %sub3A_1206 = arith.constant 1 : i32
      %sub3A_1207 = arith.subi %div3A_1186, %sub3A_1206 : i32
      %select_n3A_1208 = arith.select %and3A_1205, %sub3A_1207, %div3A_1186 : i32
      %jit3A_1209 = arith.constant 3 : i32
      %eq3A_1210 = arith.constant 0 : i32
      %eq3A_1211 = arith.cmpi eq, %jit3A_1209, %eq3A_1210 : i32
      %jit3A_1212 = arith.constant 1 : i32
      %select_n3A_1213 = arith.select %eq3A_1211, %jit3A_1212, %jit3A_1209 : i32
      %rem3A_1214 = arith.remsi %select_n3A_1208, %select_n3A_1213 : i32
      %ne3A_1215 = arith.constant 0 : i32
      %ne3A_1216 = arith.cmpi ne, %rem3A_1214, %ne3A_1215 : i32
      %lt3A_1217 = arith.constant 0 : i32
      %lt3A_1218 = arith.cmpi slt, %rem3A_1214, %lt3A_1217 : i32
      %lt3A_1219 = arith.constant 0 : i32
      %lt3A_1220 = arith.cmpi slt, %select_n3A_1213, %lt3A_1219 : i32
      %ne3A_1221 = arith.xori %lt3A_1218, %lt3A_1220 : i1
      %and3A_1222 = arith.andi %ne3A_1221, %ne3A_1216 : i1
      %add3A_1223 = arith.addi %rem3A_1214, %select_n3A_1213 : i32
      %select_n3A_1224 = arith.select %and3A_1222, %add3A_1223, %rem3A_1214 : i32
      %jit3A_1225 = arith.constant 5 : i32
      %eq3A_1226 = arith.constant 0 : i32
      %eq3A_1227 = arith.cmpi eq, %jit3A_1225, %eq3A_1226 : i32
      %jit3A_1228 = arith.constant 1 : i32
      %select_n3A_1229 = arith.select %eq3A_1227, %jit3A_1228, %jit3A_1225 : i32
      %rem3A_1230 = arith.remsi %add3A_1152, %select_n3A_1229 : i32
      %ne3A_1231 = arith.constant 0 : i32
      %ne3A_1232 = arith.cmpi ne, %rem3A_1230, %ne3A_1231 : i32
      %lt3A_1233 = arith.constant 0 : i32
      %lt3A_1234 = arith.cmpi slt, %rem3A_1230, %lt3A_1233 : i32
      %lt3A_1235 = arith.constant 0 : i32
      %lt3A_1236 = arith.cmpi slt, %select_n3A_1229, %lt3A_1235 : i32
      %ne3A_1237 = arith.xori %lt3A_1234, %lt3A_1236 : i1
      %and3A_1238 = arith.andi %ne3A_1237, %ne3A_1232 : i1
      %add3A_1239 = arith.addi %rem3A_1230, %select_n3A_1229 : i32
      %select_n3A_1240 = arith.select %and3A_1238, %add3A_1239, %rem3A_1230 : i32
      %dma_wait3A_1241 = arith.constant 0 : i32
      %dma_wait3A_1242 = arith.constant 0 : i32
      %dma_wait3A_1243 = tpu.memref_slice %arg10[%select_n3A_1168, %dma_wait3A_1241, %dma_wait3A_1242] : memref<3x80x128xf32, #tpu.memory_space<vmem>> -> memref<1x80x128xf32, #tpu.memory_space<vmem>>
      %dma_wait3A_1244 = tpu.memref_squeeze %dma_wait3A_1243 : memref<1x80x128xf32, #tpu.memory_space<vmem>> -> memref<80x128xf32, #tpu.memory_space<vmem>>
      %dma_wait3A_1245 = arith.constant 0 : i32
      %dma_wait3A_1246 = tpu.memref_slice %arg7[%select_n3A_1224, %select_n3A_1240, %dma_wait3A_1245] : memref<3x5x80xi32, #tpu.memory_space<vmem>> -> memref<1x1x80xi32, #tpu.memory_space<vmem>>
      %dma_wait3A_1247 = tpu.memref_squeeze %dma_wait3A_1246 : memref<1x1x80xi32, #tpu.memory_space<vmem>> -> memref<80xi32, #tpu.memory_space<vmem>>
      %dma_wait3A_1248 = arith.constant 0 : i32
      %dma_wait3A_1249 = arith.constant 0 : i32
      %dma_wait3A_1250 = tpu.memref_slice %arg5[%dma_wait3A_1248, %dma_wait3A_1249] : memref<10000x128xf32, #tpu.memory_space<hbm>> -> memref<10000x128xf32, #tpu.memory_space<hbm>>
      %dma_wait3A_1251 = tpu.memref_slice %arg13[%select_n3A_1168] : memref<3x!tpu.dma_semaphore, #tpu.memory_space<semaphore_mem>> -> memref<1x!tpu.dma_semaphore, #tpu.memory_space<semaphore_mem>>
      %dma_wait3A_1252 = tpu.memref_squeeze %dma_wait3A_1251 : memref<1x!tpu.dma_semaphore, #tpu.memory_space<semaphore_mem>> -> memref<!tpu.dma_semaphore, #tpu.memory_space<semaphore_mem>>
      tpu.wait_indirect_dma semaphore(%dma_wait3A_1252 : memref<!tpu.dma_semaphore, #tpu.memory_space<semaphore_mem>>) src(%dma_wait3A_1250 : memref<10000x128xf32, #tpu.memory_space<hbm>>) dst(%dma_wait3A_1244 : memref<80x128xf32, #tpu.memory_space<vmem>>)
      %add3A_1253 = arith.constant 2 : i32
      %add3A_1254 = arith.addi %add3A_1152, %add3A_1253 : i32
      %lt3A_1255 = arith.constant 125 : i32
      %lt3A_1256 = arith.cmpi slt, %add3A_1254, %lt3A_1255 : i32
      %convert_element_type3A_1257 = arith.extui %lt3A_1256 : i1 to i32
      %cond3A_1258 = arith.constant 0 : i32
      %cond3A_1259 = arith.cmpi ne, %convert_element_type3A_1257, %cond3A_1258 : i32
      scf.if %cond3A_1259 {
        %add3A_1277 = arith.constant 2 : i32
        %add3A_1278 = arith.addi %add3A_1152, %add3A_1277 : i32
        %jit3A_1279 = arith.constant 3 : i32
        %eq3A_1280 = arith.constant 0 : i32
        %eq3A_1281 = arith.cmpi eq, %jit3A_1279, %eq3A_1280 : i32
        %jit3A_1282 = arith.constant 1 : i32
        %select_n3A_1283 = arith.select %eq3A_1281, %jit3A_1282, %jit3A_1279 : i32
        %rem3A_1284 = arith.remsi %add3A_1278, %select_n3A_1283 : i32
        %ne3A_1285 = arith.constant 0 : i32
        %ne3A_1286 = arith.cmpi ne, %rem3A_1284, %ne3A_1285 : i32
        %lt3A_1287 = arith.constant 0 : i32
        %lt3A_1288 = arith.cmpi slt, %rem3A_1284, %lt3A_1287 : i32
        %lt3A_1289 = arith.constant 0 : i32
        %lt3A_1290 = arith.cmpi slt, %select_n3A_1283, %lt3A_1289 : i32
        %ne3A_1291 = arith.xori %lt3A_1288, %lt3A_1290 : i1
        %and3A_1292 = arith.andi %ne3A_1291, %ne3A_1286 : i1
        %add3A_1293 = arith.addi %rem3A_1284, %select_n3A_1283 : i32
        %select_n3A_1294 = arith.select %and3A_1292, %add3A_1293, %rem3A_1284 : i32
        %ge3A = arith.constant 1 : i32
        %ge3A_1295 = arith.cmpi sge, %add3A_1152, %ge3A : i32
        %convert_element_type3A_1296 = arith.extui %ge3A_1295 : i1 to i32
        %cond3A_1297 = arith.constant 0 : i32
        %cond3A_1298 = arith.cmpi ne, %convert_element_type3A_1296, %cond3A_1297 : i32
        scf.if %cond3A_1298 {
          %dma_wait3A_1369 = arith.constant 4 : i32
          %dma_wait3A_1370 = arith.constant 0 : i32
          %dma_wait3A_1371 = arith.constant 0 : i32
          %dma_wait3A_1372 = tpu.memref_slice %arg10[%select_n3A_1294, %dma_wait3A_1370, %dma_wait3A_1371] : memref<3x80x128xf32, #tpu.memory_space<vmem>> -> memref<1x80x128xf32, #tpu.memory_space<vmem>>
          %dma_wait3A_1373 = tpu.memref_squeeze %dma_wait3A_1372 : memref<1x80x128xf32, #tpu.memory_space<vmem>> -> memref<80x128xf32, #tpu.memory_space<vmem>>
          %dma_wait3A_1374 = arith.constant 0 : i32
          %dma_wait3A_1375 = tpu.memref_slice %arg8[%select_n3A_1184, %dma_wait3A_1369, %dma_wait3A_1374] : memref<3x5x80xi32, #tpu.memory_space<vmem>> -> memref<1x1x80xi32, #tpu.memory_space<vmem>>
          %dma_wait3A_1376 = tpu.memref_squeeze %dma_wait3A_1375 : memref<1x1x80xi32, #tpu.memory_space<vmem>> -> memref<80xi32, #tpu.memory_space<vmem>>
          %dma_wait3A_1377 = arith.constant 0 : i32
          %dma_wait3A_1378 = arith.constant 0 : i32
          %dma_wait3A_1379 = tpu.memref_slice %arg11[%dma_wait3A_1377, %dma_wait3A_1378] : memref<10000x128xf32, #tpu.memory_space<vmem_shared>> -> memref<10000x128xf32, #tpu.memory_space<vmem_shared>>
          %dma_wait3A_1380 = tpu.memref_slice %arg14[%select_n3A_1294] : memref<3x!tpu.dma_semaphore, #tpu.memory_space<semaphore_mem>> -> memref<1x!tpu.dma_semaphore, #tpu.memory_space<semaphore_mem>>
          %dma_wait3A_1381 = tpu.memref_squeeze %dma_wait3A_1380 : memref<1x!tpu.dma_semaphore, #tpu.memory_space<semaphore_mem>> -> memref<!tpu.dma_semaphore, #tpu.memory_space<semaphore_mem>>
          tpu.wait_indirect_dma semaphore(%dma_wait3A_1381 : memref<!tpu.dma_semaphore, #tpu.memory_space<semaphore_mem>>) src(%dma_wait3A_1373 : memref<80x128xf32, #tpu.memory_space<vmem>>) dst(%dma_wait3A_1379 : memref<10000x128xf32, #tpu.memory_space<vmem_shared>>)
        } else {
        }
        %add3A_1299 = arith.constant 2 : i32
        %add3A_1300 = arith.addi %add3A_1152, %add3A_1299 : i32
        %jit3A_1301 = arith.constant 5 : i32
        %div3A_1302 = arith.divsi %add3A_1300, %jit3A_1301 : i32
        %sign3A_1303 = arith.constant 0 : i32
        %sign3A_1304 = arith.cmpi sgt, %add3A_1300, %sign3A_1303 : i32
        %sign3A_1305 = arith.extui %sign3A_1304 : i1 to i32
        %sign3A_1306 = arith.constant 0 : i32
        %sign3A_1307 = arith.cmpi slt, %add3A_1300, %sign3A_1306 : i32
        %sign3A_1308 = arith.extui %sign3A_1307 : i1 to i32
        %sign3A_1309 = arith.subi %sign3A_1305, %sign3A_1308 : i32
        %sign3A_1310 = arith.constant 0 : i32
        %sign3A_1311 = arith.cmpi sgt, %jit3A_1301, %sign3A_1310 : i32
        %sign3A_1312 = arith.extui %sign3A_1311 : i1 to i32
        %sign3A_1313 = arith.constant 0 : i32
        %sign3A_1314 = arith.cmpi slt, %jit3A_1301, %sign3A_1313 : i32
        %sign3A_1315 = arith.extui %sign3A_1314 : i1 to i32
        %sign3A_1316 = arith.subi %sign3A_1312, %sign3A_1315 : i32
        %ne3A_1317 = arith.cmpi ne, %sign3A_1309, %sign3A_1316 : i32
        %rem3A_1318 = arith.remsi %add3A_1300, %jit3A_1301 : i32
        %ne3A_1319 = arith.constant 0 : i32
        %ne3A_1320 = arith.cmpi ne, %rem3A_1318, %ne3A_1319 : i32
        %and3A_1321 = arith.andi %ne3A_1317, %ne3A_1320 : i1
        %sub3A_1322 = arith.constant 1 : i32
        %sub3A_1323 = arith.subi %div3A_1302, %sub3A_1322 : i32
        %select_n3A_1324 = arith.select %and3A_1321, %sub3A_1323, %div3A_1302 : i32
        %jit3A_1325 = arith.constant 3 : i32
        %eq3A_1326 = arith.constant 0 : i32
        %eq3A_1327 = arith.cmpi eq, %jit3A_1325, %eq3A_1326 : i32
        %jit3A_1328 = arith.constant 1 : i32
        %select_n3A_1329 = arith.select %eq3A_1327, %jit3A_1328, %jit3A_1325 : i32
        %rem3A_1330 = arith.remsi %select_n3A_1324, %select_n3A_1329 : i32
        %ne3A_1331 = arith.constant 0 : i32
        %ne3A_1332 = arith.cmpi ne, %rem3A_1330, %ne3A_1331 : i32
        %lt3A_1333 = arith.constant 0 : i32
        %lt3A_1334 = arith.cmpi slt, %rem3A_1330, %lt3A_1333 : i32
        %lt3A_1335 = arith.constant 0 : i32
        %lt3A_1336 = arith.cmpi slt, %select_n3A_1329, %lt3A_1335 : i32
        %ne3A_1337 = arith.xori %lt3A_1334, %lt3A_1336 : i1
        %and3A_1338 = arith.andi %ne3A_1337, %ne3A_1332 : i1
        %add3A_1339 = arith.addi %rem3A_1330, %select_n3A_1329 : i32
        %select_n3A_1340 = arith.select %and3A_1338, %add3A_1339, %rem3A_1330 : i32
        %jit3A_1341 = arith.constant 5 : i32
        %eq3A_1342 = arith.constant 0 : i32
        %eq3A_1343 = arith.cmpi eq, %jit3A_1341, %eq3A_1342 : i32
        %jit3A_1344 = arith.constant 1 : i32
        %select_n3A_1345 = arith.select %eq3A_1343, %jit3A_1344, %jit3A_1341 : i32
        %rem3A_1346 = arith.remsi %add3A_1300, %select_n3A_1345 : i32
        %ne3A_1347 = arith.constant 0 : i32
        %ne3A_1348 = arith.cmpi ne, %rem3A_1346, %ne3A_1347 : i32
        %lt3A_1349 = arith.constant 0 : i32
        %lt3A_1350 = arith.cmpi slt, %rem3A_1346, %lt3A_1349 : i32
        %lt3A_1351 = arith.constant 0 : i32
        %lt3A_1352 = arith.cmpi slt, %select_n3A_1345, %lt3A_1351 : i32
        %ne3A_1353 = arith.xori %lt3A_1350, %lt3A_1352 : i1
        %and3A_1354 = arith.andi %ne3A_1353, %ne3A_1348 : i1
        %add3A_1355 = arith.addi %rem3A_1346, %select_n3A_1345 : i32
        %select_n3A_1356 = arith.select %and3A_1354, %add3A_1355, %rem3A_1346 : i32
        %dma_start3A_1357 = arith.constant 0 : i32
        %dma_start3A_1358 = arith.constant 0 : i32
        %dma_start3A_1359 = tpu.memref_slice %arg10[%select_n3A_1294, %dma_start3A_1357, %dma_start3A_1358] : memref<3x80x128xf32, #tpu.memory_space<vmem>> -> memref<1x80x128xf32, #tpu.memory_space<vmem>>
        %dma_start3A_1360 = tpu.memref_squeeze %dma_start3A_1359 : memref<1x80x128xf32, #tpu.memory_space<vmem>> -> memref<80x128xf32, #tpu.memory_space<vmem>>
        %dma_start3A_1361 = arith.constant 0 : i32
        %dma_start3A_1362 = tpu.memref_slice %arg7[%select_n3A_1340, %select_n3A_1356, %dma_start3A_1361] : memref<3x5x80xi32, #tpu.memory_space<vmem>> -> memref<1x1x80xi32, #tpu.memory_space<vmem>>
        %dma_start3A_1363 = tpu.memref_squeeze %dma_start3A_1362 : memref<1x1x80xi32, #tpu.memory_space<vmem>> -> memref<80xi32, #tpu.memory_space<vmem>>
        %dma_start3A_1364 = arith.constant 0 : i32
        %dma_start3A_1365 = arith.constant 0 : i32
        %dma_start3A_1366 = tpu.memref_slice %arg5[%dma_start3A_1364, %dma_start3A_1365] : memref<10000x128xf32, #tpu.memory_space<hbm>> -> memref<10000x128xf32, #tpu.memory_space<hbm>>
        %dma_start3A_1367 = tpu.memref_slice %arg13[%select_n3A_1294] : memref<3x!tpu.dma_semaphore, #tpu.memory_space<semaphore_mem>> -> memref<1x!tpu.dma_semaphore, #tpu.memory_space<semaphore_mem>>
        %dma_start3A_1368 = tpu.memref_squeeze %dma_start3A_1367 : memref<1x!tpu.dma_semaphore, #tpu.memory_space<semaphore_mem>> -> memref<!tpu.dma_semaphore, #tpu.memory_space<semaphore_mem>>
        tpu.enqueue_indirect_dma source(%dma_start3A_1366 : memref<10000x128xf32, #tpu.memory_space<hbm>>) target(%dma_start3A_1360 : memref<80x128xf32, #tpu.memory_space<vmem>>) offsets(%dma_start3A_1363 : memref<80xi32, #tpu.memory_space<vmem>>) semaphore(%dma_start3A_1368 : memref<!tpu.dma_semaphore, #tpu.memory_space<semaphore_mem>>)
      } else {
      }
      %parallel_loop3A_1260 = arith.constant 0 : i32
      %parallel_loop3A_1261 = arith.constant 80 : i32
      %parallel_loop3A_1262 = arith.constant 1 : i32
      scf.for %parallel_loop3A_1277 = %parallel_loop3A_1260 to %parallel_loop3A_1261 step %parallel_loop3A_1262  : i32 {
        %parallel_loop3A_1278 = arith.constant 16 : i32
        %parallel_loop3A_1279 = arith.divsi %parallel_loop3A_1277, %parallel_loop3A_1278 : i32
        %parallel_loop3A_1280 = arith.constant 0 : i32
        %parallel_loop3A_1281 = arith.cmpi sgt, %parallel_loop3A_1277, %parallel_loop3A_1280 : i32
        %parallel_loop3A_1282 = arith.extui %parallel_loop3A_1281 : i1 to i32
        %parallel_loop3A_1283 = arith.constant 0 : i32
        %parallel_loop3A_1284 = arith.cmpi slt, %parallel_loop3A_1277, %parallel_loop3A_1283 : i32
        %parallel_loop3A_1285 = arith.extui %parallel_loop3A_1284 : i1 to i32
        %parallel_loop3A_1286 = arith.subi %parallel_loop3A_1282, %parallel_loop3A_1285 : i32
        %parallel_loop3A_1287 = arith.constant 0 : i32
        %parallel_loop3A_1288 = arith.cmpi sgt, %parallel_loop3A_1278, %parallel_loop3A_1287 : i32
        %parallel_loop3A_1289 = arith.extui %parallel_loop3A_1288 : i1 to i32
        %parallel_loop3A_1290 = arith.constant 0 : i32
        %parallel_loop3A_1291 = arith.cmpi slt, %parallel_loop3A_1278, %parallel_loop3A_1290 : i32
        %parallel_loop3A_1292 = arith.extui %parallel_loop3A_1291 : i1 to i32
        %parallel_loop3A_1293 = arith.subi %parallel_loop3A_1289, %parallel_loop3A_1292 : i32
        %parallel_loop3A_1294 = arith.cmpi ne, %parallel_loop3A_1286, %parallel_loop3A_1293 : i32
        %parallel_loop3A_1295 = arith.remsi %parallel_loop3A_1277, %parallel_loop3A_1278 : i32
        %parallel_loop3A_1296 = arith.constant 0 : i32
        %parallel_loop3A_1297 = arith.cmpi ne, %parallel_loop3A_1295, %parallel_loop3A_1296 : i32
        %parallel_loop3A_1298 = arith.andi %parallel_loop3A_1294, %parallel_loop3A_1297 : i1
        %parallel_loop3A_1299 = arith.constant 1 : i32
        %parallel_loop3A_1300 = arith.subi %parallel_loop3A_1279, %parallel_loop3A_1299 : i32
        %parallel_loop3A_1301 = arith.select %parallel_loop3A_1298, %parallel_loop3A_1300, %parallel_loop3A_1279 : i32
        %parallel_loop3A_1302 = arith.constant 16 : i32
        %parallel_loop3A_1303 = arith.muli %parallel_loop3A_1301, %parallel_loop3A_1302 : i32
        %parallel_loop3A_1304 = arith.constant 4 : i32
        %parallel_loop3A_1305 = arith.index_cast %select_n3A_1184 : i32 to index
        %parallel_loop3A_1306 = arith.index_cast %parallel_loop3A_1304 : i32 to index
        %parallel_loop3A_1307 = arith.index_cast %parallel_loop3A_1303 : i32 to index
        %parallel_loop3A_1308 = tpu.vector_load %arg9[%parallel_loop3A_1305, %parallel_loop3A_1306, %parallel_loop3A_1307] {strides = array<i32>} : memref<3x5x80xf32, #tpu.memory_space<vmem>>, vector<1x1x16xf32>,
        %parallel_loop3A_1309 = vector.shape_cast %parallel_loop3A_1308 : vector<1x1x16xf32> to vector<16xf32>
        %parallel_loop3A_1310 = arith.constant 16 : i32
        %parallel_loop3A_1311 = arith.constant 0 : i32
        %parallel_loop3A_1312 = arith.cmpi eq, %parallel_loop3A_1310, %parallel_loop3A_1311 : i32
        %parallel_loop3A_1313 = arith.constant 1 : i32
        %parallel_loop3A_1314 = arith.select %parallel_loop3A_1312, %parallel_loop3A_1313, %parallel_loop3A_1310 : i32
        %parallel_loop3A_1315 = arith.remsi %parallel_loop3A_1277, %parallel_loop3A_1314 : i32
        %parallel_loop3A_1316 = arith.constant 0 : i32
        %parallel_loop3A_1317 = arith.cmpi ne, %parallel_loop3A_1315, %parallel_loop3A_1316 : i32
        %parallel_loop3A_1318 = arith.constant 0 : i32
        %parallel_loop3A_1319 = arith.cmpi slt, %parallel_loop3A_1315, %parallel_loop3A_1318 : i32
        %parallel_loop3A_1320 = arith.constant 0 : i32
        %parallel_loop3A_1321 = arith.cmpi slt, %parallel_loop3A_1314, %parallel_loop3A_1320 : i32
        %parallel_loop3A_1322 = arith.xori %parallel_loop3A_1319, %parallel_loop3A_1321 : i1
        %parallel_loop3A_1323 = arith.andi %parallel_loop3A_1322, %parallel_loop3A_1317 : i1
        %parallel_loop3A_1324 = arith.addi %parallel_loop3A_1315, %parallel_loop3A_1314 : i32
        %parallel_loop3A_1325 = arith.select %parallel_loop3A_1323, %parallel_loop3A_1324, %parallel_loop3A_1315 : i32
        %parallel_loop3A_1326 = vector.broadcast %parallel_loop3A_1325 : i32 to vector<16xi32>
        %parallel_loop3A_1327 = arith.constant 0 : i32
        %parallel_loop3A_1328 = vector.broadcast %parallel_loop3A_1327 : i32 to vector<16xi32>
        %parallel_loop3A_1329 = arith.cmpi slt, %parallel_loop3A_1326, %parallel_loop3A_1328 : vector<16xi32>
        %parallel_loop3A_1330 = arith.constant 16 : i32
        %parallel_loop3A_1331 = vector.broadcast %parallel_loop3A_1330 : i32 to vector<16xi32>
        %parallel_loop3A_1332 = arith.addi %parallel_loop3A_1326, %parallel_loop3A_1331 : vector<16xi32>
        %parallel_loop3A_1333 = arith.select %parallel_loop3A_1329, %parallel_loop3A_1332, %parallel_loop3A_1326 : vector<16xi1>, vector<16xi32>
        %parallel_loop3A_1334 = vector.shape_cast %parallel_loop3A_1333 : vector<16xi32> to vector<16x1xi32>
        %parallel_loop3A_1335 = vector.shape_cast %parallel_loop3A_1334 : vector<16x1xi32> to vector<16xi32>
        %parallel_loop3A_1336 = tpu.dynamic_gather %parallel_loop3A_1309[%parallel_loop3A_1335] in [0] : vector<16xf32>, vector<16xi32> -> vector<16xf32>
        %parallel_loop3A_1337 = arith.index_cast %select_n3A_1168 : i32 to index
        %parallel_loop3A_1338 = arith.index_cast %parallel_loop3A_1277 : i32 to index
        %parallel_loop3A_1339 = arith.constant 0 : index
        %parallel_loop3A_1340 = tpu.vector_load %arg10[%parallel_loop3A_1337, %parallel_loop3A_1338, %parallel_loop3A_1339] {strides = array<i32>} : memref<3x80x128xf32, #tpu.memory_space<vmem>>, vector<1x1x16xf32>,
        %parallel_loop3A_1341 = vector.shape_cast %parallel_loop3A_1340 : vector<1x1x16xf32> to vector<16xf32>
        %parallel_loop3A_1342 = arith.mulf %parallel_loop3A_1341, %parallel_loop3A_1336 : vector<16xf32>
        %parallel_loop3A_1343 = arith.index_cast %select_n3A_1168 : i32 to index
        %parallel_loop3A_1344 = arith.index_cast %parallel_loop3A_1277 : i32 to index
        %parallel_loop3A_1345 = arith.constant 0 : index
        %parallel_loop3A_1346 = tpu.vector_load %arg10[%parallel_loop3A_1343, %parallel_loop3A_1344, %parallel_loop3A_1345] {strides = array<i32>} : memref<3x80x128xf32, #tpu.memory_space<vmem>>, vector<1x1x16xf32>,
        %parallel_loop3A_1347 = vector.shape_cast %parallel_loop3A_1346 : vector<1x1x16xf32> to vector<16xf32>
        %parallel_loop3A_1348 = vector.shape_cast %parallel_loop3A_1342 : vector<16xf32> to vector<1x1x16xf32>
        tpu.vector_store %arg10[%parallel_loop3A_1343, %parallel_loop3A_1344, %parallel_loop3A_1345], %parallel_loop3A_1348 {strides = array<i32>} : memref<3x80x128xf32, #tpu.memory_space<vmem>>, vector<1x1x16xf32>,
        %parallel_loop3A_1349 = arith.index_cast %select_n3A_1168 : i32 to index
        %parallel_loop3A_1350 = arith.index_cast %parallel_loop3A_1277 : i32 to index
        %parallel_loop3A_1351 = arith.constant 16 : index
        %parallel_loop3A_1352 = tpu.vector_load %arg10[%parallel_loop3A_1349, %parallel_loop3A_1350, %parallel_loop3A_1351] {strides = array<i32>} : memref<3x80x128xf32, #tpu.memory_space<vmem>>, vector<1x1x16xf32>,
        %parallel_loop3A_1353 = vector.shape_cast %parallel_loop3A_1352 : vector<1x1x16xf32> to vector<16xf32>
        %parallel_loop3A_1354 = arith.mulf %parallel_loop3A_1353, %parallel_loop3A_1336 : vector<16xf32>
        %parallel_loop3A_1355 = arith.index_cast %select_n3A_1168 : i32 to index
        %parallel_loop3A_1356 = arith.index_cast %parallel_loop3A_1277 : i32 to index
        %parallel_loop3A_1357 = arith.constant 16 : index
        %parallel_loop3A_1358 = tpu.vector_load %arg10[%parallel_loop3A_1355, %parallel_loop3A_1356, %parallel_loop3A_1357] {strides = array<i32>} : memref<3x80x128xf32, #tpu.memory_space<vmem>>, vector<1x1x16xf32>,
        %parallel_loop3A_1359 = vector.shape_cast %parallel_loop3A_1358 : vector<1x1x16xf32> to vector<16xf32>
        %parallel_loop3A_1360 = vector.shape_cast %parallel_loop3A_1354 : vector<16xf32> to vector<1x1x16xf32>
        tpu.vector_store %arg10[%parallel_loop3A_1355, %parallel_loop3A_1356, %parallel_loop3A_1357], %parallel_loop3A_1360 {strides = array<i32>} : memref<3x80x128xf32, #tpu.memory_space<vmem>>, vector<1x1x16xf32>,
        %parallel_loop3A_1361 = arith.index_cast %select_n3A_1168 : i32 to index
        %parallel_loop3A_1362 = arith.index_cast %parallel_loop3A_1277 : i32 to index
        %parallel_loop3A_1363 = arith.constant 32 : index
        %parallel_loop3A_1364 = tpu.vector_load %arg10[%parallel_loop3A_1361, %parallel_loop3A_1362, %parallel_loop3A_1363] {strides = array<i32>} : memref<3x80x128xf32, #tpu.memory_space<vmem>>, vector<1x1x16xf32>,
        %parallel_loop3A_1365 = vector.shape_cast %parallel_loop3A_1364 : vector<1x1x16xf32> to vector<16xf32>
        %parallel_loop3A_1366 = arith.mulf %parallel_loop3A_1365, %parallel_loop3A_1336 : vector<16xf32>
        %parallel_loop3A_1367 = arith.index_cast %select_n3A_1168 : i32 to index
        %parallel_loop3A_1368 = arith.index_cast %parallel_loop3A_1277 : i32 to index
        %parallel_loop3A_1369 = arith.constant 32 : index
        %parallel_loop3A_1370 = tpu.vector_load %arg10[%parallel_loop3A_1367, %parallel_loop3A_1368, %parallel_loop3A_1369] {strides = array<i32>} : memref<3x80x128xf32, #tpu.memory_space<vmem>>, vector<1x1x16xf32>,
        %parallel_loop3A_1371 = vector.shape_cast %parallel_loop3A_1370 : vector<1x1x16xf32> to vector<16xf32>
        %parallel_loop3A_1372 = vector.shape_cast %parallel_loop3A_1366 : vector<16xf32> to vector<1x1x16xf32>
        tpu.vector_store %arg10[%parallel_loop3A_1367, %parallel_loop3A_1368, %parallel_loop3A_1369], %parallel_loop3A_1372 {strides = array<i32>} : memref<3x80x128xf32, #tpu.memory_space<vmem>>, vector<1x1x16xf32>,
        %parallel_loop3A_1373 = arith.index_cast %select_n3A_1168 : i32 to index
        %parallel_loop3A_1374 = arith.index_cast %parallel_loop3A_1277 : i32 to index
        %parallel_loop3A_1375 = arith.constant 48 : index
        %parallel_loop3A_1376 = tpu.vector_load %arg10[%parallel_loop3A_1373, %parallel_loop3A_1374, %parallel_loop3A_1375] {strides = array<i32>} : memref<3x80x128xf32, #tpu.memory_space<vmem>>, vector<1x1x16xf32>,
        %parallel_loop3A_1377 = vector.shape_cast %parallel_loop3A_1376 : vector<1x1x16xf32> to vector<16xf32>
        %parallel_loop3A_1378 = arith.mulf %parallel_loop3A_1377, %parallel_loop3A_1336 : vector<16xf32>
        %parallel_loop3A_1379 = arith.index_cast %select_n3A_1168 : i32 to index
        %parallel_loop3A_1380 = arith.index_cast %parallel_loop3A_1277 : i32 to index
        %parallel_loop3A_1381 = arith.constant 48 : index
        %parallel_loop3A_1382 = tpu.vector_load %arg10[%parallel_loop3A_1379, %parallel_loop3A_1380, %parallel_loop3A_1381] {strides = array<i32>} : memref<3x80x128xf32, #tpu.memory_space<vmem>>, vector<1x1x16xf32>,
        %parallel_loop3A_1383 = vector.shape_cast %parallel_loop3A_1382 : vector<1x1x16xf32> to vector<16xf32>
        %parallel_loop3A_1384 = vector.shape_cast %parallel_loop3A_1378 : vector<16xf32> to vector<1x1x16xf32>
        tpu.vector_store %arg10[%parallel_loop3A_1379, %parallel_loop3A_1380, %parallel_loop3A_1381], %parallel_loop3A_1384 {strides = array<i32>} : memref<3x80x128xf32, #tpu.memory_space<vmem>>, vector<1x1x16xf32>,
        %parallel_loop3A_1385 = arith.index_cast %select_n3A_1168 : i32 to index
        %parallel_loop3A_1386 = arith.index_cast %parallel_loop3A_1277 : i32 to index
        %parallel_loop3A_1387 = arith.constant 64 : index
        %parallel_loop3A_1388 = tpu.vector_load %arg10[%parallel_loop3A_1385, %parallel_loop3A_1386, %parallel_loop3A_1387] {strides = array<i32>} : memref<3x80x128xf32, #tpu.memory_space<vmem>>, vector<1x1x16xf32>,
        %parallel_loop3A_1389 = vector.shape_cast %parallel_loop3A_1388 : vector<1x1x16xf32> to vector<16xf32>
        %parallel_loop3A_1390 = arith.mulf %parallel_loop3A_1389, %parallel_loop3A_1336 : vector<16xf32>
        %parallel_loop3A_1391 = arith.index_cast %select_n3A_1168 : i32 to index
        %parallel_loop3A_1392 = arith.index_cast %parallel_loop3A_1277 : i32 to index
        %parallel_loop3A_1393 = arith.constant 64 : index
        %parallel_loop3A_1394 = tpu.vector_load %arg10[%parallel_loop3A_1391, %parallel_loop3A_1392, %parallel_loop3A_1393] {strides = array<i32>} : memref<3x80x128xf32, #tpu.memory_space<vmem>>, vector<1x1x16xf32>,
        %parallel_loop3A_1395 = vector.shape_cast %parallel_loop3A_1394 : vector<1x1x16xf32> to vector<16xf32>
        %parallel_loop3A_1396 = vector.shape_cast %parallel_loop3A_1390 : vector<16xf32> to vector<1x1x16xf32>
        tpu.vector_store %arg10[%parallel_loop3A_1391, %parallel_loop3A_1392, %parallel_loop3A_1393], %parallel_loop3A_1396 {strides = array<i32>} : memref<3x80x128xf32, #tpu.memory_space<vmem>>, vector<1x1x16xf32>,
        %parallel_loop3A_1397 = arith.index_cast %select_n3A_1168 : i32 to index
        %parallel_loop3A_1398 = arith.index_cast %parallel_loop3A_1277 : i32 to index
        %parallel_loop3A_1399 = arith.constant 80 : index
        %parallel_loop3A_1400 = tpu.vector_load %arg10[%parallel_loop3A_1397, %parallel_loop3A_1398, %parallel_loop3A_1399] {strides = array<i32>} : memref<3x80x128xf32, #tpu.memory_space<vmem>>, vector<1x1x16xf32>,
        %parallel_loop3A_1401 = vector.shape_cast %parallel_loop3A_1400 : vector<1x1x16xf32> to vector<16xf32>
        %parallel_loop3A_1402 = arith.mulf %parallel_loop3A_1401, %parallel_loop3A_1336 : vector<16xf32>
        %parallel_loop3A_1403 = arith.index_cast %select_n3A_1168 : i32 to index
        %parallel_loop3A_1404 = arith.index_cast %parallel_loop3A_1277 : i32 to index
        %parallel_loop3A_1405 = arith.constant 80 : index
        %parallel_loop3A_1406 = tpu.vector_load %arg10[%parallel_loop3A_1403, %parallel_loop3A_1404, %parallel_loop3A_1405] {strides = array<i32>} : memref<3x80x128xf32, #tpu.memory_space<vmem>>, vector<1x1x16xf32>,
        %parallel_loop3A_1407 = vector.shape_cast %parallel_loop3A_1406 : vector<1x1x16xf32> to vector<16xf32>
        %parallel_loop3A_1408 = vector.shape_cast %parallel_loop3A_1402 : vector<16xf32> to vector<1x1x16xf32>
        tpu.vector_store %arg10[%parallel_loop3A_1403, %parallel_loop3A_1404, %parallel_loop3A_1405], %parallel_loop3A_1408 {strides = array<i32>} : memref<3x80x128xf32, #tpu.memory_space<vmem>>, vector<1x1x16xf32>,
        %parallel_loop3A_1409 = arith.index_cast %select_n3A_1168 : i32 to index
        %parallel_loop3A_1410 = arith.index_cast %parallel_loop3A_1277 : i32 to index
        %parallel_loop3A_1411 = arith.constant 96 : index
        %parallel_loop3A_1412 = tpu.vector_load %arg10[%parallel_loop3A_1409, %parallel_loop3A_1410, %parallel_loop3A_1411] {strides = array<i32>} : memref<3x80x128xf32, #tpu.memory_space<vmem>>, vector<1x1x16xf32>,
        %parallel_loop3A_1413 = vector.shape_cast %parallel_loop3A_1412 : vector<1x1x16xf32> to vector<16xf32>
        %parallel_loop3A_1414 = arith.mulf %parallel_loop3A_1413, %parallel_loop3A_1336 : vector<16xf32>
        %parallel_loop3A_1415 = arith.index_cast %select_n3A_1168 : i32 to index
        %parallel_loop3A_1416 = arith.index_cast %parallel_loop3A_1277 : i32 to index
        %parallel_loop3A_1417 = arith.constant 96 : index
        %parallel_loop3A_1418 = tpu.vector_load %arg10[%parallel_loop3A_1415, %parallel_loop3A_1416, %parallel_loop3A_1417] {strides = array<i32>} : memref<3x80x128xf32, #tpu.memory_space<vmem>>, vector<1x1x16xf32>,
        %parallel_loop3A_1419 = vector.shape_cast %parallel_loop3A_1418 : vector<1x1x16xf32> to vector<16xf32>
        %parallel_loop3A_1420 = vector.shape_cast %parallel_loop3A_1414 : vector<16xf32> to vector<1x1x16xf32>
        tpu.vector_store %arg10[%parallel_loop3A_1415, %parallel_loop3A_1416, %parallel_loop3A_1417], %parallel_loop3A_1420 {strides = array<i32>} : memref<3x80x128xf32, #tpu.memory_space<vmem>>, vector<1x1x16xf32>,
        %parallel_loop3A_1421 = arith.index_cast %select_n3A_1168 : i32 to index
        %parallel_loop3A_1422 = arith.index_cast %parallel_loop3A_1277 : i32 to index
        %parallel_loop3A_1423 = arith.constant 112 : index
        %parallel_loop3A_1424 = tpu.vector_load %arg10[%parallel_loop3A_1421, %parallel_loop3A_1422, %parallel_loop3A_1423] {strides = array<i32>} : memref<3x80x128xf32, #tpu.memory_space<vmem>>, vector<1x1x16xf32>,
        %parallel_loop3A_1425 = vector.shape_cast %parallel_loop3A_1424 : vector<1x1x16xf32> to vector<16xf32>
        %parallel_loop3A_1426 = arith.mulf %parallel_loop3A_1425, %parallel_loop3A_1336 : vector<16xf32>
        %parallel_loop3A_1427 = arith.index_cast %select_n3A_1168 : i32 to index
        %parallel_loop3A_1428 = arith.index_cast %parallel_loop3A_1277 : i32 to index
        %parallel_loop3A_1429 = arith.constant 112 : index
        %parallel_loop3A_1430 = tpu.vector_load %arg10[%parallel_loop3A_1427, %parallel_loop3A_1428, %parallel_loop3A_1429] {strides = array<i32>} : memref<3x80x128xf32, #tpu.memory_space<vmem>>, vector<1x1x16xf32>,
        %parallel_loop3A_1431 = vector.shape_cast %parallel_loop3A_1430 : vector<1x1x16xf32> to vector<16xf32>
        %parallel_loop3A_1432 = vector.shape_cast %parallel_loop3A_1426 : vector<16xf32> to vector<1x1x16xf32>
        tpu.vector_store %arg10[%parallel_loop3A_1427, %parallel_loop3A_1428, %parallel_loop3A_1429], %parallel_loop3A_1432 {strides = array<i32>} : memref<3x80x128xf32, #tpu.memory_space<vmem>>, vector<1x1x16xf32>,
      } {sc.loop_unroll_factor = 8 : i64, sc.parallel_access}
      %dma_start3A_1263 = arith.constant 4 : i32
      %dma_start3A_1264 = arith.constant 0 : i32
      %dma_start3A_1265 = arith.constant 0 : i32
      %dma_start3A_1266 = tpu.memref_slice %arg10[%select_n3A_1168, %dma_start3A_1264, %dma_start3A_1265] : memref<3x80x128xf32, #tpu.memory_space<vmem>> -> memref<1x80x128xf32, #tpu.memory_space<vmem>>
      %dma_start3A_1267 = tpu.memref_squeeze %dma_start3A_1266 : memref<1x80x128xf32, #tpu.memory_space<vmem>> -> memref<80x128xf32, #tpu.memory_space<vmem>>
      %dma_start3A_1268 = arith.constant 0 : i32
      %dma_start3A_1269 = tpu.memref_slice %arg8[%select_n3A_1184, %dma_start3A_1263, %dma_start3A_1268] : memref<3x5x80xi32, #tpu.memory_space<vmem>> -> memref<1x1x80xi32, #tpu.memory_space<vmem>>
      %dma_start3A_1270 = tpu.memref_squeeze %dma_start3A_1269 : memref<1x1x80xi32, #tpu.memory_space<vmem>> -> memref<80xi32, #tpu.memory_space<vmem>>
      %dma_start3A_1271 = arith.constant 0 : i32
      %dma_start3A_1272 = arith.constant 0 : i32
      %dma_start3A_1273 = tpu.memref_slice %arg11[%dma_start3A_1271, %dma_start3A_1272] : memref<10000x128xf32, #tpu.memory_space<vmem_shared>> -> memref<10000x128xf32, #tpu.memory_space<vmem_shared>>
      %dma_start3A_1274 = tpu.memref_slice %arg14[%select_n3A_1168] : memref<3x!tpu.dma_semaphore, #tpu.memory_space<semaphore_mem>> -> memref<1x!tpu.dma_semaphore, #tpu.memory_space<semaphore_mem>>
      %dma_start3A_1275 = tpu.memref_squeeze %dma_start3A_1274 : memref<1x!tpu.dma_semaphore, #tpu.memory_space<semaphore_mem>> -> memref<!tpu.dma_semaphore, #tpu.memory_space<semaphore_mem>>
      tpu.enqueue_indirect_dma source(%dma_start3A_1267 : memref<80x128xf32, #tpu.memory_space<vmem>>) target(%dma_start3A_1273 : memref<10000x128xf32, #tpu.memory_space<vmem_shared>>) offsets(%dma_start3A_1270 : memref<80xi32, #tpu.memory_space<vmem>>) semaphore(%dma_start3A_1275 : memref<!tpu.dma_semaphore, #tpu.memory_space<semaphore_mem>>) {add = true}
      %scan3A_1276 = arith.constant 0 : i32
      scf.yield %scan3A_1276 : i32
    }
    %scan3A_466 = arith.constant 25 : i32
    %dma_wait3A_467 = arith.constant 2 : i32
    %dma_wait3A_468 = arith.constant 0 : i32
    %dma_wait3A_469 = arith.constant 0 : i32
    %dma_wait3A_470 = arith.constant 2 : i32
    %dma_wait3A_471 = arith.constant 0 : i32
    %dma_wait3A_472 = arith.constant 0 : i32
    %dma_wait3A_473 = tpu.memref_slice %arg10[%dma_wait3A_467, %dma_wait3A_471, %dma_wait3A_472] : memref<3x80x128xf32, #tpu.memory_space<vmem>> -> memref<1x80x128xf32, #tpu.memory_space<vmem>>
    %dma_wait3A_474 = tpu.memref_squeeze %dma_wait3A_473 : memref<1x80x128xf32, #tpu.memory_space<vmem>> -> memref<80x128xf32, #tpu.memory_space<vmem>>
    %dma_wait3A_475 = arith.constant 0 : i32
    %dma_wait3A_476 = tpu.memref_slice %arg8[%dma_wait3A_468, %dma_wait3A_469, %dma_wait3A_475] : memref<3x5x80xi32, #tpu.memory_space<vmem>> -> memref<1x1x80xi32, #tpu.memory_space<vmem>>
    %dma_wait3A_477 = tpu.memref_squeeze %dma_wait3A_476 : memref<1x1x80xi32, #tpu.memory_space<vmem>> -> memref<80xi32, #tpu.memory_space<vmem>>
    %dma_wait3A_478 = arith.constant 0 : i32
    %dma_wait3A_479 = arith.constant 0 : i32
    %dma_wait3A_480 = tpu.memref_slice %arg11[%dma_wait3A_478, %dma_wait3A_479] : memref<10000x128xf32, #tpu.memory_space<vmem_shared>> -> memref<10000x128xf32, #tpu.memory_space<vmem_shared>>
    %dma_wait3A_481 = tpu.memref_slice %arg14[%dma_wait3A_470] : memref<3x!tpu.dma_semaphore, #tpu.memory_space<semaphore_mem>> -> memref<1x!tpu.dma_semaphore, #tpu.memory_space<semaphore_mem>>
    %dma_wait3A_482 = tpu.memref_squeeze %dma_wait3A_481 : memref<1x!tpu.dma_semaphore, #tpu.memory_space<semaphore_mem>> -> memref<!tpu.dma_semaphore, #tpu.memory_space<semaphore_mem>>
    tpu.wait_indirect_dma semaphore(%dma_wait3A_482 : memref<!tpu.dma_semaphore, #tpu.memory_space<semaphore_mem>>) src(%dma_wait3A_474 : memref<80x128xf32, #tpu.memory_space<vmem>>) dst(%dma_wait3A_480 : memref<10000x128xf32, #tpu.memory_space<vmem_shared>>)
    %dma_wait3A_483 = arith.constant 0 : i32
    %dma_wait3A_484 = arith.constant 0 : i32
    %dma_wait3A_485 = arith.constant 0 : i32
    %dma_wait3A_486 = arith.constant 0 : i32
    %dma_wait3A_487 = arith.constant 0 : i32
    %dma_wait3A_488 = arith.constant 0 : i32
    %dma_wait3A_489 = tpu.memref_slice %arg10[%dma_wait3A_483, %dma_wait3A_487, %dma_wait3A_488] : memref<3x80x128xf32, #tpu.memory_space<vmem>> -> memref<1x80x128xf32, #tpu.memory_space<vmem>>
    %dma_wait3A_490 = tpu.memref_squeeze %dma_wait3A_489 : memref<1x80x128xf32, #tpu.memory_space<vmem>> -> memref<80x128xf32, #tpu.memory_space<vmem>>
    %dma_wait3A_491 = arith.constant 0 : i32
    %dma_wait3A_492 = tpu.memref_slice %arg8[%dma_wait3A_484, %dma_wait3A_485, %dma_wait3A_491] : memref<3x5x80xi32, #tpu.memory_space<vmem>> -> memref<1x1x80xi32, #tpu.memory_space<vmem>>
    %dma_wait3A_493 = tpu.memref_squeeze %dma_wait3A_492 : memref<1x1x80xi32, #tpu.memory_space<vmem>> -> memref<80xi32, #tpu.memory_space<vmem>>
    %dma_wait3A_494 = arith.constant 0 : i32
    %dma_wait3A_495 = arith.constant 0 : i32
    %dma_wait3A_496 = tpu.memref_slice %arg11[%dma_wait3A_494, %dma_wait3A_495] : memref<10000x128xf32, #tpu.memory_space<vmem_shared>> -> memref<10000x128xf32, #tpu.memory_space<vmem_shared>>
    %dma_wait3A_497 = tpu.memref_slice %arg14[%dma_wait3A_486] : memref<3x!tpu.dma_semaphore, #tpu.memory_space<semaphore_mem>> -> memref<1x!tpu.dma_semaphore, #tpu.memory_space<semaphore_mem>>
    %dma_wait3A_498 = tpu.memref_squeeze %dma_wait3A_497 : memref<1x!tpu.dma_semaphore, #tpu.memory_space<semaphore_mem>> -> memref<!tpu.dma_semaphore, #tpu.memory_space<semaphore_mem>>
    tpu.wait_indirect_dma semaphore(%dma_wait3A_498 : memref<!tpu.dma_semaphore, #tpu.memory_space<semaphore_mem>>) src(%dma_wait3A_490 : memref<80x128xf32, #tpu.memory_space<vmem>>) dst(%dma_wait3A_496 : memref<10000x128xf32, #tpu.memory_space<vmem_shared>>)
    %dma_wait3A_499 = arith.constant 1 : i32
    %dma_wait3A_500 = arith.constant 0 : i32
    %dma_wait3A_501 = arith.constant 0 : i32
    %dma_wait3A_502 = arith.constant 1 : i32
    %dma_wait3A_503 = arith.constant 0 : i32
    %dma_wait3A_504 = arith.constant 0 : i32
    %dma_wait3A_505 = tpu.memref_slice %arg10[%dma_wait3A_499, %dma_wait3A_503, %dma_wait3A_504] : memref<3x80x128xf32, #tpu.memory_space<vmem>> -> memref<1x80x128xf32, #tpu.memory_space<vmem>>
    %dma_wait3A_506 = tpu.memref_squeeze %dma_wait3A_505 : memref<1x80x128xf32, #tpu.memory_space<vmem>> -> memref<80x128xf32, #tpu.memory_space<vmem>>
    %dma_wait3A_507 = arith.constant 0 : i32
    %dma_wait3A_508 = tpu.memref_slice %arg8[%dma_wait3A_500, %dma_wait3A_501, %dma_wait3A_507] : memref<3x5x80xi32, #tpu.memory_space<vmem>> -> memref<1x1x80xi32, #tpu.memory_space<vmem>>
    %dma_wait3A_509 = tpu.memref_squeeze %dma_wait3A_508 : memref<1x1x80xi32, #tpu.memory_space<vmem>> -> memref<80xi32, #tpu.memory_space<vmem>>
    %dma_wait3A_510 = arith.constant 0 : i32
    %dma_wait3A_511 = arith.constant 0 : i32
    %dma_wait3A_512 = tpu.memref_slice %arg11[%dma_wait3A_510, %dma_wait3A_511] : memref<10000x128xf32, #tpu.memory_space<vmem_shared>> -> memref<10000x128xf32, #tpu.memory_space<vmem_shared>>
    %dma_wait3A_513 = tpu.memref_slice %arg14[%dma_wait3A_502] : memref<3x!tpu.dma_semaphore, #tpu.memory_space<semaphore_mem>> -> memref<1x!tpu.dma_semaphore, #tpu.memory_space<semaphore_mem>>
    %dma_wait3A_514 = tpu.memref_squeeze %dma_wait3A_513 : memref<1x!tpu.dma_semaphore, #tpu.memory_space<semaphore_mem>> -> memref<!tpu.dma_semaphore, #tpu.memory_space<semaphore_mem>>
    tpu.wait_indirect_dma semaphore(%dma_wait3A_514 : memref<!tpu.dma_semaphore, #tpu.memory_space<semaphore_mem>>) src(%dma_wait3A_506 : memref<80x128xf32, #tpu.memory_space<vmem>>) dst(%dma_wait3A_512 : memref<10000x128xf32, #tpu.memory_space<vmem_shared>>)
    %barrier3A_515 = arith.constant 0 : index
    tpu.barrier barrier_id(%barrier3A_515)
    %add3A_516 = arith.constant 0 : i32
    %add3A_517 = arith.addi %mul3A_2, %add3A_516 : i32
    %dma_start3A_518 = arith.constant 0 : i32
    %dma_start3A_519 = tpu.memref_slice %arg6[%arg0, %add3A_517, %dma_start3A_518] : memref<2x10000x128xf32, #tpu.memory_space<hbm>> -> memref<1x80x128xf32, #tpu.memory_space<hbm>>
    %dma_start3A_520 = tpu.memref_squeeze %dma_start3A_519 : memref<1x80x128xf32, #tpu.memory_space<hbm>> -> memref<80x128xf32, #tpu.memory_space<hbm>>
    %dma_start3A_521 = arith.constant 0 : i32
    %dma_start3A_522 = tpu.memref_slice %arg11[%add3A_517, %dma_start3A_521] : memref<10000x128xf32, #tpu.memory_space<vmem_shared>> -> memref<80x128xf32, #tpu.memory_space<vmem_shared>>
    tpu.enqueue_dma source(%dma_start3A_522 : memref<80x128xf32, #tpu.memory_space<vmem_shared>>) target(%dma_start3A_520 : memref<80x128xf32, #tpu.memory_space<hbm>>) target_semaphore(%arg15 : memref<!tpu.dma_semaphore, #tpu.memory_space<semaphore_mem>>)
    %add3A_523 = arith.constant 80 : i32
    %add3A_524 = arith.addi %mul3A_2, %add3A_523 : i32
    %dma_start3A_525 = arith.constant 0 : i32
    %dma_start3A_526 = tpu.memref_slice %arg6[%arg0, %add3A_524, %dma_start3A_525] : memref<2x10000x128xf32, #tpu.memory_space<hbm>> -> memref<1x80x128xf32, #tpu.memory_space<hbm>>
    %dma_start3A_527 = tpu.memref_squeeze %dma_start3A_526 : memref<1x80x128xf32, #tpu.memory_space<hbm>> -> memref<80x128xf32, #tpu.memory_space<hbm>>
    %dma_start3A_528 = arith.constant 0 : i32
    %dma_start3A_529 = tpu.memref_slice %arg11[%add3A_524, %dma_start3A_528] : memref<10000x128xf32, #tpu.memory_space<vmem_shared>> -> memref<80x128xf32, #tpu.memory_space<vmem_shared>>
    tpu.enqueue_dma source(%dma_start3A_529 : memref<80x128xf32, #tpu.memory_space<vmem_shared>>) target(%dma_start3A_527 : memref<80x128xf32, #tpu.memory_space<hbm>>) target_semaphore(%arg15 : memref<!tpu.dma_semaphore, #tpu.memory_space<semaphore_mem>>)
    %add3A_530 = arith.constant 160 : i32
    %add3A_531 = arith.addi %mul3A_2, %add3A_530 : i32
    %dma_start3A_532 = arith.constant 0 : i32
    %dma_start3A_533 = tpu.memref_slice %arg6[%arg0, %add3A_531, %dma_start3A_532] : memref<2x10000x128xf32, #tpu.memory_space<hbm>> -> memref<1x80x128xf32, #tpu.memory_space<hbm>>
    %dma_start3A_534 = tpu.memref_squeeze %dma_start3A_533 : memref<1x80x128xf32, #tpu.memory_space<hbm>> -> memref<80x128xf32, #tpu.memory_space<hbm>>
    %dma_start3A_535 = arith.constant 0 : i32
    %dma_start3A_536 = tpu.memref_slice %arg11[%add3A_531, %dma_start3A_535] : memref<10000x128xf32, #tpu.memory_space<vmem_shared>> -> memref<80x128xf32, #tpu.memory_space<vmem_shared>>
    tpu.enqueue_dma source(%dma_start3A_536 : memref<80x128xf32, #tpu.memory_space<vmem_shared>>) target(%dma_start3A_534 : memref<80x128xf32, #tpu.memory_space<hbm>>) target_semaphore(%arg15 : memref<!tpu.dma_semaphore, #tpu.memory_space<semaphore_mem>>)
    %add3A_537 = arith.constant 240 : i32
    %add3A_538 = arith.addi %mul3A_2, %add3A_537 : i32
    %dma_start3A_539 = arith.constant 0 : i32
    %dma_start3A_540 = tpu.memref_slice %arg6[%arg0, %add3A_538, %dma_start3A_539] : memref<2x10000x128xf32, #tpu.memory_space<hbm>> -> memref<1x80x128xf32, #tpu.memory_space<hbm>>
    %dma_start3A_541 = tpu.memref_squeeze %dma_start3A_540 : memref<1x80x128xf32, #tpu.memory_space<hbm>> -> memref<80x128xf32, #tpu.memory_space<hbm>>
    %dma_start3A_542 = arith.constant 0 : i32
    %dma_start3A_543 = tpu.memref_slice %arg11[%add3A_538, %dma_start3A_542] : memref<10000x128xf32, #tpu.memory_space<vmem_shared>> -> memref<80x128xf32, #tpu.memory_space<vmem_shared>>
    tpu.enqueue_dma source(%dma_start3A_543 : memref<80x128xf32, #tpu.memory_space<vmem_shared>>) target(%dma_start3A_541 : memref<80x128xf32, #tpu.memory_space<hbm>>) target_semaphore(%arg15 : memref<!tpu.dma_semaphore, #tpu.memory_space<semaphore_mem>>)
    %add3A_544 = arith.constant 320 : i32
    %add3A_545 = arith.addi %mul3A_2, %add3A_544 : i32
    %dma_start3A_546 = arith.constant 0 : i32
    %dma_start3A_547 = tpu.memref_slice %arg6[%arg0, %add3A_545, %dma_start3A_546] : memref<2x10000x128xf32, #tpu.memory_space<hbm>> -> memref<1x80x128xf32, #tpu.memory_space<hbm>>
    %dma_start3A_548 = tpu.memref_squeeze %dma_start3A_547 : memref<1x80x128xf32, #tpu.memory_space<hbm>> -> memref<80x128xf32, #tpu.memory_space<hbm>>
    %dma_start3A_549 = arith.constant 0 : i32
    %dma_start3A_550 = tpu.memref_slice %arg11[%add3A_545, %dma_start3A_549] : memref<10000x128xf32, #tpu.memory_space<vmem_shared>> -> memref<80x128xf32, #tpu.memory_space<vmem_shared>>
    tpu.enqueue_dma source(%dma_start3A_550 : memref<80x128xf32, #tpu.memory_space<vmem_shared>>) target(%dma_start3A_548 : memref<80x128xf32, #tpu.memory_space<hbm>>) target_semaphore(%arg15 : memref<!tpu.dma_semaphore, #tpu.memory_space<semaphore_mem>>)
    %add3A_551 = arith.constant 400 : i32
    %add3A_552 = arith.addi %mul3A_2, %add3A_551 : i32
    %dma_start3A_553 = arith.constant 0 : i32
    %dma_start3A_554 = tpu.memref_slice %arg6[%arg0, %add3A_552, %dma_start3A_553] : memref<2x10000x128xf32, #tpu.memory_space<hbm>> -> memref<1x80x128xf32, #tpu.memory_space<hbm>>
    %dma_start3A_555 = tpu.memref_squeeze %dma_start3A_554 : memref<1x80x128xf32, #tpu.memory_space<hbm>> -> memref<80x128xf32, #tpu.memory_space<hbm>>
    %dma_start3A_556 = arith.constant 0 : i32
    %dma_start3A_557 = tpu.memref_slice %arg11[%add3A_552, %dma_start3A_556] : memref<10000x128xf32, #tpu.memory_space<vmem_shared>> -> memref<80x128xf32, #tpu.memory_space<vmem_shared>>
    tpu.enqueue_dma source(%dma_start3A_557 : memref<80x128xf32, #tpu.memory_space<vmem_shared>>) target(%dma_start3A_555 : memref<80x128xf32, #tpu.memory_space<hbm>>) target_semaphore(%arg15 : memref<!tpu.dma_semaphore, #tpu.memory_space<semaphore_mem>>)
    %add3A_558 = arith.constant 480 : i32
    %add3A_559 = arith.addi %mul3A_2, %add3A_558 : i32
    %dma_start3A_560 = arith.constant 0 : i32
    %dma_start3A_561 = tpu.memref_slice %arg6[%arg0, %add3A_559, %dma_start3A_560] : memref<2x10000x128xf32, #tpu.memory_space<hbm>> -> memref<1x80x128xf32, #tpu.memory_space<hbm>>
    %dma_start3A_562 = tpu.memref_squeeze %dma_start3A_561 : memref<1x80x128xf32, #tpu.memory_space<hbm>> -> memref<80x128xf32, #tpu.memory_space<hbm>>
    %dma_start3A_563 = arith.constant 0 : i32
    %dma_start3A_564 = tpu.memref_slice %arg11[%add3A_559, %dma_start3A_563] : memref<10000x128xf32, #tpu.memory_space<vmem_shared>> -> memref<80x128xf32, #tpu.memory_space<vmem_shared>>
    tpu.enqueue_dma source(%dma_start3A_564 : memref<80x128xf32, #tpu.memory_space<vmem_shared>>) target(%dma_start3A_562 : memref<80x128xf32, #tpu.memory_space<hbm>>) target_semaphore(%arg15 : memref<!tpu.dma_semaphore, #tpu.memory_space<semaphore_mem>>)
    %eq3A_565 = arith.constant 15 : i32
    %eq3A_566 = arith.cmpi eq, %arg1, %eq3A_565 : i32
    %convert_element_type3A_567 = arith.extui %eq3A_566 : i1 to i32
    %cond3A_568 = arith.constant 0 : i32
    %cond3A_569 = arith.cmpi ne, %convert_element_type3A_567, %cond3A_568 : i32
    scf.if %cond3A_569 {
      %dma_start3A_634 = arith.constant 0 : i32
      %dma_start3A_635 = tpu.memref_slice %arg6[%arg0, %add3A_4, %dma_start3A_634] : memref<2x10000x128xf32, #tpu.memory_space<hbm>> -> memref<1x80x128xf32, #tpu.memory_space<hbm>>
      %dma_start3A_636 = tpu.memref_squeeze %dma_start3A_635 : memref<1x80x128xf32, #tpu.memory_space<hbm>> -> memref<80x128xf32, #tpu.memory_space<hbm>>
      %dma_start3A_637 = arith.constant 0 : i32
      %dma_start3A_638 = tpu.memref_slice %arg11[%add3A_4, %dma_start3A_637] : memref<10000x128xf32, #tpu.memory_space<vmem_shared>> -> memref<80x128xf32, #tpu.memory_space<vmem_shared>>
      tpu.enqueue_dma source(%dma_start3A_638 : memref<80x128xf32, #tpu.memory_space<vmem_shared>>) target(%dma_start3A_636 : memref<80x128xf32, #tpu.memory_space<hbm>>) target_semaphore(%arg15 : memref<!tpu.dma_semaphore, #tpu.memory_space<semaphore_mem>>)
    } else {
    }
    %ne3A_570 = arith.constant 15 : i32
    %ne3A_571 = arith.cmpi ne, %arg1, %ne3A_570 : i32
    %convert_element_type3A_572 = arith.extui %ne3A_571 : i1 to i32
    %cond3A_573 = arith.constant 0 : i32
    %cond3A_574 = arith.cmpi ne, %convert_element_type3A_572, %cond3A_573 : i32
    scf.if %cond3A_574 {
      %dma_start3A_634 = arith.constant 0 : i32
      %dma_start3A_635 = tpu.memref_slice %arg6[%arg0, %add3A_4, %dma_start3A_634] : memref<2x10000x128xf32, #tpu.memory_space<hbm>> -> memref<1x64x128xf32, #tpu.memory_space<hbm>>
      %dma_start3A_636 = tpu.memref_squeeze %dma_start3A_635 : memref<1x64x128xf32, #tpu.memory_space<hbm>> -> memref<64x128xf32, #tpu.memory_space<hbm>>
      %dma_start3A_637 = arith.constant 0 : i32
      %dma_start3A_638 = tpu.memref_slice %arg11[%add3A_4, %dma_start3A_637] : memref<10000x128xf32, #tpu.memory_space<vmem_shared>> -> memref<64x128xf32, #tpu.memory_space<vmem_shared>>
      tpu.enqueue_dma source(%dma_start3A_638 : memref<64x128xf32, #tpu.memory_space<vmem_shared>>) target(%dma_start3A_636 : memref<64x128xf32, #tpu.memory_space<hbm>>) target_semaphore(%arg15 : memref<!tpu.dma_semaphore, #tpu.memory_space<semaphore_mem>>)
    } else {
    }
    %add3A_575 = arith.constant 0 : i32
    %add3A_576 = arith.addi %mul3A_2, %add3A_575 : i32
    %dma_wait3A_577 = arith.constant 0 : i32
    %dma_wait3A_578 = tpu.memref_slice %arg6[%arg0, %add3A_576, %dma_wait3A_577] : memref<2x10000x128xf32, #tpu.memory_space<hbm>> -> memref<1x80x128xf32, #tpu.memory_space<hbm>>
    %dma_wait3A_579 = tpu.memref_squeeze %dma_wait3A_578 : memref<1x80x128xf32, #tpu.memory_space<hbm>> -> memref<80x128xf32, #tpu.memory_space<hbm>>
    %dma_wait3A_580 = arith.constant 0 : i32
    %dma_wait3A_581 = tpu.memref_slice %arg11[%add3A_576, %dma_wait3A_580] : memref<10000x128xf32, #tpu.memory_space<vmem_shared>> -> memref<80x128xf32, #tpu.memory_space<vmem_shared>>
    tpu.wait_dma2 semaphore(%arg15 : memref<!tpu.dma_semaphore, #tpu.memory_space<semaphore_mem>>) src(%dma_wait3A_581 : memref<80x128xf32, #tpu.memory_space<vmem_shared>>) dst(%dma_wait3A_579 : memref<80x128xf32, #tpu.memory_space<hbm>>)
    %add3A_582 = arith.constant 80 : i32
    %add3A_583 = arith.addi %mul3A_2, %add3A_582 : i32
    %dma_wait3A_584 = arith.constant 0 : i32
    %dma_wait3A_585 = tpu.memref_slice %arg6[%arg0, %add3A_583, %dma_wait3A_584] : memref<2x10000x128xf32, #tpu.memory_space<hbm>> -> memref<1x80x128xf32, #tpu.memory_space<hbm>>
    %dma_wait3A_586 = tpu.memref_squeeze %dma_wait3A_585 : memref<1x80x128xf32, #tpu.memory_space<hbm>> -> memref<80x128xf32, #tpu.memory_space<hbm>>
    %dma_wait3A_587 = arith.constant 0 : i32
    %dma_wait3A_588 = tpu.memref_slice %arg11[%add3A_583, %dma_wait3A_587] : memref<10000x128xf32, #tpu.memory_space<vmem_shared>> -> memref<80x128xf32, #tpu.memory_space<vmem_shared>>
    tpu.wait_dma2 semaphore(%arg15 : memref<!tpu.dma_semaphore, #tpu.memory_space<semaphore_mem>>) src(%dma_wait3A_588 : memref<80x128xf32, #tpu.memory_space<vmem_shared>>) dst(%dma_wait3A_586 : memref<80x128xf32, #tpu.memory_space<hbm>>)
    %add3A_589 = arith.constant 160 : i32
    %add3A_590 = arith.addi %mul3A_2, %add3A_589 : i32
    %dma_wait3A_591 = arith.constant 0 : i32
    %dma_wait3A_592 = tpu.memref_slice %arg6[%arg0, %add3A_590, %dma_wait3A_591] : memref<2x10000x128xf32, #tpu.memory_space<hbm>> -> memref<1x80x128xf32, #tpu.memory_space<hbm>>
    %dma_wait3A_593 = tpu.memref_squeeze %dma_wait3A_592 : memref<1x80x128xf32, #tpu.memory_space<hbm>> -> memref<80x128xf32, #tpu.memory_space<hbm>>
    %dma_wait3A_594 = arith.constant 0 : i32
    %dma_wait3A_595 = tpu.memref_slice %arg11[%add3A_590, %dma_wait3A_594] : memref<10000x128xf32, #tpu.memory_space<vmem_shared>> -> memref<80x128xf32, #tpu.memory_space<vmem_shared>>
    tpu.wait_dma2 semaphore(%arg15 : memref<!tpu.dma_semaphore, #tpu.memory_space<semaphore_mem>>) src(%dma_wait3A_595 : memref<80x128xf32, #tpu.memory_space<vmem_shared>>) dst(%dma_wait3A_593 : memref<80x128xf32, #tpu.memory_space<hbm>>)
    %add3A_596 = arith.constant 240 : i32
    %add3A_597 = arith.addi %mul3A_2, %add3A_596 : i32
    %dma_wait3A_598 = arith.constant 0 : i32
    %dma_wait3A_599 = tpu.memref_slice %arg6[%arg0, %add3A_597, %dma_wait3A_598] : memref<2x10000x128xf32, #tpu.memory_space<hbm>> -> memref<1x80x128xf32, #tpu.memory_space<hbm>>
    %dma_wait3A_600 = tpu.memref_squeeze %dma_wait3A_599 : memref<1x80x128xf32, #tpu.memory_space<hbm>> -> memref<80x128xf32, #tpu.memory_space<hbm>>
    %dma_wait3A_601 = arith.constant 0 : i32
    %dma_wait3A_602 = tpu.memref_slice %arg11[%add3A_597, %dma_wait3A_601] : memref<10000x128xf32, #tpu.memory_space<vmem_shared>> -> memref<80x128xf32, #tpu.memory_space<vmem_shared>>
    tpu.wait_dma2 semaphore(%arg15 : memref<!tpu.dma_semaphore, #tpu.memory_space<semaphore_mem>>) src(%dma_wait3A_602 : memref<80x128xf32, #tpu.memory_space<vmem_shared>>) dst(%dma_wait3A_600 : memref<80x128xf32, #tpu.memory_space<hbm>>)
    %add3A_603 = arith.constant 320 : i32
    %add3A_604 = arith.addi %mul3A_2, %add3A_603 : i32
    %dma_wait3A_605 = arith.constant 0 : i32
    %dma_wait3A_606 = tpu.memref_slice %arg6[%arg0, %add3A_604, %dma_wait3A_605] : memref<2x10000x128xf32, #tpu.memory_space<hbm>> -> memref<1x80x128xf32, #tpu.memory_space<hbm>>
    %dma_wait3A_607 = tpu.memref_squeeze %dma_wait3A_606 : memref<1x80x128xf32, #tpu.memory_space<hbm>> -> memref<80x128xf32, #tpu.memory_space<hbm>>
    %dma_wait3A_608 = arith.constant 0 : i32
    %dma_wait3A_609 = tpu.memref_slice %arg11[%add3A_604, %dma_wait3A_608] : memref<10000x128xf32, #tpu.memory_space<vmem_shared>> -> memref<80x128xf32, #tpu.memory_space<vmem_shared>>
    tpu.wait_dma2 semaphore(%arg15 : memref<!tpu.dma_semaphore, #tpu.memory_space<semaphore_mem>>) src(%dma_wait3A_609 : memref<80x128xf32, #tpu.memory_space<vmem_shared>>) dst(%dma_wait3A_607 : memref<80x128xf32, #tpu.memory_space<hbm>>)
    %add3A_610 = arith.constant 400 : i32
    %add3A_611 = arith.addi %mul3A_2, %add3A_610 : i32
    %dma_wait3A_612 = arith.constant 0 : i32
    %dma_wait3A_613 = tpu.memref_slice %arg6[%arg0, %add3A_611, %dma_wait3A_612] : memref<2x10000x128xf32, #tpu.memory_space<hbm>> -> memref<1x80x128xf32, #tpu.memory_space<hbm>>
    %dma_wait3A_614 = tpu.memref_squeeze %dma_wait3A_613 : memref<1x80x128xf32, #tpu.memory_space<hbm>> -> memref<80x128xf32, #tpu.memory_space<hbm>>
    %dma_wait3A_615 = arith.constant 0 : i32
    %dma_wait3A_616 = tpu.memref_slice %arg11[%add3A_611, %dma_wait3A_615] : memref<10000x128xf32, #tpu.memory_space<vmem_shared>> -> memref<80x128xf32, #tpu.memory_space<vmem_shared>>
    tpu.wait_dma2 semaphore(%arg15 : memref<!tpu.dma_semaphore, #tpu.memory_space<semaphore_mem>>) src(%dma_wait3A_616 : memref<80x128xf32, #tpu.memory_space<vmem_shared>>) dst(%dma_wait3A_614 : memref<80x128xf32, #tpu.memory_space<hbm>>)
    %add3A_617 = arith.constant 480 : i32
    %add3A_618 = arith.addi %mul3A_2, %add3A_617 : i32
    %dma_wait3A_619 = arith.constant 0 : i32
    %dma_wait3A_620 = tpu.memref_slice %arg6[%arg0, %add3A_618, %dma_wait3A_619] : memref<2x10000x128xf32, #tpu.memory_space<hbm>> -> memref<1x80x128xf32, #tpu.memory_space<hbm>>
    %dma_wait3A_621 = tpu.memref_squeeze %dma_wait3A_620 : memref<1x80x128xf32, #tpu.memory_space<hbm>> -> memref<80x128xf32, #tpu.memory_space<hbm>>
    %dma_wait3A_622 = arith.constant 0 : i32
    %dma_wait3A_623 = tpu.memref_slice %arg11[%add3A_618, %dma_wait3A_622] : memref<10000x128xf32, #tpu.memory_space<vmem_shared>> -> memref<80x128xf32, #tpu.memory_space<vmem_shared>>
    tpu.wait_dma2 semaphore(%arg15 : memref<!tpu.dma_semaphore, #tpu.memory_space<semaphore_mem>>) src(%dma_wait3A_623 : memref<80x128xf32, #tpu.memory_space<vmem_shared>>) dst(%dma_wait3A_621 : memref<80x128xf32, #tpu.memory_space<hbm>>)
    %eq3A_624 = arith.constant 15 : i32
    %eq3A_625 = arith.cmpi eq, %arg1, %eq3A_624 : i32
    %convert_element_type3A_626 = arith.extui %eq3A_625 : i1 to i32
    %cond3A_627 = arith.constant 0 : i32
    %cond3A_628 = arith.cmpi ne, %convert_element_type3A_626, %cond3A_627 : i32
    scf.if %cond3A_628 {
      %dma_wait3A_634 = arith.constant 0 : i32
      %dma_wait3A_635 = tpu.memref_slice %arg6[%arg0, %add3A_4, %dma_wait3A_634] : memref<2x10000x128xf32, #tpu.memory_space<hbm>> -> memref<1x80x128xf32, #tpu.memory_space<hbm>>
      %dma_wait3A_636 = tpu.memref_squeeze %dma_wait3A_635 : memref<1x80x128xf32, #tpu.memory_space<hbm>> -> memref<80x128xf32, #tpu.memory_space<hbm>>
      %dma_wait3A_637 = arith.constant 0 : i32
      %dma_wait3A_638 = tpu.memref_slice %arg11[%add3A_4, %dma_wait3A_637] : memref<10000x128xf32, #tpu.memory_space<vmem_shared>> -> memref<80x128xf32, #tpu.memory_space<vmem_shared>>
      tpu.wait_dma2 semaphore(%arg15 : memref<!tpu.dma_semaphore, #tpu.memory_space<semaphore_mem>>) src(%dma_wait3A_638 : memref<80x128xf32, #tpu.memory_space<vmem_shared>>) dst(%dma_wait3A_636 : memref<80x128xf32, #tpu.memory_space<hbm>>)
    } else {
    }
    %ne3A_629 = arith.constant 15 : i32
    %ne3A_630 = arith.cmpi ne, %arg1, %ne3A_629 : i32
    %convert_element_type3A_631 = arith.extui %ne3A_630 : i1 to i32
    %cond3A_632 = arith.constant 0 : i32
    %cond3A_633 = arith.cmpi ne, %convert_element_type3A_631, %cond3A_632 : i32
    scf.if %cond3A_633 {
      %dma_wait3A_634 = arith.constant 0 : i32
      %dma_wait3A_635 = tpu.memref_slice %arg6[%arg0, %add3A_4, %dma_wait3A_634] : memref<2x10000x128xf32, #tpu.memory_space<hbm>> -> memref<1x64x128xf32, #tpu.memory_space<hbm>>
      %dma_wait3A_636 = tpu.memref_squeeze %dma_wait3A_635 : memref<1x64x128xf32, #tpu.memory_space<hbm>> -> memref<64x128xf32, #tpu.memory_space<hbm>>
      %dma_wait3A_637 = arith.constant 0 : i32
      %dma_wait3A_638 = tpu.memref_slice %arg11[%add3A_4, %dma_wait3A_637] : memref<10000x128xf32, #tpu.memory_space<vmem_shared>> -> memref<64x128xf32, #tpu.memory_space<vmem_shared>>
      tpu.wait_dma2 semaphore(%arg15 : memref<!tpu.dma_semaphore, #tpu.memory_space<semaphore_mem>>) src(%dma_wait3A_638 : memref<64x128xf32, #tpu.memory_space<vmem_shared>>) dst(%dma_wait3A_636 : memref<64x128xf32, #tpu.memory_space<hbm>>)
    } else {
    }
    return
  }
}

module attributes {stable_mosaic.version = 14 : i64} {
  func.func @body(%arg0: i32, %arg1: memref<400x128xf32, #tpu.memory_space<vmem>>, %arg2: memref<400x128xf32, #tpu.memory_space<vmem>>, %arg3: memref<400x128xf32, #tpu.memory_space<vmem>>, %arg4: memref<128x128xf32, #tpu.memory_space<vmem>>, %arg5: memref<1x128xf32, #tpu.memory_space<vmem>>, %arg6: memref<128x128xf32, #tpu.memory_space<vmem>>, %arg7: memref<1x128xf32, #tpu.memory_space<vmem>>, %arg8: memref<400x128xf32, #tpu.memory_space<vmem>>) attributes {dimension_semantics = [#tpu.dimension_semantics<arbitrary>], iteration_bounds = array<i64: 25>, scalar_prefetch = 0 : i64, scratch_operands = 0 : i64, tpu.core_type = #tpu.core_type<tc>, window_params = [{transform_indices = @transform_0, window_bounds = array<i64: 400, 128>}, {transform_indices = @transform_1, window_bounds = array<i64: 400, 128>}, {transform_indices = @transform_2, window_bounds = array<i64: 400, 128>}, {pipeline_mode = #tpu.pipeline_mode<synchronous>, transform_indices = @transform_3, window_bounds = array<i64: 128, 128>}, {pipeline_mode = #tpu.pipeline_mode<synchronous>, transform_indices = @transform_4, window_bounds = array<i64: 1, 128>}, {pipeline_mode = #tpu.pipeline_mode<synchronous>, transform_indices = @transform_5, window_bounds = array<i64: 128, 128>}, {pipeline_mode = #tpu.pipeline_mode<synchronous>, transform_indices = @transform_6, window_bounds = array<i64: 1, 128>}, {transform_indices = @transform_7, window_bounds = array<i64: 400, 128>}]} {
    %get3A = arith.constant 0 : index
    %get3A_0 = arith.constant 0 : index
    %get3A_1 = vector.load %arg2[%get3A, %get3A_0] : memref<400x128xf32, #tpu.memory_space<vmem>>, vector<400x128xf32>
    %get3A_2 = arith.constant 0 : index
    %get3A_3 = arith.constant 0 : index
    %get3A_4 = vector.load %arg3[%get3A_2, %get3A_3] : memref<400x128xf32, #tpu.memory_space<vmem>>, vector<400x128xf32>
    %add3A = arith.addf %get3A_1, %get3A_4 : vector<400x128xf32>
    %get3A_5 = arith.constant 0 : index
    %get3A_6 = arith.constant 0 : index
    %get3A_7 = vector.load %arg1[%get3A_5, %get3A_6] : memref<400x128xf32, #tpu.memory_space<vmem>>, vector<400x128xf32>
    %add3A_8 = arith.addf %get3A_7, %add3A : vector<400x128xf32>
    %get3A_9 = arith.constant 0 : index
    %get3A_10 = arith.constant 0 : index
    %get3A_11 = vector.load %arg4[%get3A_9, %get3A_10] : memref<128x128xf32, #tpu.memory_space<vmem>>, vector<128x128xf32>
    %dot_general3A = arith.constant dense<0.000000e+00> : vector<400x128xf32>
    %dot_general3A_12 = tpu.matmul %add3A_8, %get3A_11, %dot_general3A {dimension_numbers = #tpu.dot_dimension_numbers<[1], [0], [0], [1], [0, 0, 1, 1], [], []>, transpose_lhs_hint = false} : vector<400x128xf32>, vector<128x128xf32>, vector<400x128xf32> -> vector<400x128xf32>
    %get3A_13 = arith.constant 0 : index
    %get3A_14 = arith.constant 0 : index
    %get3A_15 = vector.load %arg5[%get3A_13, %get3A_14] : memref<1x128xf32, #tpu.memory_space<vmem>>, vector<1x128xf32>
    %add3A_16 = vector.broadcast %get3A_15 : vector<1x128xf32> to vector<400x128xf32>
    %add3A_17 = arith.addf %dot_general3A_12, %add3A_16 : vector<400x128xf32>
    %mul3A = arith.mulf %get3A_7, %add3A : vector<400x128xf32>
    %get3A_18 = arith.constant 0 : index
    %get3A_19 = arith.constant 0 : index
    %get3A_20 = vector.load %arg6[%get3A_18, %get3A_19] : memref<128x128xf32, #tpu.memory_space<vmem>>, vector<128x128xf32>
    %dot_general3A_21 = arith.constant dense<0.000000e+00> : vector<400x128xf32>
    %dot_general3A_22 = tpu.matmul %mul3A, %get3A_20, %dot_general3A_21 {dimension_numbers = #tpu.dot_dimension_numbers<[1], [0], [0], [1], [0, 0, 1, 1], [], []>, transpose_lhs_hint = false} : vector<400x128xf32>, vector<128x128xf32>, vector<400x128xf32> -> vector<400x128xf32>
    %get3A_23 = arith.constant 0 : index
    %get3A_24 = arith.constant 0 : index
    %get3A_25 = vector.load %arg7[%get3A_23, %get3A_24] : memref<1x128xf32, #tpu.memory_space<vmem>>, vector<1x128xf32>
    %add3A_26 = vector.broadcast %get3A_25 : vector<1x128xf32> to vector<400x128xf32>
    %add3A_27 = arith.addf %dot_general3A_22, %add3A_26 : vector<400x128xf32>
    %ge3A = arith.constant 0.000000e+00 : f32
    %ge3A_28 = vector.broadcast %ge3A : f32 to vector<400x128xf32>
    %ge3A_29 = arith.cmpf oge, %add3A_17, %ge3A_28 : vector<400x128xf32>
    %mul3A_30 = arith.constant 0.00999999977 : f32
    %mul3A_31 = vector.broadcast %mul3A_30 : f32 to vector<400x128xf32>
    %mul3A_32 = arith.mulf %mul3A_31, %add3A_17 : vector<400x128xf32>
    %select_n3A = arith.select %ge3A_29, %add3A_17, %mul3A_32 : vector<400x128xi1>, vector<400x128xf32>
    %ge3A_33 = arith.constant 0.000000e+00 : f32
    %ge3A_34 = vector.broadcast %ge3A_33 : f32 to vector<400x128xf32>
    %ge3A_35 = arith.cmpf oge, %add3A_27, %ge3A_34 : vector<400x128xf32>
    %mul3A_36 = arith.constant 0.00999999977 : f32
    %mul3A_37 = vector.broadcast %mul3A_36 : f32 to vector<400x128xf32>
    %mul3A_38 = arith.mulf %mul3A_37, %add3A_27 : vector<400x128xf32>
    %select_n3A_39 = arith.select %ge3A_35, %add3A_27, %mul3A_38 : vector<400x128xi1>, vector<400x128xf32>
    %add3A_40 = arith.addf %select_n3A, %select_n3A_39 : vector<400x128xf32>
    %swap3A = arith.constant 0 : index
    %swap3A_41 = arith.constant 0 : index
    %swap3A_42 = vector.load %arg8[%swap3A, %swap3A_41] : memref<400x128xf32, #tpu.memory_space<vmem>>, vector<400x128xf32>
    tpu.vector_store %arg8[%swap3A, %swap3A_41], %add3A_40 {strides = array<i32>} : memref<400x128xf32, #tpu.memory_space<vmem>>, vector<400x128xf32>,
    return
  }
  func.func @transform_0(%arg0: i32) -> (i32, i32) {
    %c0_i32 = arith.constant 0 : i32
    %c0_i32_0 = arith.constant 0 : i32
    return %arg0, %c0_i32 : i32, i32
  }
  func.func @transform_1(%arg0: i32) -> (i32, i32) {
    %c0_i32 = arith.constant 0 : i32
    %c0_i32_0 = arith.constant 0 : i32
    return %arg0, %c0_i32 : i32, i32
  }
  func.func @transform_2(%arg0: i32) -> (i32, i32) {
    %c0_i32 = arith.constant 0 : i32
    %c0_i32_0 = arith.constant 0 : i32
    return %arg0, %c0_i32 : i32, i32
  }
  func.func @transform_3(%arg0: i32) -> (i32, i32) {
    %c0_i32 = arith.constant 0 : i32
    %c0_i32_0 = arith.constant 0 : i32
    %c0_i32_1 = arith.constant 0 : i32
    return %c0_i32, %c0_i32_0 : i32, i32
  }
  func.func @transform_4(%arg0: i32) -> (i32, i32) {
    %c0_i32 = arith.constant 0 : i32
    %c0_i32_0 = arith.constant 0 : i32
    %c0_i32_1 = arith.constant 0 : i32
    return %c0_i32, %c0_i32_0 : i32, i32
  }
  func.func @transform_5(%arg0: i32) -> (i32, i32) {
    %c0_i32 = arith.constant 0 : i32
    %c0_i32_0 = arith.constant 0 : i32
    %c0_i32_1 = arith.constant 0 : i32
    return %c0_i32, %c0_i32_0 : i32, i32
  }
  func.func @transform_6(%arg0: i32) -> (i32, i32) {
    %c0_i32 = arith.constant 0 : i32
    %c0_i32_0 = arith.constant 0 : i32
    %c0_i32_1 = arith.constant 0 : i32
    return %c0_i32, %c0_i32_0 : i32, i32
  }
  func.func @transform_7(%arg0: i32) -> (i32, i32) {
    %c0_i32 = arith.constant 0 : i32
    %c0_i32_0 = arith.constant 0 : i32
    return %arg0, %c0_i32 : i32, i32
  }
}

</mosaic_0001>

<sc_bundles>
// kernel: kernel.4.cloned.1.call-start
scs
__scs_entry_jumppad:
0x0: {  	(pc) =	sbr.rel $0x88, $3  }
0x1: {  	(tag) =	ssettag $0x0;
	lr =	simm.s32 $0x1  }
0x2: {  	[smem:$0x3F9A] =	sst lr;
	_ =	strace $0xD0000000  }
0x3: {  	_ = 	snop  }
0x4: {  	_ = 	snop  }
0x5: {  	_ = 	snop  }
0x6: {  	_ = 	snop  }
0x7: {  	_ = 	snop  }
__scs_overlays_trampoline_lowered:
0x8: {  	[smem:$0x3FA9] =	sst s0  }
0x9: {  	[smem:$0x3FAA] =	sst s1  }
0xa: {  	[smem:$0x3FAB] =	sst s2  }
0xb: {  	[smem:$0x3FAC] =	sst s3  }
0xc: {  	[smem:$0x3FAD] =	sst s4  }
0xd: {  	[smem:$0x3FAE] =	sst s5  }
0xe: {  	[smem:$0x3FAF] =	sst s6  }
0xf: {  	[smem:$0x3FB0] =	sst s7  }
0x10: {  	[smem:$0x3FB1] =	sst s8  }
0x11: {  	[smem:$0x3FB2] =	sst s9;
	s0 =	simm.s32 @!p0 $0x0  }
0x12: {  	s1 =	sld [smem:$0x3F98];
	s0 =	simm.s32 @p0 $0x1  }
0x13: {  	[smem:$0x3FB3] =	sst s0;
	s0 =	simm.s32 @!p1 $0x0  }
0x14: {  	s2 =	sld [smem:$0x3F97];
	s0 =	simm.s32 @p1 $0x1  }
0x15: {  	[smem:$0x3FB4] =	sst s0;
	s0 =	simm.s32 @!p2 $0x0  }
0x16: {  	s3 =	sld [smem:$0x3FDB];
	s0 =	simm.s32 @p2 $0x1  }
0x17: {  	s4 =	simm.s32 $0x1BF5;
	[smem:$0x3FB6] =	sst s0  }
0x18: {  	s0 =	sld [smem:$0x3F99];
	_ =	swait.ge [sflag:s4], $0x0  }
0x19: {  	s7 =	sld [smem:$0x3F9A]  }
0x1a: {  	s8 =	sadd.s32 $0xFFFFE003, lr  }
0x1b: {  	s9 =	sadd.s32 $0xFFFFFEF7, lr;
	s5 =	simm.s32 $0xFFFFFFFF;
	p2 =	slt.u32 s8, $0xFFFFF086  }
0x1c: {  	p1 =	slt.u32 s9, $0xF7A;
	s5 =	simm.s32 @!p2 $0x0  }
0x1d: {  	s5 =	simm.s32 @p1 $0x1;
	p0 =	seq.s32 s7, s2  }
0x1e: {  	s7 =	smul.u32 @!p0 $0xF7A, s2;
	p2 =	seq.s32 @!p0 s5, $0x0  }
0x1f: {  	s9 =	smul.u32 $0xF7A, s1;
	s8 =	simm.s32 @!p0 $0x1BF5;
	p2 =	por !p2, p0  }
0x20: {  	[sflag:s8] =	ssyncset.s32 @!p0 $0xFFFFF086;
	s6 =	sadd.s32 @!p0 s3, s7;
	s7 =	simm.s32 @!p0 $0x108  }
0x21: {  	s3 =	sadd.s32 s3, s9;
	s6 =	sadd.s32 @!p0 $0x88, s6;
	s7 =	simm.s32 @p2 $0x1082  }
0x22: {  	[simem:s7], [sflag:s8] =	dma.local @!p0 [hbm:s6], $0xF7A  }
0x23: {  	s9 =	sor.u32 $0xD0000000, s2;
	s6 =	simm.s32 $0x108;
	_ =	swait.ge @!p0 [sflag:s8], $0x0  }
0x24: {  	s3 =	sadd.s32 $0x88, s3;
	s6 =	simm.s32 @!p1 $0x1082;
	[sflag:s4] =	ssyncset.s32 $0xFFFFF086  }
0x25: {  	[simem:s6], [sflag:s4] =	dma.local [hbm:s3], $0xF7A  }
0x26: {  	[smem:$0x3F9A] =	sst s1;
	(tag) =	ssettag s2;
	_ =	strace s9  }
0x27: {  	s1 =	sld [smem:$0x3FAA]  }
0x28: {  	s2 =	sld [smem:$0x3FAB]  }
0x29: {  	s4 =	sld [smem:$0x3FAD]  }
0x2a: {  	p0 =	seq.s32 s5, $0x0;
	s5 =	sld [smem:$0x3FAE]  }
0x2b: {  	s6 =	sld [smem:$0x3FAF]  }
0x2c: {  	s7 =	sld [smem:$0x3FB0]  }
0x2d: {  	s3 =	simm.s32 $0x108;
	s8 =	sld [smem:$0x3FB1]  }
0x2e: {  	s3 =	simm.s32 @!p0 $0x1082;
	s9 =	sld [smem:$0x3FB2]  }
0x2f: {  	lr =	sadd.s32 s0, s3;
	s0 =	sld [smem:$0x3FA9]  }
0x30: {  	s3 =	sld [smem:$0x3FAC]  }
0x31: {  	[smem:$0x3FB5] =	sst s10  }
0x32: {  	s10 =	sld [smem:$0x3FB3];
	_ =	sdelay $0x3  }
0x33: {  	p0 =	seq.s32 s10, $0x1;
	s10 =	sld [smem:$0x3FB5];
	_ =	sdelay $0x3  }
0x34: {  	[smem:$0x3FB5] =	sst s10  }
0x35: {  	s10 =	sld [smem:$0x3FB4];
	_ =	sdelay $0x3  }
0x36: {  	p1 =	seq.s32 s10, $0x1;
	s10 =	sld [smem:$0x3FB5];
	_ =	sdelay $0x3  }
0x37: {  	[smem:$0x3FB5] =	sst s10  }
0x38: {  	s10 =	sld [smem:$0x3FB6]  }
0x39: {  	_ = 	snop;
	(pc) =	sbr.ind lr, $3  }
0x3a: {  	_ = 	snop  }
0x3b: {  	_ = 	snop  }
0x3c: {  	p2 =	seq.s32 s10, $0x1;
	s10 =	sld [smem:$0x3FB5]  }
0x3d: {  	_ =	shalt  }
0x3e: {  	_ =	shalt  }
0x3f: {  	_ =	shalt  }
0x40: {  	_ =	shalt  }
0x41: {  	_ =	shalt  }
0x42: {  	_ =	shalt  }
0x43: {  	_ =	shalt  }
0x44: {  	_ =	shalt  }
0x45: {  	_ =	shalt  }
0x46: {  	_ =	shalt  }
0x47: {  	_ =	shalt  }
0x48: {  	_ =	shalt  }
0x49: {  	_ =	shalt  }
0x4a: {  	_ =	shalt  }
0x4b: {  	_ =	shalt  }
0x4c: {  	_ =	shalt  }
0x4d: {  	_ =	shalt  }
0x4e: {  	_ =	shalt  }
0x4f: {  	_ =	shalt  }
0x50: {  	_ =	shalt  }
0x51: {  	_ =	shalt  }
0x52: {  	_ =	shalt  }
0x53: {  	_ =	shalt  }
0x54: {  	_ =	shalt  }
0x55: {  	_ =	shalt  }
0x56: {  	_ =	shalt  }
0x57: {  	_ =	shalt  }
0x58: {  	_ =	shalt  }
0x59: {  	_ =	shalt  }
0x5a: {  	_ =	shalt  }
0x5b: {  	_ =	shalt  }
0x5c: {  	_ =	shalt  }
0x5d: {  	_ =	shalt  }
0x5e: {  	_ =	shalt  }
0x5f: {  	_ =	shalt  }
0x60: {  	_ =	shalt  }
0x61: {  	_ =	shalt  }
0x62: {  	_ =	shalt  }
0x63: {  	_ =	shalt  }
0x64: {  	_ =	shalt  }
0x65: {  	_ =	shalt  }
0x66: {  	_ =	shalt  }
0x67: {  	_ =	shalt  }
0x68: {  	_ =	shalt  }
0x69: {  	_ =	shalt  }
0x6a: {  	_ =	shalt  }
0x6b: {  	_ =	shalt  }
0x6c: {  	_ =	shalt  }
0x6d: {  	_ =	shalt  }
0x6e: {  	_ =	shalt  }
0x6f: {  	_ =	shalt  }
0x70: {  	_ =	shalt  }
0x71: {  	_ =	shalt  }
0x72: {  	_ =	shalt  }
0x73: {  	_ =	shalt  }
0x74: {  	_ =	shalt  }
0x75: {  	_ =	shalt  }
0x76: {  	_ =	shalt  }
0x77: {  	_ =	shalt  }
0x78: {  	_ =	shalt  }
0x79: {  	_ =	shalt  }
0x7a: {  	_ =	shalt  }
0x7b: {  	_ =	shalt  }
0x7c: {  	_ =	shalt  }
0x7d: {  	_ =	shalt  }
0x7e: {  	_ =	shalt  }
0x7f: {  	_ =	shalt  }
0x80: {  	_ =	shalt  }
0x81: {  	_ =	shalt  }
0x82: {  	_ =	shalt  }
0x83: {  	_ =	shalt  }
0x84: {  	_ =	shalt  }
0x85: {  	_ =	shalt  }
0x86: {  	_ =	shalt  }
0x87: {  	_ =	shalt  }
.Lfunc_end0:
.L_simem_size_0:
called_computation_lowered:
.L_overlay_start_0:
0x88: {  	s2 =	sld [smem:$0x3FD9]  }
0x89: {  	s3 =	sld [smem:$0x3FFE];
	_ =	sdelay $0x1  }
0x8a: {  	s1 =	srdreg.scid  }
0x8b: {  	s0 =	sand.u32 $0x1, s1  }
0x8c: {  	s17 =	sshll.u32 s0, $0xA;
	s2 =	sadd.s32 s3, s2  }
0x8d: {  	s2 =	sadd.s32 s2, s17  }
0x8e: {  	[smem:$0x3FC1] =	sst s2  }
0x8f: {  	_ = 	snop  }
0x90: {  	s2 =	sld [smem:$0x3FC9]  }
0x91: {  	s18 =	sld [smem:$0x3FD0];
	(tm) =	ssettm $0x1  }
0x92: {  	s4 =	sld [smem:$0x3FFB];
	_ =	sdelay $0x3  }
0x93: {  	_ =	strace s4  }
0x94: {  	s4 =	sld [smem:$0x3FFC];
	_ =	sdelay $0x3  }
0x95: {  	_ =	strace s4  }
0x96: {  	s4 =	sld [smem:$0x3FFD];
	_ =	sdelay $0x3  }
0x97: {  	_ =	strace s4  }
0x98: {  	_ =	strace $0x8FFFFFFF  }
0x99: {  	s19 =	sld [smem:$0x3FDB];
	_ =	sdelay $0x1  }
0x9a: {  	s5 =	simm.s32 $_scs_section_size  }
0x9b: {  	s6 =	simm.s32 $_size__tile_overlayer_lowered;
	s7 =	simm.s32 $_tile_overlayer_lowered  }
0x9c: {  	s22 =	simm.s32 $0x1BFF;
	s21 =	sshll.u32 s7, $0x1;
	s4 =	sadd.s32 s5, s19  }
0x9d: {  	s8 =	simm.s32 $0x0;
	s20 =	sshll.u32 s6, $0x1;
	s6 =	sadd.s32 s21, s4  }
0x9e: {  	[timem:s8], [sflag:s22] =	dma.local [hbm:s6], s20  }
0x9f: {  	_ =	swait.ge [sflag:s22], s20  }
0xa0: {  	s5 =	ssub.s32 $0x0, s20;
	[sflag:s22] =	ssyncset.done $0x0  }
0xa1: {  	[sflag:s22] =	ssyncadd.s32 s5;
	_ =	sdelay $0x1  }
0xa2: {  	s23 =	simm.s32 $0x1B8B  }
0xa3: {  	_ =	swait.ge [sflag:s23], $0x1  }
0xa4: {  	[sflag:s23] =	ssyncset.done $0x0  }
0xa5: {  	s25 =	simm.s32 $0x1B8E;
	s24 =	sld [smem:$0x3FFE];
	[sflag:s23] =	ssyncadd.s32 $0xFFFFFFFF  }
0xa6: {  	s26 =	simm.s32 $execute0_lowered;
	[smem:$0x3FD2] =	sst s25  }
0xa7: {  	s6 =	sshll.u32 s26, $0x1;
	_ =	strace $0x80000046;
	[dreg:$0x1] =	wrdreg $0xFFFFFFFF  }
0xa8: {  	s28 =	simm.s32 $_size_execute0_lowered;
	s4 =	sadd.s32 s4, s6;
	[dreg:$0x0] =	wrdreg $0x0  }
0xa9: {  	s6 =	sshll.u32 s28, $0x1;
	[dreg:$0x2] =	wrdreg s4  }
0xaa: {  	[dreg:$0x3] =	wrdreg s6  }
0xab: {  	[dreg:$0x4] =	wrdreg $0xC0  }
0xac: {  	_ =	task [dreg:s8], $0x5FFFF  }
0xad: {  	[dreg:$0x1] =	wrdreg $0xFFFFFFFF  }
0xae: {  	[dreg:$0x0] =	wrdreg $0x60  }
0xaf: {  	[dreg:$0x2] =	wrdreg s18  }
0xb0: {  	[dreg:$0x3] =	wrdreg s24  }
0xb1: {  	[dreg:$0x4] =	wrdreg s2  }
0xb2: {  	[dreg:$0x5] =	wrdreg $0x9C000  }
0xb3: {  	[dreg:$0x6] =	wrdreg $0x9  }
0xb4: {  	_ =	task.clear_ibuf [dreg:s8], $0x7FFFF;
	_ =	strace $0x90000046  }
0xb5: {  	s29 =	simm.s32 $0x9;
	_ =	strace $0x80000048  }
0xb6: {  	_ =	swait.ge [sflag:s29], $0x1  }
0xb7: {  	[sflag:s29] =	ssyncadd.s32 $0xFFFFFFFF  }
0xb8: {  	_ =	strace $0x90000048  }
0xb9: {  	_ =	sfence  }
0xba: {  	s30 =	sld [smem:$0x0];
	_ =	sdelay $0x2  }
0xbb: {  	s31 =	sshll.u32 s1, $0xD;
	s1 =	sshrl.u32 s1, $0x2  }
0xbc: {  	s3 =	sand.u32 $0x4000, s31;
	s1 =	sadd.s32 s1, s30  }
0xbd: {  	s0 =	sor.u32 s3, s0;
	s1 =	sshll.u32 s1, $0x11  }
0xbe: {  	s0 =	sor.u32 s1, s0  }
0xbf: {  	s0 =	sadd.s32 $0x8F2B, s0  }
0xc0: {  	[sflag:s0] =	ssyncadd.remote.s32 $0x1  }
0xc1: {  	_ =	sfence.sel $0xFFFF  }
0xc2: {  	[dreg:$0x0] =	wrdreg $0xFFFFFFFF;
	(pc) =	sbr.abs _section_cstart, $3  }
0xc3: {  	[dreg:$0x1] =	wrdreg $0xFFFFFFFF  }
0xc4: {  	_ =	task.clear_ibuf [dreg:s8], $0x2FFFF;
	_ =	strace $0x9FFFFFFF  }
0xc5: {  	(tm) =	ssettm $0x7FFFFFFF  }
tec
execute0_lowered:
.L_overlay_start_1:
0x0: {  	(tag) =	ssettag $0x1  }
0x1: {  	s1 =	rddreg [dreg:$0x0]  }
0x2: {  	s0 =	rddreg [dreg:$0x1]  }
0x3: {  	s2 =	rddreg [dreg:$0x2]  }
0x4: {  	s3 =	rddreg [dreg:$0x3]  }
0x5: {  	s5 =	simm.s32 $0x0;
	s4 =	srdreg.scid;
	s19 =	stileid.u32  }
0x6: {  	[smem:$0x7FF] =	sst s5;
	s4 =	sand.u32 $0x1, s4;
	s6 =	sshll.u32 s19, $0x1  }
0x7: {  	s8 =	smul.u32 $0x13800, s19;
	s9 =	sadd.s32 $0x33000, s0;
	_ =	strace $0x80000047  }
0x8: {  	s7 =	ssub.s32 $0x2, s4;
	s6 =	sor.u32 s4, s6;
	s4 =	smul.u32 $0x138800, s4  }
0x9: {  	s10 =	sshrl.u32 s7, $0x1;
	s6 =	smul.u32 $0x6400, s6;
	s11 =	sadd.s32 $0x5000, s8  }
0xa: {  	s12 =	sadd.s32 $0x7800, s8;
	s13 =	sadd.s32 $0xA000, s8;
	s14 =	sadd.s32 $0xC800, s8  }
0xb: {  	s17 =	sadd.s32 $0xF000, s8;
	s7 =	ssub.s32 s7, s10;
	s10 =	sadd.s32 $0x2800, s8  }
0xc: {  	s15 =	sadd.s32 s8, s4;
	s8 =	sadd.s32 $0x11800, s8;
	s24 =	sadd.s32 s4, s11  }
0xd: {  	s26 =	sadd.s32 s4, s12;
	s29 =	sadd.s32 s4, s13;
	s31 =	sadd.s32 s4, s14  }
0xe: {  	s20 =	sadd.s32 s4, s17;
	s15 =	sshrl.u32 s15, $0x3;
	s16 =	sadd.s32 s4, s10  }
0xf: {  	s25 =	sshrl.u32 s24, $0x3;
	s28 =	sshrl.u32 s26, $0x3;
	s30 =	sshrl.u32 s29, $0x3  }
0x10: {  	s18 =	sshrl.u32 s31, $0x3;
	s15 =	sadd.s32 s9, s15;
	s23 =	sshrl.u32 s16, $0x3  }
0x11: {  	s22 =	sadd.s32 s4, s8;
	[dreg:$0x5] =	wrdreg s15;
	s15 =	sadd.s32 s9, s23  }
0x12: {  	s23 =	sshrl.u32 s22, $0x3;
	s22 =	sadd.s32 s11, s3;
	[dreg:$0x6] =	wrdreg s15  }
0x13: {  	s24 =	sshrl.u32 s6, $0x3;
	s15 =	sadd.s32 s9, s25;
	[dreg:$0x15] =	wrdreg s22  }
0x14: {  	s16 =	sadd.s32 $0x1A000, s0;
	[dreg:$0x7] =	wrdreg s15;
	s15 =	sadd.s32 s9, s28  }
0x15: {  	s28 =	sadd.s32 $0x80, s24;
	[dreg:$0x8] =	wrdreg s15;
	s15 =	sadd.s32 s9, s30  }
0x16: {  	s25 =	smul.u32 $0x4E000, s19;
	s30 =	sadd.s32 s1, s28;
	[dreg:$0x9] =	wrdreg s15  }
0x17: {  	s21 =	sshrl.u32 s20, $0x3;
	s20 =	sadd.s32 s16, s28;
	[dreg:$0x10] =	wrdreg s30  }
0x18: {  	s29 =	sshrl.u32 s25, $0x2;
	s25 =	sadd.s32 s14, s3;
	[dreg:$0x12] =	wrdreg s20  }
0x19: {  	s15 =	sadd.s32 s9, s18;
	[dreg:$0x18] =	wrdreg s25  }
0x1a: {  	s18 =	sadd.s32 s1, s24;
	[dreg:$0xa] =	wrdreg s15  }
0x1b: {  	s30 =	smax.u32 s7, $0x1;
	[dreg:$0xd] =	wrdreg s18  }
0x1c: {  	s4 =	sshrl.u32 s4, $0x3;
	s15 =	sadd.s32 s9, s21;
	[dreg:$0x1c] =	wrdreg s30  }
0x1d: {  	s4 =	sadd.s32 s9, s4;
	s21 =	sadd.s32 s10, s3;
	[dreg:$0xb] =	wrdreg s15  }
0x1e: {  	s18 =	sadd.s32 s29, s3;
	s29 =	sadd.s32 $0x26C00, s4;
	[dreg:$0x14] =	wrdreg s21  }
0x1f: {  	[dreg:$0x1b] =	wrdreg s29  }
0x20: {  	s15 =	sadd.s32 s9, s23;
	[dreg:$0x13] =	wrdreg s18  }
0x21: {  	s23 =	sadd.s32 s12, s3;
	[dreg:$0xc] =	wrdreg s15  }
0x22: {  	s15 =	sadd.s32 $0x1000, s0;
	s0 =	sadd.s32 s16, s24;
	[dreg:$0x16] =	wrdreg s23  }
0x23: {  	s26 =	sadd.s32 s15, s24;
	[dreg:$0xf] =	wrdreg s0  }
0x24: {  	s31 =	sadd.s32 s15, s28;
	[dreg:$0xe] =	wrdreg s26  }
0x25: {  	s24 =	sadd.s32 s13, s3;
	[dreg:$0x11] =	wrdreg s31  }
0x26: {  	p0 =	sne.s32 s19, $0xF;
	s28 =	sadd.s32 s8, s3;
	[dreg:$0x17] =	wrdreg s24  }
0x27: {  	s11 =	simm.s32 $0xA;
	s26 =	sadd.s32 s17, s3;
	[dreg:$0x1a] =	wrdreg s28  }
0x28: {  	s10 =	simm.s32 $0x50;
	s31 =	sadd.s32 $0x136000, s3;
	[dreg:$0x19] =	wrdreg s26  }
0x29: {  	v0 =	vimm.f32 $0.0e+00;
	s9 =	simm.s32 $0x1;
	s17 =	simm.s32 $0x0;
	[dreg:$0x1d] =	wrdreg s31  }
.LBB2_1:
0x2a: {  	s0 =	rddreg [dreg:$0xd]  }
0x2b: {  	s22 =	rddreg [dreg:$0xe]  }
0x2c: {  	[tilespmem:s5], [sflag:$0x1] =	stream.linear.gather [hbm4b:s0+s5], $0x280, $0x38;
	[tilespmem:$0x1D480] =	vst v63  }
0x2d: {  	s4 =	simm.s32 $0xC00;
	s23 =	rddreg [dreg:$0xf]  }
0x2e: {  	[tilespmem:s4], [sflag:$0x1] =	stream.linear.gather [hbm4b:s22+s5], $0x280, $0x38;
	[tilespmem:$0x1D480] =	vst v63  }
0x2f: {  	s24 =	simm.s32 $0x1800;
	s25 =	rddreg [dreg:$0x10]  }
0x30: {  	[tilespmem:s24], [sflag:$0x1] =	stream.linear.gather [hbm4b:s23+s5], $0x280, $0x38;
	[tilespmem:$0x1D480] =	vst v63  }
0x31: {  	s26 =	simm.s32 $0x400;
	s28 =	rddreg [dreg:$0x11]  }
0x32: {  	[tilespmem:s26], [sflag:$0x2] =	stream.linear.gather [hbm4b:s25+s5], $0x280, $0x38;
	[tilespmem:$0x1D480] =	vst v63  }
0x33: {  	s29 =	simm.s32 $0x1000;
	s30 =	rddreg [dreg:$0x12]  }
0x34: {  	[tilespmem:s29], [sflag:$0x2] =	stream.linear.gather [hbm4b:s28+s5], $0x280, $0x38;
	[tilespmem:$0x1D480] =	vst v63  }
0x35: {  	s31 =	simm.s32 $0x1C00;
	s0 =	simm.s32 $0x0;
	s4 =	simm.s32 $0x200  }
0x36: {  	[tilespmem:s31], [sflag:$0x2] =	stream.linear.gather [hbm4b:s30+s5], $0x280, $0x38;
	[tilespmem:$0x1D480] =	vst v63  }
.LBB2_2:
0x37: {  	p1 =	sne.s32 s4, $0x9E00;
	[tilespmem:s0+$0x7470] =	vst v0  }
0x38: {  	[tilespmem:s0+$0x7400] =	vst v0  }
0x39: {  	[tilespmem:s0+$0x7410] =	vst v0  }
.Ltmp0:
0x3a: {  	[tilespmem:s0+$0x7420] =	vst v0;
	(pc) =	sbr.rel @p1 .LBB2_2-.Ltmp0, $4  }
0x3b: {  	[tilespmem:s0+$0x7430] =	vst v0  }
0x3c: {  	[tilespmem:s0+$0x7440] =	vst v0  }
0x3d: {  	[tilespmem:s0+$0x7450] =	vst v0  }
0x3e: {  	[tilespmem:s0+$0x7460] =	vst v0;
	s0 =	sshra.s32 s4, $0x2;
	s4 =	sadd.s32 $0x200, s4  }
0x3f: {  	[tilespmem:s0+$0x7470] =	vst v0  }
0x40: {  	[tilespmem:s0+$0x7400] =	vst v0  }
0x41: {  	[tilespmem:s0+$0x7410] =	vst v0  }
0x42: {  	[tilespmem:s0+$0x7420] =	vst v0  }
0x43: {  	[tilespmem:s0+$0x7430] =	vst v0  }
0x44: {  	[tilespmem:s0+$0x7440] =	vst v0  }
0x45: {  	[tilespmem:s0+$0x7450] =	vst v0  }
0x46: {  	[tilespmem:s0+$0x7460] =	vst v0;
	s4 =	simm.s32 $0x7400  }
0x47: {  	[spmem:s18] =	stream.linear.scatter [tilespmem:s4], [sflag:$0xA], $0x2800, $0x38;
	[tilespmem:$0x1D480] =	vst v63  }
0x48: {  	s22 =	rddreg [dreg:$0x14]  }
0x49: {  	[spmem:s22] =	stream.linear.scatter [tilespmem:s4], [sflag:$0xA], $0x2800, $0x38;
	[tilespmem:$0x1D480] =	vst v63  }
0x4a: {  	s23 =	rddreg [dreg:$0x15]  }
0x4b: {  	[spmem:s23] =	stream.linear.scatter [tilespmem:s4], [sflag:$0xA], $0x2800, $0x38;
	[tilespmem:$0x1D480] =	vst v63  }
0x4c: {  	s24 =	rddreg [dreg:$0x16]  }
0x4d: {  	[spmem:s24] =	stream.linear.scatter [tilespmem:s4], [sflag:$0xA], $0x2800, $0x38;
	[tilespmem:$0x1D480] =	vst v63  }
0x4e: {  	s25 =	rddreg [dreg:$0x17]  }
0x4f: {  	[spmem:s25] =	stream.linear.scatter [tilespmem:s4], [sflag:$0xA], $0x2800, $0x38;
	[tilespmem:$0x1D480] =	vst v63  }
0x50: {  	s26 =	rddreg [dreg:$0x18]  }
0x51: {  	[spmem:s26] =	stream.linear.scatter [tilespmem:s4], [sflag:$0xA], $0x2800, $0x38;
	[tilespmem:$0x1D480] =	vst v63  }
0x52: {  	s28 =	rddreg [dreg:$0x19]  }
0x53: {  	[spmem:s28] =	stream.linear.scatter [tilespmem:s4], [sflag:$0xA], $0x2800, $0x38;
	[tilespmem:$0x1D480] =	vst v63  }
0x54: {  	s0 =	simm.s32 @p0 $0x7400;
	s4 =	rddreg [dreg:$0x1a]  }
0x55: {  	[spmem:s4] =	stream.linear.scatter @p0 [tilespmem:s0], [sflag:$0xA], $0x2000, $0x38;
	[tilespmem:$0x1D480] =	vst v63  }
0x56: {  	s0 =	simm.s32 @!p0 $0x7400;
	s4 =	rddreg [dreg:$0x1d]  }
0x57: {  	[spmem:s4] =	stream.linear.scatter @!p0 [tilespmem:s0], [sflag:$0xA], $0x2800, $0x38;
	[tilespmem:$0x1D480] =	vst v63  }
0x58: {  	_ =	swait.ge [sflag:s9], $0x280  }
0x59: {  	[sflag:s9] =	ssyncset.done $0x0  }
0x5a: {  	[sflag:s9] =	ssyncadd.s32 $0xFFFFFD80  }
0x5b: {  	_ =	swait.ge [sflag:s9], $0x280  }
0x5c: {  	[sflag:s9] =	ssyncset.done $0x0  }
0x5d: {  	[sflag:s9] =	ssyncadd.s32 $0xFFFFFD80  }
0x5e: {  	_ =	swait.ge [sflag:s9], $0x280  }
0x5f: {  	[sflag:s9] =	ssyncset.done $0x0  }
0x60: {  	s29 =	simm.s32 $0x2400;
	[sflag:s9] =	ssyncadd.s32 $0xFFFFFD80  }
0x61: {  	[tilespmem:s29], [sflag:$0x4] =	stream.indirect.gather [hbm4b:s2+s10], $0x80, s5, s10, $0xb8;
	[tilespmem:$0x1D480] =	vst v63  }
0x62: {  	s30 =	simm.s32 $0x80;
	s31 =	simm.s32 $0x4C00  }
0x63: {  	[tilespmem:s31], [sflag:$0x5] =	stream.indirect.gather [hbm4b:s2+s10], $0x80, s30, s10, $0xb8;
	[tilespmem:$0x1D480] =	vst v63  }
0x64: {  	_ =	swait.ge [sflag:s11], $0x2800  }
0x65: {  	[sflag:s11] =	ssyncset.done $0x0  }
0x66: {  	[sflag:s11] =	ssyncadd.s32 $0xFFFFD800  }
0x67: {  	_ =	swait.ge [sflag:s11], $0x2800  }
0x68: {  	[sflag:s11] =	ssyncset.done $0x0  }
0x69: {  	[sflag:s11] =	ssyncadd.s32 $0xFFFFD800  }
0x6a: {  	_ =	swait.ge [sflag:s11], $0x2800  }
0x6b: {  	[sflag:s11] =	ssyncset.done $0x0  }
0x6c: {  	[sflag:s11] =	ssyncadd.s32 $0xFFFFD800  }
0x6d: {  	_ =	swait.ge [sflag:s11], $0x2800  }
0x6e: {  	[sflag:s11] =	ssyncset.done $0x0  }
0x6f: {  	[sflag:s11] =	ssyncadd.s32 $0xFFFFD800  }
0x70: {  	_ =	swait.ge [sflag:s11], $0x2800  }
0x71: {  	[sflag:s11] =	ssyncset.done $0x0  }
0x72: {  	[sflag:s11] =	ssyncadd.s32 $0xFFFFD800  }
0x73: {  	_ =	swait.ge [sflag:s11], $0x2800  }
0x74: {  	[sflag:s11] =	ssyncset.done $0x0  }
0x75: {  	[sflag:s11] =	ssyncadd.s32 $0xFFFFD800  }
0x76: {  	_ =	swait.ge [sflag:s11], $0x2800  }
0x77: {  	[sflag:s11] =	ssyncset.done $0x0  }
0x78: {  	s0 =	simm.s32 @p0 $0xA;
	[sflag:s11] =	ssyncadd.s32 $0xFFFFD800  }
0x79: {  	_ =	swait.ge @p0 [sflag:s0], $0x2000  }
0x7a: {  	[sflag:s0] =	ssyncset.done @p0 $0x0  }
0x7b: {  	[sflag:s0] =	ssyncadd.s32 @p0 $0xFFFFE000;
	s0 =	simm.s32 @!p0 $0xA  }
0x7c: {  	_ =	swait.ge @!p0 [sflag:s0], $0x2800  }
0x7d: {  	[sflag:s0] =	ssyncset.done @!p0 $0x0  }
0x7e: {  	[sflag:s0] =	ssyncadd.s32 @!p0 $0xFFFFD800  }
0x7f: {  	s0 =	simm.s32 $0x0;
	[bflag:$0x0] =	sbarrier.arrive $0xFFFF  }
.LBB2_4:
0x80: {  	p1 =	sgt.u32 s0, $0x16  }
.Ltmp1:
0x81: {  	_ = 	snop;
	(pc) =	sbr.rel @p1 .LBB2_7-.Ltmp1, $1  }
0x82: {  	_ =	sdelay $0x3  }
0x83: {  	s4 =	sadd.s32 $0x2, s0  }
0x84: {  	s12 =	smul.u32 $0xAB, s4;
	_ =	sdelay $0x1  }
0x85: {  	s12 =	sshrl.u32 s12, $0x9  }
0x86: {  	s12 =	sand.u32 $0x7F, s12  }
0x87: {  	s12 =	smul.u32 $0x3, s12  }
0x88: {  	s13 =	sshll.u32 s4, $0xA  }
0x89: {  	s29 =	sadd.s32 s6, s13;
	s4 =	ssub.s32 s4, s12  }
0x8a: {  	s12 =	sshrl.u32 s29, $0x3;
	s4 =	sand.u32 $0xFF, s4  }
0x8b: {  	s14 =	sadd.s32 s1, s12;
	s30 =	sadd.s32 $0x1, s4;
	s4 =	sshll.u32 s4, $0xA  }
0x8c: {  	[tilespmem:s4], [sflag:s30] =	stream.linear.gather [hbm4b:s14+s5], $0x280, $0x38;
	[tilespmem:$0x1D480] =	vst v63  }
.Ltmp2:
0x8d: {  	_ = 	snop;
	(pc) =	sbr.rel .LBB2_6-.Ltmp2, $4  }
0x8e: {  	s18 =	sadd.s32 s15, s12;
	s31 =	sadd.s32 $0xC00, s4  }
0x8f: {  	[tilespmem:s31], [sflag:s30] =	stream.linear.gather [hbm4b:s18+s5], $0x280, $0x38;
	[tilespmem:$0x1D480] =	vst v63  }
0x90: {  	s12 =	sadd.s32 s16, s12;
	s4 =	sadd.s32 $0x1800, s4;
	s18 =	sadd.s32 $0x1, s0  }
0x91: {  	[tilespmem:s4], [sflag:s30] =	stream.linear.gather [hbm4b:s12+s5], $0x280, $0x38;
	[tilespmem:$0x1D480] =	vst v63  }
.LBB2_7:
0x92: {  	p1 =	seq.s32 s0, $0x18  }
.Ltmp3:
0x93: {  	_ = 	snop;
	(pc) =	sbr.rel @!p1 .LBB2_6-.Ltmp3, $2  }
0x94: {  	_ =	sdelay $0x2  }
0x95: {  	s18 =	simm.s32 $0x18  }
.Ltmp4:
0x96: {  	(pc) =	sbr.rel .LBB2_9-.Ltmp4, $2  }
0x97: {  	_ =	sdelay $0x2  }
0x98: {  	s18 =	simm.s32 $0x19;
	p1 =	por $0x1, $0x1  }
.LBB2_6:
0x99: {  	s4 =	smul.u32 $0xAB, s18;
	_ =	sdelay $0x1  }
0x9a: {  	s4 =	sshrl.u32 s4, $0x9  }
0x9b: {  	s4 =	sand.u32 $0x7F, s4  }
0x9c: {  	s4 =	smul.u32 $0x3, s4;
	_ =	sdelay $0x1  }
0x9d: {  	s4 =	ssub.s32 s18, s4  }
0x9e: {  	s4 =	sand.u32 $0xFF, s4  }
0x9f: {  	s4 =	sadd.s32 $0x1, s4  }
0xa0: {  	_ =	swait.ge [sflag:s4], $0x280  }
0xa1: {  	[sflag:s4] =	ssyncset.done $0x0  }
0xa2: {  	[sflag:s4] =	ssyncadd.s32 $0xFFFFFD80  }
0xa3: {  	_ =	swait.ge [sflag:s4], $0x280  }
0xa4: {  	[sflag:s4] =	ssyncset.done $0x0  }
0xa5: {  	[sflag:s4] =	ssyncadd.s32 $0xFFFFFD80  }
0xa6: {  	_ =	swait.ge [sflag:s4], $0x280  }
0xa7: {  	[sflag:s4] =	ssyncset.done $0x0  }
0xa8: {  	p1 =	por $0x0, $0x0;
	[sflag:s4] =	ssyncadd.s32 $0xFFFFFD80  }
.LBB2_9:
0xa9: {  	s20 =	smul.u32 $0x5, s0  }
0xaa: {  	s12 =	smul.u32 $0xAB, s0  }
0xab: {  	s4 =	sand.u32 $0xFF, s20;
	s13 =	sadd.s32 $0x2, s20  }
0xac: {  	s12 =	sshrl.u32 s12, $0x9;
	s4 =	smul.u32 $0xAB, s4;
	s14 =	sand.u32 $0xFF, s13  }
0xad: {  	s12 =	sand.u32 $0x7F, s12;
	s19 =	smul.u32 $0xAB, s14  }
0xae: {  	s12 =	smul.u32 $0x3, s12  }
0xaf: {  	s14 =	smul.u32 $0xCD, s14;
	s4 =	sshrl.u32 s4, $0x9  }
0xb0: {  	s4 =	smul.u32 $0x3, s4;
	s19 =	sshrl.u32 s19, $0x9  }
0xb1: {  	p2 =	seq.s32 s0, $0x0;
	s29 =	sshrl.u32 s14, $0xA;
	s19 =	smul.u32 $0x3, s19  }
0xb2: {  	s12 =	ssub.s32 s0, s12;
	s0 =	smul.u32 $0x5, s29;
	s4 =	ssub.s32 s20, s4  }
0xb3: {  	s12 =	sand.u32 $0xFF, s12;
	s4 =	sand.u32 $0xFF, s4  }
0xb4: {  	s19 =	ssub.s32 s13, s19;
	s0 =	ssub.s32 s13, s0;
	s22 =	sor.u32 $0x4, s4  }
0xb5: {  	s23 =	smul.u32 $0xA000, s4;
	s21 =	sand.u32 $0xFF, s19;
	_ =	swait.ge [sflag:s22], $0x2800  }
0xb6: {  	s19 =	sshll.u32 s12, $0xA;
	s0 =	sand.u32 $0xFF, s0;
	[sflag:s22] =	ssyncset.done $0x0  }
0xb7: {  	s14 =	sadd.s32 @!p2 $0x7, s21;
	s30 =	smul.u32 $0xA000, s21;
	[sflag:s22] =	ssyncadd.s32 $0xFFFFD800  }
0xb8: {  	s12 =	sadd.s32 $0x1800, s19;
	s0 =	sshll.u32 s0, $0x7;
	_ =	swait.ge @!p2 [sflag:s14], $0x2800  }
0xb9: {  	s23 =	sshrl.u32 s23, $0x2;
	v1 =	vmov s12;
	s31 =	sor.u32 s0, s19;
	[sflag:s14] =	ssyncset.done @!p2 $0x0  }
0xba: {  	s0 =	sadd.s32 $0x4, s21;
	[sflag:s14] =	ssyncadd.s32 @!p2 $0xFFFFD800;
	s14 =	sshrl.u32 s30, $0x2  }
0xbb: {  	s13 =	sadd.s32 $0x2600, s23;
	s22 =	simm.s32 $0x0;
	s12 =	sadd.s32 $0x2400, s14  }
0xbc: {  	[tilespmem:s12], [sflag:s0] =	stream.indirect.gather [hbm4b:s2+s10], $0x80, s31, s10, $0xb8;
	[tilespmem:$0x1D480] =	vst v63  }
0xbd: {  	s24 =	sand.u32 $0x70, s22;
	v4 =	vld [tilespmem:s13+$0x1F0]  }
0xbe: {  	v2 =	vld.idx.msk [tilespmem:v1+s24+$0x0 ss:$0x1], $0xffff  }
0xbf: {  	v5 =	vld [tilespmem:s13+$0x1E0]  }
0xc0: {  	v6 =	vld [tilespmem:s13+$0x1D0]  }
0xc1: {  	v7 =	vld [tilespmem:s13+$0x1C0]  }
0xc2: {  	v8 =	vld [tilespmem:s13+$0x1B0]  }
0xc3: {  	v9 =	vld [tilespmem:s13+$0x1A0]  }
0xc4: {  	v10 =	vld [tilespmem:s13+$0x190]  }
0xc5: {  	s7 =	simm.s32 $0x7;
	v11 =	vld [tilespmem:s13+$0x180]  }
0xc6: {  	v3 =	vmov s7;
	v12 =	vld [tilespmem:s13+$0x170]  }
0xc7: {  	v13 =	vld [tilespmem:s13+$0x160];
	v14 =	vperm.xlane v2, v3  }
0xc8: {  	v15 =	vld [tilespmem:s13+$0x140]  }
0xc9: {  	v16 =	vld [tilespmem:s13+$0x130];
	v9 =	vmul.f32 v9, v14  }
0xca: {  	v17 =	vld [tilespmem:s13+$0x120];
	v10 =	vmul.f32 v10, v14  }
0xcb: {  	v30 =	vld [tilespmem:s13+$0xB0];
	v11 =	vmul.f32 v11, v14;
	[tilespmem:s13+$0x1A0] =	vst v9  }
0xcc: {  	s8 =	simm.s32 $0x6;
	v3 =	vld [tilespmem:s13+$0x150];
	v7 =	vmul.f32 v7, v14;
	[tilespmem:s13+$0x190] =	vst v10  }
0xcd: {  	s24 =	sand.u32 $0xE, s8;
	v6 =	vmul.f32 v6, v14;
	v10 =	vld [tilespmem:s13+$0x100];
	[tilespmem:s13+$0x180] =	vst v11  }
0xce: {  	v18 =	vmov s24;
	v5 =	vmul.f32 v5, v14;
	v9 =	vld [tilespmem:s13+$0x110];
	[tilespmem:s13+$0x1C0] =	vst v7  }
0xcf: {  	s25 =	simm.s32 $0x5;
	v19 =	vmul.f32 v4, v14;
	v4 =	vperm.xlane v2, v18;
	v11 =	vld [tilespmem:s13+$0xF0];
	[tilespmem:s13+$0x1D0] =	vst v6  }
0xd0: {  	s25 =	sand.u32 $0xD, s25;
	v8 =	vmul.f32 v8, v14;
	v7 =	vld [tilespmem:s13+$0xE0];
	[tilespmem:s13+$0x1E0] =	vst v5  }
0xd1: {  	v28 =	vmov s25;
	v6 =	vld [tilespmem:s13+$0xD0];
	[tilespmem:s13+$0x1F0] =	vst v19;
	v3 =	vmul.f32 v3, v4  }
0xd2: {  	v29 =	vperm.xlane v2, v28;
	v5 =	vld [tilespmem:s13+$0xC0];
	[tilespmem:s13+$0x1B0] =	vst v8;
	v10 =	vmul.f32 v10, v4  }
0xd3: {  	v31 =	vld [tilespmem:s13+$0x90];
	[tilespmem:s13+$0x150] =	vst v3;
	v8 =	vmul.f32 v9, v4  }
0xd4: {  	v32 =	vld [tilespmem:s13+$0x80];
	v11 =	vmul.f32 v11, v29;
	[tilespmem:s13+$0x100] =	vst v10  }
0xd5: {  	v33 =	vld [tilespmem:s13+$0x50];
	v7 =	vmul.f32 v7, v29;
	[tilespmem:s13+$0x110] =	vst v8  }
0xd6: {  	v34 =	vld [tilespmem:s13+$0x40];
	v6 =	vmul.f32 v6, v29;
	[tilespmem:s13+$0xF0] =	vst v11  }
0xd7: {  	v35 =	vld [tilespmem:s13+$0x20];
	v5 =	vmul.f32 v5, v29;
	[tilespmem:s13+$0xE0] =	vst v7  }
0xd8: {  	v9 =	vld [tilespmem:s13+$0xA0];
	v10 =	vmul.f32 v17, v4;
	[tilespmem:s13+$0xD0] =	vst v6  }
0xd9: {  	s26 =	simm.s32 $0x4;
	v36 =	vld [tilespmem:s13+$0x10];
	v8 =	vmul.f32 v16, v4;
	[tilespmem:s13+$0xC0] =	vst v5  }
0xda: {  	v37 =	vld [tilespmem:s13+$0x0];
	s24 =	sand.u32 $0xC, s26;
	v7 =	vmul.f32 v15, v4;
	[tilespmem:s13+$0x120] =	vst v10  }
0xdb: {  	v38 =	vld [tilespmem:s13+$0xFFFFFFF0];
	v5 =	vmov s24;
	[tilespmem:s13+$0x130] =	vst v8;
	v8 =	vmul.f32 v13, v4  }
0xdc: {  	v11 =	vld [tilespmem:s13+$0x70];
	v5 =	vperm.xlane v2, v5;
	[tilespmem:s13+$0x140] =	vst v7;
	v7 =	vmul.f32 v12, v4  }
0xdd: {  	v39 =	vld [tilespmem:s13+$0xFFFFFFE0];
	v9 =	vmul.f32 v9, v29;
	[tilespmem:s13+$0x160] =	vst v8  }
0xde: {  	v6 =	vld [tilespmem:s13+$0x30];
	v12 =	vmul.f32 v35, v5;
	[tilespmem:s13+$0x170] =	vst v7  }
0xdf: {  	v40 =	vld [tilespmem:s13+$0xFFFFFFB0];
	v8 =	vmul.f32 v30, v29;
	[tilespmem:s13+$0xA0] =	vst v9  }
0xe0: {  	v41 =	vld [tilespmem:s13+$0xFFFFFFA0];
	v7 =	vmul.f32 v31, v29;
	[tilespmem:s13+$0x20] =	vst v12  }
0xe1: {  	v10 =	vld [tilespmem:s13+$0x60];
	v9 =	vmul.f32 v11, v5;
	[tilespmem:s13+$0xB0] =	vst v8  }
0xe2: {  	v42 =	vld [tilespmem:s13+$0xFFFFFF80];
	v8 =	vmul.f32 v32, v29;
	[tilespmem:s13+$0x90] =	vst v7  }
0xe3: {  	v43 =	vld [tilespmem:s13+$0xFFFFFF70];
	v6 =	vmul.f32 v6, v5;
	[tilespmem:s13+$0x70] =	vst v9  }
0xe4: {  	s28 =	simm.s32 $0x3;
	v45 =	vld [tilespmem:s13+$0xFFFFFF50];
	[tilespmem:s13+$0x80] =	vst v8;
	v8 =	vmul.f32 v33, v5  }
0xe5: {  	v46 =	vld [tilespmem:s13+$0xFFFFFF40];
	s24 =	sand.u32 $0xB, s28;
	v9 =	vmul.f32 v34, v5;
	[tilespmem:s13+$0x30] =	vst v6  }
0xe6: {  	v11 =	vld [tilespmem:s13+$0xFFFFFFD0];
	v7 =	vmul.f32 v10, v5;
	[tilespmem:s13+$0x50] =	vst v8;
	v8 =	vmov s24  }
0xe7: {  	v10 =	vld [tilespmem:s13+$0xFFFFFFC0];
	[tilespmem:s13+$0x40] =	vst v9;
	v9 =	vmul.f32 v36, v5;
	v8 =	vperm.xlane v2, v8  }
0xe8: {  	v47 =	vld [tilespmem:s13+$0xFFFFFF20];
	[tilespmem:s13+$0x60] =	vst v7;
	v5 =	vmul.f32 v37, v5  }
0xe9: {  	v7 =	vld [tilespmem:s13+$0xFFFFFF90];
	[tilespmem:s13+$0x10] =	vst v9;
	v44 =	vmul.f32 v38, v8  }
0xea: {  	v48 =	vld [tilespmem:s13+$0xFFFFFF10];
	[tilespmem:s13+$0x0] =	vst v5;
	v9 =	vmul.f32 v39, v8  }
0xeb: {  	v49 =	vld [tilespmem:s13+$0xFFFFFF00];
	v5 =	vmul.f32 v11, v8;
	[tilespmem:s13+$0xFFFFFFF0] =	vst v44  }
0xec: {  	s29 =	simm.s32 $0x2;
	v51 =	vld [tilespmem:s13+$0xFFFFFED0];
	v10 =	vmul.f32 v10, v8;
	[tilespmem:s13+$0xFFFFFFE0] =	vst v9  }
0xed: {  	v6 =	vld [tilespmem:s13+$0xFFFFFF60];
	s24 =	sand.u32 $0xA, s29;
	v13 =	vmul.f32 v41, v8;
	[tilespmem:s13+$0xFFFFFFD0] =	vst v5  }
0xee: {  	v52 =	vld [tilespmem:s13+$0xFFFFFEB0];
	v7 =	vmul.f32 v7, v8;
	v5 =	vmov s24;
	[tilespmem:s13+$0xFFFFFFC0] =	vst v10  }
0xef: {  	v54 =	vld [tilespmem:s13+$0xFFFFFEA0];
	v9 =	vmul.f32 v40, v8;
	[tilespmem:s13+$0xFFFFFFA0] =	vst v13;
	v5 =	vperm.xlane v2, v5  }
0xf0: {  	v55 =	vld [tilespmem:s13+$0xFFFFFE80];
	v8 =	vmul.f32 v42, v8;
	[tilespmem:s13+$0xFFFFFF90] =	vst v7  }
0xf1: {  	s30 =	simm.s32 $0x1;
	v57 =	vld [tilespmem:s13+$0xFFFFFE70];
	[tilespmem:s13+$0xFFFFFFB0] =	vst v9;
	v50 =	vmul.f32 v43, v5  }
0xf2: {  	v11 =	vld [tilespmem:s13+$0xFFFFFF30];
	s24 =	sand.u32 $0x9, s30;
	[tilespmem:s13+$0xFFFFFF80] =	vst v8;
	v6 =	vmul.f32 v6, v5  }
0xf3: {  	v58 =	vld [tilespmem:s13+$0xFFFFFE40];
	v56 =	vmov s24;
	v8 =	vmul.f32 v45, v5;
	[tilespmem:s13+$0xFFFFFF70] =	vst v50  }
0xf4: {  	v60 =	vld [tilespmem:s13+$0xFFFFFE30];
	v4 =	vperm.xlane v2, v56;
	v53 =	vmul.f32 v46, v5;
	[tilespmem:s13+$0xFFFFFF60] =	vst v6  }
0xf5: {  	v9 =	vld [tilespmem:s13+$0xFFFFFEE0];
	v15 =	vmul.f32 v48, v5;
	[tilespmem:s13+$0xFFFFFF50] =	vst v8  }
0xf6: {  	v10 =	vld [tilespmem:s13+$0xFFFFFEF0];
	v59 =	vmul.f32 v51, v4;
	[tilespmem:s13+$0xFFFFFF40] =	vst v53  }
0xf7: {  	v7 =	vld [tilespmem:s13+$0xFFFFFEC0];
	v6 =	vmul.f32 v11, v5;
	[tilespmem:s13+$0xFFFFFF10] =	vst v15  }
0xf8: {  	v61 =	vld [tilespmem:s13+$0xFFFFFE20];
	v8 =	vmul.f32 v47, v5;
	[tilespmem:s13+$0xFFFFFED0] =	vst v59  }
0xf9: {  	v11 =	vld [tilespmem:s13+$0xFFFFFE90];
	v5 =	vmul.f32 v49, v5;
	[tilespmem:s13+$0xFFFFFF30] =	vst v6  }
0xfa: {  	v6 =	vld [tilespmem:s13+$0xFFFFFE60];
	[tilespmem:s13+$0xFFFFFF20] =	vst v8;
	v9 =	vmul.f32 v9, v4  }
0xfb: {  	s31 =	sand.u32 $0x8, s22;
	v14 =	vmul.f32 v54, v4;
	v8 =	vld [tilespmem:s13+$0xFFFFFE50];
	[tilespmem:s13+$0xFFFFFF00] =	vst v5  }
0xfc: {  	v63 =	vld [tilespmem:s13+$0xFFFFFE00];
	v3 =	vmul.f32 v10, v4;
	v5 =	vmul.f32 v7, v4;
	[tilespmem:s13+$0xFFFFFEE0] =	vst v9;
	v9 =	vmov s31  }
0xfd: {  	v10 =	vld [tilespmem:s13+$0xFFFFFE10];
	[tilespmem:s13+$0xFFFFFEA0] =	vst v14;
	v7 =	vmul.f32 v52, v4;
	v62 =	vperm.xlane v2, v9  }
0xfe: {  	[tilespmem:s13+$0xFFFFFEC0] =	vst v5;
	v5 =	vmul.f32 v11, v4;
	v4 =	vmul.f32 v55, v4  }
0xff: {  	[tilespmem:s13+$0xFFFFFEB0] =	vst v7;
	v11 =	vmul.f32 v57, v62;
	v9 =	vmul.f32 v6, v62  }
0x100: {  	v2 =	vmul.f32 v8, v62;
	v6 =	vmul.f32 v58, v62;
	[tilespmem:s13+$0xFFFFFE90] =	vst v5  }
0x101: {  	v7 =	vmul.f32 v60, v62;
	v5 =	vmul.f32 v61, v62;
	[tilespmem:s13+$0xFFFFFE80] =	vst v4  }
0x102: {  	s23 =	sadd.s32 $0x2400, s23;
	s24 =	smov.u32 s13;
	v8 =	vmul.f32 v10, v62;
	v4 =	vmul.f32 v63, v62;
	[tilespmem:s13+$0xFFFFFE70] =	vst v11  }
.LBB2_10:
0x103: {  	s28 =	sadd.s32 $0xD, s22  }
0x104: {  	[tilespmem:s13+$0xFFFFFE60] =	vst v9;
	s24 =	sadd.s32 $0x400, s24;
	s26 =	smov.u32 s22;
	s22 =	sadd.s32 $0x8, s22  }
0x105: {  	s29 =	sand.u32 $0x70, s22;
	s25 =	sand.u32 $0x8, s22;
	s28 =	sand.u32 $0xD, s28;
	v9 =	vld [tilespmem:s24+$0x1F0];
	[tilespmem:s13+$0xFFFFFE50] =	vst v2  }
0x106: {  	p2 =	slt.u32 s22, $0x48;
	v2 =	vld.idx.msk [tilespmem:v1+s29+$0x0 ss:$0x1], $0xffff;
	v10 =	vmov s28;
	[tilespmem:s13+$0xFFFFFE40] =	vst v6  }
0x107: {  	v6 =	vld [tilespmem:s24+$0x1E0];
	[tilespmem:s13+$0xFFFFFE30] =	vst v7  }
0x108: {  	v7 =	vld [tilespmem:s24+$0x1D0];
	[tilespmem:s13+$0xFFFFFE20] =	vst v5  }
0x109: {  	s28 =	sadd.s32 $0xB, s26;
	v5 =	vld [tilespmem:s24+$0x1C0];
	[tilespmem:s13+$0xFFFFFE10] =	vst v8  }
0x10a: {  	s28 =	sand.u32 $0xB, s28;
	v8 =	vld [tilespmem:s24+$0x1B0];
	[tilespmem:s13+$0xFFFFFE00] =	vst v4  }
0x10b: {  	v4 =	vmov s28;
	v11 =	vld [tilespmem:s24+$0x1A0];
	[tilespmem:s13+$0xFFFFFEF0] =	vst v3;
	s13 =	smov.u32 s24  }
0x10c: {  	s28 =	sadd.s32 $0xF, s26;
	v3 =	vperm.xlane v2, v4;
	v10 =	vperm.xlane v2, v10;
	v4 =	vld [tilespmem:s24+$0x190]  }
0x10d: {  	v12 =	vmov s28;
	v13 =	vld [tilespmem:s24+$0x180]  }
0x10e: {  	v12 =	vperm.xlane v2, v12;
	v14 =	vld [tilespmem:s24+$0x170]  }
0x10f: {  	v15 =	vld [tilespmem:s24+$0x160]  }
0x110: {  	v8 =	vmul.f32 v8, v12;
	v16 =	vld [tilespmem:s24+$0x150];
	v11 =	vmul.f32 v11, v12  }
0x111: {  	v5 =	vmul.f32 v5, v12;
	v17 =	vld [tilespmem:s24+$0x140];
	v4 =	vmul.f32 v4, v12  }
0x112: {  	v9 =	vmul.f32 v9, v12;
	v18 =	vld [tilespmem:s24+$0x130];
	v13 =	vmul.f32 v13, v12;
	[tilespmem:s24+$0x1A0] =	vst v11  }
0x113: {  	v6 =	vmul.f32 v6, v12;
	v11 =	vld [tilespmem:s24+$0x120];
	[tilespmem:s24+$0x190] =	vst v4;
	v4 =	vmul.f32 v7, v12  }
0x114: {  	v7 =	vld [tilespmem:s24+$0x110];
	[tilespmem:s24+$0x180] =	vst v13  }
0x115: {  	s28 =	sadd.s32 $0xE, s26;
	v12 =	vld [tilespmem:s24+$0x100];
	[tilespmem:s24+$0x1C0] =	vst v5  }
0x116: {  	s28 =	sand.u32 $0xE, s28;
	v5 =	vld [tilespmem:s24+$0xF0];
	[tilespmem:s24+$0x1D0] =	vst v4  }
0x117: {  	v13 =	vmov s28;
	v4 =	vld [tilespmem:s24+$0xE0];
	[tilespmem:s24+$0x1E0] =	vst v6  }
0x118: {  	v13 =	vperm.xlane v2, v13;
	v6 =	vld [tilespmem:s24+$0xD0];
	[tilespmem:s24+$0x1F0] =	vst v9  }
0x119: {  	v9 =	vld [tilespmem:s24+$0xC0];
	[tilespmem:s24+$0x1B0] =	vst v8  }
0x11a: {  	v7 =	vmul.f32 v7, v13;
	v8 =	vld [tilespmem:s24+$0xB0];
	v12 =	vmul.f32 v12, v13  }
0x11b: {  	v11 =	vmul.f32 v11, v13;
	v19 =	vld [tilespmem:s24+$0xA0];
	v5 =	vmul.f32 v5, v10  }
0x11c: {  	v20 =	vld [tilespmem:s24+$0x90];
	v21 =	vmul.f32 v4, v10;
	[tilespmem:s24+$0x100] =	vst v12;
	v12 =	vmul.f32 v18, v13  }
0x11d: {  	v18 =	vld [tilespmem:s24+$0x80];
	v6 =	vmul.f32 v6, v10;
	[tilespmem:s24+$0x110] =	vst v7;
	v7 =	vmul.f32 v17, v13  }
0x11e: {  	s28 =	sadd.s32 $0xC, s26;
	v4 =	vmul.f32 v16, v13;
	v17 =	vld [tilespmem:s24+$0x70];
	v9 =	vmul.f32 v9, v10;
	[tilespmem:s24+$0xF0] =	vst v5  }
0x11f: {  	s28 =	sand.u32 $0xC, s28;
	v5 =	vld [tilespmem:s24+$0x60];
	v8 =	vmul.f32 v8, v10;
	[tilespmem:s24+$0x120] =	vst v11;
	v11 =	vmul.f32 v15, v13  }
0x120: {  	v15 =	vmov s28;
	v13 =	vmul.f32 v14, v13;
	v16 =	vld [tilespmem:s24+$0x50];
	v19 =	vmul.f32 v19, v10;
	[tilespmem:s24+$0xE0] =	vst v21  }
0x121: {  	v14 =	vperm.xlane v2, v15;
	v15 =	vld [tilespmem:s24+$0x40];
	v20 =	vmul.f32 v20, v10;
	[tilespmem:s24+$0x130] =	vst v12  }
0x122: {  	v12 =	vld [tilespmem:s24+$0x30];
	v10 =	vmul.f32 v18, v10;
	[tilespmem:s24+$0xD0] =	vst v6  }
0x123: {  	v6 =	vld [tilespmem:s24+$0x20];
	v17 =	vmul.f32 v17, v14;
	[tilespmem:s24+$0x140] =	vst v7  }
0x124: {  	v7 =	vld [tilespmem:s24+$0x10];
	v5 =	vmul.f32 v5, v14;
	[tilespmem:s24+$0x160] =	vst v11  }
0x125: {  	v11 =	vld [tilespmem:s24+$0x0];
	v16 =	vmul.f32 v16, v14;
	[tilespmem:s24+$0xC0] =	vst v9  }
0x126: {  	v9 =	vld [tilespmem:s24+$0xFFFFFFF0];
	v15 =	vmul.f32 v15, v14;
	[tilespmem:s24+$0x170] =	vst v13  }
0x127: {  	v13 =	vld [tilespmem:s24+$0xFFFFFFE0];
	v12 =	vmul.f32 v12, v14;
	[tilespmem:s24+$0xB0] =	vst v8  }
0x128: {  	v8 =	vld [tilespmem:s24+$0xFFFFFFD0];
	v6 =	vmul.f32 v6, v14;
	[tilespmem:s24+$0xA0] =	vst v19  }
0x129: {  	v18 =	vld [tilespmem:s24+$0xFFFFFFC0];
	v7 =	vmul.f32 v7, v14;
	[tilespmem:s24+$0x90] =	vst v20  }
0x12a: {  	v19 =	vld [tilespmem:s24+$0xFFFFFFB0];
	v11 =	vmul.f32 v11, v14;
	[tilespmem:s24+$0x80] =	vst v10  }
0x12b: {  	v10 =	vld [tilespmem:s24+$0xFFFFFFA0];
	v9 =	vmul.f32 v9, v3;
	[tilespmem:s24+$0x70] =	vst v17  }
0x12c: {  	v14 =	vld [tilespmem:s24+$0xFFFFFF90];
	v13 =	vmul.f32 v13, v3;
	[tilespmem:s24+$0x60] =	vst v5  }
0x12d: {  	v5 =	vld [tilespmem:s24+$0xFFFFFF80];
	v8 =	vmul.f32 v8, v3;
	[tilespmem:s24+$0x50] =	vst v16  }
0x12e: {  	s28 =	sadd.s32 $0xA, s26;
	v16 =	vld [tilespmem:s24+$0xFFFFFF70];
	v17 =	vmul.f32 v18, v3;
	[tilespmem:s24+$0x40] =	vst v15  }
0x12f: {  	s28 =	sand.u32 $0xA, s28;
	v15 =	vld [tilespmem:s24+$0xFFFFFF60];
	v18 =	vmul.f32 v19, v3;
	[tilespmem:s24+$0x30] =	vst v12  }
0x130: {  	v12 =	vmov s28;
	v19 =	vld [tilespmem:s24+$0xFFFFFF50];
	v10 =	vmul.f32 v10, v3;
	[tilespmem:s24+$0x20] =	vst v6  }
0x131: {  	v6 =	vperm.xlane v2, v12;
	v12 =	vld [tilespmem:s24+$0xFFFFFF40];
	v14 =	vmul.f32 v14, v3;
	[tilespmem:s24+$0x10] =	vst v7  }
0x132: {  	v7 =	vld [tilespmem:s24+$0xFFFFFF30];
	v3 =	vmul.f32 v5, v3;
	[tilespmem:s24+$0x0] =	vst v11  }
0x133: {  	v5 =	vld [tilespmem:s24+$0xFFFFFF20];
	v11 =	vmul.f32 v16, v6;
	[tilespmem:s24+$0xFFFFFFF0] =	vst v9  }
0x134: {  	v9 =	vld [tilespmem:s24+$0xFFFFFF10];
	v15 =	vmul.f32 v15, v6;
	[tilespmem:s24+$0xFFFFFFE0] =	vst v13  }
0x135: {  	v13 =	vld [tilespmem:s24+$0xFFFFFF00];
	v16 =	vmul.f32 v19, v6;
	[tilespmem:s24+$0xFFFFFFD0] =	vst v8  }
0x136: {  	v8 =	vld [tilespmem:s24+$0xFFFFFEF0];
	v12 =	vmul.f32 v12, v6;
	[tilespmem:s24+$0xFFFFFFC0] =	vst v17  }
0x137: {  	s26 =	sadd.s32 $0x9, s26;
	v17 =	vld [tilespmem:s24+$0xFFFFFEE0];
	v7 =	vmul.f32 v7, v6;
	[tilespmem:s24+$0xFFFFFFB0] =	vst v18  }
0x138: {  	s26 =	sand.u32 $0x9, s26;
	v18 =	vld [tilespmem:s24+$0xFFFFFED0];
	v5 =	vmul.f32 v5, v6;
	[tilespmem:s24+$0xFFFFFFA0] =	vst v10  }
0x139: {  	v10 =	vmov s26;
	v19 =	vld [tilespmem:s24+$0xFFFFFEC0];
	v9 =	vmul.f32 v9, v6;
	[tilespmem:s24+$0xFFFFFF90] =	vst v14  }
0x13a: {  	v10 =	vperm.xlane v2, v10;
	v14 =	vld [tilespmem:s24+$0xFFFFFEB0];
	v6 =	vmul.f32 v13, v6;
	[tilespmem:s24+$0xFFFFFF80] =	vst v3  }
0x13b: {  	v13 =	vld [tilespmem:s24+$0xFFFFFEA0];
	[tilespmem:s24+$0xFFFFFF70] =	vst v11  }
0x13c: {  	v3 =	vmul.f32 v8, v10;
	v11 =	vld [tilespmem:s24+$0xFFFFFE90];
	v17 =	vmul.f32 v17, v10;
	[tilespmem:s24+$0xFFFFFF60] =	vst v15  }
0x13d: {  	v8 =	vld [tilespmem:s24+$0xFFFFFE80];
	v15 =	vmul.f32 v18, v10;
	[tilespmem:s24+$0xFFFFFF50] =	vst v16  }
0x13e: {  	v16 =	vld [tilespmem:s24+$0xFFFFFE70];
	v18 =	vmul.f32 v19, v10;
	[tilespmem:s24+$0xFFFFFF40] =	vst v12  }
0x13f: {  	v12 =	vld [tilespmem:s24+$0xFFFFFE60];
	v14 =	vmul.f32 v14, v10;
	[tilespmem:s24+$0xFFFFFF30] =	vst v7  }
0x140: {  	v7 =	vmov s25;
	v19 =	vld [tilespmem:s24+$0xFFFFFE50];
	v13 =	vmul.f32 v13, v10;
	[tilespmem:s24+$0xFFFFFF20] =	vst v5  }
0x141: {  	v20 =	vperm.xlane v2, v7;
	v5 =	vld [tilespmem:s24+$0xFFFFFE40];
	v11 =	vmul.f32 v11, v10;
	[tilespmem:s24+$0xFFFFFF10] =	vst v9  }
0x142: {  	v7 =	vld [tilespmem:s24+$0xFFFFFE30];
	v10 =	vmul.f32 v8, v10;
	[tilespmem:s24+$0x150] =	vst v4  }
0x143: {  	v4 =	vld [tilespmem:s24+$0xFFFFFE20];
	v16 =	vmul.f32 v16, v20;
	[tilespmem:s24+$0xFFFFFF00] =	vst v6  }
0x144: {  	v8 =	vld [tilespmem:s24+$0xFFFFFE10];
	v9 =	vmul.f32 v12, v20;
	[tilespmem:s24+$0xFFFFFEE0] =	vst v17  }
0x145: {  	v12 =	vld [tilespmem:s24+$0xFFFFFE00];
	v2 =	vmul.f32 v19, v20;
	[tilespmem:s24+$0xFFFFFED0] =	vst v15  }
0x146: {  	v6 =	vmul.f32 v5, v20;
	[tilespmem:s24+$0xFFFFFEC0] =	vst v18  }
.Ltmp5:
0x147: {  	v7 =	vmul.f32 v7, v20;
	[tilespmem:s24+$0xFFFFFEB0] =	vst v14;
	(pc) =	sbr.rel @p2 .LBB2_10-.Ltmp5, $4  }
0x148: {  	v5 =	vmul.f32 v4, v20;
	[tilespmem:s24+$0xFFFFFEA0] =	vst v13  }
0x149: {  	v8 =	vmul.f32 v8, v20;
	[tilespmem:s24+$0xFFFFFE90] =	vst v11  }
0x14a: {  	v4 =	vmul.f32 v12, v20;
	[tilespmem:s24+$0xFFFFFE80] =	vst v10  }
0x14b: {  	[tilespmem:s24+$0xFFFFFE70] =	vst v16  }
0x14c: {  	[tilespmem:s13+$0xFFFFFE60] =	vst v9  }
0x14d: {  	[tilespmem:s13+$0xFFFFFE50] =	vst v2  }
0x14e: {  	[tilespmem:s13+$0xFFFFFE40] =	vst v6  }
0x14f: {  	[tilespmem:s13+$0xFFFFFE30] =	vst v7  }
0x150: {  	[tilespmem:s13+$0xFFFFFE20] =	vst v5  }
0x151: {  	s22 =	sadd.s32 $0x1, s20;
	[tilespmem:s13+$0xFFFFFE10] =	vst v8  }
0x152: {  	[tilespmem:s13+$0xFFFFFE00] =	vst v4;
	s24 =	sand.u32 $0xFF, s22  }
0x153: {  	[tilespmem:s13+$0xFFFFFEF0] =	vst v3;
	s8 =	sadd.s32 $0xC00, s19;
	s4 =	sadd.s32 $0x7, s4;
	s24 =	smul.u32 $0xAB, s24  }
0x154: {  	[spmem:s3] =	stream.indirect.scatter.add.f32 [tilespmem:s23], [sflag:s4], $0x80, s8, s10, $0xb8;
	[tilespmem:$0x1D480] =	vst v63  }
0x155: {  	s25 =	sadd.s32 $0x3, s20;
	s24 =	sshrl.u32 s24, $0x9  }
0x156: {  	s26 =	sand.u32 $0xFF, s25;
	s24 =	smul.u32 $0x3, s24  }
0x157: {  	s28 =	smul.u32 $0xAB, s26  }
0x158: {  	s23 =	ssub.s32 s22, s24  }
0x159: {  	s7 =	smul.u32 $0xCD, s26;
	s24 =	sshrl.u32 s28, $0x9;
	s13 =	sand.u32 $0xFF, s23  }
0x15a: {  	s30 =	smul.u32 $0x3, s24;
	s31 =	sor.u32 $0x4, s13  }
0x15b: {  	s26 =	sshrl.u32 s7, $0xA;
	_ =	swait.ge [sflag:s31], $0x2800  }
0x15c: {  	s28 =	sadd.s32 $0x1880, s19;
	s4 =	ssub.s32 s25, s30;
	[sflag:s31] =	ssyncset.done $0x0  }
0x15d: {  	s8 =	sand.u32 $0xFF, s4;
	s4 =	smul.u32 $0x5, s26;
	[sflag:s31] =	ssyncadd.s32 $0xFFFFD800  }
0x15e: {  	s22 =	sadd.s32 $0x7, s8;
	s30 =	smul.u32 $0xA000, s8;
	s26 =	sor.u32 $0x4, s8  }
0x15f: {  	s31 =	smul.u32 $0xA000, s13;
	_ =	swait.ge [sflag:s22], $0x2800;
	s4 =	ssub.s32 s25, s4  }
0x160: {  	[sflag:s22] =	ssyncset.done $0x0;
	s25 =	sand.u32 $0xFF, s4;
	s23 =	sshrl.u32 s30, $0x2  }
0x161: {  	s24 =	sshrl.u32 s31, $0x2;
	[sflag:s22] =	ssyncadd.s32 $0xFFFFD800;
	s25 =	sshll.u32 s25, $0x7  }
0x162: {  	s4 =	sadd.s32 $0x2400, s23;
	s29 =	sadd.s32 $0x2600, s24;
	s25 =	sadd.s32 s25, s19  }
0x163: {  	[tilespmem:s4], [sflag:s26] =	stream.indirect.gather [hbm4b:s2+s10], $0x80, s25, s10, $0xb8;
	[tilespmem:$0x1D480] =	vst v63  }
0x164: {  	v1 =	vmov s28;
	v4 =	vld [tilespmem:s29+$0x1F0]  }
0x165: {  	v5 =	vld [tilespmem:s29+$0x1E0]  }
0x166: {  	v6 =	vld [tilespmem:s29+$0x1D0]  }
0x167: {  	s25 =	simm.s32 $0x0;
	v7 =	vld [tilespmem:s29+$0x1C0]  }
0x168: {  	s28 =	sand.u32 $0x70, s25;
	v8 =	vld [tilespmem:s29+$0x1B0]  }
0x169: {  	v2 =	vld.idx.msk [tilespmem:v1+s28+$0x0 ss:$0x1], $0xffff  }
0x16a: {  	v9 =	vld [tilespmem:s29+$0x1A0]  }
0x16b: {  	v10 =	vld [tilespmem:s29+$0x190]  }
0x16c: {  	v11 =	vld [tilespmem:s29+$0x180];
	s28 =	simm.s32 $0x7  }
0x16d: {  	v12 =	vld [tilespmem:s29+$0x170];
	v3 =	vmov s28  }
0x16e: {  	v13 =	vld [tilespmem:s29+$0x160];
	v14 =	vperm.xlane v2, v3  }
0x16f: {  	v15 =	vld [tilespmem:s29+$0x140]  }
0x170: {  	v16 =	vld [tilespmem:s29+$0x130];
	v9 =	vmul.f32 v9, v14  }
0x171: {  	v17 =	vld [tilespmem:s29+$0x120];
	v10 =	vmul.f32 v10, v14  }
0x172: {  	v30 =	vld [tilespmem:s29+$0xB0];
	v11 =	vmul.f32 v11, v14;
	[tilespmem:s29+$0x1A0] =	vst v9  }
0x173: {  	s28 =	simm.s32 $0x6;
	v3 =	vld [tilespmem:s29+$0x150];
	v7 =	vmul.f32 v7, v14;
	[tilespmem:s29+$0x190] =	vst v10  }
0x174: {  	s28 =	sand.u32 $0xE, s28;
	v6 =	vmul.f32 v6, v14;
	v10 =	vld [tilespmem:s29+$0x100];
	[tilespmem:s29+$0x180] =	vst v11  }
0x175: {  	v18 =	vmov s28;
	v5 =	vmul.f32 v5, v14;
	v9 =	vld [tilespmem:s29+$0x110];
	[tilespmem:s29+$0x1C0] =	vst v7  }
0x176: {  	s30 =	simm.s32 $0x5;
	v19 =	vmul.f32 v4, v14;
	v4 =	vperm.xlane v2, v18;
	v11 =	vld [tilespmem:s29+$0xF0];
	[tilespmem:s29+$0x1D0] =	vst v6  }
0x177: {  	s28 =	sand.u32 $0xD, s30;
	v8 =	vmul.f32 v8, v14;
	v7 =	vld [tilespmem:s29+$0xE0];
	[tilespmem:s29+$0x1E0] =	vst v5  }
0x178: {  	v28 =	vmov s28;
	v6 =	vld [tilespmem:s29+$0xD0];
	[tilespmem:s29+$0x1F0] =	vst v19;
	v3 =	vmul.f32 v3, v4  }
0x179: {  	v29 =	vperm.xlane v2, v28;
	v5 =	vld [tilespmem:s29+$0xC0];
	[tilespmem:s29+$0x1B0] =	vst v8;
	v10 =	vmul.f32 v10, v4  }
0x17a: {  	v31 =	vld [tilespmem:s29+$0x90];
	[tilespmem:s29+$0x150] =	vst v3;
	v8 =	vmul.f32 v9, v4  }
0x17b: {  	v32 =	vld [tilespmem:s29+$0x80];
	v11 =	vmul.f32 v11, v29;
	[tilespmem:s29+$0x100] =	vst v10  }
0x17c: {  	v33 =	vld [tilespmem:s29+$0x50];
	v7 =	vmul.f32 v7, v29;
	[tilespmem:s29+$0x110] =	vst v8  }
0x17d: {  	v34 =	vld [tilespmem:s29+$0x40];
	v6 =	vmul.f32 v6, v29;
	[tilespmem:s29+$0xF0] =	vst v11  }
0x17e: {  	v35 =	vld [tilespmem:s29+$0x20];
	v5 =	vmul.f32 v5, v29;
	[tilespmem:s29+$0xE0] =	vst v7  }
0x17f: {  	v9 =	vld [tilespmem:s29+$0xA0];
	v10 =	vmul.f32 v17, v4;
	[tilespmem:s29+$0xD0] =	vst v6  }
0x180: {  	v36 =	vld [tilespmem:s29+$0x10];
	s28 =	simm.s32 $0x4;
	v8 =	vmul.f32 v16, v4;
	[tilespmem:s29+$0xC0] =	vst v5  }
0x181: {  	v37 =	vld [tilespmem:s29+$0x0];
	s28 =	sand.u32 $0xC, s28;
	v7 =	vmul.f32 v15, v4;
	[tilespmem:s29+$0x120] =	vst v10  }
0x182: {  	v38 =	vld [tilespmem:s29+$0xFFFFFFF0];
	v5 =	vmov s28;
	[tilespmem:s29+$0x130] =	vst v8;
	v8 =	vmul.f32 v13, v4  }
0x183: {  	v11 =	vld [tilespmem:s29+$0x70];
	v5 =	vperm.xlane v2, v5;
	[tilespmem:s29+$0x140] =	vst v7;
	v7 =	vmul.f32 v12, v4  }
0x184: {  	v39 =	vld [tilespmem:s29+$0xFFFFFFE0];
	v9 =	vmul.f32 v9, v29;
	[tilespmem:s29+$0x160] =	vst v8  }
0x185: {  	v6 =	vld [tilespmem:s29+$0x30];
	v12 =	vmul.f32 v35, v5;
	[tilespmem:s29+$0x170] =	vst v7  }
0x186: {  	v40 =	vld [tilespmem:s29+$0xFFFFFFB0];
	v8 =	vmul.f32 v30, v29;
	[tilespmem:s29+$0xA0] =	vst v9  }
0x187: {  	v41 =	vld [tilespmem:s29+$0xFFFFFFA0];
	v7 =	vmul.f32 v31, v29;
	[tilespmem:s29+$0x20] =	vst v12  }
0x188: {  	v10 =	vld [tilespmem:s29+$0x60];
	v9 =	vmul.f32 v11, v5;
	[tilespmem:s29+$0xB0] =	vst v8  }
0x189: {  	v42 =	vld [tilespmem:s29+$0xFFFFFF80];
	v8 =	vmul.f32 v32, v29;
	[tilespmem:s29+$0x90] =	vst v7  }
0x18a: {  	v43 =	vld [tilespmem:s29+$0xFFFFFF70];
	v6 =	vmul.f32 v6, v5;
	[tilespmem:s29+$0x70] =	vst v9  }
0x18b: {  	v45 =	vld [tilespmem:s29+$0xFFFFFF50];
	s28 =	simm.s32 $0x3;
	[tilespmem:s29+$0x80] =	vst v8;
	v8 =	vmul.f32 v33, v5  }
0x18c: {  	v46 =	vld [tilespmem:s29+$0xFFFFFF40];
	s28 =	sand.u32 $0xB, s28;
	v9 =	vmul.f32 v34, v5;
	[tilespmem:s29+$0x30] =	vst v6  }
0x18d: {  	v11 =	vld [tilespmem:s29+$0xFFFFFFD0];
	v7 =	vmul.f32 v10, v5;
	[tilespmem:s29+$0x50] =	vst v8;
	v8 =	vmov s28  }
0x18e: {  	v10 =	vld [tilespmem:s29+$0xFFFFFFC0];
	[tilespmem:s29+$0x40] =	vst v9;
	v9 =	vmul.f32 v36, v5;
	v8 =	vperm.xlane v2, v8  }
0x18f: {  	v47 =	vld [tilespmem:s29+$0xFFFFFF20];
	[tilespmem:s29+$0x60] =	vst v7;
	v5 =	vmul.f32 v37, v5  }
0x190: {  	v7 =	vld [tilespmem:s29+$0xFFFFFF90];
	[tilespmem:s29+$0x10] =	vst v9;
	v44 =	vmul.f32 v38, v8  }
0x191: {  	v48 =	vld [tilespmem:s29+$0xFFFFFF10];
	[tilespmem:s29+$0x0] =	vst v5;
	v9 =	vmul.f32 v39, v8  }
0x192: {  	v49 =	vld [tilespmem:s29+$0xFFFFFF00];
	v5 =	vmul.f32 v11, v8;
	[tilespmem:s29+$0xFFFFFFF0] =	vst v44  }
0x193: {  	v51 =	vld [tilespmem:s29+$0xFFFFFED0];
	s28 =	simm.s32 $0x2;
	v10 =	vmul.f32 v10, v8;
	[tilespmem:s29+$0xFFFFFFE0] =	vst v9  }
0x194: {  	v6 =	vld [tilespmem:s29+$0xFFFFFF60];
	s28 =	sand.u32 $0xA, s28;
	v13 =	vmul.f32 v41, v8;
	[tilespmem:s29+$0xFFFFFFD0] =	vst v5  }
0x195: {  	v52 =	vld [tilespmem:s29+$0xFFFFFEB0];
	v7 =	vmul.f32 v7, v8;
	v5 =	vmov s28;
	[tilespmem:s29+$0xFFFFFFC0] =	vst v10  }
0x196: {  	v54 =	vld [tilespmem:s29+$0xFFFFFEA0];
	v9 =	vmul.f32 v40, v8;
	[tilespmem:s29+$0xFFFFFFA0] =	vst v13;
	v5 =	vperm.xlane v2, v5  }
0x197: {  	v55 =	vld [tilespmem:s29+$0xFFFFFE80];
	v8 =	vmul.f32 v42, v8;
	[tilespmem:s29+$0xFFFFFF90] =	vst v7  }
0x198: {  	v11 =	vld [tilespmem:s29+$0xFFFFFF30];
	[tilespmem:s29+$0xFFFFFFB0] =	vst v9;
	v50 =	vmul.f32 v43, v5  }
0x199: {  	v57 =	vld [tilespmem:s29+$0xFFFFFE70];
	[tilespmem:s29+$0xFFFFFF80] =	vst v8;
	v6 =	vmul.f32 v6, v5  }
0x19a: {  	v58 =	vld [tilespmem:s29+$0xFFFFFE40];
	v8 =	vmul.f32 v45, v5;
	[tilespmem:s29+$0xFFFFFF70] =	vst v50  }
0x19b: {  	v60 =	vld [tilespmem:s29+$0xFFFFFE30];
	s28 =	simm.s32 $0x1;
	v53 =	vmul.f32 v46, v5;
	[tilespmem:s29+$0xFFFFFF60] =	vst v6  }
0x19c: {  	s28 =	sand.u32 $0x9, s28;
	v9 =	vld [tilespmem:s29+$0xFFFFFEE0];
	v15 =	vmul.f32 v48, v5;
	[tilespmem:s29+$0xFFFFFF50] =	vst v8  }
0x19d: {  	v10 =	vld [tilespmem:s29+$0xFFFFFEF0];
	v56 =	vmov s28;
	v6 =	vmul.f32 v11, v5;
	[tilespmem:s29+$0xFFFFFF40] =	vst v53  }
0x19e: {  	v7 =	vld [tilespmem:s29+$0xFFFFFEC0];
	v4 =	vperm.xlane v2, v56;
	v8 =	vmul.f32 v47, v5;
	[tilespmem:s29+$0xFFFFFF10] =	vst v15  }
0x19f: {  	v61 =	vld [tilespmem:s29+$0xFFFFFE20];
	v5 =	vmul.f32 v49, v5;
	[tilespmem:s29+$0xFFFFFF30] =	vst v6  }
0x1a0: {  	v11 =	vld [tilespmem:s29+$0xFFFFFE90];
	v59 =	vmul.f32 v51, v4;
	[tilespmem:s29+$0xFFFFFF20] =	vst v8  }
0x1a1: {  	v6 =	vld [tilespmem:s29+$0xFFFFFE60];
	v9 =	vmul.f32 v9, v4;
	[tilespmem:s29+$0xFFFFFF00] =	vst v5  }
0x1a2: {  	s28 =	sand.u32 $0x8, s25;
	v14 =	vmul.f32 v54, v4;
	v8 =	vld [tilespmem:s29+$0xFFFFFE50];
	[tilespmem:s29+$0xFFFFFED0] =	vst v59  }
0x1a3: {  	v63 =	vld [tilespmem:s29+$0xFFFFFE00];
	v3 =	vmul.f32 v10, v4;
	v5 =	vmul.f32 v7, v4;
	[tilespmem:s29+$0xFFFFFEE0] =	vst v9;
	v9 =	vmov s28  }
0x1a4: {  	v10 =	vld [tilespmem:s29+$0xFFFFFE10];
	v7 =	vmul.f32 v52, v4;
	[tilespmem:s29+$0xFFFFFEA0] =	vst v14;
	v62 =	vperm.xlane v2, v9  }
0x1a5: {  	[tilespmem:s29+$0xFFFFFEC0] =	vst v5;
	v5 =	vmul.f32 v11, v4;
	v4 =	vmul.f32 v55, v4  }
0x1a6: {  	[tilespmem:s29+$0xFFFFFEB0] =	vst v7;
	v11 =	vmul.f32 v57, v62;
	v9 =	vmul.f32 v6, v62  }
0x1a7: {  	v2 =	vmul.f32 v8, v62;
	v6 =	vmul.f32 v58, v62;
	[tilespmem:s29+$0xFFFFFE90] =	vst v5  }
0x1a8: {  	v7 =	vmul.f32 v60, v62;
	v5 =	vmul.f32 v61, v62;
	[tilespmem:s29+$0xFFFFFE80] =	vst v4  }
0x1a9: {  	s28 =	sadd.s32 $0x2400, s24;
	s24 =	smov.u32 s29;
	v8 =	vmul.f32 v10, v62;
	v4 =	vmul.f32 v63, v62;
	[tilespmem:s29+$0xFFFFFE70] =	vst v11  }
.LBB2_12:
0x1aa: {  	s7 =	sadd.s32 $0xD, s25  }
0x1ab: {  	[tilespmem:s29+$0xFFFFFE60] =	vst v9;
	s24 =	sadd.s32 $0x400, s24;
	s31 =	smov.u32 s25;
	s25 =	sadd.s32 $0x8, s25  }
0x1ac: {  	s8 =	sand.u32 $0x70, s25;
	s30 =	sand.u32 $0x8, s25;
	s7 =	sand.u32 $0xD, s7;
	v9 =	vld [tilespmem:s24+$0x1F0];
	[tilespmem:s29+$0xFFFFFE50] =	vst v2  }
0x1ad: {  	p2 =	slt.u32 s25, $0x48;
	v2 =	vld.idx.msk [tilespmem:v1+s8+$0x0 ss:$0x1], $0xffff;
	v10 =	vmov s7;
	[tilespmem:s29+$0xFFFFFE40] =	vst v6  }
0x1ae: {  	v6 =	vld [tilespmem:s24+$0x1E0];
	[tilespmem:s29+$0xFFFFFE30] =	vst v7  }
0x1af: {  	v7 =	vld [tilespmem:s24+$0x1D0];
	[tilespmem:s29+$0xFFFFFE20] =	vst v5  }
0x1b0: {  	s7 =	sadd.s32 $0xB, s31;
	v5 =	vld [tilespmem:s24+$0x1C0];
	[tilespmem:s29+$0xFFFFFE10] =	vst v8  }
0x1b1: {  	s7 =	sand.u32 $0xB, s7;
	v8 =	vld [tilespmem:s24+$0x1B0];
	[tilespmem:s29+$0xFFFFFE00] =	vst v4  }
0x1b2: {  	v4 =	vmov s7;
	v11 =	vld [tilespmem:s24+$0x1A0];
	[tilespmem:s29+$0xFFFFFEF0] =	vst v3;
	s29 =	smov.u32 s24  }
0x1b3: {  	s7 =	sadd.s32 $0xF, s31;
	v3 =	vperm.xlane v2, v4;
	v10 =	vperm.xlane v2, v10;
	v4 =	vld [tilespmem:s24+$0x190]  }
0x1b4: {  	v12 =	vmov s7;
	v13 =	vld [tilespmem:s24+$0x180]  }
0x1b5: {  	v12 =	vperm.xlane v2, v12;
	v14 =	vld [tilespmem:s24+$0x170]  }
0x1b6: {  	v15 =	vld [tilespmem:s24+$0x160]  }
0x1b7: {  	v8 =	vmul.f32 v8, v12;
	v16 =	vld [tilespmem:s24+$0x150];
	v11 =	vmul.f32 v11, v12  }
0x1b8: {  	v5 =	vmul.f32 v5, v12;
	v17 =	vld [tilespmem:s24+$0x140];
	v4 =	vmul.f32 v4, v12  }
0x1b9: {  	v9 =	vmul.f32 v9, v12;
	v18 =	vld [tilespmem:s24+$0x130];
	v13 =	vmul.f32 v13, v12;
	[tilespmem:s24+$0x1A0] =	vst v11  }
0x1ba: {  	v6 =	vmul.f32 v6, v12;
	v11 =	vld [tilespmem:s24+$0x120];
	[tilespmem:s24+$0x190] =	vst v4;
	v4 =	vmul.f32 v7, v12  }
0x1bb: {  	v7 =	vld [tilespmem:s24+$0x110];
	[tilespmem:s24+$0x180] =	vst v13  }
0x1bc: {  	s7 =	sadd.s32 $0xE, s31;
	v12 =	vld [tilespmem:s24+$0x100];
	[tilespmem:s24+$0x1C0] =	vst v5  }
0x1bd: {  	s7 =	sand.u32 $0xE, s7;
	v5 =	vld [tilespmem:s24+$0xF0];
	[tilespmem:s24+$0x1D0] =	vst v4  }
0x1be: {  	v13 =	vmov s7;
	v4 =	vld [tilespmem:s24+$0xE0];
	[tilespmem:s24+$0x1E0] =	vst v6  }
0x1bf: {  	v13 =	vperm.xlane v2, v13;
	v6 =	vld [tilespmem:s24+$0xD0];
	[tilespmem:s24+$0x1F0] =	vst v9  }
0x1c0: {  	v9 =	vld [tilespmem:s24+$0xC0];
	[tilespmem:s24+$0x1B0] =	vst v8  }
0x1c1: {  	v7 =	vmul.f32 v7, v13;
	v8 =	vld [tilespmem:s24+$0xB0];
	v12 =	vmul.f32 v12, v13  }
0x1c2: {  	v11 =	vmul.f32 v11, v13;
	v19 =	vld [tilespmem:s24+$0xA0];
	v5 =	vmul.f32 v5, v10  }
0x1c3: {  	v20 =	vld [tilespmem:s24+$0x90];
	v21 =	vmul.f32 v4, v10;
	[tilespmem:s24+$0x100] =	vst v12;
	v12 =	vmul.f32 v18, v13  }
0x1c4: {  	v18 =	vld [tilespmem:s24+$0x80];
	v6 =	vmul.f32 v6, v10;
	[tilespmem:s24+$0x110] =	vst v7;
	v7 =	vmul.f32 v17, v13  }
0x1c5: {  	s7 =	sadd.s32 $0xC, s31;
	v4 =	vmul.f32 v16, v13;
	v17 =	vld [tilespmem:s24+$0x70];
	v9 =	vmul.f32 v9, v10;
	[tilespmem:s24+$0xF0] =	vst v5  }
0x1c6: {  	s7 =	sand.u32 $0xC, s7;
	v5 =	vld [tilespmem:s24+$0x60];
	v8 =	vmul.f32 v8, v10;
	[tilespmem:s24+$0x120] =	vst v11;
	v11 =	vmul.f32 v15, v13  }
0x1c7: {  	v15 =	vmov s7;
	v13 =	vmul.f32 v14, v13;
	v16 =	vld [tilespmem:s24+$0x50];
	v19 =	vmul.f32 v19, v10;
	[tilespmem:s24+$0xE0] =	vst v21  }
0x1c8: {  	v14 =	vperm.xlane v2, v15;
	v15 =	vld [tilespmem:s24+$0x40];
	v20 =	vmul.f32 v20, v10;
	[tilespmem:s24+$0x130] =	vst v12  }
0x1c9: {  	v12 =	vld [tilespmem:s24+$0x30];
	v10 =	vmul.f32 v18, v10;
	[tilespmem:s24+$0xD0] =	vst v6  }
0x1ca: {  	v6 =	vld [tilespmem:s24+$0x20];
	v17 =	vmul.f32 v17, v14;
	[tilespmem:s24+$0x140] =	vst v7  }
0x1cb: {  	v7 =	vld [tilespmem:s24+$0x10];
	v5 =	vmul.f32 v5, v14;
	[tilespmem:s24+$0x160] =	vst v11  }
0x1cc: {  	v11 =	vld [tilespmem:s24+$0x0];
	v16 =	vmul.f32 v16, v14;
	[tilespmem:s24+$0xC0] =	vst v9  }
0x1cd: {  	v9 =	vld [tilespmem:s24+$0xFFFFFFF0];
	v15 =	vmul.f32 v15, v14;
	[tilespmem:s24+$0x170] =	vst v13  }
0x1ce: {  	v13 =	vld [tilespmem:s24+$0xFFFFFFE0];
	v12 =	vmul.f32 v12, v14;
	[tilespmem:s24+$0xB0] =	vst v8  }
0x1cf: {  	v8 =	vld [tilespmem:s24+$0xFFFFFFD0];
	v6 =	vmul.f32 v6, v14;
	[tilespmem:s24+$0xA0] =	vst v19  }
0x1d0: {  	v18 =	vld [tilespmem:s24+$0xFFFFFFC0];
	v7 =	vmul.f32 v7, v14;
	[tilespmem:s24+$0x90] =	vst v20  }
0x1d1: {  	v19 =	vld [tilespmem:s24+$0xFFFFFFB0];
	v11 =	vmul.f32 v11, v14;
	[tilespmem:s24+$0x80] =	vst v10  }
0x1d2: {  	v10 =	vld [tilespmem:s24+$0xFFFFFFA0];
	v9 =	vmul.f32 v9, v3;
	[tilespmem:s24+$0x70] =	vst v17  }
0x1d3: {  	v14 =	vld [tilespmem:s24+$0xFFFFFF90];
	v13 =	vmul.f32 v13, v3;
	[tilespmem:s24+$0x60] =	vst v5  }
0x1d4: {  	v5 =	vld [tilespmem:s24+$0xFFFFFF80];
	v8 =	vmul.f32 v8, v3;
	[tilespmem:s24+$0x50] =	vst v16  }
0x1d5: {  	s7 =	sadd.s32 $0xA, s31;
	v16 =	vld [tilespmem:s24+$0xFFFFFF70];
	v17 =	vmul.f32 v18, v3;
	[tilespmem:s24+$0x40] =	vst v15  }
0x1d6: {  	s7 =	sand.u32 $0xA, s7;
	v15 =	vld [tilespmem:s24+$0xFFFFFF60];
	v18 =	vmul.f32 v19, v3;
	[tilespmem:s24+$0x30] =	vst v12  }
0x1d7: {  	v12 =	vmov s7;
	v19 =	vld [tilespmem:s24+$0xFFFFFF50];
	v10 =	vmul.f32 v10, v3;
	[tilespmem:s24+$0x20] =	vst v6  }
0x1d8: {  	v6 =	vperm.xlane v2, v12;
	v12 =	vld [tilespmem:s24+$0xFFFFFF40];
	v14 =	vmul.f32 v14, v3;
	[tilespmem:s24+$0x10] =	vst v7  }
0x1d9: {  	v7 =	vld [tilespmem:s24+$0xFFFFFF30];
	v3 =	vmul.f32 v5, v3;
	[tilespmem:s24+$0x0] =	vst v11  }
0x1da: {  	v5 =	vld [tilespmem:s24+$0xFFFFFF20];
	v11 =	vmul.f32 v16, v6;
	[tilespmem:s24+$0xFFFFFFF0] =	vst v9  }
0x1db: {  	v9 =	vld [tilespmem:s24+$0xFFFFFF10];
	v15 =	vmul.f32 v15, v6;
	[tilespmem:s24+$0xFFFFFFE0] =	vst v13  }
0x1dc: {  	v13 =	vld [tilespmem:s24+$0xFFFFFF00];
	v16 =	vmul.f32 v19, v6;
	[tilespmem:s24+$0xFFFFFFD0] =	vst v8  }
0x1dd: {  	v8 =	vld [tilespmem:s24+$0xFFFFFEF0];
	v12 =	vmul.f32 v12, v6;
	[tilespmem:s24+$0xFFFFFFC0] =	vst v17  }
0x1de: {  	s7 =	sadd.s32 $0x9, s31;
	v17 =	vld [tilespmem:s24+$0xFFFFFEE0];
	v7 =	vmul.f32 v7, v6;
	[tilespmem:s24+$0xFFFFFFB0] =	vst v18  }
0x1df: {  	s7 =	sand.u32 $0x9, s7;
	v18 =	vld [tilespmem:s24+$0xFFFFFED0];
	v5 =	vmul.f32 v5, v6;
	[tilespmem:s24+$0xFFFFFFA0] =	vst v10  }
0x1e0: {  	v10 =	vmov s7;
	v19 =	vld [tilespmem:s24+$0xFFFFFEC0];
	v9 =	vmul.f32 v9, v6;
	[tilespmem:s24+$0xFFFFFF90] =	vst v14  }
0x1e1: {  	v10 =	vperm.xlane v2, v10;
	v14 =	vld [tilespmem:s24+$0xFFFFFEB0];
	v6 =	vmul.f32 v13, v6;
	[tilespmem:s24+$0xFFFFFF80] =	vst v3  }
0x1e2: {  	v13 =	vld [tilespmem:s24+$0xFFFFFEA0];
	[tilespmem:s24+$0xFFFFFF70] =	vst v11  }
0x1e3: {  	v3 =	vmul.f32 v8, v10;
	v11 =	vld [tilespmem:s24+$0xFFFFFE90];
	v17 =	vmul.f32 v17, v10;
	[tilespmem:s24+$0xFFFFFF60] =	vst v15  }
0x1e4: {  	v8 =	vld [tilespmem:s24+$0xFFFFFE80];
	v15 =	vmul.f32 v18, v10;
	[tilespmem:s24+$0xFFFFFF50] =	vst v16  }
0x1e5: {  	v16 =	vld [tilespmem:s24+$0xFFFFFE70];
	v18 =	vmul.f32 v19, v10;
	[tilespmem:s24+$0xFFFFFF40] =	vst v12  }
0x1e6: {  	v12 =	vld [tilespmem:s24+$0xFFFFFE60];
	v14 =	vmul.f32 v14, v10;
	[tilespmem:s24+$0xFFFFFF30] =	vst v7  }
0x1e7: {  	v7 =	vmov s30;
	v19 =	vld [tilespmem:s24+$0xFFFFFE50];
	v13 =	vmul.f32 v13, v10;
	[tilespmem:s24+$0xFFFFFF20] =	vst v5  }
0x1e8: {  	v20 =	vperm.xlane v2, v7;
	v5 =	vld [tilespmem:s24+$0xFFFFFE40];
	v11 =	vmul.f32 v11, v10;
	[tilespmem:s24+$0xFFFFFF10] =	vst v9  }
0x1e9: {  	v7 =	vld [tilespmem:s24+$0xFFFFFE30];
	v10 =	vmul.f32 v8, v10;
	[tilespmem:s24+$0x150] =	vst v4  }
0x1ea: {  	v4 =	vld [tilespmem:s24+$0xFFFFFE20];
	v16 =	vmul.f32 v16, v20;
	[tilespmem:s24+$0xFFFFFF00] =	vst v6  }
0x1eb: {  	v8 =	vld [tilespmem:s24+$0xFFFFFE10];
	v9 =	vmul.f32 v12, v20;
	[tilespmem:s24+$0xFFFFFEE0] =	vst v17  }
0x1ec: {  	v12 =	vld [tilespmem:s24+$0xFFFFFE00];
	v2 =	vmul.f32 v19, v20;
	[tilespmem:s24+$0xFFFFFED0] =	vst v15  }
0x1ed: {  	v6 =	vmul.f32 v5, v20;
	[tilespmem:s24+$0xFFFFFEC0] =	vst v18  }
.Ltmp6:
0x1ee: {  	v7 =	vmul.f32 v7, v20;
	[tilespmem:s24+$0xFFFFFEB0] =	vst v14;
	(pc) =	sbr.rel @p2 .LBB2_12-.Ltmp6, $4  }
0x1ef: {  	v5 =	vmul.f32 v4, v20;
	[tilespmem:s24+$0xFFFFFEA0] =	vst v13  }
0x1f0: {  	v8 =	vmul.f32 v8, v20;
	[tilespmem:s24+$0xFFFFFE90] =	vst v11  }
0x1f1: {  	v4 =	vmul.f32 v12, v20;
	[tilespmem:s24+$0xFFFFFE80] =	vst v10  }
0x1f2: {  	[tilespmem:s24+$0xFFFFFE70] =	vst v16  }
0x1f3: {  	[tilespmem:s29+$0xFFFFFE60] =	vst v9  }
0x1f4: {  	[tilespmem:s29+$0xFFFFFE50] =	vst v2  }
0x1f5: {  	[tilespmem:s29+$0xFFFFFE40] =	vst v6  }
0x1f6: {  	[tilespmem:s29+$0xFFFFFE30] =	vst v7  }
0x1f7: {  	[tilespmem:s29+$0xFFFFFE20] =	vst v5  }
0x1f8: {  	[tilespmem:s29+$0xFFFFFE10] =	vst v8  }
0x1f9: {  	s7 =	sadd.s32 $0x4, s20;
	[tilespmem:s29+$0xFFFFFE00] =	vst v4  }
0x1fa: {  	[tilespmem:s29+$0xFFFFFEF0] =	vst v3;
	s25 =	sadd.s32 $0xC80, s19;
	s13 =	sadd.s32 $0x7, s13;
	s8 =	sand.u32 $0xFF, s7  }
0x1fb: {  	[spmem:s3] =	stream.indirect.scatter.add.f32 [tilespmem:s28], [sflag:s13], $0x80, s25, s10, $0xb8;
	[tilespmem:$0x1D480] =	vst v63  }
0x1fc: {  	s24 =	smul.u32 $0xAB, s8  }
0x1fd: {  	s8 =	smul.u32 $0xCD, s8  }
0x1fe: {  	s24 =	sshrl.u32 s24, $0x9  }
0x1ff: {  	s8 =	sshrl.u32 s8, $0xA;
	s24 =	smul.u32 $0x3, s24  }
0x200: {  	s8 =	smul.u32 $0x5, s8  }
0x201: {  	s14 =	sadd.s32 $0x2600, s14;
	_ =	swait.ge [sflag:s0], $0x2800  }
0x202: {  	[sflag:s0] =	ssyncset.done $0x0;
	s30 =	ssub.s32 s7, s24;
	s7 =	ssub.s32 s7, s8  }
0x203: {  	[sflag:s0] =	ssyncadd.s32 $0xFFFFD800;
	s31 =	sand.u32 $0xFF, s30;
	s7 =	sand.u32 $0xFF, s7  }
0x204: {  	s30 =	sadd.s32 $0x1900, s19;
	s0 =	sadd.s32 $0x7, s31;
	s24 =	smul.u32 $0xA000, s31  }
0x205: {  	s28 =	simm.s32 $0x0;
	s7 =	sshll.u32 s7, $0x7;
	v1 =	vmov s30;
	_ =	swait.ge [sflag:s0], $0x2800  }
0x206: {  	s25 =	sor.u32 $0x4, s31;
	[sflag:s0] =	ssyncset.done $0x0;
	s24 =	sshrl.u32 s24, $0x2  }
0x207: {  	s7 =	sadd.s32 s7, s19;
	[sflag:s0] =	ssyncadd.s32 $0xFFFFD800;
	s13 =	sadd.s32 $0x2400, s24  }
0x208: {  	[tilespmem:s13], [sflag:s25] =	stream.indirect.gather [hbm4b:s2+s10], $0x80, s7, s10, $0xb8;
	[tilespmem:$0x1D480] =	vst v63  }
0x209: {  	s31 =	sand.u32 $0x70, s28;
	v4 =	vld [tilespmem:s14+$0x1F0]  }
0x20a: {  	v2 =	vld.idx.msk [tilespmem:v1+s31+$0x0 ss:$0x1], $0xffff  }
0x20b: {  	v5 =	vld [tilespmem:s14+$0x1E0]  }
0x20c: {  	v6 =	vld [tilespmem:s14+$0x1D0]  }
0x20d: {  	v7 =	vld [tilespmem:s14+$0x1C0]  }
0x20e: {  	v8 =	vld [tilespmem:s14+$0x1B0]  }
0x20f: {  	v9 =	vld [tilespmem:s14+$0x1A0]  }
0x210: {  	v10 =	vld [tilespmem:s14+$0x190]  }
0x211: {  	s8 =	simm.s32 $0x7;
	v11 =	vld [tilespmem:s14+$0x180]  }
0x212: {  	v3 =	vmov s8;
	v12 =	vld [tilespmem:s14+$0x170]  }
0x213: {  	v13 =	vld [tilespmem:s14+$0x160];
	v14 =	vperm.xlane v2, v3  }
0x214: {  	v15 =	vld [tilespmem:s14+$0x140]  }
0x215: {  	v16 =	vld [tilespmem:s14+$0x130];
	v9 =	vmul.f32 v9, v14  }
0x216: {  	v17 =	vld [tilespmem:s14+$0x120];
	v10 =	vmul.f32 v10, v14  }
0x217: {  	v30 =	vld [tilespmem:s14+$0xB0];
	v11 =	vmul.f32 v11, v14;
	[tilespmem:s14+$0x1A0] =	vst v9  }
0x218: {  	s30 =	simm.s32 $0x6;
	v3 =	vld [tilespmem:s14+$0x150];
	v7 =	vmul.f32 v7, v14;
	[tilespmem:s14+$0x190] =	vst v10  }
0x219: {  	s7 =	sand.u32 $0xE, s30;
	v6 =	vmul.f32 v6, v14;
	v10 =	vld [tilespmem:s14+$0x100];
	[tilespmem:s14+$0x180] =	vst v11  }
0x21a: {  	v18 =	vmov s7;
	v5 =	vmul.f32 v5, v14;
	v9 =	vld [tilespmem:s14+$0x110];
	[tilespmem:s14+$0x1C0] =	vst v7  }
0x21b: {  	s31 =	simm.s32 $0x5;
	v19 =	vmul.f32 v4, v14;
	v4 =	vperm.xlane v2, v18;
	v11 =	vld [tilespmem:s14+$0xF0];
	[tilespmem:s14+$0x1D0] =	vst v6  }
0x21c: {  	s8 =	sand.u32 $0xD, s31;
	v8 =	vmul.f32 v8, v14;
	v7 =	vld [tilespmem:s14+$0xE0];
	[tilespmem:s14+$0x1E0] =	vst v5  }
0x21d: {  	v28 =	vmov s8;
	v6 =	vld [tilespmem:s14+$0xD0];
	[tilespmem:s14+$0x1F0] =	vst v19;
	v3 =	vmul.f32 v3, v4  }
0x21e: {  	v29 =	vperm.xlane v2, v28;
	v5 =	vld [tilespmem:s14+$0xC0];
	[tilespmem:s14+$0x1B0] =	vst v8;
	v10 =	vmul.f32 v10, v4  }
0x21f: {  	v31 =	vld [tilespmem:s14+$0x90];
	[tilespmem:s14+$0x150] =	vst v3;
	v8 =	vmul.f32 v9, v4  }
0x220: {  	v32 =	vld [tilespmem:s14+$0x80];
	v11 =	vmul.f32 v11, v29;
	[tilespmem:s14+$0x100] =	vst v10  }
0x221: {  	v33 =	vld [tilespmem:s14+$0x50];
	v7 =	vmul.f32 v7, v29;
	[tilespmem:s14+$0x110] =	vst v8  }
0x222: {  	v34 =	vld [tilespmem:s14+$0x40];
	v6 =	vmul.f32 v6, v29;
	[tilespmem:s14+$0xF0] =	vst v11  }
0x223: {  	v35 =	vld [tilespmem:s14+$0x20];
	v5 =	vmul.f32 v5, v29;
	[tilespmem:s14+$0xE0] =	vst v7  }
0x224: {  	v9 =	vld [tilespmem:s14+$0xA0];
	v10 =	vmul.f32 v17, v4;
	[tilespmem:s14+$0xD0] =	vst v6  }
0x225: {  	s30 =	simm.s32 $0x4;
	v36 =	vld [tilespmem:s14+$0x10];
	v8 =	vmul.f32 v16, v4;
	[tilespmem:s14+$0xC0] =	vst v5  }
0x226: {  	s7 =	sand.u32 $0xC, s30;
	v37 =	vld [tilespmem:s14+$0x0];
	v7 =	vmul.f32 v15, v4;
	[tilespmem:s14+$0x120] =	vst v10  }
0x227: {  	v38 =	vld [tilespmem:s14+$0xFFFFFFF0];
	v5 =	vmov s7;
	[tilespmem:s14+$0x130] =	vst v8;
	v8 =	vmul.f32 v13, v4  }
0x228: {  	v11 =	vld [tilespmem:s14+$0x70];
	v5 =	vperm.xlane v2, v5;
	[tilespmem:s14+$0x140] =	vst v7;
	v7 =	vmul.f32 v12, v4  }
0x229: {  	v39 =	vld [tilespmem:s14+$0xFFFFFFE0];
	v9 =	vmul.f32 v9, v29;
	[tilespmem:s14+$0x160] =	vst v8  }
0x22a: {  	v6 =	vld [tilespmem:s14+$0x30];
	v12 =	vmul.f32 v35, v5;
	[tilespmem:s14+$0x170] =	vst v7  }
0x22b: {  	v40 =	vld [tilespmem:s14+$0xFFFFFFB0];
	v8 =	vmul.f32 v30, v29;
	[tilespmem:s14+$0xA0] =	vst v9  }
0x22c: {  	v41 =	vld [tilespmem:s14+$0xFFFFFFA0];
	v7 =	vmul.f32 v31, v29;
	[tilespmem:s14+$0x20] =	vst v12  }
0x22d: {  	v10 =	vld [tilespmem:s14+$0x60];
	v9 =	vmul.f32 v11, v5;
	[tilespmem:s14+$0xB0] =	vst v8  }
0x22e: {  	v42 =	vld [tilespmem:s14+$0xFFFFFF80];
	v8 =	vmul.f32 v32, v29;
	[tilespmem:s14+$0x90] =	vst v7  }
0x22f: {  	v43 =	vld [tilespmem:s14+$0xFFFFFF70];
	v6 =	vmul.f32 v6, v5;
	[tilespmem:s14+$0x70] =	vst v9  }
0x230: {  	v45 =	vld [tilespmem:s14+$0xFFFFFF50];
	s31 =	simm.s32 $0x3;
	[tilespmem:s14+$0x80] =	vst v8;
	v8 =	vmul.f32 v33, v5  }
0x231: {  	v46 =	vld [tilespmem:s14+$0xFFFFFF40];
	s7 =	sand.u32 $0xB, s31;
	v9 =	vmul.f32 v34, v5;
	[tilespmem:s14+$0x30] =	vst v6  }
0x232: {  	v11 =	vld [tilespmem:s14+$0xFFFFFFD0];
	v7 =	vmul.f32 v10, v5;
	[tilespmem:s14+$0x50] =	vst v8;
	v8 =	vmov s7  }
0x233: {  	v10 =	vld [tilespmem:s14+$0xFFFFFFC0];
	[tilespmem:s14+$0x40] =	vst v9;
	v9 =	vmul.f32 v36, v5;
	v8 =	vperm.xlane v2, v8  }
0x234: {  	v47 =	vld [tilespmem:s14+$0xFFFFFF20];
	[tilespmem:s14+$0x60] =	vst v7;
	v5 =	vmul.f32 v37, v5  }
0x235: {  	v7 =	vld [tilespmem:s14+$0xFFFFFF90];
	[tilespmem:s14+$0x10] =	vst v9;
	v44 =	vmul.f32 v38, v8  }
0x236: {  	v48 =	vld [tilespmem:s14+$0xFFFFFF10];
	[tilespmem:s14+$0x0] =	vst v5;
	v9 =	vmul.f32 v39, v8  }
0x237: {  	v49 =	vld [tilespmem:s14+$0xFFFFFF00];
	v5 =	vmul.f32 v11, v8;
	[tilespmem:s14+$0xFFFFFFF0] =	vst v44  }
0x238: {  	v51 =	vld [tilespmem:s14+$0xFFFFFED0];
	s8 =	simm.s32 $0x2;
	v10 =	vmul.f32 v10, v8;
	[tilespmem:s14+$0xFFFFFFE0] =	vst v9  }
0x239: {  	v6 =	vld [tilespmem:s14+$0xFFFFFF60];
	s7 =	sand.u32 $0xA, s8;
	v13 =	vmul.f32 v41, v8;
	[tilespmem:s14+$0xFFFFFFD0] =	vst v5  }
0x23a: {  	v52 =	vld [tilespmem:s14+$0xFFFFFEB0];
	v7 =	vmul.f32 v7, v8;
	v5 =	vmov s7;
	[tilespmem:s14+$0xFFFFFFC0] =	vst v10  }
0x23b: {  	v54 =	vld [tilespmem:s14+$0xFFFFFEA0];
	v9 =	vmul.f32 v40, v8;
	[tilespmem:s14+$0xFFFFFFA0] =	vst v13;
	v5 =	vperm.xlane v2, v5  }
0x23c: {  	v55 =	vld [tilespmem:s14+$0xFFFFFE80];
	v8 =	vmul.f32 v42, v8;
	[tilespmem:s14+$0xFFFFFF90] =	vst v7  }
0x23d: {  	s30 =	simm.s32 $0x1;
	v57 =	vld [tilespmem:s14+$0xFFFFFE70];
	[tilespmem:s14+$0xFFFFFFB0] =	vst v9;
	v50 =	vmul.f32 v43, v5  }
0x23e: {  	v58 =	vld [tilespmem:s14+$0xFFFFFE40];
	s7 =	sand.u32 $0x9, s30;
	[tilespmem:s14+$0xFFFFFF80] =	vst v8;
	v6 =	vmul.f32 v6, v5  }
0x23f: {  	v11 =	vld [tilespmem:s14+$0xFFFFFF30];
	v56 =	vmov s7;
	v8 =	vmul.f32 v45, v5;
	[tilespmem:s14+$0xFFFFFF70] =	vst v50  }
0x240: {  	v60 =	vld [tilespmem:s14+$0xFFFFFE30];
	v4 =	vperm.xlane v2, v56;
	v53 =	vmul.f32 v46, v5;
	[tilespmem:s14+$0xFFFFFF60] =	vst v6  }
0x241: {  	v10 =	vld [tilespmem:s14+$0xFFFFFEF0];
	v15 =	vmul.f32 v48, v5;
	[tilespmem:s14+$0xFFFFFF50] =	vst v8  }
0x242: {  	v9 =	vld [tilespmem:s14+$0xFFFFFEE0];
	v59 =	vmul.f32 v51, v4;
	[tilespmem:s14+$0xFFFFFF40] =	vst v53  }
0x243: {  	v7 =	vld [tilespmem:s14+$0xFFFFFEC0];
	v14 =	vmul.f32 v54, v4;
	[tilespmem:s14+$0xFFFFFF10] =	vst v15  }
0x244: {  	v61 =	vld [tilespmem:s14+$0xFFFFFE10];
	v6 =	vmul.f32 v11, v5;
	[tilespmem:s14+$0xFFFFFED0] =	vst v59  }
0x245: {  	s31 =	sand.u32 $0x8, s28;
	v11 =	vld [tilespmem:s14+$0xFFFFFE90];
	v8 =	vmul.f32 v47, v5;
	[tilespmem:s14+$0xFFFFFEA0] =	vst v14  }
0x246: {  	v5 =	vmul.f32 v49, v5;
	v3 =	vmul.f32 v10, v4;
	v10 =	vmov s31;
	[tilespmem:s14+$0xFFFFFF30] =	vst v6;
	v6 =	vld [tilespmem:s14+$0xFFFFFE60]  }
0x247: {  	v10 =	vperm.xlane v2, v10;
	[tilespmem:s14+$0xFFFFFF20] =	vst v8;
	v8 =	vld [tilespmem:s14+$0xFFFFFE50];
	v9 =	vmul.f32 v9, v4  }
0x248: {  	[tilespmem:s14+$0xFFFFFF00] =	vst v5;
	v5 =	vmul.f32 v7, v4;
	v7 =	vld [tilespmem:s14+$0xFFFFFE20]  }
0x249: {  	v62 =	vld [tilespmem:s14+$0xFFFFFE00];
	v63 =	vmul.f32 v57, v10;
	[tilespmem:s14+$0xFFFFFEE0] =	vst v9  }
0x24a: {  	v9 =	vmul.f32 v52, v4;
	[tilespmem:s14+$0xFFFFFEC0] =	vst v5;
	v5 =	vmul.f32 v58, v10  }
0x24b: {  	v11 =	vmul.f32 v11, v4;
	v4 =	vmul.f32 v55, v4;
	[tilespmem:s14+$0xFFFFFE70] =	vst v63  }
0x24c: {  	[tilespmem:s14+$0xFFFFFEB0] =	vst v9;
	v9 =	vmul.f32 v6, v10;
	v2 =	vmul.f32 v8, v10  }
0x24d: {  	[tilespmem:s14+$0xFFFFFE90] =	vst v11;
	v6 =	vmul.f32 v60, v10;
	v7 =	vmul.f32 v7, v10  }
0x24e: {  	s29 =	smov.u32 s14;
	[tilespmem:s14+$0xFFFFFE80] =	vst v4;
	v8 =	vmul.f32 v61, v10;
	v4 =	vmul.f32 v62, v10  }
.LBB2_14:
0x24f: {  	s7 =	sadd.s32 $0xD, s28  }
0x250: {  	[tilespmem:s14+$0xFFFFFE60] =	vst v9;
	s29 =	sadd.s32 $0x400, s29;
	s31 =	smov.u32 s28;
	s28 =	sadd.s32 $0x8, s28  }
0x251: {  	s8 =	sand.u32 $0x70, s28;
	s30 =	sand.u32 $0x8, s28;
	s7 =	sand.u32 $0xD, s7;
	v9 =	vld [tilespmem:s29+$0x1F0];
	[tilespmem:s14+$0xFFFFFE50] =	vst v2  }
0x252: {  	p2 =	slt.u32 s28, $0x48;
	v2 =	vld.idx.msk [tilespmem:v1+s8+$0x0 ss:$0x1], $0xffff;
	v10 =	vmov s7;
	[tilespmem:s14+$0xFFFFFE40] =	vst v5  }
0x253: {  	v5 =	vld [tilespmem:s29+$0x1E0];
	[tilespmem:s14+$0xFFFFFE30] =	vst v6  }
0x254: {  	v6 =	vld [tilespmem:s29+$0x1D0];
	[tilespmem:s14+$0xFFFFFE20] =	vst v7  }
0x255: {  	s7 =	sadd.s32 $0xB, s31;
	v7 =	vld [tilespmem:s29+$0x1C0];
	[tilespmem:s14+$0xFFFFFE10] =	vst v8  }
0x256: {  	s7 =	sand.u32 $0xB, s7;
	v8 =	vld [tilespmem:s29+$0x1B0];
	[tilespmem:s14+$0xFFFFFE00] =	vst v4  }
0x257: {  	v4 =	vmov s7;
	v11 =	vld [tilespmem:s29+$0x1A0];
	[tilespmem:s14+$0xFFFFFEF0] =	vst v3;
	s14 =	smov.u32 s29  }
0x258: {  	s7 =	sadd.s32 $0xF, s31;
	v3 =	vperm.xlane v2, v4;
	v10 =	vperm.xlane v2, v10;
	v4 =	vld [tilespmem:s29+$0x190]  }
0x259: {  	v12 =	vmov s7;
	v13 =	vld [tilespmem:s29+$0x180]  }
0x25a: {  	v12 =	vperm.xlane v2, v12;
	v14 =	vld [tilespmem:s29+$0x170]  }
0x25b: {  	v15 =	vld [tilespmem:s29+$0x160]  }
0x25c: {  	v8 =	vmul.f32 v8, v12;
	v16 =	vld [tilespmem:s29+$0x150];
	v11 =	vmul.f32 v11, v12  }
0x25d: {  	v7 =	vmul.f32 v7, v12;
	v17 =	vld [tilespmem:s29+$0x140];
	v4 =	vmul.f32 v4, v12  }
0x25e: {  	v9 =	vmul.f32 v9, v12;
	v18 =	vld [tilespmem:s29+$0x130];
	v13 =	vmul.f32 v13, v12;
	[tilespmem:s29+$0x1A0] =	vst v11  }
0x25f: {  	v5 =	vmul.f32 v5, v12;
	v11 =	vld [tilespmem:s29+$0x120];
	[tilespmem:s29+$0x190] =	vst v4;
	v4 =	vmul.f32 v6, v12  }
0x260: {  	v6 =	vld [tilespmem:s29+$0x110];
	[tilespmem:s29+$0x180] =	vst v13  }
0x261: {  	s7 =	sadd.s32 $0xE, s31;
	v12 =	vld [tilespmem:s29+$0x100];
	[tilespmem:s29+$0x1C0] =	vst v7  }
0x262: {  	s7 =	sand.u32 $0xE, s7;
	v7 =	vld [tilespmem:s29+$0xF0];
	[tilespmem:s29+$0x1D0] =	vst v4  }
0x263: {  	v13 =	vmov s7;
	v4 =	vld [tilespmem:s29+$0xE0];
	[tilespmem:s29+$0x1E0] =	vst v5  }
0x264: {  	v13 =	vperm.xlane v2, v13;
	v5 =	vld [tilespmem:s29+$0xD0];
	[tilespmem:s29+$0x1F0] =	vst v9  }
0x265: {  	v9 =	vld [tilespmem:s29+$0xC0];
	[tilespmem:s29+$0x1B0] =	vst v8  }
0x266: {  	v6 =	vmul.f32 v6, v13;
	v8 =	vld [tilespmem:s29+$0xB0];
	v12 =	vmul.f32 v12, v13  }
0x267: {  	v11 =	vmul.f32 v11, v13;
	v19 =	vld [tilespmem:s29+$0xA0];
	v7 =	vmul.f32 v7, v10  }
0x268: {  	v20 =	vld [tilespmem:s29+$0x90];
	v21 =	vmul.f32 v4, v10;
	[tilespmem:s29+$0x100] =	vst v12;
	v12 =	vmul.f32 v18, v13  }
0x269: {  	v18 =	vld [tilespmem:s29+$0x80];
	v5 =	vmul.f32 v5, v10;
	[tilespmem:s29+$0x110] =	vst v6;
	v6 =	vmul.f32 v17, v13  }
0x26a: {  	s7 =	sadd.s32 $0xC, s31;
	v4 =	vmul.f32 v16, v13;
	v17 =	vld [tilespmem:s29+$0x70];
	v9 =	vmul.f32 v9, v10;
	[tilespmem:s29+$0xF0] =	vst v7  }
0x26b: {  	s7 =	sand.u32 $0xC, s7;
	v7 =	vld [tilespmem:s29+$0x60];
	v8 =	vmul.f32 v8, v10;
	[tilespmem:s29+$0x120] =	vst v11;
	v11 =	vmul.f32 v15, v13  }
0x26c: {  	v15 =	vmov s7;
	v13 =	vmul.f32 v14, v13;
	v16 =	vld [tilespmem:s29+$0x50];
	v19 =	vmul.f32 v19, v10;
	[tilespmem:s29+$0xE0] =	vst v21  }
0x26d: {  	v14 =	vperm.xlane v2, v15;
	v15 =	vld [tilespmem:s29+$0x40];
	v20 =	vmul.f32 v20, v10;
	[tilespmem:s29+$0x130] =	vst v12  }
0x26e: {  	v12 =	vld [tilespmem:s29+$0x30];
	v10 =	vmul.f32 v18, v10;
	[tilespmem:s29+$0xD0] =	vst v5  }
0x26f: {  	v5 =	vld [tilespmem:s29+$0x20];
	v17 =	vmul.f32 v17, v14;
	[tilespmem:s29+$0x140] =	vst v6  }
0x270: {  	v6 =	vld [tilespmem:s29+$0x10];
	v7 =	vmul.f32 v7, v14;
	[tilespmem:s29+$0x160] =	vst v11  }
0x271: {  	v11 =	vld [tilespmem:s29+$0x0];
	v16 =	vmul.f32 v16, v14;
	[tilespmem:s29+$0xC0] =	vst v9  }
0x272: {  	v9 =	vld [tilespmem:s29+$0xFFFFFFF0];
	v15 =	vmul.f32 v15, v14;
	[tilespmem:s29+$0x170] =	vst v13  }
0x273: {  	v13 =	vld [tilespmem:s29+$0xFFFFFFE0];
	v12 =	vmul.f32 v12, v14;
	[tilespmem:s29+$0xB0] =	vst v8  }
0x274: {  	v8 =	vld [tilespmem:s29+$0xFFFFFFD0];
	v5 =	vmul.f32 v5, v14;
	[tilespmem:s29+$0xA0] =	vst v19  }
0x275: {  	v18 =	vld [tilespmem:s29+$0xFFFFFFC0];
	v6 =	vmul.f32 v6, v14;
	[tilespmem:s29+$0x90] =	vst v20  }
0x276: {  	v19 =	vld [tilespmem:s29+$0xFFFFFFB0];
	v11 =	vmul.f32 v11, v14;
	[tilespmem:s29+$0x80] =	vst v10  }
0x277: {  	v10 =	vld [tilespmem:s29+$0xFFFFFFA0];
	v9 =	vmul.f32 v9, v3;
	[tilespmem:s29+$0x70] =	vst v17  }
0x278: {  	v14 =	vld [tilespmem:s29+$0xFFFFFF90];
	v13 =	vmul.f32 v13, v3;
	[tilespmem:s29+$0x60] =	vst v7  }
0x279: {  	v7 =	vld [tilespmem:s29+$0xFFFFFF80];
	v8 =	vmul.f32 v8, v3;
	[tilespmem:s29+$0x50] =	vst v16  }
0x27a: {  	s7 =	sadd.s32 $0xA, s31;
	v16 =	vld [tilespmem:s29+$0xFFFFFF70];
	v17 =	vmul.f32 v18, v3;
	[tilespmem:s29+$0x40] =	vst v15  }
0x27b: {  	s7 =	sand.u32 $0xA, s7;
	v15 =	vld [tilespmem:s29+$0xFFFFFF60];
	v18 =	vmul.f32 v19, v3;
	[tilespmem:s29+$0x30] =	vst v12  }
0x27c: {  	v12 =	vmov s7;
	v19 =	vld [tilespmem:s29+$0xFFFFFF50];
	v10 =	vmul.f32 v10, v3;
	[tilespmem:s29+$0x20] =	vst v5  }
0x27d: {  	v5 =	vperm.xlane v2, v12;
	v12 =	vld [tilespmem:s29+$0xFFFFFF40];
	v14 =	vmul.f32 v14, v3;
	[tilespmem:s29+$0x10] =	vst v6  }
0x27e: {  	v6 =	vld [tilespmem:s29+$0xFFFFFF30];
	v3 =	vmul.f32 v7, v3;
	[tilespmem:s29+$0x0] =	vst v11  }
0x27f: {  	v7 =	vld [tilespmem:s29+$0xFFFFFF20];
	v11 =	vmul.f32 v16, v5;
	[tilespmem:s29+$0xFFFFFFF0] =	vst v9  }
0x280: {  	v9 =	vld [tilespmem:s29+$0xFFFFFF10];
	v15 =	vmul.f32 v15, v5;
	[tilespmem:s29+$0xFFFFFFE0] =	vst v13  }
0x281: {  	v13 =	vld [tilespmem:s29+$0xFFFFFF00];
	v16 =	vmul.f32 v19, v5;
	[tilespmem:s29+$0xFFFFFFD0] =	vst v8  }
0x282: {  	v8 =	vld [tilespmem:s29+$0xFFFFFEF0];
	v12 =	vmul.f32 v12, v5;
	[tilespmem:s29+$0xFFFFFFC0] =	vst v17  }
0x283: {  	s7 =	sadd.s32 $0x9, s31;
	v17 =	vld [tilespmem:s29+$0xFFFFFEE0];
	v6 =	vmul.f32 v6, v5;
	[tilespmem:s29+$0xFFFFFFB0] =	vst v18  }
0x284: {  	s7 =	sand.u32 $0x9, s7;
	v18 =	vld [tilespmem:s29+$0xFFFFFED0];
	v7 =	vmul.f32 v7, v5;
	[tilespmem:s29+$0xFFFFFFA0] =	vst v10  }
0x285: {  	v10 =	vmov s7;
	v19 =	vld [tilespmem:s29+$0xFFFFFEC0];
	v9 =	vmul.f32 v9, v5;
	[tilespmem:s29+$0xFFFFFF90] =	vst v14  }
0x286: {  	v10 =	vperm.xlane v2, v10;
	v14 =	vld [tilespmem:s29+$0xFFFFFEB0];
	v5 =	vmul.f32 v13, v5;
	[tilespmem:s29+$0xFFFFFF80] =	vst v3  }
0x287: {  	v13 =	vld [tilespmem:s29+$0xFFFFFEA0];
	[tilespmem:s29+$0xFFFFFF70] =	vst v11  }
0x288: {  	v3 =	vmul.f32 v8, v10;
	v11 =	vld [tilespmem:s29+$0xFFFFFE90];
	v17 =	vmul.f32 v17, v10;
	[tilespmem:s29+$0xFFFFFF60] =	vst v15  }
0x289: {  	v8 =	vld [tilespmem:s29+$0xFFFFFE80];
	v15 =	vmul.f32 v18, v10;
	[tilespmem:s29+$0xFFFFFF50] =	vst v16  }
0x28a: {  	v16 =	vld [tilespmem:s29+$0xFFFFFE70];
	v18 =	vmul.f32 v19, v10;
	[tilespmem:s29+$0xFFFFFF40] =	vst v12  }
0x28b: {  	v12 =	vld [tilespmem:s29+$0xFFFFFE60];
	v14 =	vmul.f32 v14, v10;
	[tilespmem:s29+$0xFFFFFF30] =	vst v6  }
0x28c: {  	v6 =	vmov s30;
	v19 =	vld [tilespmem:s29+$0xFFFFFE50];
	v13 =	vmul.f32 v13, v10;
	[tilespmem:s29+$0xFFFFFF20] =	vst v7  }
0x28d: {  	v20 =	vperm.xlane v2, v6;
	v6 =	vld [tilespmem:s29+$0xFFFFFE40];
	v11 =	vmul.f32 v11, v10;
	[tilespmem:s29+$0xFFFFFF10] =	vst v9  }
0x28e: {  	v7 =	vld [tilespmem:s29+$0xFFFFFE30];
	v10 =	vmul.f32 v8, v10;
	[tilespmem:s29+$0x150] =	vst v4  }
0x28f: {  	v4 =	vld [tilespmem:s29+$0xFFFFFE20];
	v16 =	vmul.f32 v16, v20;
	[tilespmem:s29+$0xFFFFFF00] =	vst v5  }
0x290: {  	v8 =	vld [tilespmem:s29+$0xFFFFFE10];
	v9 =	vmul.f32 v12, v20;
	[tilespmem:s29+$0xFFFFFEE0] =	vst v17  }
0x291: {  	v12 =	vld [tilespmem:s29+$0xFFFFFE00];
	v2 =	vmul.f32 v19, v20;
	[tilespmem:s29+$0xFFFFFED0] =	vst v15  }
0x292: {  	v5 =	vmul.f32 v6, v20;
	[tilespmem:s29+$0xFFFFFEC0] =	vst v18  }
.Ltmp7:
0x293: {  	v6 =	vmul.f32 v7, v20;
	[tilespmem:s29+$0xFFFFFEB0] =	vst v14;
	(pc) =	sbr.rel @p2 .LBB2_14-.Ltmp7, $4  }
0x294: {  	v7 =	vmul.f32 v4, v20;
	[tilespmem:s29+$0xFFFFFEA0] =	vst v13  }
0x295: {  	v8 =	vmul.f32 v8, v20;
	[tilespmem:s29+$0xFFFFFE90] =	vst v11  }
0x296: {  	v4 =	vmul.f32 v12, v20;
	[tilespmem:s29+$0xFFFFFE80] =	vst v10  }
0x297: {  	[tilespmem:s29+$0xFFFFFE70] =	vst v16  }
0x298: {  	[tilespmem:s14+$0xFFFFFE60] =	vst v9  }
0x299: {  	[tilespmem:s14+$0xFFFFFE50] =	vst v2  }
0x29a: {  	[tilespmem:s14+$0xFFFFFE40] =	vst v5  }
0x29b: {  	[tilespmem:s14+$0xFFFFFE30] =	vst v6  }
0x29c: {  	[tilespmem:s14+$0xFFFFFE20] =	vst v7  }
0x29d: {  	[tilespmem:s14+$0xFFFFFE10] =	vst v8;
	s7 =	sadd.s32 @!p1 $0x5, s20  }
0x29e: {  	[tilespmem:s14+$0xFFFFFE00] =	vst v4;
	s31 =	sadd.s32 $0xD00, s19;
	s8 =	sand.u32 @!p1 $0xFF, s7  }
0x29f: {  	[tilespmem:s14+$0xFFFFFEF0] =	vst v3;
	s21 =	sadd.s32 $0x7, s21;
	s14 =	sand.u32 @!p1 $0xFF, s18;
	s28 =	smul.u32 @!p1 $0xAB, s8  }
0x2a0: {  	[spmem:s3] =	stream.indirect.scatter.add.f32 [tilespmem:s12], [sflag:s21], $0x80, s31, s10, $0xb8;
	[tilespmem:$0x1D480] =	vst v63  }
0x2a1: {  	s14 =	smul.u32 @!p1 $0xAB, s14;
	s12 =	sshrl.u32 @!p1 s28, $0x9  }
0x2a2: {  	s12 =	smul.u32 @!p1 $0x3, s12  }
0x2a3: {  	_ =	swait.ge [sflag:s26], $0x2800;
	s8 =	smul.u32 @!p1 $0xCD, s8  }
0x2a4: {  	[sflag:s26] =	ssyncset.done $0x0;
	s12 =	ssub.s32 @!p1 s7, s12  }
0x2a5: {  	s14 =	sshrl.u32 @!p1 s14, $0x9;
	s8 =	sshrl.u32 @!p1 s8, $0xA;
	s21 =	sand.u32 @!p1 $0xFF, s12  }
0x2a6: {  	[sflag:s26] =	ssyncadd.s32 $0xFFFFD800;
	s8 =	smul.u32 @!p1 $0x5, s8;
	s12 =	sadd.s32 @!p1 $0x7, s21  }
0x2a7: {  	s14 =	smul.u32 @!p1 $0x3, s14;
	_ =	swait.ge @!p1 [sflag:s12], $0x2800  }
0x2a8: {  	s7 =	ssub.s32 @!p1 s7, s8;
	s8 =	smul.u32 @!p1 $0xA000, s21;
	[sflag:s12] =	ssyncset.done @!p1 $0x0  }
0x2a9: {  	[sflag:s12] =	ssyncadd.s32 @!p1 $0xFFFFD800;
	s12 =	ssub.s32 @!p1 s18, s14  }
0x2aa: {  	s7 =	sand.u32 @!p1 $0xFF, s7;
	s8 =	sshrl.u32 @!p1 s8, $0x2;
	s12 =	sand.u32 @!p1 $0xFF, s12  }
0x2ab: {  	s7 =	sshll.u32 @!p1 s7, $0x7;
	s8 =	sadd.s32 @!p1 $0x2400, s8;
	s12 =	sshll.u32 @!p1 s12, $0xA  }
0x2ac: {  	s14 =	sor.u32 @!p1 $0x4, s21;
	s21 =	simm.s32 @!p1 $0x50;
	s7 =	sor.u32 @!p1 s7, s12  }
0x2ad: {  	[tilespmem:s8], [sflag:s14] =	stream.indirect.gather @!p1 [hbm4b:s2+s21], $0x80, s7, s21, $0xb8;
	[tilespmem:$0x1D480] =	vst v63  }
0x2ae: {  	s26 =	sadd.s32 $0x1980, s19;
	s14 =	sadd.s32 $0x2600, s23  }
0x2af: {  	v1 =	vmov s26;
	v4 =	vld [tilespmem:s14+$0x1F0]  }
0x2b0: {  	v5 =	vld [tilespmem:s14+$0x1E0]  }
0x2b1: {  	v6 =	vld [tilespmem:s14+$0x1D0]  }
0x2b2: {  	s21 =	simm.s32 $0x0;
	v7 =	vld [tilespmem:s14+$0x1C0]  }
0x2b3: {  	s28 =	sand.u32 $0x70, s21;
	v8 =	vld [tilespmem:s14+$0x1B0]  }
0x2b4: {  	v2 =	vld.idx.msk [tilespmem:v1+s28+$0x0 ss:$0x1], $0xffff  }
0x2b5: {  	v9 =	vld [tilespmem:s14+$0x1A0]  }
0x2b6: {  	v10 =	vld [tilespmem:s14+$0x190]  }
0x2b7: {  	s29 =	simm.s32 $0x7;
	v11 =	vld [tilespmem:s14+$0x180]  }
0x2b8: {  	v3 =	vmov s29;
	v12 =	vld [tilespmem:s14+$0x170]  }
0x2b9: {  	v13 =	vld [tilespmem:s14+$0x160];
	v14 =	vperm.xlane v2, v3  }
0x2ba: {  	v15 =	vld [tilespmem:s14+$0x140]  }
0x2bb: {  	v16 =	vld [tilespmem:s14+$0x130];
	v9 =	vmul.f32 v9, v14  }
0x2bc: {  	v17 =	vld [tilespmem:s14+$0x120];
	v10 =	vmul.f32 v10, v14  }
0x2bd: {  	v30 =	vld [tilespmem:s14+$0xB0];
	v11 =	vmul.f32 v11, v14;
	[tilespmem:s14+$0x1A0] =	vst v9  }
0x2be: {  	s30 =	simm.s32 $0x6;
	v3 =	vld [tilespmem:s14+$0x150];
	v7 =	vmul.f32 v7, v14;
	[tilespmem:s14+$0x190] =	vst v10  }
0x2bf: {  	s7 =	sand.u32 $0xE, s30;
	v6 =	vmul.f32 v6, v14;
	v10 =	vld [tilespmem:s14+$0x100];
	[tilespmem:s14+$0x180] =	vst v11  }
0x2c0: {  	v18 =	vmov s7;
	v5 =	vmul.f32 v5, v14;
	v9 =	vld [tilespmem:s14+$0x110];
	[tilespmem:s14+$0x1C0] =	vst v7  }
0x2c1: {  	s31 =	simm.s32 $0x5;
	v19 =	vmul.f32 v4, v14;
	v4 =	vperm.xlane v2, v18;
	v11 =	vld [tilespmem:s14+$0xF0];
	[tilespmem:s14+$0x1D0] =	vst v6  }
0x2c2: {  	s23 =	sand.u32 $0xD, s31;
	v8 =	vmul.f32 v8, v14;
	v7 =	vld [tilespmem:s14+$0xE0];
	[tilespmem:s14+$0x1E0] =	vst v5  }
0x2c3: {  	v28 =	vmov s23;
	v6 =	vld [tilespmem:s14+$0xD0];
	[tilespmem:s14+$0x1F0] =	vst v19;
	v3 =	vmul.f32 v3, v4  }
0x2c4: {  	v29 =	vperm.xlane v2, v28;
	v5 =	vld [tilespmem:s14+$0xC0];
	[tilespmem:s14+$0x1B0] =	vst v8;
	v10 =	vmul.f32 v10, v4  }
0x2c5: {  	v31 =	vld [tilespmem:s14+$0x90];
	[tilespmem:s14+$0x150] =	vst v3;
	v8 =	vmul.f32 v9, v4  }
0x2c6: {  	v32 =	vld [tilespmem:s14+$0x80];
	v11 =	vmul.f32 v11, v29;
	[tilespmem:s14+$0x100] =	vst v10  }
0x2c7: {  	v33 =	vld [tilespmem:s14+$0x50];
	v7 =	vmul.f32 v7, v29;
	[tilespmem:s14+$0x110] =	vst v8  }
0x2c8: {  	v34 =	vld [tilespmem:s14+$0x40];
	v6 =	vmul.f32 v6, v29;
	[tilespmem:s14+$0xF0] =	vst v11  }
0x2c9: {  	v35 =	vld [tilespmem:s14+$0x20];
	v5 =	vmul.f32 v5, v29;
	[tilespmem:s14+$0xE0] =	vst v7  }
0x2ca: {  	v9 =	vld [tilespmem:s14+$0xA0];
	v10 =	vmul.f32 v17, v4;
	[tilespmem:s14+$0xD0] =	vst v6  }
0x2cb: {  	s26 =	simm.s32 $0x4;
	v36 =	vld [tilespmem:s14+$0x10];
	v8 =	vmul.f32 v16, v4;
	[tilespmem:s14+$0xC0] =	vst v5  }
0x2cc: {  	s7 =	sand.u32 $0xC, s26;
	v37 =	vld [tilespmem:s14+$0x0];
	v7 =	vmul.f32 v15, v4;
	[tilespmem:s14+$0x120] =	vst v10  }
0x2cd: {  	v38 =	vld [tilespmem:s14+$0xFFFFFFF0];
	v5 =	vmov s7;
	[tilespmem:s14+$0x130] =	vst v8;
	v8 =	vmul.f32 v13, v4  }
0x2ce: {  	v11 =	vld [tilespmem:s14+$0x70];
	v5 =	vperm.xlane v2, v5;
	[tilespmem:s14+$0x140] =	vst v7;
	v7 =	vmul.f32 v12, v4  }
0x2cf: {  	v39 =	vld [tilespmem:s14+$0xFFFFFFE0];
	v9 =	vmul.f32 v9, v29;
	[tilespmem:s14+$0x160] =	vst v8  }
0x2d0: {  	v6 =	vld [tilespmem:s14+$0x30];
	v12 =	vmul.f32 v35, v5;
	[tilespmem:s14+$0x170] =	vst v7  }
0x2d1: {  	v40 =	vld [tilespmem:s14+$0xFFFFFFB0];
	v8 =	vmul.f32 v30, v29;
	[tilespmem:s14+$0xA0] =	vst v9  }
0x2d2: {  	v41 =	vld [tilespmem:s14+$0xFFFFFFA0];
	v7 =	vmul.f32 v31, v29;
	[tilespmem:s14+$0x20] =	vst v12  }
0x2d3: {  	v10 =	vld [tilespmem:s14+$0x60];
	v9 =	vmul.f32 v11, v5;
	[tilespmem:s14+$0xB0] =	vst v8  }
0x2d4: {  	v42 =	vld [tilespmem:s14+$0xFFFFFF80];
	v8 =	vmul.f32 v32, v29;
	[tilespmem:s14+$0x90] =	vst v7  }
0x2d5: {  	v43 =	vld [tilespmem:s14+$0xFFFFFF70];
	v6 =	vmul.f32 v6, v5;
	[tilespmem:s14+$0x70] =	vst v9  }
0x2d6: {  	v45 =	vld [tilespmem:s14+$0xFFFFFF50];
	s28 =	simm.s32 $0x3;
	[tilespmem:s14+$0x80] =	vst v8;
	v8 =	vmul.f32 v33, v5  }
0x2d7: {  	v46 =	vld [tilespmem:s14+$0xFFFFFF40];
	s7 =	sand.u32 $0xB, s28;
	v9 =	vmul.f32 v34, v5;
	[tilespmem:s14+$0x30] =	vst v6  }
0x2d8: {  	v11 =	vld [tilespmem:s14+$0xFFFFFFD0];
	v7 =	vmul.f32 v10, v5;
	[tilespmem:s14+$0x50] =	vst v8;
	v8 =	vmov s7  }
0x2d9: {  	v10 =	vld [tilespmem:s14+$0xFFFFFFC0];
	[tilespmem:s14+$0x40] =	vst v9;
	v9 =	vmul.f32 v36, v5;
	v8 =	vperm.xlane v2, v8  }
0x2da: {  	v47 =	vld [tilespmem:s14+$0xFFFFFF20];
	[tilespmem:s14+$0x60] =	vst v7;
	v5 =	vmul.f32 v37, v5  }
0x2db: {  	v7 =	vld [tilespmem:s14+$0xFFFFFF90];
	[tilespmem:s14+$0x10] =	vst v9;
	v44 =	vmul.f32 v38, v8  }
0x2dc: {  	v48 =	vld [tilespmem:s14+$0xFFFFFF10];
	[tilespmem:s14+$0x0] =	vst v5;
	v9 =	vmul.f32 v39, v8  }
0x2dd: {  	v49 =	vld [tilespmem:s14+$0xFFFFFF00];
	v5 =	vmul.f32 v11, v8;
	[tilespmem:s14+$0xFFFFFFF0] =	vst v44  }
0x2de: {  	s29 =	simm.s32 $0x2;
	v51 =	vld [tilespmem:s14+$0xFFFFFED0];
	v10 =	vmul.f32 v10, v8;
	[tilespmem:s14+$0xFFFFFFE0] =	vst v9  }
0x2df: {  	v6 =	vld [tilespmem:s14+$0xFFFFFF60];
	s7 =	sand.u32 $0xA, s29;
	v13 =	vmul.f32 v41, v8;
	[tilespmem:s14+$0xFFFFFFD0] =	vst v5  }
0x2e0: {  	v52 =	vld [tilespmem:s14+$0xFFFFFEB0];
	v7 =	vmul.f32 v7, v8;
	v5 =	vmov s7;
	[tilespmem:s14+$0xFFFFFFC0] =	vst v10  }
0x2e1: {  	v54 =	vld [tilespmem:s14+$0xFFFFFEA0];
	v9 =	vmul.f32 v40, v8;
	[tilespmem:s14+$0xFFFFFFA0] =	vst v13;
	v5 =	vperm.xlane v2, v5  }
0x2e2: {  	v55 =	vld [tilespmem:s14+$0xFFFFFE80];
	v8 =	vmul.f32 v42, v8;
	[tilespmem:s14+$0xFFFFFF90] =	vst v7  }
0x2e3: {  	s30 =	simm.s32 $0x1;
	v57 =	vld [tilespmem:s14+$0xFFFFFE70];
	[tilespmem:s14+$0xFFFFFFB0] =	vst v9;
	v50 =	vmul.f32 v43, v5  }
0x2e4: {  	v58 =	vld [tilespmem:s14+$0xFFFFFE40];
	s7 =	sand.u32 $0x9, s30;
	[tilespmem:s14+$0xFFFFFF80] =	vst v8;
	v6 =	vmul.f32 v6, v5  }
0x2e5: {  	v11 =	vld [tilespmem:s14+$0xFFFFFF30];
	v56 =	vmov s7;
	v8 =	vmul.f32 v45, v5;
	[tilespmem:s14+$0xFFFFFF70] =	vst v50  }
0x2e6: {  	v60 =	vld [tilespmem:s14+$0xFFFFFE30];
	v4 =	vperm.xlane v2, v56;
	v53 =	vmul.f32 v46, v5;
	[tilespmem:s14+$0xFFFFFF60] =	vst v6  }
0x2e7: {  	v10 =	vld [tilespmem:s14+$0xFFFFFEF0];
	v15 =	vmul.f32 v48, v5;
	[tilespmem:s14+$0xFFFFFF50] =	vst v8  }
0x2e8: {  	v9 =	vld [tilespmem:s14+$0xFFFFFEE0];
	v59 =	vmul.f32 v51, v4;
	[tilespmem:s14+$0xFFFFFF40] =	vst v53  }
0x2e9: {  	v7 =	vld [tilespmem:s14+$0xFFFFFEC0];
	v14 =	vmul.f32 v54, v4;
	[tilespmem:s14+$0xFFFFFF10] =	vst v15  }
0x2ea: {  	v61 =	vld [tilespmem:s14+$0xFFFFFE10];
	v6 =	vmul.f32 v11, v5;
	[tilespmem:s14+$0xFFFFFED0] =	vst v59  }
0x2eb: {  	s31 =	sand.u32 $0x8, s21;
	v11 =	vld [tilespmem:s14+$0xFFFFFE90];
	v8 =	vmul.f32 v47, v5;
	[tilespmem:s14+$0xFFFFFEA0] =	vst v14  }
0x2ec: {  	v5 =	vmul.f32 v49, v5;
	v3 =	vmul.f32 v10, v4;
	v10 =	vmov s31;
	[tilespmem:s14+$0xFFFFFF30] =	vst v6;
	v6 =	vld [tilespmem:s14+$0xFFFFFE60]  }
0x2ed: {  	v10 =	vperm.xlane v2, v10;
	[tilespmem:s14+$0xFFFFFF20] =	vst v8;
	v8 =	vld [tilespmem:s14+$0xFFFFFE50];
	v9 =	vmul.f32 v9, v4  }
0x2ee: {  	[tilespmem:s14+$0xFFFFFF00] =	vst v5;
	v5 =	vmul.f32 v7, v4;
	v7 =	vld [tilespmem:s14+$0xFFFFFE20]  }
0x2ef: {  	v62 =	vld [tilespmem:s14+$0xFFFFFE00];
	v63 =	vmul.f32 v57, v10;
	[tilespmem:s14+$0xFFFFFEE0] =	vst v9  }
0x2f0: {  	v9 =	vmul.f32 v52, v4;
	[tilespmem:s14+$0xFFFFFEC0] =	vst v5;
	v5 =	vmul.f32 v58, v10  }
0x2f1: {  	v11 =	vmul.f32 v11, v4;
	v4 =	vmul.f32 v55, v4;
	[tilespmem:s14+$0xFFFFFE70] =	vst v63  }
0x2f2: {  	[tilespmem:s14+$0xFFFFFEB0] =	vst v9;
	v9 =	vmul.f32 v6, v10;
	v2 =	vmul.f32 v8, v10  }
0x2f3: {  	[tilespmem:s14+$0xFFFFFE90] =	vst v11;
	v6 =	vmul.f32 v60, v10;
	v7 =	vmul.f32 v7, v10  }
0x2f4: {  	s23 =	smov.u32 s14;
	[tilespmem:s14+$0xFFFFFE80] =	vst v4;
	v8 =	vmul.f32 v61, v10;
	v4 =	vmul.f32 v62, v10  }
.LBB2_16:
0x2f5: {  	s7 =	sadd.s32 $0xD, s21  }
0x2f6: {  	[tilespmem:s14+$0xFFFFFE60] =	vst v9;
	s23 =	sadd.s32 $0x400, s23;
	s28 =	smov.u32 s21;
	s21 =	sadd.s32 $0x8, s21  }
0x2f7: {  	s8 =	sand.u32 $0x70, s21;
	s26 =	sand.u32 $0x8, s21;
	s7 =	sand.u32 $0xD, s7;
	v9 =	vld [tilespmem:s23+$0x1F0];
	[tilespmem:s14+$0xFFFFFE50] =	vst v2  }
0x2f8: {  	p2 =	slt.u32 s21, $0x48;
	v2 =	vld.idx.msk [tilespmem:v1+s8+$0x0 ss:$0x1], $0xffff;
	v10 =	vmov s7;
	[tilespmem:s14+$0xFFFFFE40] =	vst v5  }
0x2f9: {  	v5 =	vld [tilespmem:s23+$0x1E0];
	[tilespmem:s14+$0xFFFFFE30] =	vst v6  }
0x2fa: {  	v6 =	vld [tilespmem:s23+$0x1D0];
	[tilespmem:s14+$0xFFFFFE20] =	vst v7  }
0x2fb: {  	s7 =	sadd.s32 $0xB, s28;
	v7 =	vld [tilespmem:s23+$0x1C0];
	[tilespmem:s14+$0xFFFFFE10] =	vst v8  }
0x2fc: {  	s7 =	sand.u32 $0xB, s7;
	v8 =	vld [tilespmem:s23+$0x1B0];
	[tilespmem:s14+$0xFFFFFE00] =	vst v4  }
0x2fd: {  	v4 =	vmov s7;
	v11 =	vld [tilespmem:s23+$0x1A0];
	[tilespmem:s14+$0xFFFFFEF0] =	vst v3;
	s14 =	smov.u32 s23  }
0x2fe: {  	s7 =	sadd.s32 $0xF, s28;
	v3 =	vperm.xlane v2, v4;
	v10 =	vperm.xlane v2, v10;
	v4 =	vld [tilespmem:s23+$0x190]  }
0x2ff: {  	v12 =	vmov s7;
	v13 =	vld [tilespmem:s23+$0x180]  }
0x300: {  	v12 =	vperm.xlane v2, v12;
	v14 =	vld [tilespmem:s23+$0x170]  }
0x301: {  	v15 =	vld [tilespmem:s23+$0x160]  }
0x302: {  	v8 =	vmul.f32 v8, v12;
	v16 =	vld [tilespmem:s23+$0x150];
	v11 =	vmul.f32 v11, v12  }
0x303: {  	v7 =	vmul.f32 v7, v12;
	v17 =	vld [tilespmem:s23+$0x140];
	v4 =	vmul.f32 v4, v12  }
0x304: {  	v9 =	vmul.f32 v9, v12;
	v18 =	vld [tilespmem:s23+$0x130];
	v13 =	vmul.f32 v13, v12;
	[tilespmem:s23+$0x1A0] =	vst v11  }
0x305: {  	v5 =	vmul.f32 v5, v12;
	v11 =	vld [tilespmem:s23+$0x120];
	[tilespmem:s23+$0x190] =	vst v4;
	v4 =	vmul.f32 v6, v12  }
0x306: {  	v6 =	vld [tilespmem:s23+$0x110];
	[tilespmem:s23+$0x180] =	vst v13  }
0x307: {  	s7 =	sadd.s32 $0xE, s28;
	v12 =	vld [tilespmem:s23+$0x100];
	[tilespmem:s23+$0x1C0] =	vst v7  }
0x308: {  	s7 =	sand.u32 $0xE, s7;
	v7 =	vld [tilespmem:s23+$0xF0];
	[tilespmem:s23+$0x1D0] =	vst v4  }
0x309: {  	v13 =	vmov s7;
	v4 =	vld [tilespmem:s23+$0xE0];
	[tilespmem:s23+$0x1E0] =	vst v5  }
0x30a: {  	v13 =	vperm.xlane v2, v13;
	v5 =	vld [tilespmem:s23+$0xD0];
	[tilespmem:s23+$0x1F0] =	vst v9  }
0x30b: {  	v9 =	vld [tilespmem:s23+$0xC0];
	[tilespmem:s23+$0x1B0] =	vst v8  }
0x30c: {  	v6 =	vmul.f32 v6, v13;
	v8 =	vld [tilespmem:s23+$0xB0];
	v12 =	vmul.f32 v12, v13  }
0x30d: {  	v11 =	vmul.f32 v11, v13;
	v19 =	vld [tilespmem:s23+$0xA0];
	v7 =	vmul.f32 v7, v10  }
0x30e: {  	v20 =	vld [tilespmem:s23+$0x90];
	v21 =	vmul.f32 v4, v10;
	[tilespmem:s23+$0x100] =	vst v12;
	v12 =	vmul.f32 v18, v13  }
0x30f: {  	v18 =	vld [tilespmem:s23+$0x80];
	v5 =	vmul.f32 v5, v10;
	[tilespmem:s23+$0x110] =	vst v6;
	v6 =	vmul.f32 v17, v13  }
0x310: {  	s7 =	sadd.s32 $0xC, s28;
	v4 =	vmul.f32 v16, v13;
	v17 =	vld [tilespmem:s23+$0x70];
	v9 =	vmul.f32 v9, v10;
	[tilespmem:s23+$0xF0] =	vst v7  }
0x311: {  	s7 =	sand.u32 $0xC, s7;
	v7 =	vld [tilespmem:s23+$0x60];
	v8 =	vmul.f32 v8, v10;
	[tilespmem:s23+$0x120] =	vst v11;
	v11 =	vmul.f32 v15, v13  }
0x312: {  	v15 =	vmov s7;
	v13 =	vmul.f32 v14, v13;
	v16 =	vld [tilespmem:s23+$0x50];
	v19 =	vmul.f32 v19, v10;
	[tilespmem:s23+$0xE0] =	vst v21  }
0x313: {  	v14 =	vperm.xlane v2, v15;
	v15 =	vld [tilespmem:s23+$0x40];
	v20 =	vmul.f32 v20, v10;
	[tilespmem:s23+$0x130] =	vst v12  }
0x314: {  	v12 =	vld [tilespmem:s23+$0x30];
	v10 =	vmul.f32 v18, v10;
	[tilespmem:s23+$0xD0] =	vst v5  }
0x315: {  	v5 =	vld [tilespmem:s23+$0x20];
	v17 =	vmul.f32 v17, v14;
	[tilespmem:s23+$0x140] =	vst v6  }
0x316: {  	v6 =	vld [tilespmem:s23+$0x10];
	v7 =	vmul.f32 v7, v14;
	[tilespmem:s23+$0x160] =	vst v11  }
0x317: {  	v11 =	vld [tilespmem:s23+$0x0];
	v16 =	vmul.f32 v16, v14;
	[tilespmem:s23+$0xC0] =	vst v9  }
0x318: {  	v9 =	vld [tilespmem:s23+$0xFFFFFFF0];
	v15 =	vmul.f32 v15, v14;
	[tilespmem:s23+$0x170] =	vst v13  }
0x319: {  	v13 =	vld [tilespmem:s23+$0xFFFFFFE0];
	v12 =	vmul.f32 v12, v14;
	[tilespmem:s23+$0xB0] =	vst v8  }
0x31a: {  	v8 =	vld [tilespmem:s23+$0xFFFFFFD0];
	v5 =	vmul.f32 v5, v14;
	[tilespmem:s23+$0xA0] =	vst v19  }
0x31b: {  	v18 =	vld [tilespmem:s23+$0xFFFFFFC0];
	v6 =	vmul.f32 v6, v14;
	[tilespmem:s23+$0x90] =	vst v20  }
0x31c: {  	v19 =	vld [tilespmem:s23+$0xFFFFFFB0];
	v11 =	vmul.f32 v11, v14;
	[tilespmem:s23+$0x80] =	vst v10  }
0x31d: {  	v10 =	vld [tilespmem:s23+$0xFFFFFFA0];
	v9 =	vmul.f32 v9, v3;
	[tilespmem:s23+$0x70] =	vst v17  }
0x31e: {  	v14 =	vld [tilespmem:s23+$0xFFFFFF90];
	v13 =	vmul.f32 v13, v3;
	[tilespmem:s23+$0x60] =	vst v7  }
0x31f: {  	v7 =	vld [tilespmem:s23+$0xFFFFFF80];
	v8 =	vmul.f32 v8, v3;
	[tilespmem:s23+$0x50] =	vst v16  }
0x320: {  	s7 =	sadd.s32 $0xA, s28;
	v16 =	vld [tilespmem:s23+$0xFFFFFF70];
	v17 =	vmul.f32 v18, v3;
	[tilespmem:s23+$0x40] =	vst v15  }
0x321: {  	s7 =	sand.u32 $0xA, s7;
	v15 =	vld [tilespmem:s23+$0xFFFFFF60];
	v18 =	vmul.f32 v19, v3;
	[tilespmem:s23+$0x30] =	vst v12  }
0x322: {  	v12 =	vmov s7;
	v19 =	vld [tilespmem:s23+$0xFFFFFF50];
	v10 =	vmul.f32 v10, v3;
	[tilespmem:s23+$0x20] =	vst v5  }
0x323: {  	v5 =	vperm.xlane v2, v12;
	v12 =	vld [tilespmem:s23+$0xFFFFFF40];
	v14 =	vmul.f32 v14, v3;
	[tilespmem:s23+$0x10] =	vst v6  }
0x324: {  	v6 =	vld [tilespmem:s23+$0xFFFFFF30];
	v3 =	vmul.f32 v7, v3;
	[tilespmem:s23+$0x0] =	vst v11  }
0x325: {  	v7 =	vld [tilespmem:s23+$0xFFFFFF20];
	v11 =	vmul.f32 v16, v5;
	[tilespmem:s23+$0xFFFFFFF0] =	vst v9  }
0x326: {  	v9 =	vld [tilespmem:s23+$0xFFFFFF10];
	v15 =	vmul.f32 v15, v5;
	[tilespmem:s23+$0xFFFFFFE0] =	vst v13  }
0x327: {  	v13 =	vld [tilespmem:s23+$0xFFFFFF00];
	v16 =	vmul.f32 v19, v5;
	[tilespmem:s23+$0xFFFFFFD0] =	vst v8  }
0x328: {  	v8 =	vld [tilespmem:s23+$0xFFFFFEF0];
	v12 =	vmul.f32 v12, v5;
	[tilespmem:s23+$0xFFFFFFC0] =	vst v17  }
0x329: {  	s7 =	sadd.s32 $0x9, s28;
	v17 =	vld [tilespmem:s23+$0xFFFFFEE0];
	v6 =	vmul.f32 v6, v5;
	[tilespmem:s23+$0xFFFFFFB0] =	vst v18  }
0x32a: {  	s7 =	sand.u32 $0x9, s7;
	v18 =	vld [tilespmem:s23+$0xFFFFFED0];
	v7 =	vmul.f32 v7, v5;
	[tilespmem:s23+$0xFFFFFFA0] =	vst v10  }
0x32b: {  	v10 =	vmov s7;
	v19 =	vld [tilespmem:s23+$0xFFFFFEC0];
	v9 =	vmul.f32 v9, v5;
	[tilespmem:s23+$0xFFFFFF90] =	vst v14  }
0x32c: {  	v10 =	vperm.xlane v2, v10;
	v14 =	vld [tilespmem:s23+$0xFFFFFEB0];
	v5 =	vmul.f32 v13, v5;
	[tilespmem:s23+$0xFFFFFF80] =	vst v3  }
0x32d: {  	v13 =	vld [tilespmem:s23+$0xFFFFFEA0];
	[tilespmem:s23+$0xFFFFFF70] =	vst v11  }
0x32e: {  	v3 =	vmul.f32 v8, v10;
	v11 =	vld [tilespmem:s23+$0xFFFFFE90];
	v17 =	vmul.f32 v17, v10;
	[tilespmem:s23+$0xFFFFFF60] =	vst v15  }
0x32f: {  	v8 =	vld [tilespmem:s23+$0xFFFFFE80];
	v15 =	vmul.f32 v18, v10;
	[tilespmem:s23+$0xFFFFFF50] =	vst v16  }
0x330: {  	v16 =	vld [tilespmem:s23+$0xFFFFFE70];
	v18 =	vmul.f32 v19, v10;
	[tilespmem:s23+$0xFFFFFF40] =	vst v12  }
0x331: {  	v12 =	vld [tilespmem:s23+$0xFFFFFE60];
	v14 =	vmul.f32 v14, v10;
	[tilespmem:s23+$0xFFFFFF30] =	vst v6  }
0x332: {  	v6 =	vmov s26;
	v19 =	vld [tilespmem:s23+$0xFFFFFE50];
	v13 =	vmul.f32 v13, v10;
	[tilespmem:s23+$0xFFFFFF20] =	vst v7  }
0x333: {  	v20 =	vperm.xlane v2, v6;
	v6 =	vld [tilespmem:s23+$0xFFFFFE40];
	v11 =	vmul.f32 v11, v10;
	[tilespmem:s23+$0xFFFFFF10] =	vst v9  }
0x334: {  	v7 =	vld [tilespmem:s23+$0xFFFFFE30];
	v10 =	vmul.f32 v8, v10;
	[tilespmem:s23+$0x150] =	vst v4  }
0x335: {  	v4 =	vld [tilespmem:s23+$0xFFFFFE20];
	v16 =	vmul.f32 v16, v20;
	[tilespmem:s23+$0xFFFFFF00] =	vst v5  }
0x336: {  	v8 =	vld [tilespmem:s23+$0xFFFFFE10];
	v9 =	vmul.f32 v12, v20;
	[tilespmem:s23+$0xFFFFFEE0] =	vst v17  }
0x337: {  	v12 =	vld [tilespmem:s23+$0xFFFFFE00];
	v2 =	vmul.f32 v19, v20;
	[tilespmem:s23+$0xFFFFFED0] =	vst v15  }
0x338: {  	v5 =	vmul.f32 v6, v20;
	[tilespmem:s23+$0xFFFFFEC0] =	vst v18  }
.Ltmp8:
0x339: {  	v6 =	vmul.f32 v7, v20;
	[tilespmem:s23+$0xFFFFFEB0] =	vst v14;
	(pc) =	sbr.rel @p2 .LBB2_16-.Ltmp8, $4  }
0x33a: {  	v7 =	vmul.f32 v4, v20;
	[tilespmem:s23+$0xFFFFFEA0] =	vst v13  }
0x33b: {  	v8 =	vmul.f32 v8, v20;
	[tilespmem:s23+$0xFFFFFE90] =	vst v11  }
0x33c: {  	v4 =	vmul.f32 v12, v20;
	[tilespmem:s23+$0xFFFFFE80] =	vst v10  }
0x33d: {  	[tilespmem:s23+$0xFFFFFE70] =	vst v16  }
0x33e: {  	[tilespmem:s14+$0xFFFFFE60] =	vst v9  }
0x33f: {  	[tilespmem:s14+$0xFFFFFE50] =	vst v2  }
0x340: {  	[tilespmem:s14+$0xFFFFFE40] =	vst v5  }
0x341: {  	[tilespmem:s14+$0xFFFFFE30] =	vst v6  }
0x342: {  	[tilespmem:s14+$0xFFFFFE20] =	vst v7  }
0x343: {  	[tilespmem:s14+$0xFFFFFE10] =	vst v8  }
0x344: {  	s7 =	sadd.s32 @!p1 $0x6, s20;
	[tilespmem:s14+$0xFFFFFE00] =	vst v4  }
0x345: {  	[tilespmem:s14+$0xFFFFFEF0] =	vst v3;
	s30 =	sadd.s32 $0xD80, s19;
	s8 =	sand.u32 @!p1 $0xFF, s7  }
0x346: {  	[spmem:s3] =	stream.indirect.scatter.add.f32 [tilespmem:s4], [sflag:s22], $0x80, s30, s10, $0xb8;
	[tilespmem:$0x1D480] =	vst v63  }
0x347: {  	s20 =	smul.u32 @!p1 $0xAB, s8  }
0x348: {  	s8 =	smul.u32 @!p1 $0xCD, s8  }
0x349: {  	s4 =	sshrl.u32 @!p1 s20, $0x9  }
0x34a: {  	s8 =	sshrl.u32 @!p1 s8, $0xA;
	s4 =	smul.u32 @!p1 $0x3, s4  }
0x34b: {  	_ =	swait.ge [sflag:s25], $0x2800;
	s8 =	smul.u32 @!p1 $0x5, s8  }
0x34c: {  	[sflag:s25] =	ssyncset.done $0x0;
	s4 =	ssub.s32 @!p1 s7, s4  }
0x34d: {  	[sflag:s25] =	ssyncadd.s32 $0xFFFFD800;
	s7 =	ssub.s32 @!p1 s7, s8;
	s4 =	sand.u32 @!p1 $0xFF, s4  }
0x34e: {  	s7 =	sand.u32 @!p1 $0xFF, s7;
	s14 =	sadd.s32 @!p1 $0x7, s4;
	s20 =	smul.u32 @!p1 $0xA000, s4  }
0x34f: {  	s7 =	sshll.u32 @!p1 s7, $0x7;
	s4 =	sor.u32 @!p1 $0x4, s4;
	_ =	swait.ge @!p1 [sflag:s14], $0x2800  }
0x350: {  	s7 =	sor.u32 @!p1 s7, s12;
	[sflag:s14] =	ssyncset.done @!p1 $0x0;
	s8 =	sshrl.u32 @!p1 s20, $0x2  }
0x351: {  	s12 =	simm.s32 @!p1 $0x50;
	[sflag:s14] =	ssyncadd.s32 @!p1 $0xFFFFD800;
	s8 =	sadd.s32 @!p1 $0x2400, s8  }
0x352: {  	[tilespmem:s8], [sflag:s4] =	stream.indirect.gather @!p1 [hbm4b:s2+s12], $0x80, s7, s12, $0xb8;
	[tilespmem:$0x1D480] =	vst v63  }
0x353: {  	s31 =	sadd.s32 $0x1A00, s19;
	s4 =	sadd.s32 $0x2600, s24  }
0x354: {  	v1 =	vmov s31;
	v4 =	vld [tilespmem:s4+$0x1F0]  }
0x355: {  	v5 =	vld [tilespmem:s4+$0x1E0]  }
0x356: {  	v6 =	vld [tilespmem:s4+$0x1D0]  }
0x357: {  	s12 =	simm.s32 $0x0;
	v7 =	vld [tilespmem:s4+$0x1C0]  }
0x358: {  	s21 =	sand.u32 $0x70, s12;
	v8 =	vld [tilespmem:s4+$0x1B0]  }
0x359: {  	v2 =	vld.idx.msk [tilespmem:v1+s21+$0x0 ss:$0x1], $0xffff  }
0x35a: {  	v9 =	vld [tilespmem:s4+$0x1A0]  }
0x35b: {  	v10 =	vld [tilespmem:s4+$0x190]  }
0x35c: {  	s22 =	simm.s32 $0x7;
	v11 =	vld [tilespmem:s4+$0x180]  }
0x35d: {  	v3 =	vmov s22;
	v12 =	vld [tilespmem:s4+$0x170]  }
0x35e: {  	v13 =	vld [tilespmem:s4+$0x160];
	v14 =	vperm.xlane v2, v3  }
0x35f: {  	v15 =	vld [tilespmem:s4+$0x140]  }
0x360: {  	v16 =	vld [tilespmem:s4+$0x130];
	v9 =	vmul.f32 v9, v14  }
0x361: {  	v17 =	vld [tilespmem:s4+$0x120];
	v10 =	vmul.f32 v10, v14  }
0x362: {  	v30 =	vld [tilespmem:s4+$0xB0];
	v11 =	vmul.f32 v11, v14;
	[tilespmem:s4+$0x1A0] =	vst v9  }
0x363: {  	s23 =	simm.s32 $0x6;
	v3 =	vld [tilespmem:s4+$0x150];
	v7 =	vmul.f32 v7, v14;
	[tilespmem:s4+$0x190] =	vst v10  }
0x364: {  	s7 =	sand.u32 $0xE, s23;
	v6 =	vmul.f32 v6, v14;
	v10 =	vld [tilespmem:s4+$0x100];
	[tilespmem:s4+$0x180] =	vst v11  }
0x365: {  	v18 =	vmov s7;
	v5 =	vmul.f32 v5, v14;
	v9 =	vld [tilespmem:s4+$0x110];
	[tilespmem:s4+$0x1C0] =	vst v7  }
0x366: {  	s24 =	simm.s32 $0x5;
	v19 =	vmul.f32 v4, v14;
	v4 =	vperm.xlane v2, v18;
	v11 =	vld [tilespmem:s4+$0xF0];
	[tilespmem:s4+$0x1D0] =	vst v6  }
0x367: {  	s25 =	sand.u32 $0xD, s24;
	v8 =	vmul.f32 v8, v14;
	v7 =	vld [tilespmem:s4+$0xE0];
	[tilespmem:s4+$0x1E0] =	vst v5  }
0x368: {  	v28 =	vmov s25;
	v6 =	vld [tilespmem:s4+$0xD0];
	[tilespmem:s4+$0x1F0] =	vst v19;
	v3 =	vmul.f32 v3, v4  }
0x369: {  	v29 =	vperm.xlane v2, v28;
	v5 =	vld [tilespmem:s4+$0xC0];
	[tilespmem:s4+$0x1B0] =	vst v8;
	v10 =	vmul.f32 v10, v4  }
0x36a: {  	v31 =	vld [tilespmem:s4+$0x90];
	[tilespmem:s4+$0x150] =	vst v3;
	v8 =	vmul.f32 v9, v4  }
0x36b: {  	v32 =	vld [tilespmem:s4+$0x80];
	v11 =	vmul.f32 v11, v29;
	[tilespmem:s4+$0x100] =	vst v10  }
0x36c: {  	v33 =	vld [tilespmem:s4+$0x50];
	v7 =	vmul.f32 v7, v29;
	[tilespmem:s4+$0x110] =	vst v8  }
0x36d: {  	v34 =	vld [tilespmem:s4+$0x40];
	v6 =	vmul.f32 v6, v29;
	[tilespmem:s4+$0xF0] =	vst v11  }
0x36e: {  	v35 =	vld [tilespmem:s4+$0x20];
	v5 =	vmul.f32 v5, v29;
	[tilespmem:s4+$0xE0] =	vst v7  }
0x36f: {  	v9 =	vld [tilespmem:s4+$0xA0];
	v10 =	vmul.f32 v17, v4;
	[tilespmem:s4+$0xD0] =	vst v6  }
0x370: {  	s26 =	simm.s32 $0x4;
	v36 =	vld [tilespmem:s4+$0x10];
	v8 =	vmul.f32 v16, v4;
	[tilespmem:s4+$0xC0] =	vst v5  }
0x371: {  	s7 =	sand.u32 $0xC, s26;
	v37 =	vld [tilespmem:s4+$0x0];
	v7 =	vmul.f32 v15, v4;
	[tilespmem:s4+$0x120] =	vst v10  }
0x372: {  	v38 =	vld [tilespmem:s4+$0xFFFFFFF0];
	v5 =	vmov s7;
	[tilespmem:s4+$0x130] =	vst v8;
	v8 =	vmul.f32 v13, v4  }
0x373: {  	v11 =	vld [tilespmem:s4+$0x70];
	v5 =	vperm.xlane v2, v5;
	[tilespmem:s4+$0x140] =	vst v7;
	v7 =	vmul.f32 v12, v4  }
0x374: {  	v39 =	vld [tilespmem:s4+$0xFFFFFFE0];
	v9 =	vmul.f32 v9, v29;
	[tilespmem:s4+$0x160] =	vst v8  }
0x375: {  	v6 =	vld [tilespmem:s4+$0x30];
	v12 =	vmul.f32 v35, v5;
	[tilespmem:s4+$0x170] =	vst v7  }
0x376: {  	v40 =	vld [tilespmem:s4+$0xFFFFFFB0];
	v8 =	vmul.f32 v30, v29;
	[tilespmem:s4+$0xA0] =	vst v9  }
0x377: {  	v41 =	vld [tilespmem:s4+$0xFFFFFFA0];
	v7 =	vmul.f32 v31, v29;
	[tilespmem:s4+$0x20] =	vst v12  }
0x378: {  	v10 =	vld [tilespmem:s4+$0x60];
	v9 =	vmul.f32 v11, v5;
	[tilespmem:s4+$0xB0] =	vst v8  }
0x379: {  	v42 =	vld [tilespmem:s4+$0xFFFFFF80];
	v8 =	vmul.f32 v32, v29;
	[tilespmem:s4+$0x90] =	vst v7  }
0x37a: {  	v43 =	vld [tilespmem:s4+$0xFFFFFF70];
	v6 =	vmul.f32 v6, v5;
	[tilespmem:s4+$0x70] =	vst v9  }
0x37b: {  	s28 =	simm.s32 $0x3;
	v45 =	vld [tilespmem:s4+$0xFFFFFF50];
	[tilespmem:s4+$0x80] =	vst v8;
	v8 =	vmul.f32 v33, v5  }
0x37c: {  	v46 =	vld [tilespmem:s4+$0xFFFFFF40];
	s7 =	sand.u32 $0xB, s28;
	v9 =	vmul.f32 v34, v5;
	[tilespmem:s4+$0x30] =	vst v6  }
0x37d: {  	v11 =	vld [tilespmem:s4+$0xFFFFFFD0];
	v7 =	vmul.f32 v10, v5;
	[tilespmem:s4+$0x50] =	vst v8;
	v8 =	vmov s7  }
0x37e: {  	v10 =	vld [tilespmem:s4+$0xFFFFFFC0];
	[tilespmem:s4+$0x40] =	vst v9;
	v9 =	vmul.f32 v36, v5;
	v8 =	vperm.xlane v2, v8  }
0x37f: {  	v47 =	vld [tilespmem:s4+$0xFFFFFF20];
	[tilespmem:s4+$0x60] =	vst v7;
	v5 =	vmul.f32 v37, v5  }
0x380: {  	v7 =	vld [tilespmem:s4+$0xFFFFFF90];
	[tilespmem:s4+$0x10] =	vst v9;
	v44 =	vmul.f32 v38, v8  }
0x381: {  	v48 =	vld [tilespmem:s4+$0xFFFFFF10];
	[tilespmem:s4+$0x0] =	vst v5;
	v9 =	vmul.f32 v39, v8  }
0x382: {  	v49 =	vld [tilespmem:s4+$0xFFFFFF00];
	v5 =	vmul.f32 v11, v8;
	[tilespmem:s4+$0xFFFFFFF0] =	vst v44  }
0x383: {  	s29 =	simm.s32 $0x2;
	v51 =	vld [tilespmem:s4+$0xFFFFFED0];
	v10 =	vmul.f32 v10, v8;
	[tilespmem:s4+$0xFFFFFFE0] =	vst v9  }
0x384: {  	v6 =	vld [tilespmem:s4+$0xFFFFFF60];
	s7 =	sand.u32 $0xA, s29;
	v13 =	vmul.f32 v41, v8;
	[tilespmem:s4+$0xFFFFFFD0] =	vst v5  }
0x385: {  	v52 =	vld [tilespmem:s4+$0xFFFFFEB0];
	v7 =	vmul.f32 v7, v8;
	v5 =	vmov s7;
	[tilespmem:s4+$0xFFFFFFC0] =	vst v10  }
0x386: {  	v54 =	vld [tilespmem:s4+$0xFFFFFEA0];
	v9 =	vmul.f32 v40, v8;
	[tilespmem:s4+$0xFFFFFFA0] =	vst v13;
	v5 =	vperm.xlane v2, v5  }
0x387: {  	v55 =	vld [tilespmem:s4+$0xFFFFFE80];
	v8 =	vmul.f32 v42, v8;
	[tilespmem:s4+$0xFFFFFF90] =	vst v7  }
0x388: {  	s30 =	simm.s32 $0x1;
	v57 =	vld [tilespmem:s4+$0xFFFFFE70];
	[tilespmem:s4+$0xFFFFFFB0] =	vst v9;
	v50 =	vmul.f32 v43, v5  }
0x389: {  	v58 =	vld [tilespmem:s4+$0xFFFFFE40];
	s7 =	sand.u32 $0x9, s30;
	[tilespmem:s4+$0xFFFFFF80] =	vst v8;
	v6 =	vmul.f32 v6, v5  }
0x38a: {  	v11 =	vld [tilespmem:s4+$0xFFFFFF30];
	v56 =	vmov s7;
	v8 =	vmul.f32 v45, v5;
	[tilespmem:s4+$0xFFFFFF70] =	vst v50  }
0x38b: {  	v60 =	vld [tilespmem:s4+$0xFFFFFE30];
	v4 =	vperm.xlane v2, v56;
	v53 =	vmul.f32 v46, v5;
	[tilespmem:s4+$0xFFFFFF60] =	vst v6  }
0x38c: {  	v10 =	vld [tilespmem:s4+$0xFFFFFEF0];
	v15 =	vmul.f32 v48, v5;
	[tilespmem:s4+$0xFFFFFF50] =	vst v8  }
0x38d: {  	v9 =	vld [tilespmem:s4+$0xFFFFFEE0];
	v59 =	vmul.f32 v51, v4;
	[tilespmem:s4+$0xFFFFFF40] =	vst v53  }
0x38e: {  	v7 =	vld [tilespmem:s4+$0xFFFFFEC0];
	v14 =	vmul.f32 v54, v4;
	[tilespmem:s4+$0xFFFFFF10] =	vst v15  }
0x38f: {  	v61 =	vld [tilespmem:s4+$0xFFFFFE10];
	v6 =	vmul.f32 v11, v5;
	[tilespmem:s4+$0xFFFFFED0] =	vst v59  }
0x390: {  	s31 =	sand.u32 $0x8, s12;
	v11 =	vld [tilespmem:s4+$0xFFFFFE90];
	v8 =	vmul.f32 v47, v5;
	[tilespmem:s4+$0xFFFFFEA0] =	vst v14  }
0x391: {  	v5 =	vmul.f32 v49, v5;
	v3 =	vmul.f32 v10, v4;
	v10 =	vmov s31;
	[tilespmem:s4+$0xFFFFFF30] =	vst v6;
	v6 =	vld [tilespmem:s4+$0xFFFFFE60]  }
0x392: {  	v10 =	vperm.xlane v2, v10;
	[tilespmem:s4+$0xFFFFFF20] =	vst v8;
	v8 =	vld [tilespmem:s4+$0xFFFFFE50];
	v9 =	vmul.f32 v9, v4  }
0x393: {  	[tilespmem:s4+$0xFFFFFF00] =	vst v5;
	v5 =	vmul.f32 v7, v4;
	v7 =	vld [tilespmem:s4+$0xFFFFFE20]  }
0x394: {  	v62 =	vld [tilespmem:s4+$0xFFFFFE00];
	v63 =	vmul.f32 v57, v10;
	[tilespmem:s4+$0xFFFFFEE0] =	vst v9  }
0x395: {  	v9 =	vmul.f32 v52, v4;
	[tilespmem:s4+$0xFFFFFEC0] =	vst v5;
	v5 =	vmul.f32 v11, v4  }
0x396: {  	v11 =	vmul.f32 v55, v4;
	v4 =	vmul.f32 v58, v10;
	[tilespmem:s4+$0xFFFFFE70] =	vst v63  }
0x397: {  	[tilespmem:s4+$0xFFFFFEB0] =	vst v9;
	v9 =	vmul.f32 v6, v10;
	v2 =	vmul.f32 v8, v10  }
0x398: {  	[tilespmem:s4+$0xFFFFFE90] =	vst v5;
	v6 =	vmul.f32 v60, v10;
	v7 =	vmul.f32 v7, v10  }
0x399: {  	s14 =	smov.u32 s4;
	[tilespmem:s4+$0xFFFFFE80] =	vst v11;
	v8 =	vmul.f32 v61, v10;
	v5 =	vmul.f32 v62, v10  }
.LBB2_18:
0x39a: {  	s7 =	sadd.s32 $0xD, s12  }
0x39b: {  	[tilespmem:s4+$0xFFFFFE60] =	vst v9;
	s14 =	sadd.s32 $0x400, s14;
	s21 =	smov.u32 s12;
	s12 =	sadd.s32 $0x8, s12  }
0x39c: {  	s8 =	sand.u32 $0x70, s12;
	s20 =	sand.u32 $0x8, s12;
	s7 =	sand.u32 $0xD, s7;
	v9 =	vld [tilespmem:s14+$0x1F0];
	[tilespmem:s4+$0xFFFFFE50] =	vst v2  }
0x39d: {  	p1 =	slt.u32 s12, $0x48;
	v2 =	vld.idx.msk [tilespmem:v1+s8+$0x0 ss:$0x1], $0xffff;
	v10 =	vmov s7;
	[tilespmem:s4+$0xFFFFFE40] =	vst v4  }
0x39e: {  	v4 =	vld [tilespmem:s14+$0x1E0];
	[tilespmem:s4+$0xFFFFFE30] =	vst v6  }
0x39f: {  	v6 =	vld [tilespmem:s14+$0x1D0];
	[tilespmem:s4+$0xFFFFFE20] =	vst v7  }
0x3a0: {  	s7 =	sadd.s32 $0xB, s21;
	v7 =	vld [tilespmem:s14+$0x1C0];
	[tilespmem:s4+$0xFFFFFE10] =	vst v8  }
0x3a1: {  	s7 =	sand.u32 $0xB, s7;
	v8 =	vld [tilespmem:s14+$0x1B0];
	[tilespmem:s4+$0xFFFFFE00] =	vst v5  }
0x3a2: {  	v5 =	vmov s7;
	v11 =	vld [tilespmem:s14+$0x1A0];
	[tilespmem:s4+$0xFFFFFEF0] =	vst v3;
	s4 =	smov.u32 s14  }
0x3a3: {  	s7 =	sadd.s32 $0xF, s21;
	v3 =	vperm.xlane v2, v5;
	v5 =	vperm.xlane v2, v10;
	v10 =	vld [tilespmem:s14+$0x190]  }
0x3a4: {  	v12 =	vmov s7;
	v13 =	vld [tilespmem:s14+$0x180]  }
0x3a5: {  	v12 =	vperm.xlane v2, v12;
	v14 =	vld [tilespmem:s14+$0x170]  }
0x3a6: {  	v15 =	vld [tilespmem:s14+$0x160]  }
0x3a7: {  	v8 =	vmul.f32 v8, v12;
	v16 =	vld [tilespmem:s14+$0x150];
	v11 =	vmul.f32 v11, v12  }
0x3a8: {  	v7 =	vmul.f32 v7, v12;
	v17 =	vld [tilespmem:s14+$0x140];
	v10 =	vmul.f32 v10, v12  }
0x3a9: {  	v9 =	vmul.f32 v9, v12;
	v18 =	vld [tilespmem:s14+$0x130];
	v13 =	vmul.f32 v13, v12;
	[tilespmem:s14+$0x1A0] =	vst v11  }
0x3aa: {  	v6 =	vmul.f32 v6, v12;
	v4 =	vmul.f32 v4, v12;
	v11 =	vld [tilespmem:s14+$0x120];
	[tilespmem:s14+$0x190] =	vst v10  }
0x3ab: {  	v10 =	vld [tilespmem:s14+$0x110];
	[tilespmem:s14+$0x180] =	vst v13  }
0x3ac: {  	s7 =	sadd.s32 $0xE, s21;
	v12 =	vld [tilespmem:s14+$0x100];
	[tilespmem:s14+$0x1C0] =	vst v7  }
0x3ad: {  	s7 =	sand.u32 $0xE, s7;
	v7 =	vld [tilespmem:s14+$0xF0];
	[tilespmem:s14+$0x1D0] =	vst v6  }
0x3ae: {  	v13 =	vmov s7;
	v6 =	vld [tilespmem:s14+$0xE0];
	[tilespmem:s14+$0x1E0] =	vst v4  }
0x3af: {  	v13 =	vperm.xlane v2, v13;
	v4 =	vld [tilespmem:s14+$0xD0];
	[tilespmem:s14+$0x1F0] =	vst v9  }
0x3b0: {  	v9 =	vld [tilespmem:s14+$0xC0];
	[tilespmem:s14+$0x1B0] =	vst v8  }
0x3b1: {  	v10 =	vmul.f32 v10, v13;
	v8 =	vld [tilespmem:s14+$0xB0];
	v12 =	vmul.f32 v12, v13  }
0x3b2: {  	v11 =	vmul.f32 v11, v13;
	v19 =	vld [tilespmem:s14+$0xA0];
	v7 =	vmul.f32 v7, v5  }
0x3b3: {  	v20 =	vld [tilespmem:s14+$0x90];
	v6 =	vmul.f32 v6, v5;
	[tilespmem:s14+$0x100] =	vst v12;
	v12 =	vmul.f32 v18, v13  }
0x3b4: {  	v18 =	vld [tilespmem:s14+$0x80];
	v21 =	vmul.f32 v4, v5;
	[tilespmem:s14+$0x110] =	vst v10;
	v10 =	vmul.f32 v17, v13  }
0x3b5: {  	s7 =	sadd.s32 $0xC, s21;
	v4 =	vmul.f32 v16, v13;
	v17 =	vld [tilespmem:s14+$0x70];
	v9 =	vmul.f32 v9, v5;
	[tilespmem:s14+$0xF0] =	vst v7  }
0x3b6: {  	s7 =	sand.u32 $0xC, s7;
	v7 =	vld [tilespmem:s14+$0x60];
	v8 =	vmul.f32 v8, v5;
	[tilespmem:s14+$0x120] =	vst v11;
	v11 =	vmul.f32 v15, v13  }
0x3b7: {  	v15 =	vmov s7;
	v16 =	vld [tilespmem:s14+$0x50];
	v19 =	vmul.f32 v19, v5;
	[tilespmem:s14+$0xE0] =	vst v6;
	v6 =	vmul.f32 v14, v13  }
0x3b8: {  	v13 =	vperm.xlane v2, v15;
	v14 =	vld [tilespmem:s14+$0x40];
	v15 =	vmul.f32 v20, v5;
	[tilespmem:s14+$0x130] =	vst v12  }
0x3b9: {  	v12 =	vld [tilespmem:s14+$0x30];
	v5 =	vmul.f32 v18, v5;
	[tilespmem:s14+$0xD0] =	vst v21  }
0x3ba: {  	v18 =	vld [tilespmem:s14+$0x20];
	v17 =	vmul.f32 v17, v13;
	[tilespmem:s14+$0x140] =	vst v10  }
0x3bb: {  	v10 =	vld [tilespmem:s14+$0x10];
	v7 =	vmul.f32 v7, v13;
	[tilespmem:s14+$0x160] =	vst v11  }
0x3bc: {  	v11 =	vld [tilespmem:s14+$0x0];
	v16 =	vmul.f32 v16, v13;
	[tilespmem:s14+$0xC0] =	vst v9  }
0x3bd: {  	v9 =	vld [tilespmem:s14+$0xFFFFFFF0];
	v14 =	vmul.f32 v14, v13;
	[tilespmem:s14+$0x170] =	vst v6  }
0x3be: {  	v6 =	vld [tilespmem:s14+$0xFFFFFFE0];
	v12 =	vmul.f32 v12, v13;
	[tilespmem:s14+$0xB0] =	vst v8  }
0x3bf: {  	v8 =	vld [tilespmem:s14+$0xFFFFFFD0];
	v18 =	vmul.f32 v18, v13;
	[tilespmem:s14+$0xA0] =	vst v19  }
0x3c0: {  	v19 =	vld [tilespmem:s14+$0xFFFFFFC0];
	v10 =	vmul.f32 v10, v13;
	[tilespmem:s14+$0x90] =	vst v15  }
0x3c1: {  	v15 =	vld [tilespmem:s14+$0xFFFFFFB0];
	v11 =	vmul.f32 v11, v13;
	[tilespmem:s14+$0x80] =	vst v5  }
0x3c2: {  	v5 =	vld [tilespmem:s14+$0xFFFFFFA0];
	v9 =	vmul.f32 v9, v3;
	[tilespmem:s14+$0x70] =	vst v17  }
0x3c3: {  	v13 =	vld [tilespmem:s14+$0xFFFFFF90];
	v6 =	vmul.f32 v6, v3;
	[tilespmem:s14+$0x60] =	vst v7  }
0x3c4: {  	v7 =	vld [tilespmem:s14+$0xFFFFFF80];
	v8 =	vmul.f32 v8, v3;
	[tilespmem:s14+$0x50] =	vst v16  }
0x3c5: {  	s7 =	sadd.s32 $0xA, s21;
	v16 =	vld [tilespmem:s14+$0xFFFFFF70];
	v17 =	vmul.f32 v19, v3;
	[tilespmem:s14+$0x40] =	vst v14  }
0x3c6: {  	s7 =	sand.u32 $0xA, s7;
	v14 =	vld [tilespmem:s14+$0xFFFFFF60];
	v15 =	vmul.f32 v15, v3;
	[tilespmem:s14+$0x30] =	vst v12  }
0x3c7: {  	v12 =	vmov s7;
	v19 =	vld [tilespmem:s14+$0xFFFFFF50];
	v5 =	vmul.f32 v5, v3;
	[tilespmem:s14+$0x20] =	vst v18  }
0x3c8: {  	v12 =	vperm.xlane v2, v12;
	v18 =	vld [tilespmem:s14+$0xFFFFFF40];
	v13 =	vmul.f32 v13, v3;
	[tilespmem:s14+$0x10] =	vst v10  }
0x3c9: {  	v10 =	vld [tilespmem:s14+$0xFFFFFF30];
	v3 =	vmul.f32 v7, v3;
	[tilespmem:s14+$0x0] =	vst v11  }
0x3ca: {  	v7 =	vld [tilespmem:s14+$0xFFFFFF20];
	v11 =	vmul.f32 v16, v12;
	[tilespmem:s14+$0xFFFFFFF0] =	vst v9  }
0x3cb: {  	v9 =	vld [tilespmem:s14+$0xFFFFFF10];
	v14 =	vmul.f32 v14, v12;
	[tilespmem:s14+$0xFFFFFFE0] =	vst v6  }
0x3cc: {  	v6 =	vld [tilespmem:s14+$0xFFFFFF00];
	v16 =	vmul.f32 v19, v12;
	[tilespmem:s14+$0xFFFFFFD0] =	vst v8  }
0x3cd: {  	v8 =	vld [tilespmem:s14+$0xFFFFFEF0];
	v18 =	vmul.f32 v18, v12;
	[tilespmem:s14+$0xFFFFFFC0] =	vst v17  }
0x3ce: {  	s7 =	sadd.s32 $0x9, s21;
	v17 =	vld [tilespmem:s14+$0xFFFFFEE0];
	v10 =	vmul.f32 v10, v12;
	[tilespmem:s14+$0xFFFFFFB0] =	vst v15  }
0x3cf: {  	s7 =	sand.u32 $0x9, s7;
	v15 =	vld [tilespmem:s14+$0xFFFFFED0];
	v7 =	vmul.f32 v7, v12;
	[tilespmem:s14+$0xFFFFFFA0] =	vst v5  }
0x3d0: {  	v5 =	vmov s7;
	v19 =	vld [tilespmem:s14+$0xFFFFFEC0];
	v9 =	vmul.f32 v9, v12;
	[tilespmem:s14+$0xFFFFFF90] =	vst v13  }
0x3d1: {  	v5 =	vperm.xlane v2, v5;
	v13 =	vld [tilespmem:s14+$0xFFFFFEB0];
	v6 =	vmul.f32 v6, v12;
	[tilespmem:s14+$0xFFFFFF80] =	vst v3  }
0x3d2: {  	v12 =	vld [tilespmem:s14+$0xFFFFFEA0];
	[tilespmem:s14+$0xFFFFFF70] =	vst v11  }
0x3d3: {  	v3 =	vmul.f32 v8, v5;
	v11 =	vld [tilespmem:s14+$0xFFFFFE90];
	v17 =	vmul.f32 v17, v5;
	[tilespmem:s14+$0xFFFFFF60] =	vst v14  }
0x3d4: {  	v8 =	vld [tilespmem:s14+$0xFFFFFE80];
	v14 =	vmul.f32 v15, v5;
	[tilespmem:s14+$0xFFFFFF50] =	vst v16  }
0x3d5: {  	v15 =	vld [tilespmem:s14+$0xFFFFFE70];
	v16 =	vmul.f32 v19, v5;
	[tilespmem:s14+$0xFFFFFF40] =	vst v18  }
0x3d6: {  	v18 =	vld [tilespmem:s14+$0xFFFFFE60];
	v13 =	vmul.f32 v13, v5;
	[tilespmem:s14+$0xFFFFFF30] =	vst v10  }
0x3d7: {  	v10 =	vmov s20;
	v19 =	vld [tilespmem:s14+$0xFFFFFE50];
	v12 =	vmul.f32 v12, v5;
	[tilespmem:s14+$0xFFFFFF20] =	vst v7  }
0x3d8: {  	v10 =	vperm.xlane v2, v10;
	v7 =	vld [tilespmem:s14+$0xFFFFFE40];
	v11 =	vmul.f32 v11, v5;
	[tilespmem:s14+$0xFFFFFF10] =	vst v9  }
0x3d9: {  	v20 =	vld [tilespmem:s14+$0xFFFFFE30];
	v21 =	vmul.f32 v8, v5;
	[tilespmem:s14+$0x150] =	vst v4  }
0x3da: {  	v5 =	vld [tilespmem:s14+$0xFFFFFE20];
	v15 =	vmul.f32 v15, v10;
	[tilespmem:s14+$0xFFFFFF00] =	vst v6  }
0x3db: {  	v8 =	vld [tilespmem:s14+$0xFFFFFE10];
	v9 =	vmul.f32 v18, v10;
	[tilespmem:s14+$0xFFFFFEE0] =	vst v17  }
0x3dc: {  	v17 =	vld [tilespmem:s14+$0xFFFFFE00];
	v2 =	vmul.f32 v19, v10;
	[tilespmem:s14+$0xFFFFFED0] =	vst v14  }
0x3dd: {  	v4 =	vmul.f32 v7, v10;
	[tilespmem:s14+$0xFFFFFEC0] =	vst v16  }
.Ltmp9:
0x3de: {  	v6 =	vmul.f32 v20, v10;
	[tilespmem:s14+$0xFFFFFEB0] =	vst v13;
	(pc) =	sbr.rel @p1 .LBB2_18-.Ltmp9, $4  }
0x3df: {  	v7 =	vmul.f32 v5, v10;
	[tilespmem:s14+$0xFFFFFEA0] =	vst v12  }
0x3e0: {  	v8 =	vmul.f32 v8, v10;
	[tilespmem:s14+$0xFFFFFE90] =	vst v11  }
0x3e1: {  	v5 =	vmul.f32 v17, v10;
	[tilespmem:s14+$0xFFFFFE80] =	vst v21  }
0x3e2: {  	[tilespmem:s14+$0xFFFFFE70] =	vst v15  }
0x3e3: {  	[tilespmem:s4+$0xFFFFFE60] =	vst v9  }
0x3e4: {  	[tilespmem:s4+$0xFFFFFE50] =	vst v2  }
0x3e5: {  	[tilespmem:s4+$0xFFFFFE40] =	vst v4  }
0x3e6: {  	[tilespmem:s4+$0xFFFFFE30] =	vst v6  }
0x3e7: {  	[tilespmem:s4+$0xFFFFFE20] =	vst v7;
	p1 =	slt.u32 s18, $0x19  }
.Ltmp10:
0x3e8: {  	[tilespmem:s4+$0xFFFFFE10] =	vst v8;
	(pc) =	sbr.rel @p1 .LBB2_4-.Ltmp10, $4  }
0x3e9: {  	[tilespmem:s4+$0xFFFFFE00] =	vst v5  }
0x3ea: {  	[tilespmem:s4+$0xFFFFFEF0] =	vst v3;
	s31 =	sadd.s32 $0xE00, s19  }
0x3eb: {  	[spmem:s3] =	stream.indirect.scatter.add.f32 [tilespmem:s13], [sflag:s0], $0x80, s31, s10, $0xb8;
	[tilespmem:$0x1D480] =	vst v63  }
0x3ec: {  	s0 =	smov.u32 s18  }
0x3ed: {  	s0 =	simm.s32 $0x9  }
0x3ee: {  	_ =	swait.ge [sflag:s0], $0x2800  }
0x3ef: {  	[sflag:s0] =	ssyncset.done $0x0  }
0x3f0: {  	s28 =	simm.s32 $0x7;
	[sflag:s0] =	ssyncadd.s32 $0xFFFFD800  }
0x3f1: {  	_ =	swait.ge [sflag:s28], $0x2800  }
0x3f2: {  	[sflag:s28] =	ssyncset.done $0x0  }
0x3f3: {  	s29 =	simm.s32 $0x8;
	[sflag:s28] =	ssyncadd.s32 $0xFFFFD800  }
0x3f4: {  	_ =	swait.ge [sflag:s29], $0x2800  }
0x3f5: {  	[sflag:s29] =	ssyncset.done $0x0  }
0x3f6: {  	[sflag:s29] =	ssyncadd.s32 $0xFFFFD800  }
0x3f7: {  	s30 =	stileid.u32;
	[bflag:$0x0] =	sbarrier.arrive $0xFFFF  }
0x3f8: {  	s0 =	sshll.u32 s30, $0x6;
	s18 =	rddreg [dreg:$0x13]  }
0x3f9: {  	s0 =	sor.u32 $0x1C0A, s0;
	s7 =	rddreg [dreg:$0x5];
	s4 =	sshrl.u32 s18, $0x3  }
0x3fa: {  	[hbm:s7], [sflag:s0] =	dma.local [spmem:s4], $0x500  }
0x3fb: {  	s4 =	rddreg [dreg:$0x14]  }
0x3fc: {  	s7 =	rddreg [dreg:$0x6];
	s4 =	sshrl.u32 s4, $0x3  }
0x3fd: {  	[hbm:s7], [sflag:s0] =	dma.local [spmem:s4], $0x500  }
0x3fe: {  	s4 =	rddreg [dreg:$0x15]  }
0x3ff: {  	s7 =	rddreg [dreg:$0x7];
	s4 =	sshrl.u32 s4, $0x3  }
0x400: {  	[hbm:s7], [sflag:s0] =	dma.local [spmem:s4], $0x500  }
0x401: {  	s4 =	rddreg [dreg:$0x16]  }
0x402: {  	s7 =	rddreg [dreg:$0x8];
	s4 =	sshrl.u32 s4, $0x3  }
0x403: {  	[hbm:s7], [sflag:s0] =	dma.local [spmem:s4], $0x500  }
0x404: {  	s4 =	rddreg [dreg:$0x17]  }
0x405: {  	s7 =	rddreg [dreg:$0x9];
	s4 =	sshrl.u32 s4, $0x3  }
0x406: {  	[hbm:s7], [sflag:s0] =	dma.local [spmem:s4], $0x500  }
0x407: {  	s4 =	rddreg [dreg:$0x18]  }
0x408: {  	s7 =	rddreg [dreg:$0xa];
	s4 =	sshrl.u32 s4, $0x3  }
0x409: {  	[hbm:s7], [sflag:s0] =	dma.local [spmem:s4], $0x500  }
0x40a: {  	s4 =	rddreg [dreg:$0x19]  }
0x40b: {  	s7 =	rddreg [dreg:$0xb];
	s4 =	sshrl.u32 s4, $0x3  }
0x40c: {  	[hbm:s7], [sflag:s0] =	dma.local [spmem:s4], $0x500  }
0x40d: {  	s4 =	rddreg [dreg:$0x1a]  }
0x40e: {  	s7 =	rddreg [dreg:$0xc];
	s4 =	sshrl.u32 @p0 s4, $0x3  }
0x40f: {  	[hbm:s7], [sflag:s0] =	dma.local @p0 [spmem:s4], $0x400  }
0x410: {  	s4 =	rddreg [dreg:$0x1d]  }
0x411: {  	s7 =	rddreg [dreg:$0x1b];
	s4 =	sshrl.u32 @!p0 s4, $0x3  }
0x412: {  	[hbm:s7], [sflag:s0] =	dma.local @!p0 [spmem:s4], $0x500  }
0x413: {  	_ =	swait.ge [sflag:s11], $0x500  }
0x414: {  	[sflag:s11] =	ssyncset.done $0x0  }
0x415: {  	[sflag:s11] =	ssyncadd.s32 $0xFFFFFB00  }
0x416: {  	_ =	swait.ge [sflag:s11], $0x500  }
0x417: {  	[sflag:s11] =	ssyncset.done $0x0  }
0x418: {  	[sflag:s11] =	ssyncadd.s32 $0xFFFFFB00  }
0x419: {  	_ =	swait.ge [sflag:s11], $0x500  }
0x41a: {  	[sflag:s11] =	ssyncset.done $0x0  }
0x41b: {  	[sflag:s11] =	ssyncadd.s32 $0xFFFFFB00  }
0x41c: {  	_ =	swait.ge [sflag:s11], $0x500  }
0x41d: {  	[sflag:s11] =	ssyncset.done $0x0  }
0x41e: {  	[sflag:s11] =	ssyncadd.s32 $0xFFFFFB00  }
0x41f: {  	_ =	swait.ge [sflag:s11], $0x500  }
0x420: {  	[sflag:s11] =	ssyncset.done $0x0  }
0x421: {  	[sflag:s11] =	ssyncadd.s32 $0xFFFFFB00  }
0x422: {  	_ =	swait.ge [sflag:s11], $0x500  }
0x423: {  	[sflag:s11] =	ssyncset.done $0x0  }
0x424: {  	[sflag:s11] =	ssyncadd.s32 $0xFFFFFB00  }
0x425: {  	_ =	swait.ge [sflag:s11], $0x500  }
0x426: {  	[sflag:s11] =	ssyncset.done $0x0  }
0x427: {  	s0 =	simm.s32 @p0 $0xA;
	[sflag:s11] =	ssyncadd.s32 $0xFFFFFB00  }
0x428: {  	_ =	swait.ge @p0 [sflag:s0], $0x400  }
0x429: {  	[sflag:s0] =	ssyncset.done @p0 $0x0  }
0x42a: {  	[sflag:s0] =	ssyncadd.s32 @p0 $0xFFFFFC00;
	s0 =	simm.s32 @!p0 $0xA  }
0x42b: {  	_ =	swait.ge @!p0 [sflag:s0], $0x500  }
0x42c: {  	s17 =	sadd.s32 $0x1, s17;
	s31 =	rddreg [dreg:$0x1c]  }
0x42d: {  	p1 =	sne.s32 s17, s31  }
.Ltmp11:
0x42e: {  	_ = 	snop;
	(pc) =	sbr.rel @p1 .LBB2_1-.Ltmp11, $3  }
0x42f: {  	_ =	sdelay $0x1  }
0x430: {  	[sflag:s0] =	ssyncset.done @!p0 $0x0  }
0x431: {  	[sflag:s0] =	ssyncadd.s32 @!p0 $0xFFFFFB00  }
0x432: {  	_ =	sfence.sel $0x180000  }
0x433: {  	[bflag:$0x0] =	sbarrier.arrive $0xFFFF  }
0x434: {  	_ =	strace $0x90000047  }
0x435: {  	s0 =	stileid.u32;
	[bflag:$0x2] =	sbarrier.arrive $0xFFFF  }
0x436: {  	p0 =	sne.s32 s0, $0x0;
	s0 =	rddreg [dreg:$0x4]  }
0x437: {  	s0 =	sadd.s32 @!p0 $0x100000, s0  }
0x438: {  	[sflag:s0] =	ssyncadd.tile.s32 @!p0 $0x1;
	_ =	shalt  }
.Lfunc_end2:
_tile_overlayer_lowered:
.L_overlay_start_2:
0x439: {  	(tag) =	ssettag $0x2  }
0x43a: {  	s0 =	rddreg [dreg:$0x0];
	s2 =	stileid.u32  }
0x43b: {  	s1 =	rddreg [dreg:$0x1];
	p0 =	sne.s32 s2, $0x0  }
0x43c: {  	s3 =	rddreg [dreg:$0x2];
	[bflag:$0x3] =	sbarrier.arrive $0xFFFF;
	s2 =	simm.s32 @!p0 $0x1C0B  }
0x43d: {  	[timem:s3], [sflag:s2] =	dma.local @!p0 [hbm:s0], s1  }
0x43e: {  	s0 =	simm.s32 @!p0 $0xB  }
0x43f: {  	_ =	swait.ge @!p0 [sflag:s0], s1  }
0x440: {  	s1 =	ssub.s32 @!p0 $0x0, s1;
	[sflag:s0] =	ssyncset.done @!p0 $0x0  }
0x441: {  	[sflag:s0] =	ssyncadd.s32 @!p0 s1  }
0x442: {  	[bflag:$0x3] =	sbarrier.arrive $0xFFFF  }
0x443: {  	_ =	shalt  }

</sc_bundles>
